<compile_context>
chip_gen: v7x
topology: tpu7x:2x2x1
jax: 0.10.2.dev20260603
libtpu: 0.0.44.dev20260713+nightly
codegen_flags: <defaults>
</compile_context>

<pallas_src>
import functools

import jax
import jax.numpy as jnp
from jax import lax
from jax.experimental import pallas as pl
from jax.experimental.pallas import tpu as pltpu
from jax.experimental.pallas import tpu_sc as plsc

N = 10000
E = 320000
D = 128

NC = 2
NS = 16
NW = NC * NS

CHUNK = 128
NB = 4
SUB = CHUNK // NB
NCHUNKS = E // CHUNK
CHPW = 80
HALF = CHPW // 2
TAIL = NCHUNKS - (NW - 1) * CHPW
ACC_ROWS = N
WB_ROWS = 632
WB_LAST = N - (NS - 1) * WB_ROWS

DEG_PAD = 10240
DEG_SLICE = DEG_PAD // NS

_MESH = plsc.VectorSubcoreMesh(core_axis_name="c", subcore_axis_name="s")


@functools.partial(
    pl.kernel,
    out_type=jax.ShapeDtypeStruct((NC, DEG_PAD), jnp.float32),
    mesh=_MESH,
    scratch_types=[
        pltpu.VMEM_SHARED((DEG_PAD,), jnp.float32),
        pltpu.VMEM((DEG_SLICE,), jnp.float32),
        pltpu.VMEM((CHUNK,), jnp.float32),
        pltpu.VMEM((CHPW, 2, CHUNK), jnp.int32),
        pltpu.SemaphoreType.DMA,
    ],
)
def _deg_sc(e3_hbm, out_hbm, deg_sh, zbuf, ones_v, eidx, sem):
    c = lax.axis_index("c")
    s = lax.axis_index("s")
    w = c * NS + s

    @pl.when(w < NW - 1)
    def _():
        pltpu.sync_copy(e3_hbm.at[pl.ds(w * CHPW, CHPW)], eidx)

    @pl.when(w == NW - 1)
    def _():
        pltpu.sync_copy(e3_hbm.at[pl.ds((NW - 1) * CHPW, TAIL)],
                        eidx.at[pl.ds(0, TAIL)])

    def fill_z(i, _):
        zbuf[pl.ds(i * 16, 16)] = jnp.zeros((16,), jnp.float32)
        return 0

    lax.fori_loop(0, DEG_SLICE // 16, fill_z, 0)

    def fill_o(i, _):
        ones_v[pl.ds(i * 16, 16)] = jnp.ones((16,), jnp.float32)
        return 0

    lax.fori_loop(0, CHUNK // 16, fill_o, 0)

    pltpu.sync_copy(zbuf, deg_sh.at[pl.ds(s * DEG_SLICE, DEG_SLICE)])
    plsc.subcore_barrier()

    nj = jnp.where(w == NW - 1, TAIL, CHPW)

    def body(j, _):
        pltpu.async_copy(ones_v, deg_sh.at[eidx.at[j, 1]], sem, add=True)
        return 0

    lax.fori_loop(0, nj, body, 0)

    def drain(j, _):
        pltpu.make_async_copy(out_hbm.at[c, pl.ds(0, CHUNK)],
                              ones_v, sem).wait()
        return 0

    lax.fori_loop(0, nj, drain, 0)
    plsc.subcore_barrier()

    pltpu.sync_copy(deg_sh.at[pl.ds(s * DEG_SLICE, DEG_SLICE)],
                    out_hbm.at[c, pl.ds(s * DEG_SLICE, DEG_SLICE)])


@functools.partial(
    pl.kernel,
    out_type=jax.ShapeDtypeStruct((NC, N, D), jnp.float32),
    mesh=_MESH,
    scratch_types=[
        pltpu.VMEM_SHARED((ACC_ROWS, D), jnp.float32),
        pltpu.VMEM((HALF, 2, CHUNK), jnp.int32),
        pltpu.VMEM((CHUNK, D), jnp.float32),
        pltpu.VMEM((CHUNK, D), jnp.float32),
        pltpu.SemaphoreType.DMA,
        pltpu.SemaphoreType.DMA,
    ],
)
def _mp_sc(y_hbm, e3_hbm, out_hbm, acc_sh, eidx, rows0, rows1, sem0, sem1):
    c = lax.axis_index("c")
    s = lax.axis_index("s")
    w = c * NS + s

    def fill_z(r, _):
        for j in range(D // 16):
            rows0[r, pl.ds(j * 16, 16)] = jnp.zeros((16,), jnp.float32)
        return 0

    lax.fori_loop(0, CHUNK, fill_z, 0)

    for k in range(625 // CHUNK):
        pltpu.sync_copy(rows0, acc_sh.at[pl.ds(s * 625 + k * CHUNK, CHUNK)])
    pltpu.sync_copy(rows0.at[pl.ds(0, 625 % CHUNK)],
                    acc_sh.at[pl.ds(s * 625 + 625 - 625 % CHUNK, 625 % CHUNK)])

    plsc.subcore_barrier()

    def gather_start(j, buf, sem):
        for b in range(NB):
            pltpu.async_copy(y_hbm.at[eidx.at[j, 0, pl.ds(b * SUB, SUB)]],
                             buf.at[pl.ds(b * SUB, SUB)], sem)

    def gather_wait(buf, sem):
        pltpu.make_async_copy(y_hbm.at[pl.ds(0, CHUNK)], buf, sem).wait()

    def scat(j, buf):
        pltpu.sync_copy(buf, acc_sh.at[eidx.at[j, 1]], add=True)

    def make_body(half_len):
        def body(i, _):
            j0 = 2 * i
            gather_start(j0 + 1, rows1, sem1)
            gather_wait(rows0, sem0)
            scat(j0, rows0)

            @pl.when(j0 + 2 < half_len)
            def _():
                gather_start(j0 + 2, rows0, sem0)

            gather_wait(rows1, sem1)
            scat(j0 + 1, rows1)
            return 0
        return body

    def run(lo, half_len):
        pltpu.sync_copy(e3_hbm.at[pl.ds(lo, half_len)],
                        eidx.at[pl.ds(0, half_len)])
        gather_start(0, rows0, sem0)
        lax.fori_loop(0, half_len // 2, make_body(half_len), 0)

    @pl.when(w < NW - 1)
    def _():
        for h in range(CHPW // HALF):
            run(w * CHPW + h * HALF, HALF)

    @pl.when(w == NW - 1)
    def _():
        run((NW - 1) * CHPW, TAIL)

    plsc.subcore_barrier()

    @pl.when(s < NS - 1)
    def _():
        pltpu.sync_copy(acc_sh.at[pl.ds(s * WB_ROWS, WB_ROWS)],
                        out_hbm.at[c, pl.ds(s * WB_ROWS, WB_ROWS)])

    @pl.when(s == NS - 1)
    def _():
        pltpu.sync_copy(acc_sh.at[pl.ds((NS - 1) * WB_ROWS, WB_LAST)],
                        out_hbm.at[c, pl.ds((NS - 1) * WB_ROWS, WB_LAST)])


RB = 1000


def _tc_mm_body(x_ref, w_ref, y_ref):
    y_ref[...] = lax.dot_general(
        x_ref[...], w_ref[...], (((1,), (1,)), ((), ())),
        preferred_element_type=jnp.float32)


def _tc_scale_body(deg_ref, xw_ref, y_ref):
    degb = deg_ref[...]
    dinv = lax.rsqrt(degb[0] + degb[1] + 1.0)
    y_ref[...] = xw_ref[...] * dinv


def _tc_mid_body(acc_ref, y_ref, deg_ref, b_ref, w_ref, y2_ref):
    degb = deg_ref[...]
    dinv = lax.rsqrt(degb[0] + degb[1] + 1.0)
    accb = acc_ref[...]
    h = jnp.maximum((accb[0] + accb[1] + y_ref[...]) * dinv + b_ref[...], 0.0)
    y2_ref[...] = lax.dot_general(
        h, w_ref[...], (((1,), (1,)), ((), ())),
        preferred_element_type=jnp.float32) * dinv


def _tc_post_body(acc_ref, y_ref, deg_ref, b_ref, out_ref):
    degb = deg_ref[...]
    dinv = lax.rsqrt(degb[0] + degb[1] + 1.0)
    accb = acc_ref[...]
    out_ref[...] = (accb[0] + accb[1] + y_ref[...]) * dinv + b_ref[...]


def kernel(x, edge_index, W1, b1, W2, b2):
    e3 = edge_index.reshape(2, NCHUNKS, CHUNK).transpose(1, 0, 2)

    degp = _deg_sc(e3)
    deg3 = degp.reshape(NC, DEG_PAD, 1)

    xw1 = pl.pallas_call(
        _tc_mm_body,
        grid=(N // RB,),
        in_specs=[
            pl.BlockSpec((RB, D), lambda i: (i, 0)),
            pl.BlockSpec((D, D), lambda i: (0, 0)),
        ],
        out_specs=pl.BlockSpec((RB, D), lambda i: (i, 0)),
        out_shape=jax.ShapeDtypeStruct((N, D), jnp.float32),
    )(x, W1)

    y1 = pl.pallas_call(
        _tc_scale_body,
        grid=(N // RB,),
        in_specs=[
            pl.BlockSpec((NC, RB, 1), lambda i: (0, i, 0)),
            pl.BlockSpec((RB, D), lambda i: (i, 0)),
        ],
        out_specs=pl.BlockSpec((RB, D), lambda i: (i, 0)),
        out_shape=jax.ShapeDtypeStruct((N, D), jnp.float32),
    )(deg3, xw1)

    acc1 = _mp_sc(y1, e3)

    y2 = pl.pallas_call(
        _tc_mid_body,
        grid=(N // RB,),
        in_specs=[
            pl.BlockSpec((NC, RB, D), lambda i: (0, i, 0)),
            pl.BlockSpec((RB, D), lambda i: (i, 0)),
            pl.BlockSpec((NC, RB, 1), lambda i: (0, i, 0)),
            pl.BlockSpec((1, D), lambda i: (0, 0)),
            pl.BlockSpec((D, D), lambda i: (0, 0)),
        ],
        out_specs=pl.BlockSpec((RB, D), lambda i: (i, 0)),
        out_shape=jax.ShapeDtypeStruct((N, D), jnp.float32),
    )(acc1, y1, deg3, b1.reshape(1, D), W2)

    acc2 = _mp_sc(y2, e3)

    out = pl.pallas_call(
        _tc_post_body,
        grid=(N // RB,),
        in_specs=[
            pl.BlockSpec((NC, RB, D), lambda i: (0, i, 0)),
            pl.BlockSpec((RB, D), lambda i: (i, 0)),
            pl.BlockSpec((NC, RB, 1), lambda i: (0, i, 0)),
            pl.BlockSpec((1, D), lambda i: (0, 0)),
        ],
        out_specs=pl.BlockSpec((RB, D), lambda i: (i, 0)),
        out_shape=jax.ShapeDtypeStruct((N, D), jnp.float32),
    )(acc2, y2, deg3, b2.reshape(1, D))

    return out

# --- scband reference (transcript-rebuilt; emitter-appended) ---
"""Pipeline reference for scband-gnnencoder-53515292508797 (READ-ONLY COPY).

The authoritative reference and input builder live on the scoring server;
editing this copy changes nothing except your own understanding.
"""

import jax, jax.numpy as jnp
import numpy as np

N = 10000
E = 320000
D_IN = 128
D_H = 128


def setup_inputs(seed: int = 0) -> dict:
    key = jax.random.key(seed)
    k1, k2, k3, k4, k5, k6 = jax.random.split(key, 6)
    x = jax.random.normal(k1, (N, D_IN), dtype=jnp.float32)
    edge_index = jax.random.randint(k2, (2, E), 0, N, dtype=jnp.int32)
    # GCNConv params: lin weight [out, in] (no bias in lin), separate bias [out]
    W1 = jax.random.normal(k3, (D_H, D_IN), dtype=jnp.float32) * (1.0 / np.sqrt(D_IN))
    b1 = jnp.zeros((D_H,), dtype=jnp.float32)
    W2 = jax.random.normal(k4, (D_H, D_H), dtype=jnp.float32) * (1.0 / np.sqrt(D_H))
    b2 = jnp.zeros((D_H,), dtype=jnp.float32)
    return {"x": x, "edge_index": edge_index, "W1": W1, "b1": b1, "W2": W2, "b2": b2}


def _gcn_conv(x, edge_index, W, b):
    # linear transform first (PyG GCNConv applies lin before propagate)
    xw = x @ W.T
    n = x.shape[0]
    # add self-loops
    loop = jnp.arange(n, dtype=edge_index.dtype)
    src = jnp.concatenate([edge_index[0], loop])
    dst = jnp.concatenate([edge_index[1], loop])
    # symmetric normalization: deg computed at destination with unit edge weights
    ones = jnp.ones(src.shape[0], dtype=xw.dtype)
    deg = jax.ops.segment_sum(ones, dst, num_segments=n)
    dinv = jnp.where(deg > 0, jax.lax.rsqrt(jnp.maximum(deg, 1e-12)), 0.0)
    norm = dinv[src] * dinv[dst]
    # gather messages from source nodes, scale, scatter-add to destinations
    msg = xw[src] * norm[:, None]
    out = jax.ops.segment_sum(msg, dst, num_segments=n)
    return out + b


def reference(x, edge_index, W1, b1, W2, b2):
    h = jax.nn.relu(_gcn_conv(x, edge_index, W1, b1))
    out = _gcn_conv(h, edge_index, W2, b2)
    return out

if __name__ == "__main__":
    import jax
    _d = setup_inputs()
    print(jax.jit(kernel)(*tuple(_d.values())))

</pallas_src>

<mosaic_0001>
#map = affine_map<(d0, d1) -> (0, 0)>
#map1 = affine_map<(d0, d1) -> (0, 0, 0)>
module attributes {stable_mosaic.version = 14 : i64} {
  func.func @_mp_sc(%arg0: i32, %arg1: i32, %arg2: memref<10000x128xf32, #tpu.memory_space<hbm>>, %arg3: memref<2500x2x128xi32, #tpu.memory_space<hbm>>, %arg4: memref<2x10000x128xf32, #tpu.memory_space<hbm>>, %arg5: memref<10000x128xf32, #tpu.memory_space<vmem_shared>>, %arg6: memref<40x2x128xi32, #tpu.memory_space<vmem>>, %arg7: memref<128x128xf32, #tpu.memory_space<vmem>>, %arg8: memref<128x128xf32, #tpu.memory_space<vmem>>, %arg9: memref<!tpu.dma_semaphore, #tpu.memory_space<semaphore_mem>>, %arg10: memref<!tpu.dma_semaphore, #tpu.memory_space<semaphore_mem>>) attributes {dimension_semantics = [#tpu.dimension_semantics<core_parallel>, #tpu.dimension_semantics<subcore_parallel>], iteration_bounds = array<i64: 2, 16>, scalar_prefetch = 0 : i64, scratch_operands = 6 : i64, tpu.core_type = #tpu.core_type<sc_vector_subcore>, window_params = [{transform_indices = #map}, {transform_indices = #map1}, {transform_indices = #map1}]} {
    %mul3A = arith.constant 16 : i32
    %mul3A_0 = arith.muli %arg0, %mul3A : i32
    %add3A = arith.addi %mul3A_0, %arg1 : i32
    %scan3A = arith.constant 0 : i32
    %scan3A_1 = arith.constant 0 : i32
    %scan3A_2 = arith.constant 128 : i32
    %scan3A_3 = arith.addi %scan3A_1, %scan3A_2 : i32
    %scan3A_4 = arith.constant 1 : i32
    %scan3A_5 = scf.for %scan3A_45 = %scan3A_1 to %scan3A_3 step %scan3A_4 iter_args(%scan3A_46 = %scan3A) -> (i32)  : i32 {
      %broadcast_in_dim3A = arith.constant 0.000000e+00 : f32
      %broadcast_in_dim3A_47 = vector.broadcast %broadcast_in_dim3A : f32 to vector<16xf32>
      %swap3A = arith.index_cast %scan3A_45 : i32 to index
      %swap3A_48 = arith.constant 0 : index
      %swap3A_49 = tpu.vector_load %arg7[%swap3A, %swap3A_48] {strides = array<i32>} : memref<128x128xf32, #tpu.memory_space<vmem>>, vector<1x16xf32>,
      %swap3A_50 = vector.shape_cast %swap3A_49 : vector<1x16xf32> to vector<16xf32>
      %swap3A_51 = vector.shape_cast %broadcast_in_dim3A_47 : vector<16xf32> to vector<1x16xf32>
      tpu.vector_store %arg7[%swap3A, %swap3A_48], %swap3A_51 {strides = array<i32>} : memref<128x128xf32, #tpu.memory_space<vmem>>, vector<1x16xf32>,
      %broadcast_in_dim3A_52 = arith.constant 0.000000e+00 : f32
      %broadcast_in_dim3A_53 = vector.broadcast %broadcast_in_dim3A_52 : f32 to vector<16xf32>
      %swap3A_54 = arith.index_cast %scan3A_45 : i32 to index
      %swap3A_55 = arith.constant 16 : index
      %swap3A_56 = tpu.vector_load %arg7[%swap3A_54, %swap3A_55] {strides = array<i32>} : memref<128x128xf32, #tpu.memory_space<vmem>>, vector<1x16xf32>,
      %swap3A_57 = vector.shape_cast %swap3A_56 : vector<1x16xf32> to vector<16xf32>
      %swap3A_58 = vector.shape_cast %broadcast_in_dim3A_53 : vector<16xf32> to vector<1x16xf32>
      tpu.vector_store %arg7[%swap3A_54, %swap3A_55], %swap3A_58 {strides = array<i32>} : memref<128x128xf32, #tpu.memory_space<vmem>>, vector<1x16xf32>,
      %broadcast_in_dim3A_59 = arith.constant 0.000000e+00 : f32
      %broadcast_in_dim3A_60 = vector.broadcast %broadcast_in_dim3A_59 : f32 to vector<16xf32>
      %swap3A_61 = arith.index_cast %scan3A_45 : i32 to index
      %swap3A_62 = arith.constant 32 : index
      %swap3A_63 = tpu.vector_load %arg7[%swap3A_61, %swap3A_62] {strides = array<i32>} : memref<128x128xf32, #tpu.memory_space<vmem>>, vector<1x16xf32>,
      %swap3A_64 = vector.shape_cast %swap3A_63 : vector<1x16xf32> to vector<16xf32>
      %swap3A_65 = vector.shape_cast %broadcast_in_dim3A_60 : vector<16xf32> to vector<1x16xf32>
      tpu.vector_store %arg7[%swap3A_61, %swap3A_62], %swap3A_65 {strides = array<i32>} : memref<128x128xf32, #tpu.memory_space<vmem>>, vector<1x16xf32>,
      %broadcast_in_dim3A_66 = arith.constant 0.000000e+00 : f32
      %broadcast_in_dim3A_67 = vector.broadcast %broadcast_in_dim3A_66 : f32 to vector<16xf32>
      %swap3A_68 = arith.index_cast %scan3A_45 : i32 to index
      %swap3A_69 = arith.constant 48 : index
      %swap3A_70 = tpu.vector_load %arg7[%swap3A_68, %swap3A_69] {strides = array<i32>} : memref<128x128xf32, #tpu.memory_space<vmem>>, vector<1x16xf32>,
      %swap3A_71 = vector.shape_cast %swap3A_70 : vector<1x16xf32> to vector<16xf32>
      %swap3A_72 = vector.shape_cast %broadcast_in_dim3A_67 : vector<16xf32> to vector<1x16xf32>
      tpu.vector_store %arg7[%swap3A_68, %swap3A_69], %swap3A_72 {strides = array<i32>} : memref<128x128xf32, #tpu.memory_space<vmem>>, vector<1x16xf32>,
      %broadcast_in_dim3A_73 = arith.constant 0.000000e+00 : f32
      %broadcast_in_dim3A_74 = vector.broadcast %broadcast_in_dim3A_73 : f32 to vector<16xf32>
      %swap3A_75 = arith.index_cast %scan3A_45 : i32 to index
      %swap3A_76 = arith.constant 64 : index
      %swap3A_77 = tpu.vector_load %arg7[%swap3A_75, %swap3A_76] {strides = array<i32>} : memref<128x128xf32, #tpu.memory_space<vmem>>, vector<1x16xf32>,
      %swap3A_78 = vector.shape_cast %swap3A_77 : vector<1x16xf32> to vector<16xf32>
      %swap3A_79 = vector.shape_cast %broadcast_in_dim3A_74 : vector<16xf32> to vector<1x16xf32>
      tpu.vector_store %arg7[%swap3A_75, %swap3A_76], %swap3A_79 {strides = array<i32>} : memref<128x128xf32, #tpu.memory_space<vmem>>, vector<1x16xf32>,
      %broadcast_in_dim3A_80 = arith.constant 0.000000e+00 : f32
      %broadcast_in_dim3A_81 = vector.broadcast %broadcast_in_dim3A_80 : f32 to vector<16xf32>
      %swap3A_82 = arith.index_cast %scan3A_45 : i32 to index
      %swap3A_83 = arith.constant 80 : index
      %swap3A_84 = tpu.vector_load %arg7[%swap3A_82, %swap3A_83] {strides = array<i32>} : memref<128x128xf32, #tpu.memory_space<vmem>>, vector<1x16xf32>,
      %swap3A_85 = vector.shape_cast %swap3A_84 : vector<1x16xf32> to vector<16xf32>
      %swap3A_86 = vector.shape_cast %broadcast_in_dim3A_81 : vector<16xf32> to vector<1x16xf32>
      tpu.vector_store %arg7[%swap3A_82, %swap3A_83], %swap3A_86 {strides = array<i32>} : memref<128x128xf32, #tpu.memory_space<vmem>>, vector<1x16xf32>,
      %broadcast_in_dim3A_87 = arith.constant 0.000000e+00 : f32
      %broadcast_in_dim3A_88 = vector.broadcast %broadcast_in_dim3A_87 : f32 to vector<16xf32>
      %swap3A_89 = arith.index_cast %scan3A_45 : i32 to index
      %swap3A_90 = arith.constant 96 : index
      %swap3A_91 = tpu.vector_load %arg7[%swap3A_89, %swap3A_90] {strides = array<i32>} : memref<128x128xf32, #tpu.memory_space<vmem>>, vector<1x16xf32>,
      %swap3A_92 = vector.shape_cast %swap3A_91 : vector<1x16xf32> to vector<16xf32>
      %swap3A_93 = vector.shape_cast %broadcast_in_dim3A_88 : vector<16xf32> to vector<1x16xf32>
      tpu.vector_store %arg7[%swap3A_89, %swap3A_90], %swap3A_93 {strides = array<i32>} : memref<128x128xf32, #tpu.memory_space<vmem>>, vector<1x16xf32>,
      %broadcast_in_dim3A_94 = arith.constant 0.000000e+00 : f32
      %broadcast_in_dim3A_95 = vector.broadcast %broadcast_in_dim3A_94 : f32 to vector<16xf32>
      %swap3A_96 = arith.index_cast %scan3A_45 : i32 to index
      %swap3A_97 = arith.constant 112 : index
      %swap3A_98 = tpu.vector_load %arg7[%swap3A_96, %swap3A_97] {strides = array<i32>} : memref<128x128xf32, #tpu.memory_space<vmem>>, vector<1x16xf32>,
      %swap3A_99 = vector.shape_cast %swap3A_98 : vector<1x16xf32> to vector<16xf32>
      %swap3A_100 = vector.shape_cast %broadcast_in_dim3A_95 : vector<16xf32> to vector<1x16xf32>
      tpu.vector_store %arg7[%swap3A_96, %swap3A_97], %swap3A_100 {strides = array<i32>} : memref<128x128xf32, #tpu.memory_space<vmem>>, vector<1x16xf32>,
      %scan3A_101 = arith.constant 0 : i32
      scf.yield %scan3A_101 : i32
    }
    %scan3A_6 = arith.constant 128 : i32
    %mul3A_7 = arith.constant 625 : i32
    %mul3A_8 = arith.muli %arg1, %mul3A_7 : i32
    %add3A_9 = arith.constant 0 : i32
    %add3A_10 = arith.addi %mul3A_8, %add3A_9 : i32
    "tpu.region"() ({
      %run_scoped3A = tpu.sem_alloc : memref<!tpu.dma_semaphore, #tpu.memory_space<semaphore_mem>>
      %dma_start3A = arith.constant 0 : i32
      %dma_start3A_45 = tpu.memref_slice %arg5[%add3A_10, %dma_start3A] : memref<10000x128xf32, #tpu.memory_space<vmem_shared>> -> memref<128x128xf32, #tpu.memory_space<vmem_shared>>
      %dma_start3A_46 = arith.constant 0 : i32
      %dma_start3A_47 = tpu.memref_slice %arg5[%add3A_10, %dma_start3A_46] : memref<10000x128xf32, #tpu.memory_space<vmem_shared>> -> memref<128x128xf32, #tpu.memory_space<vmem_shared>>
      tpu.enqueue_dma source(%arg7 : memref<128x128xf32, #tpu.memory_space<vmem>>) target(%dma_start3A_47 : memref<128x128xf32, #tpu.memory_space<vmem_shared>>) target_semaphore(%run_scoped3A : memref<!tpu.dma_semaphore, #tpu.memory_space<semaphore_mem>>)
      %dma_wait3A = arith.constant 0 : i32
      %dma_wait3A_48 = tpu.memref_slice %arg5[%add3A_10, %dma_wait3A] : memref<10000x128xf32, #tpu.memory_space<vmem_shared>> -> memref<128x128xf32, #tpu.memory_space<vmem_shared>>
      %dma_wait3A_49 = arith.constant 0 : i32
      %dma_wait3A_50 = tpu.memref_slice %arg5[%add3A_10, %dma_wait3A_49] : memref<10000x128xf32, #tpu.memory_space<vmem_shared>> -> memref<128x128xf32, #tpu.memory_space<vmem_shared>>
      tpu.wait_dma2 semaphore(%run_scoped3A : memref<!tpu.dma_semaphore, #tpu.memory_space<semaphore_mem>>) src(%arg7 : memref<128x128xf32, #tpu.memory_space<vmem>>) dst(%dma_wait3A_50 : memref<128x128xf32, #tpu.memory_space<vmem_shared>>)
      tpu.yield
    }) : () -> ()
    %mul3A_11 = arith.constant 625 : i32
    %mul3A_12 = arith.muli %arg1, %mul3A_11 : i32
    %add3A_13 = arith.constant 128 : i32
    %add3A_14 = arith.addi %mul3A_12, %add3A_13 : i32
    "tpu.region"() ({
      %run_scoped3A = tpu.sem_alloc : memref<!tpu.dma_semaphore, #tpu.memory_space<semaphore_mem>>
      %dma_start3A = arith.constant 0 : i32
      %dma_start3A_45 = tpu.memref_slice %arg5[%add3A_14, %dma_start3A] : memref<10000x128xf32, #tpu.memory_space<vmem_shared>> -> memref<128x128xf32, #tpu.memory_space<vmem_shared>>
      %dma_start3A_46 = arith.constant 0 : i32
      %dma_start3A_47 = tpu.memref_slice %arg5[%add3A_14, %dma_start3A_46] : memref<10000x128xf32, #tpu.memory_space<vmem_shared>> -> memref<128x128xf32, #tpu.memory_space<vmem_shared>>
      tpu.enqueue_dma source(%arg7 : memref<128x128xf32, #tpu.memory_space<vmem>>) target(%dma_start3A_47 : memref<128x128xf32, #tpu.memory_space<vmem_shared>>) target_semaphore(%run_scoped3A : memref<!tpu.dma_semaphore, #tpu.memory_space<semaphore_mem>>)
      %dma_wait3A = arith.constant 0 : i32
      %dma_wait3A_48 = tpu.memref_slice %arg5[%add3A_14, %dma_wait3A] : memref<10000x128xf32, #tpu.memory_space<vmem_shared>> -> memref<128x128xf32, #tpu.memory_space<vmem_shared>>
      %dma_wait3A_49 = arith.constant 0 : i32
      %dma_wait3A_50 = tpu.memref_slice %arg5[%add3A_14, %dma_wait3A_49] : memref<10000x128xf32, #tpu.memory_space<vmem_shared>> -> memref<128x128xf32, #tpu.memory_space<vmem_shared>>
      tpu.wait_dma2 semaphore(%run_scoped3A : memref<!tpu.dma_semaphore, #tpu.memory_space<semaphore_mem>>) src(%arg7 : memref<128x128xf32, #tpu.memory_space<vmem>>) dst(%dma_wait3A_50 : memref<128x128xf32, #tpu.memory_space<vmem_shared>>)
      tpu.yield
    }) : () -> ()
    %mul3A_15 = arith.constant 625 : i32
    %mul3A_16 = arith.muli %arg1, %mul3A_15 : i32
    %add3A_17 = arith.constant 256 : i32
    %add3A_18 = arith.addi %mul3A_16, %add3A_17 : i32
    "tpu.region"() ({
      %run_scoped3A = tpu.sem_alloc : memref<!tpu.dma_semaphore, #tpu.memory_space<semaphore_mem>>
      %dma_start3A = arith.constant 0 : i32
      %dma_start3A_45 = tpu.memref_slice %arg5[%add3A_18, %dma_start3A] : memref<10000x128xf32, #tpu.memory_space<vmem_shared>> -> memref<128x128xf32, #tpu.memory_space<vmem_shared>>
      %dma_start3A_46 = arith.constant 0 : i32
      %dma_start3A_47 = tpu.memref_slice %arg5[%add3A_18, %dma_start3A_46] : memref<10000x128xf32, #tpu.memory_space<vmem_shared>> -> memref<128x128xf32, #tpu.memory_space<vmem_shared>>
      tpu.enqueue_dma source(%arg7 : memref<128x128xf32, #tpu.memory_space<vmem>>) target(%dma_start3A_47 : memref<128x128xf32, #tpu.memory_space<vmem_shared>>) target_semaphore(%run_scoped3A : memref<!tpu.dma_semaphore, #tpu.memory_space<semaphore_mem>>)
      %dma_wait3A = arith.constant 0 : i32
      %dma_wait3A_48 = tpu.memref_slice %arg5[%add3A_18, %dma_wait3A] : memref<10000x128xf32, #tpu.memory_space<vmem_shared>> -> memref<128x128xf32, #tpu.memory_space<vmem_shared>>
      %dma_wait3A_49 = arith.constant 0 : i32
      %dma_wait3A_50 = tpu.memref_slice %arg5[%add3A_18, %dma_wait3A_49] : memref<10000x128xf32, #tpu.memory_space<vmem_shared>> -> memref<128x128xf32, #tpu.memory_space<vmem_shared>>
      tpu.wait_dma2 semaphore(%run_scoped3A : memref<!tpu.dma_semaphore, #tpu.memory_space<semaphore_mem>>) src(%arg7 : memref<128x128xf32, #tpu.memory_space<vmem>>) dst(%dma_wait3A_50 : memref<128x128xf32, #tpu.memory_space<vmem_shared>>)
      tpu.yield
    }) : () -> ()
    %mul3A_19 = arith.constant 625 : i32
    %mul3A_20 = arith.muli %arg1, %mul3A_19 : i32
    %add3A_21 = arith.constant 384 : i32
    %add3A_22 = arith.addi %mul3A_20, %add3A_21 : i32
    "tpu.region"() ({
      %run_scoped3A = tpu.sem_alloc : memref<!tpu.dma_semaphore, #tpu.memory_space<semaphore_mem>>
      %dma_start3A = arith.constant 0 : i32
      %dma_start3A_45 = tpu.memref_slice %arg5[%add3A_22, %dma_start3A] : memref<10000x128xf32, #tpu.memory_space<vmem_shared>> -> memref<128x128xf32, #tpu.memory_space<vmem_shared>>
      %dma_start3A_46 = arith.constant 0 : i32
      %dma_start3A_47 = tpu.memref_slice %arg5[%add3A_22, %dma_start3A_46] : memref<10000x128xf32, #tpu.memory_space<vmem_shared>> -> memref<128x128xf32, #tpu.memory_space<vmem_shared>>
      tpu.enqueue_dma source(%arg7 : memref<128x128xf32, #tpu.memory_space<vmem>>) target(%dma_start3A_47 : memref<128x128xf32, #tpu.memory_space<vmem_shared>>) target_semaphore(%run_scoped3A : memref<!tpu.dma_semaphore, #tpu.memory_space<semaphore_mem>>)
      %dma_wait3A = arith.constant 0 : i32
      %dma_wait3A_48 = tpu.memref_slice %arg5[%add3A_22, %dma_wait3A] : memref<10000x128xf32, #tpu.memory_space<vmem_shared>> -> memref<128x128xf32, #tpu.memory_space<vmem_shared>>
      %dma_wait3A_49 = arith.constant 0 : i32
      %dma_wait3A_50 = tpu.memref_slice %arg5[%add3A_22, %dma_wait3A_49] : memref<10000x128xf32, #tpu.memory_space<vmem_shared>> -> memref<128x128xf32, #tpu.memory_space<vmem_shared>>
      tpu.wait_dma2 semaphore(%run_scoped3A : memref<!tpu.dma_semaphore, #tpu.memory_space<semaphore_mem>>) src(%arg7 : memref<128x128xf32, #tpu.memory_space<vmem>>) dst(%dma_wait3A_50 : memref<128x128xf32, #tpu.memory_space<vmem_shared>>)
      tpu.yield
    }) : () -> ()
    %mul3A_23 = arith.constant 625 : i32
    %mul3A_24 = arith.muli %arg1, %mul3A_23 : i32
    %add3A_25 = arith.constant 625 : i32
    %add3A_26 = arith.addi %mul3A_24, %add3A_25 : i32
    %sub3A = arith.constant 113 : i32
    %sub3A_27 = arith.subi %add3A_26, %sub3A : i32
    "tpu.region"() ({
      %run_scoped3A = tpu.sem_alloc : memref<!tpu.dma_semaphore, #tpu.memory_space<semaphore_mem>>
      %dma_start3A = arith.constant 0 : i32
      %dma_start3A_45 = arith.constant 0 : i32
      %dma_start3A_46 = tpu.memref_slice %arg7[%dma_start3A, %dma_start3A_45] : memref<128x128xf32, #tpu.memory_space<vmem>> -> memref<113x128xf32, #tpu.memory_space<vmem>>
      %dma_start3A_47 = arith.constant 0 : i32
      %dma_start3A_48 = tpu.memref_slice %arg5[%sub3A_27, %dma_start3A_47] : memref<10000x128xf32, #tpu.memory_space<vmem_shared>> -> memref<113x128xf32, #tpu.memory_space<vmem_shared>>
      %dma_start3A_49 = arith.constant 0 : i32
      %dma_start3A_50 = tpu.memref_slice %arg5[%sub3A_27, %dma_start3A_49] : memref<10000x128xf32, #tpu.memory_space<vmem_shared>> -> memref<113x128xf32, #tpu.memory_space<vmem_shared>>
      %dma_start3A_51 = arith.constant 0 : i32
      %dma_start3A_52 = arith.constant 0 : i32
      %dma_start3A_53 = tpu.memref_slice %arg7[%dma_start3A_51, %dma_start3A_52] : memref<128x128xf32, #tpu.memory_space<vmem>> -> memref<113x128xf32, #tpu.memory_space<vmem>>
      tpu.enqueue_dma source(%dma_start3A_53 : memref<113x128xf32, #tpu.memory_space<vmem>>) target(%dma_start3A_50 : memref<113x128xf32, #tpu.memory_space<vmem_shared>>) target_semaphore(%run_scoped3A : memref<!tpu.dma_semaphore, #tpu.memory_space<semaphore_mem>>)
      %dma_wait3A = arith.constant 0 : i32
      %dma_wait3A_54 = arith.constant 0 : i32
      %dma_wait3A_55 = tpu.memref_slice %arg7[%dma_wait3A, %dma_wait3A_54] : memref<128x128xf32, #tpu.memory_space<vmem>> -> memref<113x128xf32, #tpu.memory_space<vmem>>
      %dma_wait3A_56 = arith.constant 0 : i32
      %dma_wait3A_57 = tpu.memref_slice %arg5[%sub3A_27, %dma_wait3A_56] : memref<10000x128xf32, #tpu.memory_space<vmem_shared>> -> memref<113x128xf32, #tpu.memory_space<vmem_shared>>
      %dma_wait3A_58 = arith.constant 0 : i32
      %dma_wait3A_59 = tpu.memref_slice %arg5[%sub3A_27, %dma_wait3A_58] : memref<10000x128xf32, #tpu.memory_space<vmem_shared>> -> memref<113x128xf32, #tpu.memory_space<vmem_shared>>
      %dma_wait3A_60 = arith.constant 0 : i32
      %dma_wait3A_61 = arith.constant 0 : i32
      %dma_wait3A_62 = tpu.memref_slice %arg7[%dma_wait3A_60, %dma_wait3A_61] : memref<128x128xf32, #tpu.memory_space<vmem>> -> memref<113x128xf32, #tpu.memory_space<vmem>>
      tpu.wait_dma2 semaphore(%run_scoped3A : memref<!tpu.dma_semaphore, #tpu.memory_space<semaphore_mem>>) src(%dma_wait3A_62 : memref<113x128xf32, #tpu.memory_space<vmem>>) dst(%dma_wait3A_59 : memref<113x128xf32, #tpu.memory_space<vmem_shared>>)
      tpu.yield
    }) : () -> ()
    %barrier3A = arith.constant 0 : index
    tpu.barrier barrier_id(%barrier3A)
    %lt3A = arith.constant 31 : i32
    %lt3A_28 = arith.cmpi slt, %add3A, %lt3A : i32
    %convert_element_type3A = arith.extui %lt3A_28 : i1 to i32
    %cond3A = arith.constant 0 : i32
    %cond3A_29 = arith.cmpi ne, %convert_element_type3A, %cond3A : i32
    scf.if %cond3A_29 {
      %mul3A_45 = arith.constant 80 : i32
      %mul3A_46 = arith.muli %add3A, %mul3A_45 : i32
      %add3A_47 = arith.constant 0 : i32
      %add3A_48 = arith.addi %mul3A_46, %add3A_47 : i32
      "tpu.region"() ({
        %run_scoped3A = tpu.sem_alloc : memref<!tpu.dma_semaphore, #tpu.memory_space<semaphore_mem>>
        %dma_start3A_154 = arith.constant 0 : i32
        %dma_start3A_155 = arith.constant 0 : i32
        %dma_start3A_156 = arith.constant 0 : i32
        %dma_start3A_157 = tpu.memref_slice %arg6[%dma_start3A_154, %dma_start3A_155, %dma_start3A_156] : memref<40x2x128xi32, #tpu.memory_space<vmem>> -> memref<40x2x128xi32, #tpu.memory_space<vmem>>
        %dma_start3A_158 = arith.constant 0 : i32
        %dma_start3A_159 = arith.constant 0 : i32
        %dma_start3A_160 = tpu.memref_slice %arg3[%add3A_48, %dma_start3A_158, %dma_start3A_159] : memref<2500x2x128xi32, #tpu.memory_space<hbm>> -> memref<40x2x128xi32, #tpu.memory_space<hbm>>
        %dma_start3A_161 = arith.constant 0 : i32
        %dma_start3A_162 = arith.constant 0 : i32
        %dma_start3A_163 = arith.constant 0 : i32
        %dma_start3A_164 = tpu.memref_slice %arg6[%dma_start3A_161, %dma_start3A_162, %dma_start3A_163] : memref<40x2x128xi32, #tpu.memory_space<vmem>> -> memref<40x2x128xi32, #tpu.memory_space<vmem>>
        %dma_start3A_165 = arith.constant 0 : i32
        %dma_start3A_166 = arith.constant 0 : i32
        %dma_start3A_167 = tpu.memref_slice %arg3[%add3A_48, %dma_start3A_165, %dma_start3A_166] : memref<2500x2x128xi32, #tpu.memory_space<hbm>> -> memref<40x2x128xi32, #tpu.memory_space<hbm>>
        tpu.enqueue_dma source(%dma_start3A_167 : memref<40x2x128xi32, #tpu.memory_space<hbm>>) target(%dma_start3A_164 : memref<40x2x128xi32, #tpu.memory_space<vmem>>) target_semaphore(%run_scoped3A : memref<!tpu.dma_semaphore, #tpu.memory_space<semaphore_mem>>)
        %dma_wait3A = arith.constant 0 : i32
        %dma_wait3A_168 = arith.constant 0 : i32
        %dma_wait3A_169 = arith.constant 0 : i32
        %dma_wait3A_170 = tpu.memref_slice %arg6[%dma_wait3A, %dma_wait3A_168, %dma_wait3A_169] : memref<40x2x128xi32, #tpu.memory_space<vmem>> -> memref<40x2x128xi32, #tpu.memory_space<vmem>>
        %dma_wait3A_171 = arith.constant 0 : i32
        %dma_wait3A_172 = arith.constant 0 : i32
        %dma_wait3A_173 = tpu.memref_slice %arg3[%add3A_48, %dma_wait3A_171, %dma_wait3A_172] : memref<2500x2x128xi32, #tpu.memory_space<hbm>> -> memref<40x2x128xi32, #tpu.memory_space<hbm>>
        %dma_wait3A_174 = arith.constant 0 : i32
        %dma_wait3A_175 = arith.constant 0 : i32
        %dma_wait3A_176 = arith.constant 0 : i32
        %dma_wait3A_177 = tpu.memref_slice %arg6[%dma_wait3A_174, %dma_wait3A_175, %dma_wait3A_176] : memref<40x2x128xi32, #tpu.memory_space<vmem>> -> memref<40x2x128xi32, #tpu.memory_space<vmem>>
        %dma_wait3A_178 = arith.constant 0 : i32
        %dma_wait3A_179 = arith.constant 0 : i32
        %dma_wait3A_180 = tpu.memref_slice %arg3[%add3A_48, %dma_wait3A_178, %dma_wait3A_179] : memref<2500x2x128xi32, #tpu.memory_space<hbm>> -> memref<40x2x128xi32, #tpu.memory_space<hbm>>
        tpu.wait_dma2 semaphore(%run_scoped3A : memref<!tpu.dma_semaphore, #tpu.memory_space<semaphore_mem>>) src(%dma_wait3A_180 : memref<40x2x128xi32, #tpu.memory_space<hbm>>) dst(%dma_wait3A_177 : memref<40x2x128xi32, #tpu.memory_space<vmem>>)
        tpu.yield
      }) : () -> ()
      %dma_start3A = arith.constant 0 : i32
      %dma_start3A_49 = arith.constant 0 : i32
      %dma_start3A_50 = arith.constant 0 : i32
      %dma_start3A_51 = arith.constant 0 : i32
      %dma_start3A_52 = tpu.memref_slice %arg7[%dma_start3A_50, %dma_start3A_51] : memref<128x128xf32, #tpu.memory_space<vmem>> -> memref<32x128xf32, #tpu.memory_space<vmem>>
      %dma_start3A_53 = arith.constant 0 : i32
      %dma_start3A_54 = tpu.memref_slice %arg6[%dma_start3A, %dma_start3A_49, %dma_start3A_53] : memref<40x2x128xi32, #tpu.memory_space<vmem>> -> memref<1x1x32xi32, #tpu.memory_space<vmem>>
      %dma_start3A_55 = tpu.memref_squeeze %dma_start3A_54 : memref<1x1x32xi32, #tpu.memory_space<vmem>> -> memref<32xi32, #tpu.memory_space<vmem>>
      %dma_start3A_56 = arith.constant 0 : i32
      %dma_start3A_57 = arith.constant 0 : i32
      %dma_start3A_58 = tpu.memref_slice %arg2[%dma_start3A_56, %dma_start3A_57] : memref<10000x128xf32, #tpu.memory_space<hbm>> -> memref<10000x128xf32, #tpu.memory_space<hbm>>
      tpu.enqueue_indirect_dma source(%dma_start3A_58 : memref<10000x128xf32, #tpu.memory_space<hbm>>) target(%dma_start3A_52 : memref<32x128xf32, #tpu.memory_space<vmem>>) offsets(%dma_start3A_55 : memref<32xi32, #tpu.memory_space<vmem>>) semaphore(%arg9 : memref<!tpu.dma_semaphore, #tpu.memory_space<semaphore_mem>>)
      %dma_start3A_59 = arith.constant 0 : i32
      %dma_start3A_60 = arith.constant 0 : i32
      %dma_start3A_61 = arith.constant 32 : i32
      %dma_start3A_62 = arith.constant 0 : i32
      %dma_start3A_63 = tpu.memref_slice %arg7[%dma_start3A_61, %dma_start3A_62] : memref<128x128xf32, #tpu.memory_space<vmem>> -> memref<32x128xf32, #tpu.memory_space<vmem>>
      %dma_start3A_64 = arith.constant 32 : i32
      %dma_start3A_65 = tpu.memref_slice %arg6[%dma_start3A_59, %dma_start3A_60, %dma_start3A_64] : memref<40x2x128xi32, #tpu.memory_space<vmem>> -> memref<1x1x32xi32, #tpu.memory_space<vmem>>
      %dma_start3A_66 = tpu.memref_squeeze %dma_start3A_65 : memref<1x1x32xi32, #tpu.memory_space<vmem>> -> memref<32xi32, #tpu.memory_space<vmem>>
      %dma_start3A_67 = arith.constant 0 : i32
      %dma_start3A_68 = arith.constant 0 : i32
      %dma_start3A_69 = tpu.memref_slice %arg2[%dma_start3A_67, %dma_start3A_68] : memref<10000x128xf32, #tpu.memory_space<hbm>> -> memref<10000x128xf32, #tpu.memory_space<hbm>>
      tpu.enqueue_indirect_dma source(%dma_start3A_69 : memref<10000x128xf32, #tpu.memory_space<hbm>>) target(%dma_start3A_63 : memref<32x128xf32, #tpu.memory_space<vmem>>) offsets(%dma_start3A_66 : memref<32xi32, #tpu.memory_space<vmem>>) semaphore(%arg9 : memref<!tpu.dma_semaphore, #tpu.memory_space<semaphore_mem>>)
      %dma_start3A_70 = arith.constant 0 : i32
      %dma_start3A_71 = arith.constant 0 : i32
      %dma_start3A_72 = arith.constant 64 : i32
      %dma_start3A_73 = arith.constant 0 : i32
      %dma_start3A_74 = tpu.memref_slice %arg7[%dma_start3A_72, %dma_start3A_73] : memref<128x128xf32, #tpu.memory_space<vmem>> -> memref<32x128xf32, #tpu.memory_space<vmem>>
      %dma_start3A_75 = arith.constant 64 : i32
      %dma_start3A_76 = tpu.memref_slice %arg6[%dma_start3A_70, %dma_start3A_71, %dma_start3A_75] : memref<40x2x128xi32, #tpu.memory_space<vmem>> -> memref<1x1x32xi32, #tpu.memory_space<vmem>>
      %dma_start3A_77 = tpu.memref_squeeze %dma_start3A_76 : memref<1x1x32xi32, #tpu.memory_space<vmem>> -> memref<32xi32, #tpu.memory_space<vmem>>
      %dma_start3A_78 = arith.constant 0 : i32
      %dma_start3A_79 = arith.constant 0 : i32
      %dma_start3A_80 = tpu.memref_slice %arg2[%dma_start3A_78, %dma_start3A_79] : memref<10000x128xf32, #tpu.memory_space<hbm>> -> memref<10000x128xf32, #tpu.memory_space<hbm>>
      tpu.enqueue_indirect_dma source(%dma_start3A_80 : memref<10000x128xf32, #tpu.memory_space<hbm>>) target(%dma_start3A_74 : memref<32x128xf32, #tpu.memory_space<vmem>>) offsets(%dma_start3A_77 : memref<32xi32, #tpu.memory_space<vmem>>) semaphore(%arg9 : memref<!tpu.dma_semaphore, #tpu.memory_space<semaphore_mem>>)
      %dma_start3A_81 = arith.constant 0 : i32
      %dma_start3A_82 = arith.constant 0 : i32
      %dma_start3A_83 = arith.constant 96 : i32
      %dma_start3A_84 = arith.constant 0 : i32
      %dma_start3A_85 = tpu.memref_slice %arg7[%dma_start3A_83, %dma_start3A_84] : memref<128x128xf32, #tpu.memory_space<vmem>> -> memref<32x128xf32, #tpu.memory_space<vmem>>
      %dma_start3A_86 = arith.constant 96 : i32
      %dma_start3A_87 = tpu.memref_slice %arg6[%dma_start3A_81, %dma_start3A_82, %dma_start3A_86] : memref<40x2x128xi32, #tpu.memory_space<vmem>> -> memref<1x1x32xi32, #tpu.memory_space<vmem>>
      %dma_start3A_88 = tpu.memref_squeeze %dma_start3A_87 : memref<1x1x32xi32, #tpu.memory_space<vmem>> -> memref<32xi32, #tpu.memory_space<vmem>>
      %dma_start3A_89 = arith.constant 0 : i32
      %dma_start3A_90 = arith.constant 0 : i32
      %dma_start3A_91 = tpu.memref_slice %arg2[%dma_start3A_89, %dma_start3A_90] : memref<10000x128xf32, #tpu.memory_space<hbm>> -> memref<10000x128xf32, #tpu.memory_space<hbm>>
      tpu.enqueue_indirect_dma source(%dma_start3A_91 : memref<10000x128xf32, #tpu.memory_space<hbm>>) target(%dma_start3A_85 : memref<32x128xf32, #tpu.memory_space<vmem>>) offsets(%dma_start3A_88 : memref<32xi32, #tpu.memory_space<vmem>>) semaphore(%arg9 : memref<!tpu.dma_semaphore, #tpu.memory_space<semaphore_mem>>)
      %scan3A_92 = arith.constant 0 : i32
      %scan3A_93 = arith.constant 0 : i32
      %scan3A_94 = arith.constant 20 : i32
      %scan3A_95 = arith.addi %scan3A_93, %scan3A_94 : i32
      %scan3A_96 = arith.constant 1 : i32
      %scan3A_97 = scf.for %scan3A_154 = %scan3A_93 to %scan3A_95 step %scan3A_96 iter_args(%scan3A_155 = %scan3A_92) -> (i32)  : i32 {
        %mul3A_156 = arith.constant 2 : i32
        %mul3A_157 = arith.muli %mul3A_156, %scan3A_154 : i32
        %add3A_158 = arith.constant 1 : i32
        %add3A_159 = arith.addi %mul3A_157, %add3A_158 : i32
        %dma_start3A_160 = arith.constant 0 : i32
        %dma_start3A_161 = arith.constant 0 : i32
        %dma_start3A_162 = arith.constant 0 : i32
        %dma_start3A_163 = tpu.memref_slice %arg8[%dma_start3A_161, %dma_start3A_162] : memref<128x128xf32, #tpu.memory_space<vmem>> -> memref<32x128xf32, #tpu.memory_space<vmem>>
        %dma_start3A_164 = arith.constant 0 : i32
        %dma_start3A_165 = tpu.memref_slice %arg6[%add3A_159, %dma_start3A_160, %dma_start3A_164] : memref<40x2x128xi32, #tpu.memory_space<vmem>> -> memref<1x1x32xi32, #tpu.memory_space<vmem>>
        %dma_start3A_166 = tpu.memref_squeeze %dma_start3A_165 : memref<1x1x32xi32, #tpu.memory_space<vmem>> -> memref<32xi32, #tpu.memory_space<vmem>>
        %dma_start3A_167 = arith.constant 0 : i32
        %dma_start3A_168 = arith.constant 0 : i32
        %dma_start3A_169 = tpu.memref_slice %arg2[%dma_start3A_167, %dma_start3A_168] : memref<10000x128xf32, #tpu.memory_space<hbm>> -> memref<10000x128xf32, #tpu.memory_space<hbm>>
        tpu.enqueue_indirect_dma source(%dma_start3A_169 : memref<10000x128xf32, #tpu.memory_space<hbm>>) target(%dma_start3A_163 : memref<32x128xf32, #tpu.memory_space<vmem>>) offsets(%dma_start3A_166 : memref<32xi32, #tpu.memory_space<vmem>>) semaphore(%arg10 : memref<!tpu.dma_semaphore, #tpu.memory_space<semaphore_mem>>)
        %dma_start3A_170 = arith.constant 0 : i32
        %dma_start3A_171 = arith.constant 32 : i32
        %dma_start3A_172 = arith.constant 0 : i32
        %dma_start3A_173 = tpu.memref_slice %arg8[%dma_start3A_171, %dma_start3A_172] : memref<128x128xf32, #tpu.memory_space<vmem>> -> memref<32x128xf32, #tpu.memory_space<vmem>>
        %dma_start3A_174 = arith.constant 32 : i32
        %dma_start3A_175 = tpu.memref_slice %arg6[%add3A_159, %dma_start3A_170, %dma_start3A_174] : memref<40x2x128xi32, #tpu.memory_space<vmem>> -> memref<1x1x32xi32, #tpu.memory_space<vmem>>
        %dma_start3A_176 = tpu.memref_squeeze %dma_start3A_175 : memref<1x1x32xi32, #tpu.memory_space<vmem>> -> memref<32xi32, #tpu.memory_space<vmem>>
        %dma_start3A_177 = arith.constant 0 : i32
        %dma_start3A_178 = arith.constant 0 : i32
        %dma_start3A_179 = tpu.memref_slice %arg2[%dma_start3A_177, %dma_start3A_178] : memref<10000x128xf32, #tpu.memory_space<hbm>> -> memref<10000x128xf32, #tpu.memory_space<hbm>>
        tpu.enqueue_indirect_dma source(%dma_start3A_179 : memref<10000x128xf32, #tpu.memory_space<hbm>>) target(%dma_start3A_173 : memref<32x128xf32, #tpu.memory_space<vmem>>) offsets(%dma_start3A_176 : memref<32xi32, #tpu.memory_space<vmem>>) semaphore(%arg10 : memref<!tpu.dma_semaphore, #tpu.memory_space<semaphore_mem>>)
        %dma_start3A_180 = arith.constant 0 : i32
        %dma_start3A_181 = arith.constant 64 : i32
        %dma_start3A_182 = arith.constant 0 : i32
        %dma_start3A_183 = tpu.memref_slice %arg8[%dma_start3A_181, %dma_start3A_182] : memref<128x128xf32, #tpu.memory_space<vmem>> -> memref<32x128xf32, #tpu.memory_space<vmem>>
        %dma_start3A_184 = arith.constant 64 : i32
        %dma_start3A_185 = tpu.memref_slice %arg6[%add3A_159, %dma_start3A_180, %dma_start3A_184] : memref<40x2x128xi32, #tpu.memory_space<vmem>> -> memref<1x1x32xi32, #tpu.memory_space<vmem>>
        %dma_start3A_186 = tpu.memref_squeeze %dma_start3A_185 : memref<1x1x32xi32, #tpu.memory_space<vmem>> -> memref<32xi32, #tpu.memory_space<vmem>>
        %dma_start3A_187 = arith.constant 0 : i32
        %dma_start3A_188 = arith.constant 0 : i32
        %dma_start3A_189 = tpu.memref_slice %arg2[%dma_start3A_187, %dma_start3A_188] : memref<10000x128xf32, #tpu.memory_space<hbm>> -> memref<10000x128xf32, #tpu.memory_space<hbm>>
        tpu.enqueue_indirect_dma source(%dma_start3A_189 : memref<10000x128xf32, #tpu.memory_space<hbm>>) target(%dma_start3A_183 : memref<32x128xf32, #tpu.memory_space<vmem>>) offsets(%dma_start3A_186 : memref<32xi32, #tpu.memory_space<vmem>>) semaphore(%arg10 : memref<!tpu.dma_semaphore, #tpu.memory_space<semaphore_mem>>)
        %dma_start3A_190 = arith.constant 0 : i32
        %dma_start3A_191 = arith.constant 96 : i32
        %dma_start3A_192 = arith.constant 0 : i32
        %dma_start3A_193 = tpu.memref_slice %arg8[%dma_start3A_191, %dma_start3A_192] : memref<128x128xf32, #tpu.memory_space<vmem>> -> memref<32x128xf32, #tpu.memory_space<vmem>>
        %dma_start3A_194 = arith.constant 96 : i32
        %dma_start3A_195 = tpu.memref_slice %arg6[%add3A_159, %dma_start3A_190, %dma_start3A_194] : memref<40x2x128xi32, #tpu.memory_space<vmem>> -> memref<1x1x32xi32, #tpu.memory_space<vmem>>
        %dma_start3A_196 = tpu.memref_squeeze %dma_start3A_195 : memref<1x1x32xi32, #tpu.memory_space<vmem>> -> memref<32xi32, #tpu.memory_space<vmem>>
        %dma_start3A_197 = arith.constant 0 : i32
        %dma_start3A_198 = arith.constant 0 : i32
        %dma_start3A_199 = tpu.memref_slice %arg2[%dma_start3A_197, %dma_start3A_198] : memref<10000x128xf32, #tpu.memory_space<hbm>> -> memref<10000x128xf32, #tpu.memory_space<hbm>>
        tpu.enqueue_indirect_dma source(%dma_start3A_199 : memref<10000x128xf32, #tpu.memory_space<hbm>>) target(%dma_start3A_193 : memref<32x128xf32, #tpu.memory_space<vmem>>) offsets(%dma_start3A_196 : memref<32xi32, #tpu.memory_space<vmem>>) semaphore(%arg10 : memref<!tpu.dma_semaphore, #tpu.memory_space<semaphore_mem>>)
        %dma_wait3A = arith.constant 0 : i32
        %dma_wait3A_200 = arith.constant 0 : i32
        %dma_wait3A_201 = tpu.memref_slice %arg2[%dma_wait3A, %dma_wait3A_200] : memref<10000x128xf32, #tpu.memory_space<hbm>> -> memref<128x128xf32, #tpu.memory_space<hbm>>
        %dma_wait3A_202 = arith.constant 0 : i32
        %dma_wait3A_203 = arith.constant 0 : i32
        %dma_wait3A_204 = tpu.memref_slice %arg2[%dma_wait3A_202, %dma_wait3A_203] : memref<10000x128xf32, #tpu.memory_space<hbm>> -> memref<128x128xf32, #tpu.memory_space<hbm>>
        tpu.wait_dma2 semaphore(%arg9 : memref<!tpu.dma_semaphore, #tpu.memory_space<semaphore_mem>>) src(%dma_wait3A_204 : memref<128x128xf32, #tpu.memory_space<hbm>>) dst(%arg7 : memref<128x128xf32, #tpu.memory_space<vmem>>)
        %run_scoped3A = arith.constant 1 : i32
        "tpu.region"() ({
          %run_scoped3A_222 = tpu.sem_alloc : memref<!tpu.dma_semaphore, #tpu.memory_space<semaphore_mem>>
          %dma_start3A_223 = arith.constant 0 : i32
          %dma_start3A_224 = tpu.memref_slice %arg6[%mul3A_157, %run_scoped3A, %dma_start3A_223] : memref<40x2x128xi32, #tpu.memory_space<vmem>> -> memref<1x1x128xi32, #tpu.memory_space<vmem>>
          %dma_start3A_225 = tpu.memref_squeeze %dma_start3A_224 : memref<1x1x128xi32, #tpu.memory_space<vmem>> -> memref<128xi32, #tpu.memory_space<vmem>>
          %dma_start3A_226 = arith.constant 0 : i32
          %dma_start3A_227 = arith.constant 0 : i32
          %dma_start3A_228 = tpu.memref_slice %arg5[%dma_start3A_226, %dma_start3A_227] : memref<10000x128xf32, #tpu.memory_space<vmem_shared>> -> memref<10000x128xf32, #tpu.memory_space<vmem_shared>>
          tpu.enqueue_indirect_dma source(%arg7 : memref<128x128xf32, #tpu.memory_space<vmem>>) target(%dma_start3A_228 : memref<10000x128xf32, #tpu.memory_space<vmem_shared>>) offsets(%dma_start3A_225 : memref<128xi32, #tpu.memory_space<vmem>>) semaphore(%run_scoped3A_222 : memref<!tpu.dma_semaphore, #tpu.memory_space<semaphore_mem>>) {add = true}
          %dma_wait3A_229 = arith.constant 0 : i32
          %dma_wait3A_230 = tpu.memref_slice %arg6[%mul3A_157, %run_scoped3A, %dma_wait3A_229] : memref<40x2x128xi32, #tpu.memory_space<vmem>> -> memref<1x1x128xi32, #tpu.memory_space<vmem>>
          %dma_wait3A_231 = tpu.memref_squeeze %dma_wait3A_230 : memref<1x1x128xi32, #tpu.memory_space<vmem>> -> memref<128xi32, #tpu.memory_space<vmem>>
          %dma_wait3A_232 = arith.constant 0 : i32
          %dma_wait3A_233 = arith.constant 0 : i32
          %dma_wait3A_234 = tpu.memref_slice %arg5[%dma_wait3A_232, %dma_wait3A_233] : memref<10000x128xf32, #tpu.memory_space<vmem_shared>> -> memref<10000x128xf32, #tpu.memory_space<vmem_shared>>
          tpu.wait_indirect_dma semaphore(%run_scoped3A_222 : memref<!tpu.dma_semaphore, #tpu.memory_space<semaphore_mem>>) src(%arg7 : memref<128x128xf32, #tpu.memory_space<vmem>>) dst(%dma_wait3A_234 : memref<10000x128xf32, #tpu.memory_space<vmem_shared>>)
          tpu.yield
        }) : () -> ()
        %add3A_205 = arith.constant 2 : i32
        %add3A_206 = arith.addi %mul3A_157, %add3A_205 : i32
        %lt3A_207 = arith.constant 40 : i32
        %lt3A_208 = arith.cmpi slt, %add3A_206, %lt3A_207 : i32
        %convert_element_type3A_209 = arith.extui %lt3A_208 : i1 to i32
        %cond3A_210 = arith.constant 0 : i32
        %cond3A_211 = arith.cmpi ne, %convert_element_type3A_209, %cond3A_210 : i32
        scf.if %cond3A_211 {
          %add3A_222 = arith.constant 2 : i32
          %add3A_223 = arith.addi %mul3A_157, %add3A_222 : i32
          %dma_start3A_224 = arith.constant 0 : i32
          %dma_start3A_225 = arith.constant 0 : i32
          %dma_start3A_226 = arith.constant 0 : i32
          %dma_start3A_227 = tpu.memref_slice %arg7[%dma_start3A_225, %dma_start3A_226] : memref<128x128xf32, #tpu.memory_space<vmem>> -> memref<32x128xf32, #tpu.memory_space<vmem>>
          %dma_start3A_228 = arith.constant 0 : i32
          %dma_start3A_229 = tpu.memref_slice %arg6[%add3A_223, %dma_start3A_224, %dma_start3A_228] : memref<40x2x128xi32, #tpu.memory_space<vmem>> -> memref<1x1x32xi32, #tpu.memory_space<vmem>>
          %dma_start3A_230 = tpu.memref_squeeze %dma_start3A_229 : memref<1x1x32xi32, #tpu.memory_space<vmem>> -> memref<32xi32, #tpu.memory_space<vmem>>
          %dma_start3A_231 = arith.constant 0 : i32
          %dma_start3A_232 = arith.constant 0 : i32
          %dma_start3A_233 = tpu.memref_slice %arg2[%dma_start3A_231, %dma_start3A_232] : memref<10000x128xf32, #tpu.memory_space<hbm>> -> memref<10000x128xf32, #tpu.memory_space<hbm>>
          tpu.enqueue_indirect_dma source(%dma_start3A_233 : memref<10000x128xf32, #tpu.memory_space<hbm>>) target(%dma_start3A_227 : memref<32x128xf32, #tpu.memory_space<vmem>>) offsets(%dma_start3A_230 : memref<32xi32, #tpu.memory_space<vmem>>) semaphore(%arg9 : memref<!tpu.dma_semaphore, #tpu.memory_space<semaphore_mem>>)
          %dma_start3A_234 = arith.constant 0 : i32
          %dma_start3A_235 = arith.constant 32 : i32
          %dma_start3A_236 = arith.constant 0 : i32
          %dma_start3A_237 = tpu.memref_slice %arg7[%dma_start3A_235, %dma_start3A_236] : memref<128x128xf32, #tpu.memory_space<vmem>> -> memref<32x128xf32, #tpu.memory_space<vmem>>
          %dma_start3A_238 = arith.constant 32 : i32
          %dma_start3A_239 = tpu.memref_slice %arg6[%add3A_223, %dma_start3A_234, %dma_start3A_238] : memref<40x2x128xi32, #tpu.memory_space<vmem>> -> memref<1x1x32xi32, #tpu.memory_space<vmem>>
          %dma_start3A_240 = tpu.memref_squeeze %dma_start3A_239 : memref<1x1x32xi32, #tpu.memory_space<vmem>> -> memref<32xi32, #tpu.memory_space<vmem>>
          %dma_start3A_241 = arith.constant 0 : i32
          %dma_start3A_242 = arith.constant 0 : i32
          %dma_start3A_243 = tpu.memref_slice %arg2[%dma_start3A_241, %dma_start3A_242] : memref<10000x128xf32, #tpu.memory_space<hbm>> -> memref<10000x128xf32, #tpu.memory_space<hbm>>
          tpu.enqueue_indirect_dma source(%dma_start3A_243 : memref<10000x128xf32, #tpu.memory_space<hbm>>) target(%dma_start3A_237 : memref<32x128xf32, #tpu.memory_space<vmem>>) offsets(%dma_start3A_240 : memref<32xi32, #tpu.memory_space<vmem>>) semaphore(%arg9 : memref<!tpu.dma_semaphore, #tpu.memory_space<semaphore_mem>>)
          %dma_start3A_244 = arith.constant 0 : i32
          %dma_start3A_245 = arith.constant 64 : i32
          %dma_start3A_246 = arith.constant 0 : i32
          %dma_start3A_247 = tpu.memref_slice %arg7[%dma_start3A_245, %dma_start3A_246] : memref<128x128xf32, #tpu.memory_space<vmem>> -> memref<32x128xf32, #tpu.memory_space<vmem>>
          %dma_start3A_248 = arith.constant 64 : i32
          %dma_start3A_249 = tpu.memref_slice %arg6[%add3A_223, %dma_start3A_244, %dma_start3A_248] : memref<40x2x128xi32, #tpu.memory_space<vmem>> -> memref<1x1x32xi32, #tpu.memory_space<vmem>>
          %dma_start3A_250 = tpu.memref_squeeze %dma_start3A_249 : memref<1x1x32xi32, #tpu.memory_space<vmem>> -> memref<32xi32, #tpu.memory_space<vmem>>
          %dma_start3A_251 = arith.constant 0 : i32
          %dma_start3A_252 = arith.constant 0 : i32
          %dma_start3A_253 = tpu.memref_slice %arg2[%dma_start3A_251, %dma_start3A_252] : memref<10000x128xf32, #tpu.memory_space<hbm>> -> memref<10000x128xf32, #tpu.memory_space<hbm>>
          tpu.enqueue_indirect_dma source(%dma_start3A_253 : memref<10000x128xf32, #tpu.memory_space<hbm>>) target(%dma_start3A_247 : memref<32x128xf32, #tpu.memory_space<vmem>>) offsets(%dma_start3A_250 : memref<32xi32, #tpu.memory_space<vmem>>) semaphore(%arg9 : memref<!tpu.dma_semaphore, #tpu.memory_space<semaphore_mem>>)
          %dma_start3A_254 = arith.constant 0 : i32
          %dma_start3A_255 = arith.constant 96 : i32
          %dma_start3A_256 = arith.constant 0 : i32
          %dma_start3A_257 = tpu.memref_slice %arg7[%dma_start3A_255, %dma_start3A_256] : memref<128x128xf32, #tpu.memory_space<vmem>> -> memref<32x128xf32, #tpu.memory_space<vmem>>
          %dma_start3A_258 = arith.constant 96 : i32
          %dma_start3A_259 = tpu.memref_slice %arg6[%add3A_223, %dma_start3A_254, %dma_start3A_258] : memref<40x2x128xi32, #tpu.memory_space<vmem>> -> memref<1x1x32xi32, #tpu.memory_space<vmem>>
          %dma_start3A_260 = tpu.memref_squeeze %dma_start3A_259 : memref<1x1x32xi32, #tpu.memory_space<vmem>> -> memref<32xi32, #tpu.memory_space<vmem>>
          %dma_start3A_261 = arith.constant 0 : i32
          %dma_start3A_262 = arith.constant 0 : i32
          %dma_start3A_263 = tpu.memref_slice %arg2[%dma_start3A_261, %dma_start3A_262] : memref<10000x128xf32, #tpu.memory_space<hbm>> -> memref<10000x128xf32, #tpu.memory_space<hbm>>
          tpu.enqueue_indirect_dma source(%dma_start3A_263 : memref<10000x128xf32, #tpu.memory_space<hbm>>) target(%dma_start3A_257 : memref<32x128xf32, #tpu.memory_space<vmem>>) offsets(%dma_start3A_260 : memref<32xi32, #tpu.memory_space<vmem>>) semaphore(%arg9 : memref<!tpu.dma_semaphore, #tpu.memory_space<semaphore_mem>>)
        } else {
        }
        %dma_wait3A_212 = arith.constant 0 : i32
        %dma_wait3A_213 = arith.constant 0 : i32
        %dma_wait3A_214 = tpu.memref_slice %arg2[%dma_wait3A_212, %dma_wait3A_213] : memref<10000x128xf32, #tpu.memory_space<hbm>> -> memref<128x128xf32, #tpu.memory_space<hbm>>
        %dma_wait3A_215 = arith.constant 0 : i32
        %dma_wait3A_216 = arith.constant 0 : i32
        %dma_wait3A_217 = tpu.memref_slice %arg2[%dma_wait3A_215, %dma_wait3A_216] : memref<10000x128xf32, #tpu.memory_space<hbm>> -> memref<128x128xf32, #tpu.memory_space<hbm>>
        tpu.wait_dma2 semaphore(%arg10 : memref<!tpu.dma_semaphore, #tpu.memory_space<semaphore_mem>>) src(%dma_wait3A_217 : memref<128x128xf32, #tpu.memory_space<hbm>>) dst(%arg8 : memref<128x128xf32, #tpu.memory_space<vmem>>)
        %add3A_218 = arith.constant 1 : i32
        %add3A_219 = arith.addi %mul3A_157, %add3A_218 : i32
        %run_scoped3A_220 = arith.constant 1 : i32
        "tpu.region"() ({
          %run_scoped3A_222 = tpu.sem_alloc : memref<!tpu.dma_semaphore, #tpu.memory_space<semaphore_mem>>
          %dma_start3A_223 = arith.constant 0 : i32
          %dma_start3A_224 = tpu.memref_slice %arg6[%add3A_219, %run_scoped3A_220, %dma_start3A_223] : memref<40x2x128xi32, #tpu.memory_space<vmem>> -> memref<1x1x128xi32, #tpu.memory_space<vmem>>
          %dma_start3A_225 = tpu.memref_squeeze %dma_start3A_224 : memref<1x1x128xi32, #tpu.memory_space<vmem>> -> memref<128xi32, #tpu.memory_space<vmem>>
          %dma_start3A_226 = arith.constant 0 : i32
          %dma_start3A_227 = arith.constant 0 : i32
          %dma_start3A_228 = tpu.memref_slice %arg5[%dma_start3A_226, %dma_start3A_227] : memref<10000x128xf32, #tpu.memory_space<vmem_shared>> -> memref<10000x128xf32, #tpu.memory_space<vmem_shared>>
          tpu.enqueue_indirect_dma source(%arg8 : memref<128x128xf32, #tpu.memory_space<vmem>>) target(%dma_start3A_228 : memref<10000x128xf32, #tpu.memory_space<vmem_shared>>) offsets(%dma_start3A_225 : memref<128xi32, #tpu.memory_space<vmem>>) semaphore(%run_scoped3A_222 : memref<!tpu.dma_semaphore, #tpu.memory_space<semaphore_mem>>) {add = true}
          %dma_wait3A_229 = arith.constant 0 : i32
          %dma_wait3A_230 = tpu.memref_slice %arg6[%add3A_219, %run_scoped3A_220, %dma_wait3A_229] : memref<40x2x128xi32, #tpu.memory_space<vmem>> -> memref<1x1x128xi32, #tpu.memory_space<vmem>>
          %dma_wait3A_231 = tpu.memref_squeeze %dma_wait3A_230 : memref<1x1x128xi32, #tpu.memory_space<vmem>> -> memref<128xi32, #tpu.memory_space<vmem>>
          %dma_wait3A_232 = arith.constant 0 : i32
          %dma_wait3A_233 = arith.constant 0 : i32
          %dma_wait3A_234 = tpu.memref_slice %arg5[%dma_wait3A_232, %dma_wait3A_233] : memref<10000x128xf32, #tpu.memory_space<vmem_shared>> -> memref<10000x128xf32, #tpu.memory_space<vmem_shared>>
          tpu.wait_indirect_dma semaphore(%run_scoped3A_222 : memref<!tpu.dma_semaphore, #tpu.memory_space<semaphore_mem>>) src(%arg8 : memref<128x128xf32, #tpu.memory_space<vmem>>) dst(%dma_wait3A_234 : memref<10000x128xf32, #tpu.memory_space<vmem_shared>>)
          tpu.yield
        }) : () -> ()
        %scan3A_221 = arith.constant 0 : i32
        scf.yield %scan3A_221 : i32
      }
      %scan3A_98 = arith.constant 20 : i32
      %mul3A_99 = arith.constant 80 : i32
      %mul3A_100 = arith.muli %add3A, %mul3A_99 : i32
      %add3A_101 = arith.constant 40 : i32
      %add3A_102 = arith.addi %mul3A_100, %add3A_101 : i32
      "tpu.region"() ({
        %run_scoped3A = tpu.sem_alloc : memref<!tpu.dma_semaphore, #tpu.memory_space<semaphore_mem>>
        %dma_start3A_154 = arith.constant 0 : i32
        %dma_start3A_155 = arith.constant 0 : i32
        %dma_start3A_156 = arith.constant 0 : i32
        %dma_start3A_157 = tpu.memref_slice %arg6[%dma_start3A_154, %dma_start3A_155, %dma_start3A_156] : memref<40x2x128xi32, #tpu.memory_space<vmem>> -> memref<40x2x128xi32, #tpu.memory_space<vmem>>
        %dma_start3A_158 = arith.constant 0 : i32
        %dma_start3A_159 = arith.constant 0 : i32
        %dma_start3A_160 = tpu.memref_slice %arg3[%add3A_102, %dma_start3A_158, %dma_start3A_159] : memref<2500x2x128xi32, #tpu.memory_space<hbm>> -> memref<40x2x128xi32, #tpu.memory_space<hbm>>
        %dma_start3A_161 = arith.constant 0 : i32
        %dma_start3A_162 = arith.constant 0 : i32
        %dma_start3A_163 = arith.constant 0 : i32
        %dma_start3A_164 = tpu.memref_slice %arg6[%dma_start3A_161, %dma_start3A_162, %dma_start3A_163] : memref<40x2x128xi32, #tpu.memory_space<vmem>> -> memref<40x2x128xi32, #tpu.memory_space<vmem>>
        %dma_start3A_165 = arith.constant 0 : i32
        %dma_start3A_166 = arith.constant 0 : i32
        %dma_start3A_167 = tpu.memref_slice %arg3[%add3A_102, %dma_start3A_165, %dma_start3A_166] : memref<2500x2x128xi32, #tpu.memory_space<hbm>> -> memref<40x2x128xi32, #tpu.memory_space<hbm>>
        tpu.enqueue_dma source(%dma_start3A_167 : memref<40x2x128xi32, #tpu.memory_space<hbm>>) target(%dma_start3A_164 : memref<40x2x128xi32, #tpu.memory_space<vmem>>) target_semaphore(%run_scoped3A : memref<!tpu.dma_semaphore, #tpu.memory_space<semaphore_mem>>)
        %dma_wait3A = arith.constant 0 : i32
        %dma_wait3A_168 = arith.constant 0 : i32
        %dma_wait3A_169 = arith.constant 0 : i32
        %dma_wait3A_170 = tpu.memref_slice %arg6[%dma_wait3A, %dma_wait3A_168, %dma_wait3A_169] : memref<40x2x128xi32, #tpu.memory_space<vmem>> -> memref<40x2x128xi32, #tpu.memory_space<vmem>>
        %dma_wait3A_171 = arith.constant 0 : i32
        %dma_wait3A_172 = arith.constant 0 : i32
        %dma_wait3A_173 = tpu.memref_slice %arg3[%add3A_102, %dma_wait3A_171, %dma_wait3A_172] : memref<2500x2x128xi32, #tpu.memory_space<hbm>> -> memref<40x2x128xi32, #tpu.memory_space<hbm>>
        %dma_wait3A_174 = arith.constant 0 : i32
        %dma_wait3A_175 = arith.constant 0 : i32
        %dma_wait3A_176 = arith.constant 0 : i32
        %dma_wait3A_177 = tpu.memref_slice %arg6[%dma_wait3A_174, %dma_wait3A_175, %dma_wait3A_176] : memref<40x2x128xi32, #tpu.memory_space<vmem>> -> memref<40x2x128xi32, #tpu.memory_space<vmem>>
        %dma_wait3A_178 = arith.constant 0 : i32
        %dma_wait3A_179 = arith.constant 0 : i32
        %dma_wait3A_180 = tpu.memref_slice %arg3[%add3A_102, %dma_wait3A_178, %dma_wait3A_179] : memref<2500x2x128xi32, #tpu.memory_space<hbm>> -> memref<40x2x128xi32, #tpu.memory_space<hbm>>
        tpu.wait_dma2 semaphore(%run_scoped3A : memref<!tpu.dma_semaphore, #tpu.memory_space<semaphore_mem>>) src(%dma_wait3A_180 : memref<40x2x128xi32, #tpu.memory_space<hbm>>) dst(%dma_wait3A_177 : memref<40x2x128xi32, #tpu.memory_space<vmem>>)
        tpu.yield
      }) : () -> ()
      %dma_start3A_103 = arith.constant 0 : i32
      %dma_start3A_104 = arith.constant 0 : i32
      %dma_start3A_105 = arith.constant 0 : i32
      %dma_start3A_106 = arith.constant 0 : i32
      %dma_start3A_107 = tpu.memref_slice %arg7[%dma_start3A_105, %dma_start3A_106] : memref<128x128xf32, #tpu.memory_space<vmem>> -> memref<32x128xf32, #tpu.memory_space<vmem>>
      %dma_start3A_108 = arith.constant 0 : i32
      %dma_start3A_109 = tpu.memref_slice %arg6[%dma_start3A_103, %dma_start3A_104, %dma_start3A_108] : memref<40x2x128xi32, #tpu.memory_space<vmem>> -> memref<1x1x32xi32, #tpu.memory_space<vmem>>
      %dma_start3A_110 = tpu.memref_squeeze %dma_start3A_109 : memref<1x1x32xi32, #tpu.memory_space<vmem>> -> memref<32xi32, #tpu.memory_space<vmem>>
      %dma_start3A_111 = arith.constant 0 : i32
      %dma_start3A_112 = arith.constant 0 : i32
      %dma_start3A_113 = tpu.memref_slice %arg2[%dma_start3A_111, %dma_start3A_112] : memref<10000x128xf32, #tpu.memory_space<hbm>> -> memref<10000x128xf32, #tpu.memory_space<hbm>>
      tpu.enqueue_indirect_dma source(%dma_start3A_113 : memref<10000x128xf32, #tpu.memory_space<hbm>>) target(%dma_start3A_107 : memref<32x128xf32, #tpu.memory_space<vmem>>) offsets(%dma_start3A_110 : memref<32xi32, #tpu.memory_space<vmem>>) semaphore(%arg9 : memref<!tpu.dma_semaphore, #tpu.memory_space<semaphore_mem>>)
      %dma_start3A_114 = arith.constant 0 : i32
      %dma_start3A_115 = arith.constant 0 : i32
      %dma_start3A_116 = arith.constant 32 : i32
      %dma_start3A_117 = arith.constant 0 : i32
      %dma_start3A_118 = tpu.memref_slice %arg7[%dma_start3A_116, %dma_start3A_117] : memref<128x128xf32, #tpu.memory_space<vmem>> -> memref<32x128xf32, #tpu.memory_space<vmem>>
      %dma_start3A_119 = arith.constant 32 : i32
      %dma_start3A_120 = tpu.memref_slice %arg6[%dma_start3A_114, %dma_start3A_115, %dma_start3A_119] : memref<40x2x128xi32, #tpu.memory_space<vmem>> -> memref<1x1x32xi32, #tpu.memory_space<vmem>>
      %dma_start3A_121 = tpu.memref_squeeze %dma_start3A_120 : memref<1x1x32xi32, #tpu.memory_space<vmem>> -> memref<32xi32, #tpu.memory_space<vmem>>
      %dma_start3A_122 = arith.constant 0 : i32
      %dma_start3A_123 = arith.constant 0 : i32
      %dma_start3A_124 = tpu.memref_slice %arg2[%dma_start3A_122, %dma_start3A_123] : memref<10000x128xf32, #tpu.memory_space<hbm>> -> memref<10000x128xf32, #tpu.memory_space<hbm>>
      tpu.enqueue_indirect_dma source(%dma_start3A_124 : memref<10000x128xf32, #tpu.memory_space<hbm>>) target(%dma_start3A_118 : memref<32x128xf32, #tpu.memory_space<vmem>>) offsets(%dma_start3A_121 : memref<32xi32, #tpu.memory_space<vmem>>) semaphore(%arg9 : memref<!tpu.dma_semaphore, #tpu.memory_space<semaphore_mem>>)
      %dma_start3A_125 = arith.constant 0 : i32
      %dma_start3A_126 = arith.constant 0 : i32
      %dma_start3A_127 = arith.constant 64 : i32
      %dma_start3A_128 = arith.constant 0 : i32
      %dma_start3A_129 = tpu.memref_slice %arg7[%dma_start3A_127, %dma_start3A_128] : memref<128x128xf32, #tpu.memory_space<vmem>> -> memref<32x128xf32, #tpu.memory_space<vmem>>
      %dma_start3A_130 = arith.constant 64 : i32
      %dma_start3A_131 = tpu.memref_slice %arg6[%dma_start3A_125, %dma_start3A_126, %dma_start3A_130] : memref<40x2x128xi32, #tpu.memory_space<vmem>> -> memref<1x1x32xi32, #tpu.memory_space<vmem>>
      %dma_start3A_132 = tpu.memref_squeeze %dma_start3A_131 : memref<1x1x32xi32, #tpu.memory_space<vmem>> -> memref<32xi32, #tpu.memory_space<vmem>>
      %dma_start3A_133 = arith.constant 0 : i32
      %dma_start3A_134 = arith.constant 0 : i32
      %dma_start3A_135 = tpu.memref_slice %arg2[%dma_start3A_133, %dma_start3A_134] : memref<10000x128xf32, #tpu.memory_space<hbm>> -> memref<10000x128xf32, #tpu.memory_space<hbm>>
      tpu.enqueue_indirect_dma source(%dma_start3A_135 : memref<10000x128xf32, #tpu.memory_space<hbm>>) target(%dma_start3A_129 : memref<32x128xf32, #tpu.memory_space<vmem>>) offsets(%dma_start3A_132 : memref<32xi32, #tpu.memory_space<vmem>>) semaphore(%arg9 : memref<!tpu.dma_semaphore, #tpu.memory_space<semaphore_mem>>)
      %dma_start3A_136 = arith.constant 0 : i32
      %dma_start3A_137 = arith.constant 0 : i32
      %dma_start3A_138 = arith.constant 96 : i32
      %dma_start3A_139 = arith.constant 0 : i32
      %dma_start3A_140 = tpu.memref_slice %arg7[%dma_start3A_138, %dma_start3A_139] : memref<128x128xf32, #tpu.memory_space<vmem>> -> memref<32x128xf32, #tpu.memory_space<vmem>>
      %dma_start3A_141 = arith.constant 96 : i32
      %dma_start3A_142 = tpu.memref_slice %arg6[%dma_start3A_136, %dma_start3A_137, %dma_start3A_141] : memref<40x2x128xi32, #tpu.memory_space<vmem>> -> memref<1x1x32xi32, #tpu.memory_space<vmem>>
      %dma_start3A_143 = tpu.memref_squeeze %dma_start3A_142 : memref<1x1x32xi32, #tpu.memory_space<vmem>> -> memref<32xi32, #tpu.memory_space<vmem>>
      %dma_start3A_144 = arith.constant 0 : i32
      %dma_start3A_145 = arith.constant 0 : i32
      %dma_start3A_146 = tpu.memref_slice %arg2[%dma_start3A_144, %dma_start3A_145] : memref<10000x128xf32, #tpu.memory_space<hbm>> -> memref<10000x128xf32, #tpu.memory_space<hbm>>
      tpu.enqueue_indirect_dma source(%dma_start3A_146 : memref<10000x128xf32, #tpu.memory_space<hbm>>) target(%dma_start3A_140 : memref<32x128xf32, #tpu.memory_space<vmem>>) offsets(%dma_start3A_143 : memref<32xi32, #tpu.memory_space<vmem>>) semaphore(%arg9 : memref<!tpu.dma_semaphore, #tpu.memory_space<semaphore_mem>>)
      %scan3A_147 = arith.constant 0 : i32
      %scan3A_148 = arith.constant 0 : i32
      %scan3A_149 = arith.constant 20 : i32
      %scan3A_150 = arith.addi %scan3A_148, %scan3A_149 : i32
      %scan3A_151 = arith.constant 1 : i32
      %scan3A_152 = scf.for %scan3A_154 = %scan3A_148 to %scan3A_150 step %scan3A_151 iter_args(%scan3A_155 = %scan3A_147) -> (i32)  : i32 {
        %mul3A_156 = arith.constant 2 : i32
        %mul3A_157 = arith.muli %mul3A_156, %scan3A_154 : i32
        %add3A_158 = arith.constant 1 : i32
        %add3A_159 = arith.addi %mul3A_157, %add3A_158 : i32
        %dma_start3A_160 = arith.constant 0 : i32
        %dma_start3A_161 = arith.constant 0 : i32
        %dma_start3A_162 = arith.constant 0 : i32
        %dma_start3A_163 = tpu.memref_slice %arg8[%dma_start3A_161, %dma_start3A_162] : memref<128x128xf32, #tpu.memory_space<vmem>> -> memref<32x128xf32, #tpu.memory_space<vmem>>
        %dma_start3A_164 = arith.constant 0 : i32
        %dma_start3A_165 = tpu.memref_slice %arg6[%add3A_159, %dma_start3A_160, %dma_start3A_164] : memref<40x2x128xi32, #tpu.memory_space<vmem>> -> memref<1x1x32xi32, #tpu.memory_space<vmem>>
        %dma_start3A_166 = tpu.memref_squeeze %dma_start3A_165 : memref<1x1x32xi32, #tpu.memory_space<vmem>> -> memref<32xi32, #tpu.memory_space<vmem>>
        %dma_start3A_167 = arith.constant 0 : i32
        %dma_start3A_168 = arith.constant 0 : i32
        %dma_start3A_169 = tpu.memref_slice %arg2[%dma_start3A_167, %dma_start3A_168] : memref<10000x128xf32, #tpu.memory_space<hbm>> -> memref<10000x128xf32, #tpu.memory_space<hbm>>
        tpu.enqueue_indirect_dma source(%dma_start3A_169 : memref<10000x128xf32, #tpu.memory_space<hbm>>) target(%dma_start3A_163 : memref<32x128xf32, #tpu.memory_space<vmem>>) offsets(%dma_start3A_166 : memref<32xi32, #tpu.memory_space<vmem>>) semaphore(%arg10 : memref<!tpu.dma_semaphore, #tpu.memory_space<semaphore_mem>>)
        %dma_start3A_170 = arith.constant 0 : i32
        %dma_start3A_171 = arith.constant 32 : i32
        %dma_start3A_172 = arith.constant 0 : i32
        %dma_start3A_173 = tpu.memref_slice %arg8[%dma_start3A_171, %dma_start3A_172] : memref<128x128xf32, #tpu.memory_space<vmem>> -> memref<32x128xf32, #tpu.memory_space<vmem>>
        %dma_start3A_174 = arith.constant 32 : i32
        %dma_start3A_175 = tpu.memref_slice %arg6[%add3A_159, %dma_start3A_170, %dma_start3A_174] : memref<40x2x128xi32, #tpu.memory_space<vmem>> -> memref<1x1x32xi32, #tpu.memory_space<vmem>>
        %dma_start3A_176 = tpu.memref_squeeze %dma_start3A_175 : memref<1x1x32xi32, #tpu.memory_space<vmem>> -> memref<32xi32, #tpu.memory_space<vmem>>
        %dma_start3A_177 = arith.constant 0 : i32
        %dma_start3A_178 = arith.constant 0 : i32
        %dma_start3A_179 = tpu.memref_slice %arg2[%dma_start3A_177, %dma_start3A_178] : memref<10000x128xf32, #tpu.memory_space<hbm>> -> memref<10000x128xf32, #tpu.memory_space<hbm>>
        tpu.enqueue_indirect_dma source(%dma_start3A_179 : memref<10000x128xf32, #tpu.memory_space<hbm>>) target(%dma_start3A_173 : memref<32x128xf32, #tpu.memory_space<vmem>>) offsets(%dma_start3A_176 : memref<32xi32, #tpu.memory_space<vmem>>) semaphore(%arg10 : memref<!tpu.dma_semaphore, #tpu.memory_space<semaphore_mem>>)
        %dma_start3A_180 = arith.constant 0 : i32
        %dma_start3A_181 = arith.constant 64 : i32
        %dma_start3A_182 = arith.constant 0 : i32
        %dma_start3A_183 = tpu.memref_slice %arg8[%dma_start3A_181, %dma_start3A_182] : memref<128x128xf32, #tpu.memory_space<vmem>> -> memref<32x128xf32, #tpu.memory_space<vmem>>
        %dma_start3A_184 = arith.constant 64 : i32
        %dma_start3A_185 = tpu.memref_slice %arg6[%add3A_159, %dma_start3A_180, %dma_start3A_184] : memref<40x2x128xi32, #tpu.memory_space<vmem>> -> memref<1x1x32xi32, #tpu.memory_space<vmem>>
        %dma_start3A_186 = tpu.memref_squeeze %dma_start3A_185 : memref<1x1x32xi32, #tpu.memory_space<vmem>> -> memref<32xi32, #tpu.memory_space<vmem>>
        %dma_start3A_187 = arith.constant 0 : i32
        %dma_start3A_188 = arith.constant 0 : i32
        %dma_start3A_189 = tpu.memref_slice %arg2[%dma_start3A_187, %dma_start3A_188] : memref<10000x128xf32, #tpu.memory_space<hbm>> -> memref<10000x128xf32, #tpu.memory_space<hbm>>
        tpu.enqueue_indirect_dma source(%dma_start3A_189 : memref<10000x128xf32, #tpu.memory_space<hbm>>) target(%dma_start3A_183 : memref<32x128xf32, #tpu.memory_space<vmem>>) offsets(%dma_start3A_186 : memref<32xi32, #tpu.memory_space<vmem>>) semaphore(%arg10 : memref<!tpu.dma_semaphore, #tpu.memory_space<semaphore_mem>>)
        %dma_start3A_190 = arith.constant 0 : i32
        %dma_start3A_191 = arith.constant 96 : i32
        %dma_start3A_192 = arith.constant 0 : i32
        %dma_start3A_193 = tpu.memref_slice %arg8[%dma_start3A_191, %dma_start3A_192] : memref<128x128xf32, #tpu.memory_space<vmem>> -> memref<32x128xf32, #tpu.memory_space<vmem>>
        %dma_start3A_194 = arith.constant 96 : i32
        %dma_start3A_195 = tpu.memref_slice %arg6[%add3A_159, %dma_start3A_190, %dma_start3A_194] : memref<40x2x128xi32, #tpu.memory_space<vmem>> -> memref<1x1x32xi32, #tpu.memory_space<vmem>>
        %dma_start3A_196 = tpu.memref_squeeze %dma_start3A_195 : memref<1x1x32xi32, #tpu.memory_space<vmem>> -> memref<32xi32, #tpu.memory_space<vmem>>
        %dma_start3A_197 = arith.constant 0 : i32
        %dma_start3A_198 = arith.constant 0 : i32
        %dma_start3A_199 = tpu.memref_slice %arg2[%dma_start3A_197, %dma_start3A_198] : memref<10000x128xf32, #tpu.memory_space<hbm>> -> memref<10000x128xf32, #tpu.memory_space<hbm>>
        tpu.enqueue_indirect_dma source(%dma_start3A_199 : memref<10000x128xf32, #tpu.memory_space<hbm>>) target(%dma_start3A_193 : memref<32x128xf32, #tpu.memory_space<vmem>>) offsets(%dma_start3A_196 : memref<32xi32, #tpu.memory_space<vmem>>) semaphore(%arg10 : memref<!tpu.dma_semaphore, #tpu.memory_space<semaphore_mem>>)
        %dma_wait3A = arith.constant 0 : i32
        %dma_wait3A_200 = arith.constant 0 : i32
        %dma_wait3A_201 = tpu.memref_slice %arg2[%dma_wait3A, %dma_wait3A_200] : memref<10000x128xf32, #tpu.memory_space<hbm>> -> memref<128x128xf32, #tpu.memory_space<hbm>>
        %dma_wait3A_202 = arith.constant 0 : i32
        %dma_wait3A_203 = arith.constant 0 : i32
        %dma_wait3A_204 = tpu.memref_slice %arg2[%dma_wait3A_202, %dma_wait3A_203] : memref<10000x128xf32, #tpu.memory_space<hbm>> -> memref<128x128xf32, #tpu.memory_space<hbm>>
        tpu.wait_dma2 semaphore(%arg9 : memref<!tpu.dma_semaphore, #tpu.memory_space<semaphore_mem>>) src(%dma_wait3A_204 : memref<128x128xf32, #tpu.memory_space<hbm>>) dst(%arg7 : memref<128x128xf32, #tpu.memory_space<vmem>>)
        %run_scoped3A = arith.constant 1 : i32
        "tpu.region"() ({
          %run_scoped3A_222 = tpu.sem_alloc : memref<!tpu.dma_semaphore, #tpu.memory_space<semaphore_mem>>
          %dma_start3A_223 = arith.constant 0 : i32
          %dma_start3A_224 = tpu.memref_slice %arg6[%mul3A_157, %run_scoped3A, %dma_start3A_223] : memref<40x2x128xi32, #tpu.memory_space<vmem>> -> memref<1x1x128xi32, #tpu.memory_space<vmem>>
          %dma_start3A_225 = tpu.memref_squeeze %dma_start3A_224 : memref<1x1x128xi32, #tpu.memory_space<vmem>> -> memref<128xi32, #tpu.memory_space<vmem>>
          %dma_start3A_226 = arith.constant 0 : i32
          %dma_start3A_227 = arith.constant 0 : i32
          %dma_start3A_228 = tpu.memref_slice %arg5[%dma_start3A_226, %dma_start3A_227] : memref<10000x128xf32, #tpu.memory_space<vmem_shared>> -> memref<10000x128xf32, #tpu.memory_space<vmem_shared>>
          tpu.enqueue_indirect_dma source(%arg7 : memref<128x128xf32, #tpu.memory_space<vmem>>) target(%dma_start3A_228 : memref<10000x128xf32, #tpu.memory_space<vmem_shared>>) offsets(%dma_start3A_225 : memref<128xi32, #tpu.memory_space<vmem>>) semaphore(%run_scoped3A_222 : memref<!tpu.dma_semaphore, #tpu.memory_space<semaphore_mem>>) {add = true}
          %dma_wait3A_229 = arith.constant 0 : i32
          %dma_wait3A_230 = tpu.memref_slice %arg6[%mul3A_157, %run_scoped3A, %dma_wait3A_229] : memref<40x2x128xi32, #tpu.memory_space<vmem>> -> memref<1x1x128xi32, #tpu.memory_space<vmem>>
          %dma_wait3A_231 = tpu.memref_squeeze %dma_wait3A_230 : memref<1x1x128xi32, #tpu.memory_space<vmem>> -> memref<128xi32, #tpu.memory_space<vmem>>
          %dma_wait3A_232 = arith.constant 0 : i32
          %dma_wait3A_233 = arith.constant 0 : i32
          %dma_wait3A_234 = tpu.memref_slice %arg5[%dma_wait3A_232, %dma_wait3A_233] : memref<10000x128xf32, #tpu.memory_space<vmem_shared>> -> memref<10000x128xf32, #tpu.memory_space<vmem_shared>>
          tpu.wait_indirect_dma semaphore(%run_scoped3A_222 : memref<!tpu.dma_semaphore, #tpu.memory_space<semaphore_mem>>) src(%arg7 : memref<128x128xf32, #tpu.memory_space<vmem>>) dst(%dma_wait3A_234 : memref<10000x128xf32, #tpu.memory_space<vmem_shared>>)
          tpu.yield
        }) : () -> ()
        %add3A_205 = arith.constant 2 : i32
        %add3A_206 = arith.addi %mul3A_157, %add3A_205 : i32
        %lt3A_207 = arith.constant 40 : i32
        %lt3A_208 = arith.cmpi slt, %add3A_206, %lt3A_207 : i32
        %convert_element_type3A_209 = arith.extui %lt3A_208 : i1 to i32
        %cond3A_210 = arith.constant 0 : i32
        %cond3A_211 = arith.cmpi ne, %convert_element_type3A_209, %cond3A_210 : i32
        scf.if %cond3A_211 {
          %add3A_222 = arith.constant 2 : i32
          %add3A_223 = arith.addi %mul3A_157, %add3A_222 : i32
          %dma_start3A_224 = arith.constant 0 : i32
          %dma_start3A_225 = arith.constant 0 : i32
          %dma_start3A_226 = arith.constant 0 : i32
          %dma_start3A_227 = tpu.memref_slice %arg7[%dma_start3A_225, %dma_start3A_226] : memref<128x128xf32, #tpu.memory_space<vmem>> -> memref<32x128xf32, #tpu.memory_space<vmem>>
          %dma_start3A_228 = arith.constant 0 : i32
          %dma_start3A_229 = tpu.memref_slice %arg6[%add3A_223, %dma_start3A_224, %dma_start3A_228] : memref<40x2x128xi32, #tpu.memory_space<vmem>> -> memref<1x1x32xi32, #tpu.memory_space<vmem>>
          %dma_start3A_230 = tpu.memref_squeeze %dma_start3A_229 : memref<1x1x32xi32, #tpu.memory_space<vmem>> -> memref<32xi32, #tpu.memory_space<vmem>>
          %dma_start3A_231 = arith.constant 0 : i32
          %dma_start3A_232 = arith.constant 0 : i32
          %dma_start3A_233 = tpu.memref_slice %arg2[%dma_start3A_231, %dma_start3A_232] : memref<10000x128xf32, #tpu.memory_space<hbm>> -> memref<10000x128xf32, #tpu.memory_space<hbm>>
          tpu.enqueue_indirect_dma source(%dma_start3A_233 : memref<10000x128xf32, #tpu.memory_space<hbm>>) target(%dma_start3A_227 : memref<32x128xf32, #tpu.memory_space<vmem>>) offsets(%dma_start3A_230 : memref<32xi32, #tpu.memory_space<vmem>>) semaphore(%arg9 : memref<!tpu.dma_semaphore, #tpu.memory_space<semaphore_mem>>)
          %dma_start3A_234 = arith.constant 0 : i32
          %dma_start3A_235 = arith.constant 32 : i32
          %dma_start3A_236 = arith.constant 0 : i32
          %dma_start3A_237 = tpu.memref_slice %arg7[%dma_start3A_235, %dma_start3A_236] : memref<128x128xf32, #tpu.memory_space<vmem>> -> memref<32x128xf32, #tpu.memory_space<vmem>>
          %dma_start3A_238 = arith.constant 32 : i32
          %dma_start3A_239 = tpu.memref_slice %arg6[%add3A_223, %dma_start3A_234, %dma_start3A_238] : memref<40x2x128xi32, #tpu.memory_space<vmem>> -> memref<1x1x32xi32, #tpu.memory_space<vmem>>
          %dma_start3A_240 = tpu.memref_squeeze %dma_start3A_239 : memref<1x1x32xi32, #tpu.memory_space<vmem>> -> memref<32xi32, #tpu.memory_space<vmem>>
          %dma_start3A_241 = arith.constant 0 : i32
          %dma_start3A_242 = arith.constant 0 : i32
          %dma_start3A_243 = tpu.memref_slice %arg2[%dma_start3A_241, %dma_start3A_242] : memref<10000x128xf32, #tpu.memory_space<hbm>> -> memref<10000x128xf32, #tpu.memory_space<hbm>>
          tpu.enqueue_indirect_dma source(%dma_start3A_243 : memref<10000x128xf32, #tpu.memory_space<hbm>>) target(%dma_start3A_237 : memref<32x128xf32, #tpu.memory_space<vmem>>) offsets(%dma_start3A_240 : memref<32xi32, #tpu.memory_space<vmem>>) semaphore(%arg9 : memref<!tpu.dma_semaphore, #tpu.memory_space<semaphore_mem>>)
          %dma_start3A_244 = arith.constant 0 : i32
          %dma_start3A_245 = arith.constant 64 : i32
          %dma_start3A_246 = arith.constant 0 : i32
          %dma_start3A_247 = tpu.memref_slice %arg7[%dma_start3A_245, %dma_start3A_246] : memref<128x128xf32, #tpu.memory_space<vmem>> -> memref<32x128xf32, #tpu.memory_space<vmem>>
          %dma_start3A_248 = arith.constant 64 : i32
          %dma_start3A_249 = tpu.memref_slice %arg6[%add3A_223, %dma_start3A_244, %dma_start3A_248] : memref<40x2x128xi32, #tpu.memory_space<vmem>> -> memref<1x1x32xi32, #tpu.memory_space<vmem>>
          %dma_start3A_250 = tpu.memref_squeeze %dma_start3A_249 : memref<1x1x32xi32, #tpu.memory_space<vmem>> -> memref<32xi32, #tpu.memory_space<vmem>>
          %dma_start3A_251 = arith.constant 0 : i32
          %dma_start3A_252 = arith.constant 0 : i32
          %dma_start3A_253 = tpu.memref_slice %arg2[%dma_start3A_251, %dma_start3A_252] : memref<10000x128xf32, #tpu.memory_space<hbm>> -> memref<10000x128xf32, #tpu.memory_space<hbm>>
          tpu.enqueue_indirect_dma source(%dma_start3A_253 : memref<10000x128xf32, #tpu.memory_space<hbm>>) target(%dma_start3A_247 : memref<32x128xf32, #tpu.memory_space<vmem>>) offsets(%dma_start3A_250 : memref<32xi32, #tpu.memory_space<vmem>>) semaphore(%arg9 : memref<!tpu.dma_semaphore, #tpu.memory_space<semaphore_mem>>)
          %dma_start3A_254 = arith.constant 0 : i32
          %dma_start3A_255 = arith.constant 96 : i32
          %dma_start3A_256 = arith.constant 0 : i32
          %dma_start3A_257 = tpu.memref_slice %arg7[%dma_start3A_255, %dma_start3A_256] : memref<128x128xf32, #tpu.memory_space<vmem>> -> memref<32x128xf32, #tpu.memory_space<vmem>>
          %dma_start3A_258 = arith.constant 96 : i32
          %dma_start3A_259 = tpu.memref_slice %arg6[%add3A_223, %dma_start3A_254, %dma_start3A_258] : memref<40x2x128xi32, #tpu.memory_space<vmem>> -> memref<1x1x32xi32, #tpu.memory_space<vmem>>
          %dma_start3A_260 = tpu.memref_squeeze %dma_start3A_259 : memref<1x1x32xi32, #tpu.memory_space<vmem>> -> memref<32xi32, #tpu.memory_space<vmem>>
          %dma_start3A_261 = arith.constant 0 : i32
          %dma_start3A_262 = arith.constant 0 : i32
          %dma_start3A_263 = tpu.memref_slice %arg2[%dma_start3A_261, %dma_start3A_262] : memref<10000x128xf32, #tpu.memory_space<hbm>> -> memref<10000x128xf32, #tpu.memory_space<hbm>>
          tpu.enqueue_indirect_dma source(%dma_start3A_263 : memref<10000x128xf32, #tpu.memory_space<hbm>>) target(%dma_start3A_257 : memref<32x128xf32, #tpu.memory_space<vmem>>) offsets(%dma_start3A_260 : memref<32xi32, #tpu.memory_space<vmem>>) semaphore(%arg9 : memref<!tpu.dma_semaphore, #tpu.memory_space<semaphore_mem>>)
        } else {
        }
        %dma_wait3A_212 = arith.constant 0 : i32
        %dma_wait3A_213 = arith.constant 0 : i32
        %dma_wait3A_214 = tpu.memref_slice %arg2[%dma_wait3A_212, %dma_wait3A_213] : memref<10000x128xf32, #tpu.memory_space<hbm>> -> memref<128x128xf32, #tpu.memory_space<hbm>>
        %dma_wait3A_215 = arith.constant 0 : i32
        %dma_wait3A_216 = arith.constant 0 : i32
        %dma_wait3A_217 = tpu.memref_slice %arg2[%dma_wait3A_215, %dma_wait3A_216] : memref<10000x128xf32, #tpu.memory_space<hbm>> -> memref<128x128xf32, #tpu.memory_space<hbm>>
        tpu.wait_dma2 semaphore(%arg10 : memref<!tpu.dma_semaphore, #tpu.memory_space<semaphore_mem>>) src(%dma_wait3A_217 : memref<128x128xf32, #tpu.memory_space<hbm>>) dst(%arg8 : memref<128x128xf32, #tpu.memory_space<vmem>>)
        %add3A_218 = arith.constant 1 : i32
        %add3A_219 = arith.addi %mul3A_157, %add3A_218 : i32
        %run_scoped3A_220 = arith.constant 1 : i32
        "tpu.region"() ({
          %run_scoped3A_222 = tpu.sem_alloc : memref<!tpu.dma_semaphore, #tpu.memory_space<semaphore_mem>>
          %dma_start3A_223 = arith.constant 0 : i32
          %dma_start3A_224 = tpu.memref_slice %arg6[%add3A_219, %run_scoped3A_220, %dma_start3A_223] : memref<40x2x128xi32, #tpu.memory_space<vmem>> -> memref<1x1x128xi32, #tpu.memory_space<vmem>>
          %dma_start3A_225 = tpu.memref_squeeze %dma_start3A_224 : memref<1x1x128xi32, #tpu.memory_space<vmem>> -> memref<128xi32, #tpu.memory_space<vmem>>
          %dma_start3A_226 = arith.constant 0 : i32
          %dma_start3A_227 = arith.constant 0 : i32
          %dma_start3A_228 = tpu.memref_slice %arg5[%dma_start3A_226, %dma_start3A_227] : memref<10000x128xf32, #tpu.memory_space<vmem_shared>> -> memref<10000x128xf32, #tpu.memory_space<vmem_shared>>
          tpu.enqueue_indirect_dma source(%arg8 : memref<128x128xf32, #tpu.memory_space<vmem>>) target(%dma_start3A_228 : memref<10000x128xf32, #tpu.memory_space<vmem_shared>>) offsets(%dma_start3A_225 : memref<128xi32, #tpu.memory_space<vmem>>) semaphore(%run_scoped3A_222 : memref<!tpu.dma_semaphore, #tpu.memory_space<semaphore_mem>>) {add = true}
          %dma_wait3A_229 = arith.constant 0 : i32
          %dma_wait3A_230 = tpu.memref_slice %arg6[%add3A_219, %run_scoped3A_220, %dma_wait3A_229] : memref<40x2x128xi32, #tpu.memory_space<vmem>> -> memref<1x1x128xi32, #tpu.memory_space<vmem>>
          %dma_wait3A_231 = tpu.memref_squeeze %dma_wait3A_230 : memref<1x1x128xi32, #tpu.memory_space<vmem>> -> memref<128xi32, #tpu.memory_space<vmem>>
          %dma_wait3A_232 = arith.constant 0 : i32
          %dma_wait3A_233 = arith.constant 0 : i32
          %dma_wait3A_234 = tpu.memref_slice %arg5[%dma_wait3A_232, %dma_wait3A_233] : memref<10000x128xf32, #tpu.memory_space<vmem_shared>> -> memref<10000x128xf32, #tpu.memory_space<vmem_shared>>
          tpu.wait_indirect_dma semaphore(%run_scoped3A_222 : memref<!tpu.dma_semaphore, #tpu.memory_space<semaphore_mem>>) src(%arg8 : memref<128x128xf32, #tpu.memory_space<vmem>>) dst(%dma_wait3A_234 : memref<10000x128xf32, #tpu.memory_space<vmem_shared>>)
          tpu.yield
        }) : () -> ()
        %scan3A_221 = arith.constant 0 : i32
        scf.yield %scan3A_221 : i32
      }
      %scan3A_153 = arith.constant 20 : i32
    } else {
    }
    %eq3A = arith.constant 31 : i32
    %eq3A_30 = arith.cmpi eq, %add3A, %eq3A : i32
    %convert_element_type3A_31 = arith.extui %eq3A_30 : i1 to i32
    %cond3A_32 = arith.constant 0 : i32
    %cond3A_33 = arith.cmpi ne, %convert_element_type3A_31, %cond3A_32 : i32
    scf.if %cond3A_33 {
      "tpu.region"() ({
        %run_scoped3A = tpu.sem_alloc : memref<!tpu.dma_semaphore, #tpu.memory_space<semaphore_mem>>
        %dma_start3A_95 = arith.constant 0 : i32
        %dma_start3A_96 = arith.constant 0 : i32
        %dma_start3A_97 = arith.constant 0 : i32
        %dma_start3A_98 = tpu.memref_slice %arg6[%dma_start3A_95, %dma_start3A_96, %dma_start3A_97] : memref<40x2x128xi32, #tpu.memory_space<vmem>> -> memref<20x2x128xi32, #tpu.memory_space<vmem>>
        %dma_start3A_99 = arith.constant 2480 : i32
        %dma_start3A_100 = arith.constant 0 : i32
        %dma_start3A_101 = arith.constant 0 : i32
        %dma_start3A_102 = tpu.memref_slice %arg3[%dma_start3A_99, %dma_start3A_100, %dma_start3A_101] : memref<2500x2x128xi32, #tpu.memory_space<hbm>> -> memref<20x2x128xi32, #tpu.memory_space<hbm>>
        %dma_start3A_103 = arith.constant 0 : i32
        %dma_start3A_104 = arith.constant 0 : i32
        %dma_start3A_105 = arith.constant 0 : i32
        %dma_start3A_106 = tpu.memref_slice %arg6[%dma_start3A_103, %dma_start3A_104, %dma_start3A_105] : memref<40x2x128xi32, #tpu.memory_space<vmem>> -> memref<20x2x128xi32, #tpu.memory_space<vmem>>
        %dma_start3A_107 = arith.constant 2480 : i32
        %dma_start3A_108 = arith.constant 0 : i32
        %dma_start3A_109 = arith.constant 0 : i32
        %dma_start3A_110 = tpu.memref_slice %arg3[%dma_start3A_107, %dma_start3A_108, %dma_start3A_109] : memref<2500x2x128xi32, #tpu.memory_space<hbm>> -> memref<20x2x128xi32, #tpu.memory_space<hbm>>
        tpu.enqueue_dma source(%dma_start3A_110 : memref<20x2x128xi32, #tpu.memory_space<hbm>>) target(%dma_start3A_106 : memref<20x2x128xi32, #tpu.memory_space<vmem>>) target_semaphore(%run_scoped3A : memref<!tpu.dma_semaphore, #tpu.memory_space<semaphore_mem>>)
        %dma_wait3A = arith.constant 0 : i32
        %dma_wait3A_111 = arith.constant 0 : i32
        %dma_wait3A_112 = arith.constant 0 : i32
        %dma_wait3A_113 = tpu.memref_slice %arg6[%dma_wait3A, %dma_wait3A_111, %dma_wait3A_112] : memref<40x2x128xi32, #tpu.memory_space<vmem>> -> memref<20x2x128xi32, #tpu.memory_space<vmem>>
        %dma_wait3A_114 = arith.constant 2480 : i32
        %dma_wait3A_115 = arith.constant 0 : i32
        %dma_wait3A_116 = arith.constant 0 : i32
        %dma_wait3A_117 = tpu.memref_slice %arg3[%dma_wait3A_114, %dma_wait3A_115, %dma_wait3A_116] : memref<2500x2x128xi32, #tpu.memory_space<hbm>> -> memref<20x2x128xi32, #tpu.memory_space<hbm>>
        %dma_wait3A_118 = arith.constant 0 : i32
        %dma_wait3A_119 = arith.constant 0 : i32
        %dma_wait3A_120 = arith.constant 0 : i32
        %dma_wait3A_121 = tpu.memref_slice %arg6[%dma_wait3A_118, %dma_wait3A_119, %dma_wait3A_120] : memref<40x2x128xi32, #tpu.memory_space<vmem>> -> memref<20x2x128xi32, #tpu.memory_space<vmem>>
        %dma_wait3A_122 = arith.constant 2480 : i32
        %dma_wait3A_123 = arith.constant 0 : i32
        %dma_wait3A_124 = arith.constant 0 : i32
        %dma_wait3A_125 = tpu.memref_slice %arg3[%dma_wait3A_122, %dma_wait3A_123, %dma_wait3A_124] : memref<2500x2x128xi32, #tpu.memory_space<hbm>> -> memref<20x2x128xi32, #tpu.memory_space<hbm>>
        tpu.wait_dma2 semaphore(%run_scoped3A : memref<!tpu.dma_semaphore, #tpu.memory_space<semaphore_mem>>) src(%dma_wait3A_125 : memref<20x2x128xi32, #tpu.memory_space<hbm>>) dst(%dma_wait3A_121 : memref<20x2x128xi32, #tpu.memory_space<vmem>>)
        tpu.yield
      }) : () -> ()
      %dma_start3A = arith.constant 0 : i32
      %dma_start3A_45 = arith.constant 0 : i32
      %dma_start3A_46 = arith.constant 0 : i32
      %dma_start3A_47 = arith.constant 0 : i32
      %dma_start3A_48 = tpu.memref_slice %arg7[%dma_start3A_46, %dma_start3A_47] : memref<128x128xf32, #tpu.memory_space<vmem>> -> memref<32x128xf32, #tpu.memory_space<vmem>>
      %dma_start3A_49 = arith.constant 0 : i32
      %dma_start3A_50 = tpu.memref_slice %arg6[%dma_start3A, %dma_start3A_45, %dma_start3A_49] : memref<40x2x128xi32, #tpu.memory_space<vmem>> -> memref<1x1x32xi32, #tpu.memory_space<vmem>>
      %dma_start3A_51 = tpu.memref_squeeze %dma_start3A_50 : memref<1x1x32xi32, #tpu.memory_space<vmem>> -> memref<32xi32, #tpu.memory_space<vmem>>
      %dma_start3A_52 = arith.constant 0 : i32
      %dma_start3A_53 = arith.constant 0 : i32
      %dma_start3A_54 = tpu.memref_slice %arg2[%dma_start3A_52, %dma_start3A_53] : memref<10000x128xf32, #tpu.memory_space<hbm>> -> memref<10000x128xf32, #tpu.memory_space<hbm>>
      tpu.enqueue_indirect_dma source(%dma_start3A_54 : memref<10000x128xf32, #tpu.memory_space<hbm>>) target(%dma_start3A_48 : memref<32x128xf32, #tpu.memory_space<vmem>>) offsets(%dma_start3A_51 : memref<32xi32, #tpu.memory_space<vmem>>) semaphore(%arg9 : memref<!tpu.dma_semaphore, #tpu.memory_space<semaphore_mem>>)
      %dma_start3A_55 = arith.constant 0 : i32
      %dma_start3A_56 = arith.constant 0 : i32
      %dma_start3A_57 = arith.constant 32 : i32
      %dma_start3A_58 = arith.constant 0 : i32
      %dma_start3A_59 = tpu.memref_slice %arg7[%dma_start3A_57, %dma_start3A_58] : memref<128x128xf32, #tpu.memory_space<vmem>> -> memref<32x128xf32, #tpu.memory_space<vmem>>
      %dma_start3A_60 = arith.constant 32 : i32
      %dma_start3A_61 = tpu.memref_slice %arg6[%dma_start3A_55, %dma_start3A_56, %dma_start3A_60] : memref<40x2x128xi32, #tpu.memory_space<vmem>> -> memref<1x1x32xi32, #tpu.memory_space<vmem>>
      %dma_start3A_62 = tpu.memref_squeeze %dma_start3A_61 : memref<1x1x32xi32, #tpu.memory_space<vmem>> -> memref<32xi32, #tpu.memory_space<vmem>>
      %dma_start3A_63 = arith.constant 0 : i32
      %dma_start3A_64 = arith.constant 0 : i32
      %dma_start3A_65 = tpu.memref_slice %arg2[%dma_start3A_63, %dma_start3A_64] : memref<10000x128xf32, #tpu.memory_space<hbm>> -> memref<10000x128xf32, #tpu.memory_space<hbm>>
      tpu.enqueue_indirect_dma source(%dma_start3A_65 : memref<10000x128xf32, #tpu.memory_space<hbm>>) target(%dma_start3A_59 : memref<32x128xf32, #tpu.memory_space<vmem>>) offsets(%dma_start3A_62 : memref<32xi32, #tpu.memory_space<vmem>>) semaphore(%arg9 : memref<!tpu.dma_semaphore, #tpu.memory_space<semaphore_mem>>)
      %dma_start3A_66 = arith.constant 0 : i32
      %dma_start3A_67 = arith.constant 0 : i32
      %dma_start3A_68 = arith.constant 64 : i32
      %dma_start3A_69 = arith.constant 0 : i32
      %dma_start3A_70 = tpu.memref_slice %arg7[%dma_start3A_68, %dma_start3A_69] : memref<128x128xf32, #tpu.memory_space<vmem>> -> memref<32x128xf32, #tpu.memory_space<vmem>>
      %dma_start3A_71 = arith.constant 64 : i32
      %dma_start3A_72 = tpu.memref_slice %arg6[%dma_start3A_66, %dma_start3A_67, %dma_start3A_71] : memref<40x2x128xi32, #tpu.memory_space<vmem>> -> memref<1x1x32xi32, #tpu.memory_space<vmem>>
      %dma_start3A_73 = tpu.memref_squeeze %dma_start3A_72 : memref<1x1x32xi32, #tpu.memory_space<vmem>> -> memref<32xi32, #tpu.memory_space<vmem>>
      %dma_start3A_74 = arith.constant 0 : i32
      %dma_start3A_75 = arith.constant 0 : i32
      %dma_start3A_76 = tpu.memref_slice %arg2[%dma_start3A_74, %dma_start3A_75] : memref<10000x128xf32, #tpu.memory_space<hbm>> -> memref<10000x128xf32, #tpu.memory_space<hbm>>
      tpu.enqueue_indirect_dma source(%dma_start3A_76 : memref<10000x128xf32, #tpu.memory_space<hbm>>) target(%dma_start3A_70 : memref<32x128xf32, #tpu.memory_space<vmem>>) offsets(%dma_start3A_73 : memref<32xi32, #tpu.memory_space<vmem>>) semaphore(%arg9 : memref<!tpu.dma_semaphore, #tpu.memory_space<semaphore_mem>>)
      %dma_start3A_77 = arith.constant 0 : i32
      %dma_start3A_78 = arith.constant 0 : i32
      %dma_start3A_79 = arith.constant 96 : i32
      %dma_start3A_80 = arith.constant 0 : i32
      %dma_start3A_81 = tpu.memref_slice %arg7[%dma_start3A_79, %dma_start3A_80] : memref<128x128xf32, #tpu.memory_space<vmem>> -> memref<32x128xf32, #tpu.memory_space<vmem>>
      %dma_start3A_82 = arith.constant 96 : i32
      %dma_start3A_83 = tpu.memref_slice %arg6[%dma_start3A_77, %dma_start3A_78, %dma_start3A_82] : memref<40x2x128xi32, #tpu.memory_space<vmem>> -> memref<1x1x32xi32, #tpu.memory_space<vmem>>
      %dma_start3A_84 = tpu.memref_squeeze %dma_start3A_83 : memref<1x1x32xi32, #tpu.memory_space<vmem>> -> memref<32xi32, #tpu.memory_space<vmem>>
      %dma_start3A_85 = arith.constant 0 : i32
      %dma_start3A_86 = arith.constant 0 : i32
      %dma_start3A_87 = tpu.memref_slice %arg2[%dma_start3A_85, %dma_start3A_86] : memref<10000x128xf32, #tpu.memory_space<hbm>> -> memref<10000x128xf32, #tpu.memory_space<hbm>>
      tpu.enqueue_indirect_dma source(%dma_start3A_87 : memref<10000x128xf32, #tpu.memory_space<hbm>>) target(%dma_start3A_81 : memref<32x128xf32, #tpu.memory_space<vmem>>) offsets(%dma_start3A_84 : memref<32xi32, #tpu.memory_space<vmem>>) semaphore(%arg9 : memref<!tpu.dma_semaphore, #tpu.memory_space<semaphore_mem>>)
      %scan3A_88 = arith.constant 0 : i32
      %scan3A_89 = arith.constant 0 : i32
      %scan3A_90 = arith.constant 10 : i32
      %scan3A_91 = arith.addi %scan3A_89, %scan3A_90 : i32
      %scan3A_92 = arith.constant 1 : i32
      %scan3A_93 = scf.for %scan3A_95 = %scan3A_89 to %scan3A_91 step %scan3A_92 iter_args(%scan3A_96 = %scan3A_88) -> (i32)  : i32 {
        %mul3A_97 = arith.constant 2 : i32
        %mul3A_98 = arith.muli %mul3A_97, %scan3A_95 : i32
        %add3A_99 = arith.constant 1 : i32
        %add3A_100 = arith.addi %mul3A_98, %add3A_99 : i32
        %dma_start3A_101 = arith.constant 0 : i32
        %dma_start3A_102 = arith.constant 0 : i32
        %dma_start3A_103 = arith.constant 0 : i32
        %dma_start3A_104 = tpu.memref_slice %arg8[%dma_start3A_102, %dma_start3A_103] : memref<128x128xf32, #tpu.memory_space<vmem>> -> memref<32x128xf32, #tpu.memory_space<vmem>>
        %dma_start3A_105 = arith.constant 0 : i32
        %dma_start3A_106 = tpu.memref_slice %arg6[%add3A_100, %dma_start3A_101, %dma_start3A_105] : memref<40x2x128xi32, #tpu.memory_space<vmem>> -> memref<1x1x32xi32, #tpu.memory_space<vmem>>
        %dma_start3A_107 = tpu.memref_squeeze %dma_start3A_106 : memref<1x1x32xi32, #tpu.memory_space<vmem>> -> memref<32xi32, #tpu.memory_space<vmem>>
        %dma_start3A_108 = arith.constant 0 : i32
        %dma_start3A_109 = arith.constant 0 : i32
        %dma_start3A_110 = tpu.memref_slice %arg2[%dma_start3A_108, %dma_start3A_109] : memref<10000x128xf32, #tpu.memory_space<hbm>> -> memref<10000x128xf32, #tpu.memory_space<hbm>>
        tpu.enqueue_indirect_dma source(%dma_start3A_110 : memref<10000x128xf32, #tpu.memory_space<hbm>>) target(%dma_start3A_104 : memref<32x128xf32, #tpu.memory_space<vmem>>) offsets(%dma_start3A_107 : memref<32xi32, #tpu.memory_space<vmem>>) semaphore(%arg10 : memref<!tpu.dma_semaphore, #tpu.memory_space<semaphore_mem>>)
        %dma_start3A_111 = arith.constant 0 : i32
        %dma_start3A_112 = arith.constant 32 : i32
        %dma_start3A_113 = arith.constant 0 : i32
        %dma_start3A_114 = tpu.memref_slice %arg8[%dma_start3A_112, %dma_start3A_113] : memref<128x128xf32, #tpu.memory_space<vmem>> -> memref<32x128xf32, #tpu.memory_space<vmem>>
        %dma_start3A_115 = arith.constant 32 : i32
        %dma_start3A_116 = tpu.memref_slice %arg6[%add3A_100, %dma_start3A_111, %dma_start3A_115] : memref<40x2x128xi32, #tpu.memory_space<vmem>> -> memref<1x1x32xi32, #tpu.memory_space<vmem>>
        %dma_start3A_117 = tpu.memref_squeeze %dma_start3A_116 : memref<1x1x32xi32, #tpu.memory_space<vmem>> -> memref<32xi32, #tpu.memory_space<vmem>>
        %dma_start3A_118 = arith.constant 0 : i32
        %dma_start3A_119 = arith.constant 0 : i32
        %dma_start3A_120 = tpu.memref_slice %arg2[%dma_start3A_118, %dma_start3A_119] : memref<10000x128xf32, #tpu.memory_space<hbm>> -> memref<10000x128xf32, #tpu.memory_space<hbm>>
        tpu.enqueue_indirect_dma source(%dma_start3A_120 : memref<10000x128xf32, #tpu.memory_space<hbm>>) target(%dma_start3A_114 : memref<32x128xf32, #tpu.memory_space<vmem>>) offsets(%dma_start3A_117 : memref<32xi32, #tpu.memory_space<vmem>>) semaphore(%arg10 : memref<!tpu.dma_semaphore, #tpu.memory_space<semaphore_mem>>)
        %dma_start3A_121 = arith.constant 0 : i32
        %dma_start3A_122 = arith.constant 64 : i32
        %dma_start3A_123 = arith.constant 0 : i32
        %dma_start3A_124 = tpu.memref_slice %arg8[%dma_start3A_122, %dma_start3A_123] : memref<128x128xf32, #tpu.memory_space<vmem>> -> memref<32x128xf32, #tpu.memory_space<vmem>>
        %dma_start3A_125 = arith.constant 64 : i32
        %dma_start3A_126 = tpu.memref_slice %arg6[%add3A_100, %dma_start3A_121, %dma_start3A_125] : memref<40x2x128xi32, #tpu.memory_space<vmem>> -> memref<1x1x32xi32, #tpu.memory_space<vmem>>
        %dma_start3A_127 = tpu.memref_squeeze %dma_start3A_126 : memref<1x1x32xi32, #tpu.memory_space<vmem>> -> memref<32xi32, #tpu.memory_space<vmem>>
        %dma_start3A_128 = arith.constant 0 : i32
        %dma_start3A_129 = arith.constant 0 : i32
        %dma_start3A_130 = tpu.memref_slice %arg2[%dma_start3A_128, %dma_start3A_129] : memref<10000x128xf32, #tpu.memory_space<hbm>> -> memref<10000x128xf32, #tpu.memory_space<hbm>>
        tpu.enqueue_indirect_dma source(%dma_start3A_130 : memref<10000x128xf32, #tpu.memory_space<hbm>>) target(%dma_start3A_124 : memref<32x128xf32, #tpu.memory_space<vmem>>) offsets(%dma_start3A_127 : memref<32xi32, #tpu.memory_space<vmem>>) semaphore(%arg10 : memref<!tpu.dma_semaphore, #tpu.memory_space<semaphore_mem>>)
        %dma_start3A_131 = arith.constant 0 : i32
        %dma_start3A_132 = arith.constant 96 : i32
        %dma_start3A_133 = arith.constant 0 : i32
        %dma_start3A_134 = tpu.memref_slice %arg8[%dma_start3A_132, %dma_start3A_133] : memref<128x128xf32, #tpu.memory_space<vmem>> -> memref<32x128xf32, #tpu.memory_space<vmem>>
        %dma_start3A_135 = arith.constant 96 : i32
        %dma_start3A_136 = tpu.memref_slice %arg6[%add3A_100, %dma_start3A_131, %dma_start3A_135] : memref<40x2x128xi32, #tpu.memory_space<vmem>> -> memref<1x1x32xi32, #tpu.memory_space<vmem>>
        %dma_start3A_137 = tpu.memref_squeeze %dma_start3A_136 : memref<1x1x32xi32, #tpu.memory_space<vmem>> -> memref<32xi32, #tpu.memory_space<vmem>>
        %dma_start3A_138 = arith.constant 0 : i32
        %dma_start3A_139 = arith.constant 0 : i32
        %dma_start3A_140 = tpu.memref_slice %arg2[%dma_start3A_138, %dma_start3A_139] : memref<10000x128xf32, #tpu.memory_space<hbm>> -> memref<10000x128xf32, #tpu.memory_space<hbm>>
        tpu.enqueue_indirect_dma source(%dma_start3A_140 : memref<10000x128xf32, #tpu.memory_space<hbm>>) target(%dma_start3A_134 : memref<32x128xf32, #tpu.memory_space<vmem>>) offsets(%dma_start3A_137 : memref<32xi32, #tpu.memory_space<vmem>>) semaphore(%arg10 : memref<!tpu.dma_semaphore, #tpu.memory_space<semaphore_mem>>)
        %dma_wait3A = arith.constant 0 : i32
        %dma_wait3A_141 = arith.constant 0 : i32
        %dma_wait3A_142 = tpu.memref_slice %arg2[%dma_wait3A, %dma_wait3A_141] : memref<10000x128xf32, #tpu.memory_space<hbm>> -> memref<128x128xf32, #tpu.memory_space<hbm>>
        %dma_wait3A_143 = arith.constant 0 : i32
        %dma_wait3A_144 = arith.constant 0 : i32
        %dma_wait3A_145 = tpu.memref_slice %arg2[%dma_wait3A_143, %dma_wait3A_144] : memref<10000x128xf32, #tpu.memory_space<hbm>> -> memref<128x128xf32, #tpu.memory_space<hbm>>
        tpu.wait_dma2 semaphore(%arg9 : memref<!tpu.dma_semaphore, #tpu.memory_space<semaphore_mem>>) src(%dma_wait3A_145 : memref<128x128xf32, #tpu.memory_space<hbm>>) dst(%arg7 : memref<128x128xf32, #tpu.memory_space<vmem>>)
        %run_scoped3A = arith.constant 1 : i32
        "tpu.region"() ({
          %run_scoped3A_163 = tpu.sem_alloc : memref<!tpu.dma_semaphore, #tpu.memory_space<semaphore_mem>>
          %dma_start3A_164 = arith.constant 0 : i32
          %dma_start3A_165 = tpu.memref_slice %arg6[%mul3A_98, %run_scoped3A, %dma_start3A_164] : memref<40x2x128xi32, #tpu.memory_space<vmem>> -> memref<1x1x128xi32, #tpu.memory_space<vmem>>
          %dma_start3A_166 = tpu.memref_squeeze %dma_start3A_165 : memref<1x1x128xi32, #tpu.memory_space<vmem>> -> memref<128xi32, #tpu.memory_space<vmem>>
          %dma_start3A_167 = arith.constant 0 : i32
          %dma_start3A_168 = arith.constant 0 : i32
          %dma_start3A_169 = tpu.memref_slice %arg5[%dma_start3A_167, %dma_start3A_168] : memref<10000x128xf32, #tpu.memory_space<vmem_shared>> -> memref<10000x128xf32, #tpu.memory_space<vmem_shared>>
          tpu.enqueue_indirect_dma source(%arg7 : memref<128x128xf32, #tpu.memory_space<vmem>>) target(%dma_start3A_169 : memref<10000x128xf32, #tpu.memory_space<vmem_shared>>) offsets(%dma_start3A_166 : memref<128xi32, #tpu.memory_space<vmem>>) semaphore(%run_scoped3A_163 : memref<!tpu.dma_semaphore, #tpu.memory_space<semaphore_mem>>) {add = true}
          %dma_wait3A_170 = arith.constant 0 : i32
          %dma_wait3A_171 = tpu.memref_slice %arg6[%mul3A_98, %run_scoped3A, %dma_wait3A_170] : memref<40x2x128xi32, #tpu.memory_space<vmem>> -> memref<1x1x128xi32, #tpu.memory_space<vmem>>
          %dma_wait3A_172 = tpu.memref_squeeze %dma_wait3A_171 : memref<1x1x128xi32, #tpu.memory_space<vmem>> -> memref<128xi32, #tpu.memory_space<vmem>>
          %dma_wait3A_173 = arith.constant 0 : i32
          %dma_wait3A_174 = arith.constant 0 : i32
          %dma_wait3A_175 = tpu.memref_slice %arg5[%dma_wait3A_173, %dma_wait3A_174] : memref<10000x128xf32, #tpu.memory_space<vmem_shared>> -> memref<10000x128xf32, #tpu.memory_space<vmem_shared>>
          tpu.wait_indirect_dma semaphore(%run_scoped3A_163 : memref<!tpu.dma_semaphore, #tpu.memory_space<semaphore_mem>>) src(%arg7 : memref<128x128xf32, #tpu.memory_space<vmem>>) dst(%dma_wait3A_175 : memref<10000x128xf32, #tpu.memory_space<vmem_shared>>)
          tpu.yield
        }) : () -> ()
        %add3A_146 = arith.constant 2 : i32
        %add3A_147 = arith.addi %mul3A_98, %add3A_146 : i32
        %lt3A_148 = arith.constant 20 : i32
        %lt3A_149 = arith.cmpi slt, %add3A_147, %lt3A_148 : i32
        %convert_element_type3A_150 = arith.extui %lt3A_149 : i1 to i32
        %cond3A_151 = arith.constant 0 : i32
        %cond3A_152 = arith.cmpi ne, %convert_element_type3A_150, %cond3A_151 : i32
        scf.if %cond3A_152 {
          %add3A_163 = arith.constant 2 : i32
          %add3A_164 = arith.addi %mul3A_98, %add3A_163 : i32
          %dma_start3A_165 = arith.constant 0 : i32
          %dma_start3A_166 = arith.constant 0 : i32
          %dma_start3A_167 = arith.constant 0 : i32
          %dma_start3A_168 = tpu.memref_slice %arg7[%dma_start3A_166, %dma_start3A_167] : memref<128x128xf32, #tpu.memory_space<vmem>> -> memref<32x128xf32, #tpu.memory_space<vmem>>
          %dma_start3A_169 = arith.constant 0 : i32
          %dma_start3A_170 = tpu.memref_slice %arg6[%add3A_164, %dma_start3A_165, %dma_start3A_169] : memref<40x2x128xi32, #tpu.memory_space<vmem>> -> memref<1x1x32xi32, #tpu.memory_space<vmem>>
          %dma_start3A_171 = tpu.memref_squeeze %dma_start3A_170 : memref<1x1x32xi32, #tpu.memory_space<vmem>> -> memref<32xi32, #tpu.memory_space<vmem>>
          %dma_start3A_172 = arith.constant 0 : i32
          %dma_start3A_173 = arith.constant 0 : i32
          %dma_start3A_174 = tpu.memref_slice %arg2[%dma_start3A_172, %dma_start3A_173] : memref<10000x128xf32, #tpu.memory_space<hbm>> -> memref<10000x128xf32, #tpu.memory_space<hbm>>
          tpu.enqueue_indirect_dma source(%dma_start3A_174 : memref<10000x128xf32, #tpu.memory_space<hbm>>) target(%dma_start3A_168 : memref<32x128xf32, #tpu.memory_space<vmem>>) offsets(%dma_start3A_171 : memref<32xi32, #tpu.memory_space<vmem>>) semaphore(%arg9 : memref<!tpu.dma_semaphore, #tpu.memory_space<semaphore_mem>>)
          %dma_start3A_175 = arith.constant 0 : i32
          %dma_start3A_176 = arith.constant 32 : i32
          %dma_start3A_177 = arith.constant 0 : i32
          %dma_start3A_178 = tpu.memref_slice %arg7[%dma_start3A_176, %dma_start3A_177] : memref<128x128xf32, #tpu.memory_space<vmem>> -> memref<32x128xf32, #tpu.memory_space<vmem>>
          %dma_start3A_179 = arith.constant 32 : i32
          %dma_start3A_180 = tpu.memref_slice %arg6[%add3A_164, %dma_start3A_175, %dma_start3A_179] : memref<40x2x128xi32, #tpu.memory_space<vmem>> -> memref<1x1x32xi32, #tpu.memory_space<vmem>>
          %dma_start3A_181 = tpu.memref_squeeze %dma_start3A_180 : memref<1x1x32xi32, #tpu.memory_space<vmem>> -> memref<32xi32, #tpu.memory_space<vmem>>
          %dma_start3A_182 = arith.constant 0 : i32
          %dma_start3A_183 = arith.constant 0 : i32
          %dma_start3A_184 = tpu.memref_slice %arg2[%dma_start3A_182, %dma_start3A_183] : memref<10000x128xf32, #tpu.memory_space<hbm>> -> memref<10000x128xf32, #tpu.memory_space<hbm>>
          tpu.enqueue_indirect_dma source(%dma_start3A_184 : memref<10000x128xf32, #tpu.memory_space<hbm>>) target(%dma_start3A_178 : memref<32x128xf32, #tpu.memory_space<vmem>>) offsets(%dma_start3A_181 : memref<32xi32, #tpu.memory_space<vmem>>) semaphore(%arg9 : memref<!tpu.dma_semaphore, #tpu.memory_space<semaphore_mem>>)
          %dma_start3A_185 = arith.constant 0 : i32
          %dma_start3A_186 = arith.constant 64 : i32
          %dma_start3A_187 = arith.constant 0 : i32
          %dma_start3A_188 = tpu.memref_slice %arg7[%dma_start3A_186, %dma_start3A_187] : memref<128x128xf32, #tpu.memory_space<vmem>> -> memref<32x128xf32, #tpu.memory_space<vmem>>
          %dma_start3A_189 = arith.constant 64 : i32
          %dma_start3A_190 = tpu.memref_slice %arg6[%add3A_164, %dma_start3A_185, %dma_start3A_189] : memref<40x2x128xi32, #tpu.memory_space<vmem>> -> memref<1x1x32xi32, #tpu.memory_space<vmem>>
          %dma_start3A_191 = tpu.memref_squeeze %dma_start3A_190 : memref<1x1x32xi32, #tpu.memory_space<vmem>> -> memref<32xi32, #tpu.memory_space<vmem>>
          %dma_start3A_192 = arith.constant 0 : i32
          %dma_start3A_193 = arith.constant 0 : i32
          %dma_start3A_194 = tpu.memref_slice %arg2[%dma_start3A_192, %dma_start3A_193] : memref<10000x128xf32, #tpu.memory_space<hbm>> -> memref<10000x128xf32, #tpu.memory_space<hbm>>
          tpu.enqueue_indirect_dma source(%dma_start3A_194 : memref<10000x128xf32, #tpu.memory_space<hbm>>) target(%dma_start3A_188 : memref<32x128xf32, #tpu.memory_space<vmem>>) offsets(%dma_start3A_191 : memref<32xi32, #tpu.memory_space<vmem>>) semaphore(%arg9 : memref<!tpu.dma_semaphore, #tpu.memory_space<semaphore_mem>>)
          %dma_start3A_195 = arith.constant 0 : i32
          %dma_start3A_196 = arith.constant 96 : i32
          %dma_start3A_197 = arith.constant 0 : i32
          %dma_start3A_198 = tpu.memref_slice %arg7[%dma_start3A_196, %dma_start3A_197] : memref<128x128xf32, #tpu.memory_space<vmem>> -> memref<32x128xf32, #tpu.memory_space<vmem>>
          %dma_start3A_199 = arith.constant 96 : i32
          %dma_start3A_200 = tpu.memref_slice %arg6[%add3A_164, %dma_start3A_195, %dma_start3A_199] : memref<40x2x128xi32, #tpu.memory_space<vmem>> -> memref<1x1x32xi32, #tpu.memory_space<vmem>>
          %dma_start3A_201 = tpu.memref_squeeze %dma_start3A_200 : memref<1x1x32xi32, #tpu.memory_space<vmem>> -> memref<32xi32, #tpu.memory_space<vmem>>
          %dma_start3A_202 = arith.constant 0 : i32
          %dma_start3A_203 = arith.constant 0 : i32
          %dma_start3A_204 = tpu.memref_slice %arg2[%dma_start3A_202, %dma_start3A_203] : memref<10000x128xf32, #tpu.memory_space<hbm>> -> memref<10000x128xf32, #tpu.memory_space<hbm>>
          tpu.enqueue_indirect_dma source(%dma_start3A_204 : memref<10000x128xf32, #tpu.memory_space<hbm>>) target(%dma_start3A_198 : memref<32x128xf32, #tpu.memory_space<vmem>>) offsets(%dma_start3A_201 : memref<32xi32, #tpu.memory_space<vmem>>) semaphore(%arg9 : memref<!tpu.dma_semaphore, #tpu.memory_space<semaphore_mem>>)
        } else {
        }
        %dma_wait3A_153 = arith.constant 0 : i32
        %dma_wait3A_154 = arith.constant 0 : i32
        %dma_wait3A_155 = tpu.memref_slice %arg2[%dma_wait3A_153, %dma_wait3A_154] : memref<10000x128xf32, #tpu.memory_space<hbm>> -> memref<128x128xf32, #tpu.memory_space<hbm>>
        %dma_wait3A_156 = arith.constant 0 : i32
        %dma_wait3A_157 = arith.constant 0 : i32
        %dma_wait3A_158 = tpu.memref_slice %arg2[%dma_wait3A_156, %dma_wait3A_157] : memref<10000x128xf32, #tpu.memory_space<hbm>> -> memref<128x128xf32, #tpu.memory_space<hbm>>
        tpu.wait_dma2 semaphore(%arg10 : memref<!tpu.dma_semaphore, #tpu.memory_space<semaphore_mem>>) src(%dma_wait3A_158 : memref<128x128xf32, #tpu.memory_space<hbm>>) dst(%arg8 : memref<128x128xf32, #tpu.memory_space<vmem>>)
        %add3A_159 = arith.constant 1 : i32
        %add3A_160 = arith.addi %mul3A_98, %add3A_159 : i32
        %run_scoped3A_161 = arith.constant 1 : i32
        "tpu.region"() ({
          %run_scoped3A_163 = tpu.sem_alloc : memref<!tpu.dma_semaphore, #tpu.memory_space<semaphore_mem>>
          %dma_start3A_164 = arith.constant 0 : i32
          %dma_start3A_165 = tpu.memref_slice %arg6[%add3A_160, %run_scoped3A_161, %dma_start3A_164] : memref<40x2x128xi32, #tpu.memory_space<vmem>> -> memref<1x1x128xi32, #tpu.memory_space<vmem>>
          %dma_start3A_166 = tpu.memref_squeeze %dma_start3A_165 : memref<1x1x128xi32, #tpu.memory_space<vmem>> -> memref<128xi32, #tpu.memory_space<vmem>>
          %dma_start3A_167 = arith.constant 0 : i32
          %dma_start3A_168 = arith.constant 0 : i32
          %dma_start3A_169 = tpu.memref_slice %arg5[%dma_start3A_167, %dma_start3A_168] : memref<10000x128xf32, #tpu.memory_space<vmem_shared>> -> memref<10000x128xf32, #tpu.memory_space<vmem_shared>>
          tpu.enqueue_indirect_dma source(%arg8 : memref<128x128xf32, #tpu.memory_space<vmem>>) target(%dma_start3A_169 : memref<10000x128xf32, #tpu.memory_space<vmem_shared>>) offsets(%dma_start3A_166 : memref<128xi32, #tpu.memory_space<vmem>>) semaphore(%run_scoped3A_163 : memref<!tpu.dma_semaphore, #tpu.memory_space<semaphore_mem>>) {add = true}
          %dma_wait3A_170 = arith.constant 0 : i32
          %dma_wait3A_171 = tpu.memref_slice %arg6[%add3A_160, %run_scoped3A_161, %dma_wait3A_170] : memref<40x2x128xi32, #tpu.memory_space<vmem>> -> memref<1x1x128xi32, #tpu.memory_space<vmem>>
          %dma_wait3A_172 = tpu.memref_squeeze %dma_wait3A_171 : memref<1x1x128xi32, #tpu.memory_space<vmem>> -> memref<128xi32, #tpu.memory_space<vmem>>
          %dma_wait3A_173 = arith.constant 0 : i32
          %dma_wait3A_174 = arith.constant 0 : i32
          %dma_wait3A_175 = tpu.memref_slice %arg5[%dma_wait3A_173, %dma_wait3A_174] : memref<10000x128xf32, #tpu.memory_space<vmem_shared>> -> memref<10000x128xf32, #tpu.memory_space<vmem_shared>>
          tpu.wait_indirect_dma semaphore(%run_scoped3A_163 : memref<!tpu.dma_semaphore, #tpu.memory_space<semaphore_mem>>) src(%arg8 : memref<128x128xf32, #tpu.memory_space<vmem>>) dst(%dma_wait3A_175 : memref<10000x128xf32, #tpu.memory_space<vmem_shared>>)
          tpu.yield
        }) : () -> ()
        %scan3A_162 = arith.constant 0 : i32
        scf.yield %scan3A_162 : i32
      }
      %scan3A_94 = arith.constant 10 : i32
    } else {
    }
    %barrier3A_34 = arith.constant 0 : index
    tpu.barrier barrier_id(%barrier3A_34)
    %lt3A_35 = arith.constant 15 : i32
    %lt3A_36 = arith.cmpi slt, %arg1, %lt3A_35 : i32
    %convert_element_type3A_37 = arith.extui %lt3A_36 : i1 to i32
    %cond3A_38 = arith.constant 0 : i32
    %cond3A_39 = arith.cmpi ne, %convert_element_type3A_37, %cond3A_38 : i32
    scf.if %cond3A_39 {
      %mul3A_45 = arith.constant 632 : i32
      %mul3A_46 = arith.muli %arg1, %mul3A_45 : i32
      %mul3A_47 = arith.constant 632 : i32
      %mul3A_48 = arith.muli %arg1, %mul3A_47 : i32
      "tpu.region"() ({
        %run_scoped3A = tpu.sem_alloc : memref<!tpu.dma_semaphore, #tpu.memory_space<semaphore_mem>>
        %dma_start3A = arith.constant 0 : i32
        %dma_start3A_49 = tpu.memref_slice %arg4[%arg0, %mul3A_48, %dma_start3A] : memref<2x10000x128xf32, #tpu.memory_space<hbm>> -> memref<1x632x128xf32, #tpu.memory_space<hbm>>
        %dma_start3A_50 = tpu.memref_squeeze %dma_start3A_49 : memref<1x632x128xf32, #tpu.memory_space<hbm>> -> memref<632x128xf32, #tpu.memory_space<hbm>>
        %dma_start3A_51 = arith.constant 0 : i32
        %dma_start3A_52 = tpu.memref_slice %arg5[%mul3A_46, %dma_start3A_51] : memref<10000x128xf32, #tpu.memory_space<vmem_shared>> -> memref<632x128xf32, #tpu.memory_space<vmem_shared>>
        tpu.enqueue_dma source(%dma_start3A_52 : memref<632x128xf32, #tpu.memory_space<vmem_shared>>) target(%dma_start3A_50 : memref<632x128xf32, #tpu.memory_space<hbm>>) target_semaphore(%run_scoped3A : memref<!tpu.dma_semaphore, #tpu.memory_space<semaphore_mem>>)
        %dma_wait3A = arith.constant 0 : i32
        %dma_wait3A_53 = tpu.memref_slice %arg4[%arg0, %mul3A_48, %dma_wait3A] : memref<2x10000x128xf32, #tpu.memory_space<hbm>> -> memref<1x632x128xf32, #tpu.memory_space<hbm>>
        %dma_wait3A_54 = tpu.memref_squeeze %dma_wait3A_53 : memref<1x632x128xf32, #tpu.memory_space<hbm>> -> memref<632x128xf32, #tpu.memory_space<hbm>>
        %dma_wait3A_55 = arith.constant 0 : i32
        %dma_wait3A_56 = tpu.memref_slice %arg5[%mul3A_46, %dma_wait3A_55] : memref<10000x128xf32, #tpu.memory_space<vmem_shared>> -> memref<632x128xf32, #tpu.memory_space<vmem_shared>>
        tpu.wait_dma2 semaphore(%run_scoped3A : memref<!tpu.dma_semaphore, #tpu.memory_space<semaphore_mem>>) src(%dma_wait3A_56 : memref<632x128xf32, #tpu.memory_space<vmem_shared>>) dst(%dma_wait3A_54 : memref<632x128xf32, #tpu.memory_space<hbm>>)
        tpu.yield
      }) : () -> ()
    } else {
    }
    %eq3A_40 = arith.constant 15 : i32
    %eq3A_41 = arith.cmpi eq, %arg1, %eq3A_40 : i32
    %convert_element_type3A_42 = arith.extui %eq3A_41 : i1 to i32
    %cond3A_43 = arith.constant 0 : i32
    %cond3A_44 = arith.cmpi ne, %convert_element_type3A_42, %cond3A_43 : i32
    scf.if %cond3A_44 {
      "tpu.region"() ({
        %run_scoped3A = tpu.sem_alloc : memref<!tpu.dma_semaphore, #tpu.memory_space<semaphore_mem>>
        %dma_start3A = arith.constant 9480 : i32
        %dma_start3A_45 = arith.constant 0 : i32
        %dma_start3A_46 = tpu.memref_slice %arg4[%arg0, %dma_start3A, %dma_start3A_45] : memref<2x10000x128xf32, #tpu.memory_space<hbm>> -> memref<1x520x128xf32, #tpu.memory_space<hbm>>
        %dma_start3A_47 = tpu.memref_squeeze %dma_start3A_46 : memref<1x520x128xf32, #tpu.memory_space<hbm>> -> memref<520x128xf32, #tpu.memory_space<hbm>>
        %dma_start3A_48 = arith.constant 9480 : i32
        %dma_start3A_49 = arith.constant 0 : i32
        %dma_start3A_50 = tpu.memref_slice %arg5[%dma_start3A_48, %dma_start3A_49] : memref<10000x128xf32, #tpu.memory_space<vmem_shared>> -> memref<520x128xf32, #tpu.memory_space<vmem_shared>>
        tpu.enqueue_dma source(%dma_start3A_50 : memref<520x128xf32, #tpu.memory_space<vmem_shared>>) target(%dma_start3A_47 : memref<520x128xf32, #tpu.memory_space<hbm>>) target_semaphore(%run_scoped3A : memref<!tpu.dma_semaphore, #tpu.memory_space<semaphore_mem>>)
        %dma_wait3A = arith.constant 9480 : i32
        %dma_wait3A_51 = arith.constant 0 : i32
        %dma_wait3A_52 = tpu.memref_slice %arg4[%arg0, %dma_wait3A, %dma_wait3A_51] : memref<2x10000x128xf32, #tpu.memory_space<hbm>> -> memref<1x520x128xf32, #tpu.memory_space<hbm>>
        %dma_wait3A_53 = tpu.memref_squeeze %dma_wait3A_52 : memref<1x520x128xf32, #tpu.memory_space<hbm>> -> memref<520x128xf32, #tpu.memory_space<hbm>>
        %dma_wait3A_54 = arith.constant 9480 : i32
        %dma_wait3A_55 = arith.constant 0 : i32
        %dma_wait3A_56 = tpu.memref_slice %arg5[%dma_wait3A_54, %dma_wait3A_55] : memref<10000x128xf32, #tpu.memory_space<vmem_shared>> -> memref<520x128xf32, #tpu.memory_space<vmem_shared>>
        tpu.wait_dma2 semaphore(%run_scoped3A : memref<!tpu.dma_semaphore, #tpu.memory_space<semaphore_mem>>) src(%dma_wait3A_56 : memref<520x128xf32, #tpu.memory_space<vmem_shared>>) dst(%dma_wait3A_53 : memref<520x128xf32, #tpu.memory_space<hbm>>)
        tpu.yield
      }) : () -> ()
    } else {
    }
    return
  }
}

#map = affine_map<(d0, d1) -> (0, 0, 0)>
#map1 = affine_map<(d0, d1) -> (0, 0)>
module attributes {stable_mosaic.version = 14 : i64} {
  func.func @_deg_sc(%arg0: i32, %arg1: i32, %arg2: memref<2500x2x128xi32, #tpu.memory_space<hbm>>, %arg3: memref<2x10240xf32, #tpu.memory_space<hbm>>, %arg4: memref<10240xf32, #tpu.memory_space<vmem_shared>>, %arg5: memref<640xf32, #tpu.memory_space<vmem>>, %arg6: memref<128xf32, #tpu.memory_space<vmem>>, %arg7: memref<80x2x128xi32, #tpu.memory_space<vmem>>, %arg8: memref<!tpu.dma_semaphore, #tpu.memory_space<semaphore_mem>>) attributes {dimension_semantics = [#tpu.dimension_semantics<core_parallel>, #tpu.dimension_semantics<subcore_parallel>], iteration_bounds = array<i64: 2, 16>, scalar_prefetch = 0 : i64, scratch_operands = 5 : i64, tpu.core_type = #tpu.core_type<sc_vector_subcore>, window_params = [{transform_indices = #map}, {transform_indices = #map1}]} {
    %mul3A = arith.constant 16 : i32
    %mul3A_0 = arith.muli %arg0, %mul3A : i32
    %add3A = arith.addi %mul3A_0, %arg1 : i32
    %lt3A = arith.constant 31 : i32
    %lt3A_1 = arith.cmpi slt, %add3A, %lt3A : i32
    %convert_element_type3A = arith.extui %lt3A_1 : i1 to i32
    %cond3A = arith.constant 0 : i32
    %cond3A_2 = arith.cmpi ne, %convert_element_type3A, %cond3A : i32
    scf.if %cond3A_2 {
      %mul3A_53 = arith.constant 80 : i32
      %mul3A_54 = arith.muli %add3A, %mul3A_53 : i32
      "tpu.region"() ({
        %run_scoped3A = tpu.sem_alloc : memref<!tpu.dma_semaphore, #tpu.memory_space<semaphore_mem>>
        %dma_start3A = arith.constant 0 : i32
        %dma_start3A_55 = arith.constant 0 : i32
        %dma_start3A_56 = tpu.memref_slice %arg2[%mul3A_54, %dma_start3A, %dma_start3A_55] : memref<2500x2x128xi32, #tpu.memory_space<hbm>> -> memref<80x2x128xi32, #tpu.memory_space<hbm>>
        %dma_start3A_57 = arith.constant 0 : i32
        %dma_start3A_58 = arith.constant 0 : i32
        %dma_start3A_59 = tpu.memref_slice %arg2[%mul3A_54, %dma_start3A_57, %dma_start3A_58] : memref<2500x2x128xi32, #tpu.memory_space<hbm>> -> memref<80x2x128xi32, #tpu.memory_space<hbm>>
        tpu.enqueue_dma source(%dma_start3A_59 : memref<80x2x128xi32, #tpu.memory_space<hbm>>) target(%arg7 : memref<80x2x128xi32, #tpu.memory_space<vmem>>) target_semaphore(%run_scoped3A : memref<!tpu.dma_semaphore, #tpu.memory_space<semaphore_mem>>)
        %dma_wait3A = arith.constant 0 : i32
        %dma_wait3A_60 = arith.constant 0 : i32
        %dma_wait3A_61 = tpu.memref_slice %arg2[%mul3A_54, %dma_wait3A, %dma_wait3A_60] : memref<2500x2x128xi32, #tpu.memory_space<hbm>> -> memref<80x2x128xi32, #tpu.memory_space<hbm>>
        %dma_wait3A_62 = arith.constant 0 : i32
        %dma_wait3A_63 = arith.constant 0 : i32
        %dma_wait3A_64 = tpu.memref_slice %arg2[%mul3A_54, %dma_wait3A_62, %dma_wait3A_63] : memref<2500x2x128xi32, #tpu.memory_space<hbm>> -> memref<80x2x128xi32, #tpu.memory_space<hbm>>
        tpu.wait_dma2 semaphore(%run_scoped3A : memref<!tpu.dma_semaphore, #tpu.memory_space<semaphore_mem>>) src(%dma_wait3A_64 : memref<80x2x128xi32, #tpu.memory_space<hbm>>) dst(%arg7 : memref<80x2x128xi32, #tpu.memory_space<vmem>>)
        tpu.yield
      }) : () -> ()
    } else {
    }
    %eq3A = arith.constant 31 : i32
    %eq3A_3 = arith.cmpi eq, %add3A, %eq3A : i32
    %convert_element_type3A_4 = arith.extui %eq3A_3 : i1 to i32
    %cond3A_5 = arith.constant 0 : i32
    %cond3A_6 = arith.cmpi ne, %convert_element_type3A_4, %cond3A_5 : i32
    scf.if %cond3A_6 {
      "tpu.region"() ({
        %run_scoped3A = tpu.sem_alloc : memref<!tpu.dma_semaphore, #tpu.memory_space<semaphore_mem>>
        %dma_start3A = arith.constant 0 : i32
        %dma_start3A_53 = arith.constant 0 : i32
        %dma_start3A_54 = arith.constant 0 : i32
        %dma_start3A_55 = tpu.memref_slice %arg7[%dma_start3A, %dma_start3A_53, %dma_start3A_54] : memref<80x2x128xi32, #tpu.memory_space<vmem>> -> memref<20x2x128xi32, #tpu.memory_space<vmem>>
        %dma_start3A_56 = arith.constant 2480 : i32
        %dma_start3A_57 = arith.constant 0 : i32
        %dma_start3A_58 = arith.constant 0 : i32
        %dma_start3A_59 = tpu.memref_slice %arg2[%dma_start3A_56, %dma_start3A_57, %dma_start3A_58] : memref<2500x2x128xi32, #tpu.memory_space<hbm>> -> memref<20x2x128xi32, #tpu.memory_space<hbm>>
        %dma_start3A_60 = arith.constant 0 : i32
        %dma_start3A_61 = arith.constant 0 : i32
        %dma_start3A_62 = arith.constant 0 : i32
        %dma_start3A_63 = tpu.memref_slice %arg7[%dma_start3A_60, %dma_start3A_61, %dma_start3A_62] : memref<80x2x128xi32, #tpu.memory_space<vmem>> -> memref<20x2x128xi32, #tpu.memory_space<vmem>>
        %dma_start3A_64 = arith.constant 2480 : i32
        %dma_start3A_65 = arith.constant 0 : i32
        %dma_start3A_66 = arith.constant 0 : i32
        %dma_start3A_67 = tpu.memref_slice %arg2[%dma_start3A_64, %dma_start3A_65, %dma_start3A_66] : memref<2500x2x128xi32, #tpu.memory_space<hbm>> -> memref<20x2x128xi32, #tpu.memory_space<hbm>>
        tpu.enqueue_dma source(%dma_start3A_67 : memref<20x2x128xi32, #tpu.memory_space<hbm>>) target(%dma_start3A_63 : memref<20x2x128xi32, #tpu.memory_space<vmem>>) target_semaphore(%run_scoped3A : memref<!tpu.dma_semaphore, #tpu.memory_space<semaphore_mem>>)
        %dma_wait3A = arith.constant 0 : i32
        %dma_wait3A_68 = arith.constant 0 : i32
        %dma_wait3A_69 = arith.constant 0 : i32
        %dma_wait3A_70 = tpu.memref_slice %arg7[%dma_wait3A, %dma_wait3A_68, %dma_wait3A_69] : memref<80x2x128xi32, #tpu.memory_space<vmem>> -> memref<20x2x128xi32, #tpu.memory_space<vmem>>
        %dma_wait3A_71 = arith.constant 2480 : i32
        %dma_wait3A_72 = arith.constant 0 : i32
        %dma_wait3A_73 = arith.constant 0 : i32
        %dma_wait3A_74 = tpu.memref_slice %arg2[%dma_wait3A_71, %dma_wait3A_72, %dma_wait3A_73] : memref<2500x2x128xi32, #tpu.memory_space<hbm>> -> memref<20x2x128xi32, #tpu.memory_space<hbm>>
        %dma_wait3A_75 = arith.constant 0 : i32
        %dma_wait3A_76 = arith.constant 0 : i32
        %dma_wait3A_77 = arith.constant 0 : i32
        %dma_wait3A_78 = tpu.memref_slice %arg7[%dma_wait3A_75, %dma_wait3A_76, %dma_wait3A_77] : memref<80x2x128xi32, #tpu.memory_space<vmem>> -> memref<20x2x128xi32, #tpu.memory_space<vmem>>
        %dma_wait3A_79 = arith.constant 2480 : i32
        %dma_wait3A_80 = arith.constant 0 : i32
        %dma_wait3A_81 = arith.constant 0 : i32
        %dma_wait3A_82 = tpu.memref_slice %arg2[%dma_wait3A_79, %dma_wait3A_80, %dma_wait3A_81] : memref<2500x2x128xi32, #tpu.memory_space<hbm>> -> memref<20x2x128xi32, #tpu.memory_space<hbm>>
        tpu.wait_dma2 semaphore(%run_scoped3A : memref<!tpu.dma_semaphore, #tpu.memory_space<semaphore_mem>>) src(%dma_wait3A_82 : memref<20x2x128xi32, #tpu.memory_space<hbm>>) dst(%dma_wait3A_78 : memref<20x2x128xi32, #tpu.memory_space<vmem>>)
        tpu.yield
      }) : () -> ()
    } else {
    }
    %scan3A = arith.constant 0 : i32
    %scan3A_7 = arith.constant 0 : i32
    %scan3A_8 = arith.constant 40 : i32
    %scan3A_9 = arith.addi %scan3A_7, %scan3A_8 : i32
    %scan3A_10 = arith.constant 1 : i32
    %scan3A_11 = scf.for %scan3A_53 = %scan3A_7 to %scan3A_9 step %scan3A_10 iter_args(%scan3A_54 = %scan3A) -> (i32)  : i32 {
      %broadcast_in_dim3A = arith.constant 0.000000e+00 : f32
      %broadcast_in_dim3A_55 = vector.broadcast %broadcast_in_dim3A : f32 to vector<16xf32>
      %mul3A_56 = arith.constant 16 : i32
      %mul3A_57 = arith.muli %scan3A_53, %mul3A_56 : i32
      %swap3A = arith.index_cast %mul3A_57 : i32 to index
      %swap3A_58 = tpu.vector_load %arg5[%swap3A] {strides = array<i32>} : memref<640xf32, #tpu.memory_space<vmem>>, vector<16xf32>,
      %swap3A_59 = vector.shape_cast %swap3A_58 : vector<16xf32> to vector<16xf32>
      %swap3A_60 = vector.shape_cast %broadcast_in_dim3A_55 : vector<16xf32> to vector<16xf32>
      tpu.vector_store %arg5[%swap3A], %swap3A_60 {strides = array<i32>} : memref<640xf32, #tpu.memory_space<vmem>>, vector<16xf32>,
      %scan3A_61 = arith.constant 0 : i32
      scf.yield %scan3A_61 : i32
    }
    %scan3A_12 = arith.constant 40 : i32
    %scan3A_13 = arith.constant 0 : i32
    %scan3A_14 = arith.constant 0 : i32
    %scan3A_15 = arith.constant 8 : i32
    %scan3A_16 = arith.addi %scan3A_14, %scan3A_15 : i32
    %scan3A_17 = arith.constant 1 : i32
    %scan3A_18 = scf.for %scan3A_53 = %scan3A_14 to %scan3A_16 step %scan3A_17 iter_args(%scan3A_54 = %scan3A_13) -> (i32)  : i32 {
      %broadcast_in_dim3A = arith.constant 1.000000e+00 : f32
      %broadcast_in_dim3A_55 = vector.broadcast %broadcast_in_dim3A : f32 to vector<16xf32>
      %mul3A_56 = arith.constant 16 : i32
      %mul3A_57 = arith.muli %scan3A_53, %mul3A_56 : i32
      %swap3A = arith.index_cast %mul3A_57 : i32 to index
      %swap3A_58 = tpu.vector_load %arg6[%swap3A] {strides = array<i32>} : memref<128xf32, #tpu.memory_space<vmem>>, vector<16xf32>,
      %swap3A_59 = vector.shape_cast %swap3A_58 : vector<16xf32> to vector<16xf32>
      %swap3A_60 = vector.shape_cast %broadcast_in_dim3A_55 : vector<16xf32> to vector<16xf32>
      tpu.vector_store %arg6[%swap3A], %swap3A_60 {strides = array<i32>} : memref<128xf32, #tpu.memory_space<vmem>>, vector<16xf32>,
      %scan3A_61 = arith.constant 0 : i32
      scf.yield %scan3A_61 : i32
    }
    %scan3A_19 = arith.constant 8 : i32
    %mul3A_20 = arith.constant 640 : i32
    %mul3A_21 = arith.muli %arg1, %mul3A_20 : i32
    "tpu.region"() ({
      %run_scoped3A = tpu.sem_alloc : memref<!tpu.dma_semaphore, #tpu.memory_space<semaphore_mem>>
      %dma_start3A = tpu.memref_slice %arg4[%mul3A_21] : memref<10240xf32, #tpu.memory_space<vmem_shared>> -> memref<640xf32, #tpu.memory_space<vmem_shared>>
      %dma_start3A_53 = tpu.memref_slice %arg4[%mul3A_21] : memref<10240xf32, #tpu.memory_space<vmem_shared>> -> memref<640xf32, #tpu.memory_space<vmem_shared>>
      tpu.enqueue_dma source(%arg5 : memref<640xf32, #tpu.memory_space<vmem>>) target(%dma_start3A_53 : memref<640xf32, #tpu.memory_space<vmem_shared>>) target_semaphore(%run_scoped3A : memref<!tpu.dma_semaphore, #tpu.memory_space<semaphore_mem>>)
      %dma_wait3A = tpu.memref_slice %arg4[%mul3A_21] : memref<10240xf32, #tpu.memory_space<vmem_shared>> -> memref<640xf32, #tpu.memory_space<vmem_shared>>
      %dma_wait3A_54 = tpu.memref_slice %arg4[%mul3A_21] : memref<10240xf32, #tpu.memory_space<vmem_shared>> -> memref<640xf32, #tpu.memory_space<vmem_shared>>
      tpu.wait_dma2 semaphore(%run_scoped3A : memref<!tpu.dma_semaphore, #tpu.memory_space<semaphore_mem>>) src(%arg5 : memref<640xf32, #tpu.memory_space<vmem>>) dst(%dma_wait3A_54 : memref<640xf32, #tpu.memory_space<vmem_shared>>)
      tpu.yield
    }) : () -> ()
    %barrier3A = arith.constant 0 : index
    tpu.barrier barrier_id(%barrier3A)
    %eq3A_22 = arith.constant 31 : i32
    %eq3A_23 = arith.cmpi eq, %add3A, %eq3A_22 : i32
    %jit3A = arith.constant 20 : i32
    %jit3A_24 = arith.constant 80 : i32
    %select_n3A = arith.select %eq3A_23, %jit3A, %jit3A_24 : i32
    %while3A = arith.constant 0 : i32
    %while3A_25 = arith.constant 0 : i32
    %while3A_26 = arith.subi %select_n3A, %while3A : i32
    %while3A_27 = arith.addi %while3A, %while3A_26 : i32
    %while3A_28 = arith.constant 1 : i32
    %while3A_29 = arith.divsi %while3A_26, %while3A_28 : i32
    %while3A_30 = arith.muli %while3A_29, %while3A_28 : i32
    %while3A_31 = arith.addi %while3A, %while3A_30 : i32
    %while3A_32 = arith.constant 1 : i32
    %while3A_33 = scf.for %while3A_53 = %while3A to %while3A_31 step %while3A_32 iter_args(%while3A_54 = %while3A_25) -> (i32)  : i32 {
      %dma_start3A = arith.constant 1 : i32
      %dma_start3A_55 = arith.constant 0 : i32
      %dma_start3A_56 = tpu.memref_slice %arg7[%while3A_53, %dma_start3A, %dma_start3A_55] : memref<80x2x128xi32, #tpu.memory_space<vmem>> -> memref<1x1x128xi32, #tpu.memory_space<vmem>>
      %dma_start3A_57 = tpu.memref_squeeze %dma_start3A_56 : memref<1x1x128xi32, #tpu.memory_space<vmem>> -> memref<128xi32, #tpu.memory_space<vmem>>
      %dma_start3A_58 = arith.constant 0 : i32
      %dma_start3A_59 = tpu.memref_slice %arg4[%dma_start3A_58] : memref<10240xf32, #tpu.memory_space<vmem_shared>> -> memref<10240xf32, #tpu.memory_space<vmem_shared>>
      tpu.enqueue_indirect_dma source(%arg6 : memref<128xf32, #tpu.memory_space<vmem>>) target(%dma_start3A_59 : memref<10240xf32, #tpu.memory_space<vmem_shared>>) offsets(%dma_start3A_57 : memref<128xi32, #tpu.memory_space<vmem>>) semaphore(%arg8 : memref<!tpu.dma_semaphore, #tpu.memory_space<semaphore_mem>>) {add = true}
      %while3A_60 = arith.constant 0 : i32
      scf.yield %while3A_60 : i32
    }
    %while3A_34 = arith.constant 1 : i32
    %while3A_35 = scf.for %while3A_53 = %while3A_31 to %while3A_27 step %while3A_34 iter_args(%while3A_54 = %while3A_33) -> (i32)  : i32 {
      %dma_start3A = arith.constant 1 : i32
      %dma_start3A_55 = arith.constant 0 : i32
      %dma_start3A_56 = tpu.memref_slice %arg7[%while3A_53, %dma_start3A, %dma_start3A_55] : memref<80x2x128xi32, #tpu.memory_space<vmem>> -> memref<1x1x128xi32, #tpu.memory_space<vmem>>
      %dma_start3A_57 = tpu.memref_squeeze %dma_start3A_56 : memref<1x1x128xi32, #tpu.memory_space<vmem>> -> memref<128xi32, #tpu.memory_space<vmem>>
      %dma_start3A_58 = arith.constant 0 : i32
      %dma_start3A_59 = tpu.memref_slice %arg4[%dma_start3A_58] : memref<10240xf32, #tpu.memory_space<vmem_shared>> -> memref<10240xf32, #tpu.memory_space<vmem_shared>>
      tpu.enqueue_indirect_dma source(%arg6 : memref<128xf32, #tpu.memory_space<vmem>>) target(%dma_start3A_59 : memref<10240xf32, #tpu.memory_space<vmem_shared>>) offsets(%dma_start3A_57 : memref<128xi32, #tpu.memory_space<vmem>>) semaphore(%arg8 : memref<!tpu.dma_semaphore, #tpu.memory_space<semaphore_mem>>) {add = true}
      %while3A_60 = arith.constant 0 : i32
      scf.yield %while3A_60 : i32
    }
    %while3A_36 = arith.constant 0 : i32
    %while3A_37 = arith.constant 0 : i32
    %while3A_38 = arith.subi %select_n3A, %while3A_36 : i32
    %while3A_39 = arith.addi %while3A_36, %while3A_38 : i32
    %while3A_40 = arith.constant 1 : i32
    %while3A_41 = arith.divsi %while3A_38, %while3A_40 : i32
    %while3A_42 = arith.muli %while3A_41, %while3A_40 : i32
    %while3A_43 = arith.addi %while3A_36, %while3A_42 : i32
    %while3A_44 = arith.constant 1 : i32
    %while3A_45 = scf.for %while3A_53 = %while3A_36 to %while3A_43 step %while3A_44 iter_args(%while3A_54 = %while3A_37) -> (i32)  : i32 {
      %dma_wait3A = arith.constant 0 : i32
      %dma_wait3A_55 = tpu.memref_slice %arg3[%arg0, %dma_wait3A] : memref<2x10240xf32, #tpu.memory_space<hbm>> -> memref<1x128xf32, #tpu.memory_space<hbm>>
      %dma_wait3A_56 = tpu.memref_squeeze %dma_wait3A_55 : memref<1x128xf32, #tpu.memory_space<hbm>> -> memref<128xf32, #tpu.memory_space<hbm>>
      %dma_wait3A_57 = arith.constant 0 : i32
      %dma_wait3A_58 = tpu.memref_slice %arg3[%arg0, %dma_wait3A_57] : memref<2x10240xf32, #tpu.memory_space<hbm>> -> memref<1x128xf32, #tpu.memory_space<hbm>>
      %dma_wait3A_59 = tpu.memref_squeeze %dma_wait3A_58 : memref<1x128xf32, #tpu.memory_space<hbm>> -> memref<128xf32, #tpu.memory_space<hbm>>
      tpu.wait_dma2 semaphore(%arg8 : memref<!tpu.dma_semaphore, #tpu.memory_space<semaphore_mem>>) src(%dma_wait3A_59 : memref<128xf32, #tpu.memory_space<hbm>>) dst(%arg6 : memref<128xf32, #tpu.memory_space<vmem>>)
      %while3A_60 = arith.constant 0 : i32
      scf.yield %while3A_60 : i32
    }
    %while3A_46 = arith.constant 1 : i32
    %while3A_47 = scf.for %while3A_53 = %while3A_43 to %while3A_39 step %while3A_46 iter_args(%while3A_54 = %while3A_45) -> (i32)  : i32 {
      %dma_wait3A = arith.constant 0 : i32
      %dma_wait3A_55 = tpu.memref_slice %arg3[%arg0, %dma_wait3A] : memref<2x10240xf32, #tpu.memory_space<hbm>> -> memref<1x128xf32, #tpu.memory_space<hbm>>
      %dma_wait3A_56 = tpu.memref_squeeze %dma_wait3A_55 : memref<1x128xf32, #tpu.memory_space<hbm>> -> memref<128xf32, #tpu.memory_space<hbm>>
      %dma_wait3A_57 = arith.constant 0 : i32
      %dma_wait3A_58 = tpu.memref_slice %arg3[%arg0, %dma_wait3A_57] : memref<2x10240xf32, #tpu.memory_space<hbm>> -> memref<1x128xf32, #tpu.memory_space<hbm>>
      %dma_wait3A_59 = tpu.memref_squeeze %dma_wait3A_58 : memref<1x128xf32, #tpu.memory_space<hbm>> -> memref<128xf32, #tpu.memory_space<hbm>>
      tpu.wait_dma2 semaphore(%arg8 : memref<!tpu.dma_semaphore, #tpu.memory_space<semaphore_mem>>) src(%dma_wait3A_59 : memref<128xf32, #tpu.memory_space<hbm>>) dst(%arg6 : memref<128xf32, #tpu.memory_space<vmem>>)
      %while3A_60 = arith.constant 0 : i32
      scf.yield %while3A_60 : i32
    }
    %barrier3A_48 = arith.constant 0 : index
    tpu.barrier barrier_id(%barrier3A_48)
    %mul3A_49 = arith.constant 640 : i32
    %mul3A_50 = arith.muli %arg1, %mul3A_49 : i32
    %mul3A_51 = arith.constant 640 : i32
    %mul3A_52 = arith.muli %arg1, %mul3A_51 : i32
    "tpu.region"() ({
      %run_scoped3A = tpu.sem_alloc : memref<!tpu.dma_semaphore, #tpu.memory_space<semaphore_mem>>
      %dma_start3A = tpu.memref_slice %arg3[%arg0, %mul3A_52] : memref<2x10240xf32, #tpu.memory_space<hbm>> -> memref<1x640xf32, #tpu.memory_space<hbm>>
      %dma_start3A_53 = tpu.memref_squeeze %dma_start3A : memref<1x640xf32, #tpu.memory_space<hbm>> -> memref<640xf32, #tpu.memory_space<hbm>>
      %dma_start3A_54 = tpu.memref_slice %arg4[%mul3A_50] : memref<10240xf32, #tpu.memory_space<vmem_shared>> -> memref<640xf32, #tpu.memory_space<vmem_shared>>
      tpu.enqueue_dma source(%dma_start3A_54 : memref<640xf32, #tpu.memory_space<vmem_shared>>) target(%dma_start3A_53 : memref<640xf32, #tpu.memory_space<hbm>>) target_semaphore(%run_scoped3A : memref<!tpu.dma_semaphore, #tpu.memory_space<semaphore_mem>>)
      %dma_wait3A = tpu.memref_slice %arg3[%arg0, %mul3A_52] : memref<2x10240xf32, #tpu.memory_space<hbm>> -> memref<1x640xf32, #tpu.memory_space<hbm>>
      %dma_wait3A_55 = tpu.memref_squeeze %dma_wait3A : memref<1x640xf32, #tpu.memory_space<hbm>> -> memref<640xf32, #tpu.memory_space<hbm>>
      %dma_wait3A_56 = tpu.memref_slice %arg4[%mul3A_50] : memref<10240xf32, #tpu.memory_space<vmem_shared>> -> memref<640xf32, #tpu.memory_space<vmem_shared>>
      tpu.wait_dma2 semaphore(%run_scoped3A : memref<!tpu.dma_semaphore, #tpu.memory_space<semaphore_mem>>) src(%dma_wait3A_56 : memref<640xf32, #tpu.memory_space<vmem_shared>>) dst(%dma_wait3A_55 : memref<640xf32, #tpu.memory_space<hbm>>)
      tpu.yield
    }) : () -> ()
    return
  }
}

#map = affine_map<(d0, d1) -> (0, 0)>
#map1 = affine_map<(d0, d1) -> (0, 0, 0)>
module attributes {stable_mosaic.version = 14 : i64} {
  func.func @_mp_sc(%arg0: i32, %arg1: i32, %arg2: memref<10000x128xf32, #tpu.memory_space<hbm>>, %arg3: memref<2500x2x128xi32, #tpu.memory_space<hbm>>, %arg4: memref<2x10000x128xf32, #tpu.memory_space<hbm>>, %arg5: memref<10000x128xf32, #tpu.memory_space<vmem_shared>>, %arg6: memref<40x2x128xi32, #tpu.memory_space<vmem>>, %arg7: memref<128x128xf32, #tpu.memory_space<vmem>>, %arg8: memref<128x128xf32, #tpu.memory_space<vmem>>, %arg9: memref<!tpu.dma_semaphore, #tpu.memory_space<semaphore_mem>>, %arg10: memref<!tpu.dma_semaphore, #tpu.memory_space<semaphore_mem>>) attributes {dimension_semantics = [#tpu.dimension_semantics<core_parallel>, #tpu.dimension_semantics<subcore_parallel>], iteration_bounds = array<i64: 2, 16>, scalar_prefetch = 0 : i64, scratch_operands = 6 : i64, tpu.core_type = #tpu.core_type<sc_vector_subcore>, window_params = [{transform_indices = #map}, {transform_indices = #map1}, {transform_indices = #map1}]} {
    %mul3A = arith.constant 16 : i32
    %mul3A_0 = arith.muli %arg0, %mul3A : i32
    %add3A = arith.addi %mul3A_0, %arg1 : i32
    %scan3A = arith.constant 0 : i32
    %scan3A_1 = arith.constant 0 : i32
    %scan3A_2 = arith.constant 128 : i32
    %scan3A_3 = arith.addi %scan3A_1, %scan3A_2 : i32
    %scan3A_4 = arith.constant 1 : i32
    %scan3A_5 = scf.for %scan3A_45 = %scan3A_1 to %scan3A_3 step %scan3A_4 iter_args(%scan3A_46 = %scan3A) -> (i32)  : i32 {
      %broadcast_in_dim3A = arith.constant 0.000000e+00 : f32
      %broadcast_in_dim3A_47 = vector.broadcast %broadcast_in_dim3A : f32 to vector<16xf32>
      %swap3A = arith.index_cast %scan3A_45 : i32 to index
      %swap3A_48 = arith.constant 0 : index
      %swap3A_49 = tpu.vector_load %arg7[%swap3A, %swap3A_48] {strides = array<i32>} : memref<128x128xf32, #tpu.memory_space<vmem>>, vector<1x16xf32>,
      %swap3A_50 = vector.shape_cast %swap3A_49 : vector<1x16xf32> to vector<16xf32>
      %swap3A_51 = vector.shape_cast %broadcast_in_dim3A_47 : vector<16xf32> to vector<1x16xf32>
      tpu.vector_store %arg7[%swap3A, %swap3A_48], %swap3A_51 {strides = array<i32>} : memref<128x128xf32, #tpu.memory_space<vmem>>, vector<1x16xf32>,
      %broadcast_in_dim3A_52 = arith.constant 0.000000e+00 : f32
      %broadcast_in_dim3A_53 = vector.broadcast %broadcast_in_dim3A_52 : f32 to vector<16xf32>
      %swap3A_54 = arith.index_cast %scan3A_45 : i32 to index
      %swap3A_55 = arith.constant 16 : index
      %swap3A_56 = tpu.vector_load %arg7[%swap3A_54, %swap3A_55] {strides = array<i32>} : memref<128x128xf32, #tpu.memory_space<vmem>>, vector<1x16xf32>,
      %swap3A_57 = vector.shape_cast %swap3A_56 : vector<1x16xf32> to vector<16xf32>
      %swap3A_58 = vector.shape_cast %broadcast_in_dim3A_53 : vector<16xf32> to vector<1x16xf32>
      tpu.vector_store %arg7[%swap3A_54, %swap3A_55], %swap3A_58 {strides = array<i32>} : memref<128x128xf32, #tpu.memory_space<vmem>>, vector<1x16xf32>,
      %broadcast_in_dim3A_59 = arith.constant 0.000000e+00 : f32
      %broadcast_in_dim3A_60 = vector.broadcast %broadcast_in_dim3A_59 : f32 to vector<16xf32>
      %swap3A_61 = arith.index_cast %scan3A_45 : i32 to index
      %swap3A_62 = arith.constant 32 : index
      %swap3A_63 = tpu.vector_load %arg7[%swap3A_61, %swap3A_62] {strides = array<i32>} : memref<128x128xf32, #tpu.memory_space<vmem>>, vector<1x16xf32>,
      %swap3A_64 = vector.shape_cast %swap3A_63 : vector<1x16xf32> to vector<16xf32>
      %swap3A_65 = vector.shape_cast %broadcast_in_dim3A_60 : vector<16xf32> to vector<1x16xf32>
      tpu.vector_store %arg7[%swap3A_61, %swap3A_62], %swap3A_65 {strides = array<i32>} : memref<128x128xf32, #tpu.memory_space<vmem>>, vector<1x16xf32>,
      %broadcast_in_dim3A_66 = arith.constant 0.000000e+00 : f32
      %broadcast_in_dim3A_67 = vector.broadcast %broadcast_in_dim3A_66 : f32 to vector<16xf32>
      %swap3A_68 = arith.index_cast %scan3A_45 : i32 to index
      %swap3A_69 = arith.constant 48 : index
      %swap3A_70 = tpu.vector_load %arg7[%swap3A_68, %swap3A_69] {strides = array<i32>} : memref<128x128xf32, #tpu.memory_space<vmem>>, vector<1x16xf32>,
      %swap3A_71 = vector.shape_cast %swap3A_70 : vector<1x16xf32> to vector<16xf32>
      %swap3A_72 = vector.shape_cast %broadcast_in_dim3A_67 : vector<16xf32> to vector<1x16xf32>
      tpu.vector_store %arg7[%swap3A_68, %swap3A_69], %swap3A_72 {strides = array<i32>} : memref<128x128xf32, #tpu.memory_space<vmem>>, vector<1x16xf32>,
      %broadcast_in_dim3A_73 = arith.constant 0.000000e+00 : f32
      %broadcast_in_dim3A_74 = vector.broadcast %broadcast_in_dim3A_73 : f32 to vector<16xf32>
      %swap3A_75 = arith.index_cast %scan3A_45 : i32 to index
      %swap3A_76 = arith.constant 64 : index
      %swap3A_77 = tpu.vector_load %arg7[%swap3A_75, %swap3A_76] {strides = array<i32>} : memref<128x128xf32, #tpu.memory_space<vmem>>, vector<1x16xf32>,
      %swap3A_78 = vector.shape_cast %swap3A_77 : vector<1x16xf32> to vector<16xf32>
      %swap3A_79 = vector.shape_cast %broadcast_in_dim3A_74 : vector<16xf32> to vector<1x16xf32>
      tpu.vector_store %arg7[%swap3A_75, %swap3A_76], %swap3A_79 {strides = array<i32>} : memref<128x128xf32, #tpu.memory_space<vmem>>, vector<1x16xf32>,
      %broadcast_in_dim3A_80 = arith.constant 0.000000e+00 : f32
      %broadcast_in_dim3A_81 = vector.broadcast %broadcast_in_dim3A_80 : f32 to vector<16xf32>
      %swap3A_82 = arith.index_cast %scan3A_45 : i32 to index
      %swap3A_83 = arith.constant 80 : index
      %swap3A_84 = tpu.vector_load %arg7[%swap3A_82, %swap3A_83] {strides = array<i32>} : memref<128x128xf32, #tpu.memory_space<vmem>>, vector<1x16xf32>,
      %swap3A_85 = vector.shape_cast %swap3A_84 : vector<1x16xf32> to vector<16xf32>
      %swap3A_86 = vector.shape_cast %broadcast_in_dim3A_81 : vector<16xf32> to vector<1x16xf32>
      tpu.vector_store %arg7[%swap3A_82, %swap3A_83], %swap3A_86 {strides = array<i32>} : memref<128x128xf32, #tpu.memory_space<vmem>>, vector<1x16xf32>,
      %broadcast_in_dim3A_87 = arith.constant 0.000000e+00 : f32
      %broadcast_in_dim3A_88 = vector.broadcast %broadcast_in_dim3A_87 : f32 to vector<16xf32>
      %swap3A_89 = arith.index_cast %scan3A_45 : i32 to index
      %swap3A_90 = arith.constant 96 : index
      %swap3A_91 = tpu.vector_load %arg7[%swap3A_89, %swap3A_90] {strides = array<i32>} : memref<128x128xf32, #tpu.memory_space<vmem>>, vector<1x16xf32>,
      %swap3A_92 = vector.shape_cast %swap3A_91 : vector<1x16xf32> to vector<16xf32>
      %swap3A_93 = vector.shape_cast %broadcast_in_dim3A_88 : vector<16xf32> to vector<1x16xf32>
      tpu.vector_store %arg7[%swap3A_89, %swap3A_90], %swap3A_93 {strides = array<i32>} : memref<128x128xf32, #tpu.memory_space<vmem>>, vector<1x16xf32>,
      %broadcast_in_dim3A_94 = arith.constant 0.000000e+00 : f32
      %broadcast_in_dim3A_95 = vector.broadcast %broadcast_in_dim3A_94 : f32 to vector<16xf32>
      %swap3A_96 = arith.index_cast %scan3A_45 : i32 to index
      %swap3A_97 = arith.constant 112 : index
      %swap3A_98 = tpu.vector_load %arg7[%swap3A_96, %swap3A_97] {strides = array<i32>} : memref<128x128xf32, #tpu.memory_space<vmem>>, vector<1x16xf32>,
      %swap3A_99 = vector.shape_cast %swap3A_98 : vector<1x16xf32> to vector<16xf32>
      %swap3A_100 = vector.shape_cast %broadcast_in_dim3A_95 : vector<16xf32> to vector<1x16xf32>
      tpu.vector_store %arg7[%swap3A_96, %swap3A_97], %swap3A_100 {strides = array<i32>} : memref<128x128xf32, #tpu.memory_space<vmem>>, vector<1x16xf32>,
      %scan3A_101 = arith.constant 0 : i32
      scf.yield %scan3A_101 : i32
    }
    %scan3A_6 = arith.constant 128 : i32
    %mul3A_7 = arith.constant 625 : i32
    %mul3A_8 = arith.muli %arg1, %mul3A_7 : i32
    %add3A_9 = arith.constant 0 : i32
    %add3A_10 = arith.addi %mul3A_8, %add3A_9 : i32
    "tpu.region"() ({
      %run_scoped3A = tpu.sem_alloc : memref<!tpu.dma_semaphore, #tpu.memory_space<semaphore_mem>>
      %dma_start3A = arith.constant 0 : i32
      %dma_start3A_45 = tpu.memref_slice %arg5[%add3A_10, %dma_start3A] : memref<10000x128xf32, #tpu.memory_space<vmem_shared>> -> memref<128x128xf32, #tpu.memory_space<vmem_shared>>
      %dma_start3A_46 = arith.constant 0 : i32
      %dma_start3A_47 = tpu.memref_slice %arg5[%add3A_10, %dma_start3A_46] : memref<10000x128xf32, #tpu.memory_space<vmem_shared>> -> memref<128x128xf32, #tpu.memory_space<vmem_shared>>
      tpu.enqueue_dma source(%arg7 : memref<128x128xf32, #tpu.memory_space<vmem>>) target(%dma_start3A_47 : memref<128x128xf32, #tpu.memory_space<vmem_shared>>) target_semaphore(%run_scoped3A : memref<!tpu.dma_semaphore, #tpu.memory_space<semaphore_mem>>)
      %dma_wait3A = arith.constant 0 : i32
      %dma_wait3A_48 = tpu.memref_slice %arg5[%add3A_10, %dma_wait3A] : memref<10000x128xf32, #tpu.memory_space<vmem_shared>> -> memref<128x128xf32, #tpu.memory_space<vmem_shared>>
      %dma_wait3A_49 = arith.constant 0 : i32
      %dma_wait3A_50 = tpu.memref_slice %arg5[%add3A_10, %dma_wait3A_49] : memref<10000x128xf32, #tpu.memory_space<vmem_shared>> -> memref<128x128xf32, #tpu.memory_space<vmem_shared>>
      tpu.wait_dma2 semaphore(%run_scoped3A : memref<!tpu.dma_semaphore, #tpu.memory_space<semaphore_mem>>) src(%arg7 : memref<128x128xf32, #tpu.memory_space<vmem>>) dst(%dma_wait3A_50 : memref<128x128xf32, #tpu.memory_space<vmem_shared>>)
      tpu.yield
    }) : () -> ()
    %mul3A_11 = arith.constant 625 : i32
    %mul3A_12 = arith.muli %arg1, %mul3A_11 : i32
    %add3A_13 = arith.constant 128 : i32
    %add3A_14 = arith.addi %mul3A_12, %add3A_13 : i32
    "tpu.region"() ({
      %run_scoped3A = tpu.sem_alloc : memref<!tpu.dma_semaphore, #tpu.memory_space<semaphore_mem>>
      %dma_start3A = arith.constant 0 : i32
      %dma_start3A_45 = tpu.memref_slice %arg5[%add3A_14, %dma_start3A] : memref<10000x128xf32, #tpu.memory_space<vmem_shared>> -> memref<128x128xf32, #tpu.memory_space<vmem_shared>>
      %dma_start3A_46 = arith.constant 0 : i32
      %dma_start3A_47 = tpu.memref_slice %arg5[%add3A_14, %dma_start3A_46] : memref<10000x128xf32, #tpu.memory_space<vmem_shared>> -> memref<128x128xf32, #tpu.memory_space<vmem_shared>>
      tpu.enqueue_dma source(%arg7 : memref<128x128xf32, #tpu.memory_space<vmem>>) target(%dma_start3A_47 : memref<128x128xf32, #tpu.memory_space<vmem_shared>>) target_semaphore(%run_scoped3A : memref<!tpu.dma_semaphore, #tpu.memory_space<semaphore_mem>>)
      %dma_wait3A = arith.constant 0 : i32
      %dma_wait3A_48 = tpu.memref_slice %arg5[%add3A_14, %dma_wait3A] : memref<10000x128xf32, #tpu.memory_space<vmem_shared>> -> memref<128x128xf32, #tpu.memory_space<vmem_shared>>
      %dma_wait3A_49 = arith.constant 0 : i32
      %dma_wait3A_50 = tpu.memref_slice %arg5[%add3A_14, %dma_wait3A_49] : memref<10000x128xf32, #tpu.memory_space<vmem_shared>> -> memref<128x128xf32, #tpu.memory_space<vmem_shared>>
      tpu.wait_dma2 semaphore(%run_scoped3A : memref<!tpu.dma_semaphore, #tpu.memory_space<semaphore_mem>>) src(%arg7 : memref<128x128xf32, #tpu.memory_space<vmem>>) dst(%dma_wait3A_50 : memref<128x128xf32, #tpu.memory_space<vmem_shared>>)
      tpu.yield
    }) : () -> ()
    %mul3A_15 = arith.constant 625 : i32
    %mul3A_16 = arith.muli %arg1, %mul3A_15 : i32
    %add3A_17 = arith.constant 256 : i32
    %add3A_18 = arith.addi %mul3A_16, %add3A_17 : i32
    "tpu.region"() ({
      %run_scoped3A = tpu.sem_alloc : memref<!tpu.dma_semaphore, #tpu.memory_space<semaphore_mem>>
      %dma_start3A = arith.constant 0 : i32
      %dma_start3A_45 = tpu.memref_slice %arg5[%add3A_18, %dma_start3A] : memref<10000x128xf32, #tpu.memory_space<vmem_shared>> -> memref<128x128xf32, #tpu.memory_space<vmem_shared>>
      %dma_start3A_46 = arith.constant 0 : i32
      %dma_start3A_47 = tpu.memref_slice %arg5[%add3A_18, %dma_start3A_46] : memref<10000x128xf32, #tpu.memory_space<vmem_shared>> -> memref<128x128xf32, #tpu.memory_space<vmem_shared>>
      tpu.enqueue_dma source(%arg7 : memref<128x128xf32, #tpu.memory_space<vmem>>) target(%dma_start3A_47 : memref<128x128xf32, #tpu.memory_space<vmem_shared>>) target_semaphore(%run_scoped3A : memref<!tpu.dma_semaphore, #tpu.memory_space<semaphore_mem>>)
      %dma_wait3A = arith.constant 0 : i32
      %dma_wait3A_48 = tpu.memref_slice %arg5[%add3A_18, %dma_wait3A] : memref<10000x128xf32, #tpu.memory_space<vmem_shared>> -> memref<128x128xf32, #tpu.memory_space<vmem_shared>>
      %dma_wait3A_49 = arith.constant 0 : i32
      %dma_wait3A_50 = tpu.memref_slice %arg5[%add3A_18, %dma_wait3A_49] : memref<10000x128xf32, #tpu.memory_space<vmem_shared>> -> memref<128x128xf32, #tpu.memory_space<vmem_shared>>
      tpu.wait_dma2 semaphore(%run_scoped3A : memref<!tpu.dma_semaphore, #tpu.memory_space<semaphore_mem>>) src(%arg7 : memref<128x128xf32, #tpu.memory_space<vmem>>) dst(%dma_wait3A_50 : memref<128x128xf32, #tpu.memory_space<vmem_shared>>)
      tpu.yield
    }) : () -> ()
    %mul3A_19 = arith.constant 625 : i32
    %mul3A_20 = arith.muli %arg1, %mul3A_19 : i32
    %add3A_21 = arith.constant 384 : i32
    %add3A_22 = arith.addi %mul3A_20, %add3A_21 : i32
    "tpu.region"() ({
      %run_scoped3A = tpu.sem_alloc : memref<!tpu.dma_semaphore, #tpu.memory_space<semaphore_mem>>
      %dma_start3A = arith.constant 0 : i32
      %dma_start3A_45 = tpu.memref_slice %arg5[%add3A_22, %dma_start3A] : memref<10000x128xf32, #tpu.memory_space<vmem_shared>> -> memref<128x128xf32, #tpu.memory_space<vmem_shared>>
      %dma_start3A_46 = arith.constant 0 : i32
      %dma_start3A_47 = tpu.memref_slice %arg5[%add3A_22, %dma_start3A_46] : memref<10000x128xf32, #tpu.memory_space<vmem_shared>> -> memref<128x128xf32, #tpu.memory_space<vmem_shared>>
      tpu.enqueue_dma source(%arg7 : memref<128x128xf32, #tpu.memory_space<vmem>>) target(%dma_start3A_47 : memref<128x128xf32, #tpu.memory_space<vmem_shared>>) target_semaphore(%run_scoped3A : memref<!tpu.dma_semaphore, #tpu.memory_space<semaphore_mem>>)
      %dma_wait3A = arith.constant 0 : i32
      %dma_wait3A_48 = tpu.memref_slice %arg5[%add3A_22, %dma_wait3A] : memref<10000x128xf32, #tpu.memory_space<vmem_shared>> -> memref<128x128xf32, #tpu.memory_space<vmem_shared>>
      %dma_wait3A_49 = arith.constant 0 : i32
      %dma_wait3A_50 = tpu.memref_slice %arg5[%add3A_22, %dma_wait3A_49] : memref<10000x128xf32, #tpu.memory_space<vmem_shared>> -> memref<128x128xf32, #tpu.memory_space<vmem_shared>>
      tpu.wait_dma2 semaphore(%run_scoped3A : memref<!tpu.dma_semaphore, #tpu.memory_space<semaphore_mem>>) src(%arg7 : memref<128x128xf32, #tpu.memory_space<vmem>>) dst(%dma_wait3A_50 : memref<128x128xf32, #tpu.memory_space<vmem_shared>>)
      tpu.yield
    }) : () -> ()
    %mul3A_23 = arith.constant 625 : i32
    %mul3A_24 = arith.muli %arg1, %mul3A_23 : i32
    %add3A_25 = arith.constant 625 : i32
    %add3A_26 = arith.addi %mul3A_24, %add3A_25 : i32
    %sub3A = arith.constant 113 : i32
    %sub3A_27 = arith.subi %add3A_26, %sub3A : i32
    "tpu.region"() ({
      %run_scoped3A = tpu.sem_alloc : memref<!tpu.dma_semaphore, #tpu.memory_space<semaphore_mem>>
      %dma_start3A = arith.constant 0 : i32
      %dma_start3A_45 = arith.constant 0 : i32
      %dma_start3A_46 = tpu.memref_slice %arg7[%dma_start3A, %dma_start3A_45] : memref<128x128xf32, #tpu.memory_space<vmem>> -> memref<113x128xf32, #tpu.memory_space<vmem>>
      %dma_start3A_47 = arith.constant 0 : i32
      %dma_start3A_48 = tpu.memref_slice %arg5[%sub3A_27, %dma_start3A_47] : memref<10000x128xf32, #tpu.memory_space<vmem_shared>> -> memref<113x128xf32, #tpu.memory_space<vmem_shared>>
      %dma_start3A_49 = arith.constant 0 : i32
      %dma_start3A_50 = tpu.memref_slice %arg5[%sub3A_27, %dma_start3A_49] : memref<10000x128xf32, #tpu.memory_space<vmem_shared>> -> memref<113x128xf32, #tpu.memory_space<vmem_shared>>
      %dma_start3A_51 = arith.constant 0 : i32
      %dma_start3A_52 = arith.constant 0 : i32
      %dma_start3A_53 = tpu.memref_slice %arg7[%dma_start3A_51, %dma_start3A_52] : memref<128x128xf32, #tpu.memory_space<vmem>> -> memref<113x128xf32, #tpu.memory_space<vmem>>
      tpu.enqueue_dma source(%dma_start3A_53 : memref<113x128xf32, #tpu.memory_space<vmem>>) target(%dma_start3A_50 : memref<113x128xf32, #tpu.memory_space<vmem_shared>>) target_semaphore(%run_scoped3A : memref<!tpu.dma_semaphore, #tpu.memory_space<semaphore_mem>>)
      %dma_wait3A = arith.constant 0 : i32
      %dma_wait3A_54 = arith.constant 0 : i32
      %dma_wait3A_55 = tpu.memref_slice %arg7[%dma_wait3A, %dma_wait3A_54] : memref<128x128xf32, #tpu.memory_space<vmem>> -> memref<113x128xf32, #tpu.memory_space<vmem>>
      %dma_wait3A_56 = arith.constant 0 : i32
      %dma_wait3A_57 = tpu.memref_slice %arg5[%sub3A_27, %dma_wait3A_56] : memref<10000x128xf32, #tpu.memory_space<vmem_shared>> -> memref<113x128xf32, #tpu.memory_space<vmem_shared>>
      %dma_wait3A_58 = arith.constant 0 : i32
      %dma_wait3A_59 = tpu.memref_slice %arg5[%sub3A_27, %dma_wait3A_58] : memref<10000x128xf32, #tpu.memory_space<vmem_shared>> -> memref<113x128xf32, #tpu.memory_space<vmem_shared>>
      %dma_wait3A_60 = arith.constant 0 : i32
      %dma_wait3A_61 = arith.constant 0 : i32
      %dma_wait3A_62 = tpu.memref_slice %arg7[%dma_wait3A_60, %dma_wait3A_61] : memref<128x128xf32, #tpu.memory_space<vmem>> -> memref<113x128xf32, #tpu.memory_space<vmem>>
      tpu.wait_dma2 semaphore(%run_scoped3A : memref<!tpu.dma_semaphore, #tpu.memory_space<semaphore_mem>>) src(%dma_wait3A_62 : memref<113x128xf32, #tpu.memory_space<vmem>>) dst(%dma_wait3A_59 : memref<113x128xf32, #tpu.memory_space<vmem_shared>>)
      tpu.yield
    }) : () -> ()
    %barrier3A = arith.constant 0 : index
    tpu.barrier barrier_id(%barrier3A)
    %lt3A = arith.constant 31 : i32
    %lt3A_28 = arith.cmpi slt, %add3A, %lt3A : i32
    %convert_element_type3A = arith.extui %lt3A_28 : i1 to i32
    %cond3A = arith.constant 0 : i32
    %cond3A_29 = arith.cmpi ne, %convert_element_type3A, %cond3A : i32
    scf.if %cond3A_29 {
      %mul3A_45 = arith.constant 80 : i32
      %mul3A_46 = arith.muli %add3A, %mul3A_45 : i32
      %add3A_47 = arith.constant 0 : i32
      %add3A_48 = arith.addi %mul3A_46, %add3A_47 : i32
      "tpu.region"() ({
        %run_scoped3A = tpu.sem_alloc : memref<!tpu.dma_semaphore, #tpu.memory_space<semaphore_mem>>
        %dma_start3A_154 = arith.constant 0 : i32
        %dma_start3A_155 = arith.constant 0 : i32
        %dma_start3A_156 = arith.constant 0 : i32
        %dma_start3A_157 = tpu.memref_slice %arg6[%dma_start3A_154, %dma_start3A_155, %dma_start3A_156] : memref<40x2x128xi32, #tpu.memory_space<vmem>> -> memref<40x2x128xi32, #tpu.memory_space<vmem>>
        %dma_start3A_158 = arith.constant 0 : i32
        %dma_start3A_159 = arith.constant 0 : i32
        %dma_start3A_160 = tpu.memref_slice %arg3[%add3A_48, %dma_start3A_158, %dma_start3A_159] : memref<2500x2x128xi32, #tpu.memory_space<hbm>> -> memref<40x2x128xi32, #tpu.memory_space<hbm>>
        %dma_start3A_161 = arith.constant 0 : i32
        %dma_start3A_162 = arith.constant 0 : i32
        %dma_start3A_163 = arith.constant 0 : i32
        %dma_start3A_164 = tpu.memref_slice %arg6[%dma_start3A_161, %dma_start3A_162, %dma_start3A_163] : memref<40x2x128xi32, #tpu.memory_space<vmem>> -> memref<40x2x128xi32, #tpu.memory_space<vmem>>
        %dma_start3A_165 = arith.constant 0 : i32
        %dma_start3A_166 = arith.constant 0 : i32
        %dma_start3A_167 = tpu.memref_slice %arg3[%add3A_48, %dma_start3A_165, %dma_start3A_166] : memref<2500x2x128xi32, #tpu.memory_space<hbm>> -> memref<40x2x128xi32, #tpu.memory_space<hbm>>
        tpu.enqueue_dma source(%dma_start3A_167 : memref<40x2x128xi32, #tpu.memory_space<hbm>>) target(%dma_start3A_164 : memref<40x2x128xi32, #tpu.memory_space<vmem>>) target_semaphore(%run_scoped3A : memref<!tpu.dma_semaphore, #tpu.memory_space<semaphore_mem>>)
        %dma_wait3A = arith.constant 0 : i32
        %dma_wait3A_168 = arith.constant 0 : i32
        %dma_wait3A_169 = arith.constant 0 : i32
        %dma_wait3A_170 = tpu.memref_slice %arg6[%dma_wait3A, %dma_wait3A_168, %dma_wait3A_169] : memref<40x2x128xi32, #tpu.memory_space<vmem>> -> memref<40x2x128xi32, #tpu.memory_space<vmem>>
        %dma_wait3A_171 = arith.constant 0 : i32
        %dma_wait3A_172 = arith.constant 0 : i32
        %dma_wait3A_173 = tpu.memref_slice %arg3[%add3A_48, %dma_wait3A_171, %dma_wait3A_172] : memref<2500x2x128xi32, #tpu.memory_space<hbm>> -> memref<40x2x128xi32, #tpu.memory_space<hbm>>
        %dma_wait3A_174 = arith.constant 0 : i32
        %dma_wait3A_175 = arith.constant 0 : i32
        %dma_wait3A_176 = arith.constant 0 : i32
        %dma_wait3A_177 = tpu.memref_slice %arg6[%dma_wait3A_174, %dma_wait3A_175, %dma_wait3A_176] : memref<40x2x128xi32, #tpu.memory_space<vmem>> -> memref<40x2x128xi32, #tpu.memory_space<vmem>>
        %dma_wait3A_178 = arith.constant 0 : i32
        %dma_wait3A_179 = arith.constant 0 : i32
        %dma_wait3A_180 = tpu.memref_slice %arg3[%add3A_48, %dma_wait3A_178, %dma_wait3A_179] : memref<2500x2x128xi32, #tpu.memory_space<hbm>> -> memref<40x2x128xi32, #tpu.memory_space<hbm>>
        tpu.wait_dma2 semaphore(%run_scoped3A : memref<!tpu.dma_semaphore, #tpu.memory_space<semaphore_mem>>) src(%dma_wait3A_180 : memref<40x2x128xi32, #tpu.memory_space<hbm>>) dst(%dma_wait3A_177 : memref<40x2x128xi32, #tpu.memory_space<vmem>>)
        tpu.yield
      }) : () -> ()
      %dma_start3A = arith.constant 0 : i32
      %dma_start3A_49 = arith.constant 0 : i32
      %dma_start3A_50 = arith.constant 0 : i32
      %dma_start3A_51 = arith.constant 0 : i32
      %dma_start3A_52 = tpu.memref_slice %arg7[%dma_start3A_50, %dma_start3A_51] : memref<128x128xf32, #tpu.memory_space<vmem>> -> memref<32x128xf32, #tpu.memory_space<vmem>>
      %dma_start3A_53 = arith.constant 0 : i32
      %dma_start3A_54 = tpu.memref_slice %arg6[%dma_start3A, %dma_start3A_49, %dma_start3A_53] : memref<40x2x128xi32, #tpu.memory_space<vmem>> -> memref<1x1x32xi32, #tpu.memory_space<vmem>>
      %dma_start3A_55 = tpu.memref_squeeze %dma_start3A_54 : memref<1x1x32xi32, #tpu.memory_space<vmem>> -> memref<32xi32, #tpu.memory_space<vmem>>
      %dma_start3A_56 = arith.constant 0 : i32
      %dma_start3A_57 = arith.constant 0 : i32
      %dma_start3A_58 = tpu.memref_slice %arg2[%dma_start3A_56, %dma_start3A_57] : memref<10000x128xf32, #tpu.memory_space<hbm>> -> memref<10000x128xf32, #tpu.memory_space<hbm>>
      tpu.enqueue_indirect_dma source(%dma_start3A_58 : memref<10000x128xf32, #tpu.memory_space<hbm>>) target(%dma_start3A_52 : memref<32x128xf32, #tpu.memory_space<vmem>>) offsets(%dma_start3A_55 : memref<32xi32, #tpu.memory_space<vmem>>) semaphore(%arg9 : memref<!tpu.dma_semaphore, #tpu.memory_space<semaphore_mem>>)
      %dma_start3A_59 = arith.constant 0 : i32
      %dma_start3A_60 = arith.constant 0 : i32
      %dma_start3A_61 = arith.constant 32 : i32
      %dma_start3A_62 = arith.constant 0 : i32
      %dma_start3A_63 = tpu.memref_slice %arg7[%dma_start3A_61, %dma_start3A_62] : memref<128x128xf32, #tpu.memory_space<vmem>> -> memref<32x128xf32, #tpu.memory_space<vmem>>
      %dma_start3A_64 = arith.constant 32 : i32
      %dma_start3A_65 = tpu.memref_slice %arg6[%dma_start3A_59, %dma_start3A_60, %dma_start3A_64] : memref<40x2x128xi32, #tpu.memory_space<vmem>> -> memref<1x1x32xi32, #tpu.memory_space<vmem>>
      %dma_start3A_66 = tpu.memref_squeeze %dma_start3A_65 : memref<1x1x32xi32, #tpu.memory_space<vmem>> -> memref<32xi32, #tpu.memory_space<vmem>>
      %dma_start3A_67 = arith.constant 0 : i32
      %dma_start3A_68 = arith.constant 0 : i32
      %dma_start3A_69 = tpu.memref_slice %arg2[%dma_start3A_67, %dma_start3A_68] : memref<10000x128xf32, #tpu.memory_space<hbm>> -> memref<10000x128xf32, #tpu.memory_space<hbm>>
      tpu.enqueue_indirect_dma source(%dma_start3A_69 : memref<10000x128xf32, #tpu.memory_space<hbm>>) target(%dma_start3A_63 : memref<32x128xf32, #tpu.memory_space<vmem>>) offsets(%dma_start3A_66 : memref<32xi32, #tpu.memory_space<vmem>>) semaphore(%arg9 : memref<!tpu.dma_semaphore, #tpu.memory_space<semaphore_mem>>)
      %dma_start3A_70 = arith.constant 0 : i32
      %dma_start3A_71 = arith.constant 0 : i32
      %dma_start3A_72 = arith.constant 64 : i32
      %dma_start3A_73 = arith.constant 0 : i32
      %dma_start3A_74 = tpu.memref_slice %arg7[%dma_start3A_72, %dma_start3A_73] : memref<128x128xf32, #tpu.memory_space<vmem>> -> memref<32x128xf32, #tpu.memory_space<vmem>>
      %dma_start3A_75 = arith.constant 64 : i32
      %dma_start3A_76 = tpu.memref_slice %arg6[%dma_start3A_70, %dma_start3A_71, %dma_start3A_75] : memref<40x2x128xi32, #tpu.memory_space<vmem>> -> memref<1x1x32xi32, #tpu.memory_space<vmem>>
      %dma_start3A_77 = tpu.memref_squeeze %dma_start3A_76 : memref<1x1x32xi32, #tpu.memory_space<vmem>> -> memref<32xi32, #tpu.memory_space<vmem>>
      %dma_start3A_78 = arith.constant 0 : i32
      %dma_start3A_79 = arith.constant 0 : i32
      %dma_start3A_80 = tpu.memref_slice %arg2[%dma_start3A_78, %dma_start3A_79] : memref<10000x128xf32, #tpu.memory_space<hbm>> -> memref<10000x128xf32, #tpu.memory_space<hbm>>
      tpu.enqueue_indirect_dma source(%dma_start3A_80 : memref<10000x128xf32, #tpu.memory_space<hbm>>) target(%dma_start3A_74 : memref<32x128xf32, #tpu.memory_space<vmem>>) offsets(%dma_start3A_77 : memref<32xi32, #tpu.memory_space<vmem>>) semaphore(%arg9 : memref<!tpu.dma_semaphore, #tpu.memory_space<semaphore_mem>>)
      %dma_start3A_81 = arith.constant 0 : i32
      %dma_start3A_82 = arith.constant 0 : i32
      %dma_start3A_83 = arith.constant 96 : i32
      %dma_start3A_84 = arith.constant 0 : i32
      %dma_start3A_85 = tpu.memref_slice %arg7[%dma_start3A_83, %dma_start3A_84] : memref<128x128xf32, #tpu.memory_space<vmem>> -> memref<32x128xf32, #tpu.memory_space<vmem>>
      %dma_start3A_86 = arith.constant 96 : i32
      %dma_start3A_87 = tpu.memref_slice %arg6[%dma_start3A_81, %dma_start3A_82, %dma_start3A_86] : memref<40x2x128xi32, #tpu.memory_space<vmem>> -> memref<1x1x32xi32, #tpu.memory_space<vmem>>
      %dma_start3A_88 = tpu.memref_squeeze %dma_start3A_87 : memref<1x1x32xi32, #tpu.memory_space<vmem>> -> memref<32xi32, #tpu.memory_space<vmem>>
      %dma_start3A_89 = arith.constant 0 : i32
      %dma_start3A_90 = arith.constant 0 : i32
      %dma_start3A_91 = tpu.memref_slice %arg2[%dma_start3A_89, %dma_start3A_90] : memref<10000x128xf32, #tpu.memory_space<hbm>> -> memref<10000x128xf32, #tpu.memory_space<hbm>>
      tpu.enqueue_indirect_dma source(%dma_start3A_91 : memref<10000x128xf32, #tpu.memory_space<hbm>>) target(%dma_start3A_85 : memref<32x128xf32, #tpu.memory_space<vmem>>) offsets(%dma_start3A_88 : memref<32xi32, #tpu.memory_space<vmem>>) semaphore(%arg9 : memref<!tpu.dma_semaphore, #tpu.memory_space<semaphore_mem>>)
      %scan3A_92 = arith.constant 0 : i32
      %scan3A_93 = arith.constant 0 : i32
      %scan3A_94 = arith.constant 20 : i32
      %scan3A_95 = arith.addi %scan3A_93, %scan3A_94 : i32
      %scan3A_96 = arith.constant 1 : i32
      %scan3A_97 = scf.for %scan3A_154 = %scan3A_93 to %scan3A_95 step %scan3A_96 iter_args(%scan3A_155 = %scan3A_92) -> (i32)  : i32 {
        %mul3A_156 = arith.constant 2 : i32
        %mul3A_157 = arith.muli %mul3A_156, %scan3A_154 : i32
        %add3A_158 = arith.constant 1 : i32
        %add3A_159 = arith.addi %mul3A_157, %add3A_158 : i32
        %dma_start3A_160 = arith.constant 0 : i32
        %dma_start3A_161 = arith.constant 0 : i32
        %dma_start3A_162 = arith.constant 0 : i32
        %dma_start3A_163 = tpu.memref_slice %arg8[%dma_start3A_161, %dma_start3A_162] : memref<128x128xf32, #tpu.memory_space<vmem>> -> memref<32x128xf32, #tpu.memory_space<vmem>>
        %dma_start3A_164 = arith.constant 0 : i32
        %dma_start3A_165 = tpu.memref_slice %arg6[%add3A_159, %dma_start3A_160, %dma_start3A_164] : memref<40x2x128xi32, #tpu.memory_space<vmem>> -> memref<1x1x32xi32, #tpu.memory_space<vmem>>
        %dma_start3A_166 = tpu.memref_squeeze %dma_start3A_165 : memref<1x1x32xi32, #tpu.memory_space<vmem>> -> memref<32xi32, #tpu.memory_space<vmem>>
        %dma_start3A_167 = arith.constant 0 : i32
        %dma_start3A_168 = arith.constant 0 : i32
        %dma_start3A_169 = tpu.memref_slice %arg2[%dma_start3A_167, %dma_start3A_168] : memref<10000x128xf32, #tpu.memory_space<hbm>> -> memref<10000x128xf32, #tpu.memory_space<hbm>>
        tpu.enqueue_indirect_dma source(%dma_start3A_169 : memref<10000x128xf32, #tpu.memory_space<hbm>>) target(%dma_start3A_163 : memref<32x128xf32, #tpu.memory_space<vmem>>) offsets(%dma_start3A_166 : memref<32xi32, #tpu.memory_space<vmem>>) semaphore(%arg10 : memref<!tpu.dma_semaphore, #tpu.memory_space<semaphore_mem>>)
        %dma_start3A_170 = arith.constant 0 : i32
        %dma_start3A_171 = arith.constant 32 : i32
        %dma_start3A_172 = arith.constant 0 : i32
        %dma_start3A_173 = tpu.memref_slice %arg8[%dma_start3A_171, %dma_start3A_172] : memref<128x128xf32, #tpu.memory_space<vmem>> -> memref<32x128xf32, #tpu.memory_space<vmem>>
        %dma_start3A_174 = arith.constant 32 : i32
        %dma_start3A_175 = tpu.memref_slice %arg6[%add3A_159, %dma_start3A_170, %dma_start3A_174] : memref<40x2x128xi32, #tpu.memory_space<vmem>> -> memref<1x1x32xi32, #tpu.memory_space<vmem>>
        %dma_start3A_176 = tpu.memref_squeeze %dma_start3A_175 : memref<1x1x32xi32, #tpu.memory_space<vmem>> -> memref<32xi32, #tpu.memory_space<vmem>>
        %dma_start3A_177 = arith.constant 0 : i32
        %dma_start3A_178 = arith.constant 0 : i32
        %dma_start3A_179 = tpu.memref_slice %arg2[%dma_start3A_177, %dma_start3A_178] : memref<10000x128xf32, #tpu.memory_space<hbm>> -> memref<10000x128xf32, #tpu.memory_space<hbm>>
        tpu.enqueue_indirect_dma source(%dma_start3A_179 : memref<10000x128xf32, #tpu.memory_space<hbm>>) target(%dma_start3A_173 : memref<32x128xf32, #tpu.memory_space<vmem>>) offsets(%dma_start3A_176 : memref<32xi32, #tpu.memory_space<vmem>>) semaphore(%arg10 : memref<!tpu.dma_semaphore, #tpu.memory_space<semaphore_mem>>)
        %dma_start3A_180 = arith.constant 0 : i32
        %dma_start3A_181 = arith.constant 64 : i32
        %dma_start3A_182 = arith.constant 0 : i32
        %dma_start3A_183 = tpu.memref_slice %arg8[%dma_start3A_181, %dma_start3A_182] : memref<128x128xf32, #tpu.memory_space<vmem>> -> memref<32x128xf32, #tpu.memory_space<vmem>>
        %dma_start3A_184 = arith.constant 64 : i32
        %dma_start3A_185 = tpu.memref_slice %arg6[%add3A_159, %dma_start3A_180, %dma_start3A_184] : memref<40x2x128xi32, #tpu.memory_space<vmem>> -> memref<1x1x32xi32, #tpu.memory_space<vmem>>
        %dma_start3A_186 = tpu.memref_squeeze %dma_start3A_185 : memref<1x1x32xi32, #tpu.memory_space<vmem>> -> memref<32xi32, #tpu.memory_space<vmem>>
        %dma_start3A_187 = arith.constant 0 : i32
        %dma_start3A_188 = arith.constant 0 : i32
        %dma_start3A_189 = tpu.memref_slice %arg2[%dma_start3A_187, %dma_start3A_188] : memref<10000x128xf32, #tpu.memory_space<hbm>> -> memref<10000x128xf32, #tpu.memory_space<hbm>>
        tpu.enqueue_indirect_dma source(%dma_start3A_189 : memref<10000x128xf32, #tpu.memory_space<hbm>>) target(%dma_start3A_183 : memref<32x128xf32, #tpu.memory_space<vmem>>) offsets(%dma_start3A_186 : memref<32xi32, #tpu.memory_space<vmem>>) semaphore(%arg10 : memref<!tpu.dma_semaphore, #tpu.memory_space<semaphore_mem>>)
        %dma_start3A_190 = arith.constant 0 : i32
        %dma_start3A_191 = arith.constant 96 : i32
        %dma_start3A_192 = arith.constant 0 : i32
        %dma_start3A_193 = tpu.memref_slice %arg8[%dma_start3A_191, %dma_start3A_192] : memref<128x128xf32, #tpu.memory_space<vmem>> -> memref<32x128xf32, #tpu.memory_space<vmem>>
        %dma_start3A_194 = arith.constant 96 : i32
        %dma_start3A_195 = tpu.memref_slice %arg6[%add3A_159, %dma_start3A_190, %dma_start3A_194] : memref<40x2x128xi32, #tpu.memory_space<vmem>> -> memref<1x1x32xi32, #tpu.memory_space<vmem>>
        %dma_start3A_196 = tpu.memref_squeeze %dma_start3A_195 : memref<1x1x32xi32, #tpu.memory_space<vmem>> -> memref<32xi32, #tpu.memory_space<vmem>>
        %dma_start3A_197 = arith.constant 0 : i32
        %dma_start3A_198 = arith.constant 0 : i32
        %dma_start3A_199 = tpu.memref_slice %arg2[%dma_start3A_197, %dma_start3A_198] : memref<10000x128xf32, #tpu.memory_space<hbm>> -> memref<10000x128xf32, #tpu.memory_space<hbm>>
        tpu.enqueue_indirect_dma source(%dma_start3A_199 : memref<10000x128xf32, #tpu.memory_space<hbm>>) target(%dma_start3A_193 : memref<32x128xf32, #tpu.memory_space<vmem>>) offsets(%dma_start3A_196 : memref<32xi32, #tpu.memory_space<vmem>>) semaphore(%arg10 : memref<!tpu.dma_semaphore, #tpu.memory_space<semaphore_mem>>)
        %dma_wait3A = arith.constant 0 : i32
        %dma_wait3A_200 = arith.constant 0 : i32
        %dma_wait3A_201 = tpu.memref_slice %arg2[%dma_wait3A, %dma_wait3A_200] : memref<10000x128xf32, #tpu.memory_space<hbm>> -> memref<128x128xf32, #tpu.memory_space<hbm>>
        %dma_wait3A_202 = arith.constant 0 : i32
        %dma_wait3A_203 = arith.constant 0 : i32
        %dma_wait3A_204 = tpu.memref_slice %arg2[%dma_wait3A_202, %dma_wait3A_203] : memref<10000x128xf32, #tpu.memory_space<hbm>> -> memref<128x128xf32, #tpu.memory_space<hbm>>
        tpu.wait_dma2 semaphore(%arg9 : memref<!tpu.dma_semaphore, #tpu.memory_space<semaphore_mem>>) src(%dma_wait3A_204 : memref<128x128xf32, #tpu.memory_space<hbm>>) dst(%arg7 : memref<128x128xf32, #tpu.memory_space<vmem>>)
        %run_scoped3A = arith.constant 1 : i32
        "tpu.region"() ({
          %run_scoped3A_222 = tpu.sem_alloc : memref<!tpu.dma_semaphore, #tpu.memory_space<semaphore_mem>>
          %dma_start3A_223 = arith.constant 0 : i32
          %dma_start3A_224 = tpu.memref_slice %arg6[%mul3A_157, %run_scoped3A, %dma_start3A_223] : memref<40x2x128xi32, #tpu.memory_space<vmem>> -> memref<1x1x128xi32, #tpu.memory_space<vmem>>
          %dma_start3A_225 = tpu.memref_squeeze %dma_start3A_224 : memref<1x1x128xi32, #tpu.memory_space<vmem>> -> memref<128xi32, #tpu.memory_space<vmem>>
          %dma_start3A_226 = arith.constant 0 : i32
          %dma_start3A_227 = arith.constant 0 : i32
          %dma_start3A_228 = tpu.memref_slice %arg5[%dma_start3A_226, %dma_start3A_227] : memref<10000x128xf32, #tpu.memory_space<vmem_shared>> -> memref<10000x128xf32, #tpu.memory_space<vmem_shared>>
          tpu.enqueue_indirect_dma source(%arg7 : memref<128x128xf32, #tpu.memory_space<vmem>>) target(%dma_start3A_228 : memref<10000x128xf32, #tpu.memory_space<vmem_shared>>) offsets(%dma_start3A_225 : memref<128xi32, #tpu.memory_space<vmem>>) semaphore(%run_scoped3A_222 : memref<!tpu.dma_semaphore, #tpu.memory_space<semaphore_mem>>) {add = true}
          %dma_wait3A_229 = arith.constant 0 : i32
          %dma_wait3A_230 = tpu.memref_slice %arg6[%mul3A_157, %run_scoped3A, %dma_wait3A_229] : memref<40x2x128xi32, #tpu.memory_space<vmem>> -> memref<1x1x128xi32, #tpu.memory_space<vmem>>
          %dma_wait3A_231 = tpu.memref_squeeze %dma_wait3A_230 : memref<1x1x128xi32, #tpu.memory_space<vmem>> -> memref<128xi32, #tpu.memory_space<vmem>>
          %dma_wait3A_232 = arith.constant 0 : i32
          %dma_wait3A_233 = arith.constant 0 : i32
          %dma_wait3A_234 = tpu.memref_slice %arg5[%dma_wait3A_232, %dma_wait3A_233] : memref<10000x128xf32, #tpu.memory_space<vmem_shared>> -> memref<10000x128xf32, #tpu.memory_space<vmem_shared>>
          tpu.wait_indirect_dma semaphore(%run_scoped3A_222 : memref<!tpu.dma_semaphore, #tpu.memory_space<semaphore_mem>>) src(%arg7 : memref<128x128xf32, #tpu.memory_space<vmem>>) dst(%dma_wait3A_234 : memref<10000x128xf32, #tpu.memory_space<vmem_shared>>)
          tpu.yield
        }) : () -> ()
        %add3A_205 = arith.constant 2 : i32
        %add3A_206 = arith.addi %mul3A_157, %add3A_205 : i32
        %lt3A_207 = arith.constant 40 : i32
        %lt3A_208 = arith.cmpi slt, %add3A_206, %lt3A_207 : i32
        %convert_element_type3A_209 = arith.extui %lt3A_208 : i1 to i32
        %cond3A_210 = arith.constant 0 : i32
        %cond3A_211 = arith.cmpi ne, %convert_element_type3A_209, %cond3A_210 : i32
        scf.if %cond3A_211 {
          %add3A_222 = arith.constant 2 : i32
          %add3A_223 = arith.addi %mul3A_157, %add3A_222 : i32
          %dma_start3A_224 = arith.constant 0 : i32
          %dma_start3A_225 = arith.constant 0 : i32
          %dma_start3A_226 = arith.constant 0 : i32
          %dma_start3A_227 = tpu.memref_slice %arg7[%dma_start3A_225, %dma_start3A_226] : memref<128x128xf32, #tpu.memory_space<vmem>> -> memref<32x128xf32, #tpu.memory_space<vmem>>
          %dma_start3A_228 = arith.constant 0 : i32
          %dma_start3A_229 = tpu.memref_slice %arg6[%add3A_223, %dma_start3A_224, %dma_start3A_228] : memref<40x2x128xi32, #tpu.memory_space<vmem>> -> memref<1x1x32xi32, #tpu.memory_space<vmem>>
          %dma_start3A_230 = tpu.memref_squeeze %dma_start3A_229 : memref<1x1x32xi32, #tpu.memory_space<vmem>> -> memref<32xi32, #tpu.memory_space<vmem>>
          %dma_start3A_231 = arith.constant 0 : i32
          %dma_start3A_232 = arith.constant 0 : i32
          %dma_start3A_233 = tpu.memref_slice %arg2[%dma_start3A_231, %dma_start3A_232] : memref<10000x128xf32, #tpu.memory_space<hbm>> -> memref<10000x128xf32, #tpu.memory_space<hbm>>
          tpu.enqueue_indirect_dma source(%dma_start3A_233 : memref<10000x128xf32, #tpu.memory_space<hbm>>) target(%dma_start3A_227 : memref<32x128xf32, #tpu.memory_space<vmem>>) offsets(%dma_start3A_230 : memref<32xi32, #tpu.memory_space<vmem>>) semaphore(%arg9 : memref<!tpu.dma_semaphore, #tpu.memory_space<semaphore_mem>>)
          %dma_start3A_234 = arith.constant 0 : i32
          %dma_start3A_235 = arith.constant 32 : i32
          %dma_start3A_236 = arith.constant 0 : i32
          %dma_start3A_237 = tpu.memref_slice %arg7[%dma_start3A_235, %dma_start3A_236] : memref<128x128xf32, #tpu.memory_space<vmem>> -> memref<32x128xf32, #tpu.memory_space<vmem>>
          %dma_start3A_238 = arith.constant 32 : i32
          %dma_start3A_239 = tpu.memref_slice %arg6[%add3A_223, %dma_start3A_234, %dma_start3A_238] : memref<40x2x128xi32, #tpu.memory_space<vmem>> -> memref<1x1x32xi32, #tpu.memory_space<vmem>>
          %dma_start3A_240 = tpu.memref_squeeze %dma_start3A_239 : memref<1x1x32xi32, #tpu.memory_space<vmem>> -> memref<32xi32, #tpu.memory_space<vmem>>
          %dma_start3A_241 = arith.constant 0 : i32
          %dma_start3A_242 = arith.constant 0 : i32
          %dma_start3A_243 = tpu.memref_slice %arg2[%dma_start3A_241, %dma_start3A_242] : memref<10000x128xf32, #tpu.memory_space<hbm>> -> memref<10000x128xf32, #tpu.memory_space<hbm>>
          tpu.enqueue_indirect_dma source(%dma_start3A_243 : memref<10000x128xf32, #tpu.memory_space<hbm>>) target(%dma_start3A_237 : memref<32x128xf32, #tpu.memory_space<vmem>>) offsets(%dma_start3A_240 : memref<32xi32, #tpu.memory_space<vmem>>) semaphore(%arg9 : memref<!tpu.dma_semaphore, #tpu.memory_space<semaphore_mem>>)
          %dma_start3A_244 = arith.constant 0 : i32
          %dma_start3A_245 = arith.constant 64 : i32
          %dma_start3A_246 = arith.constant 0 : i32
          %dma_start3A_247 = tpu.memref_slice %arg7[%dma_start3A_245, %dma_start3A_246] : memref<128x128xf32, #tpu.memory_space<vmem>> -> memref<32x128xf32, #tpu.memory_space<vmem>>
          %dma_start3A_248 = arith.constant 64 : i32
          %dma_start3A_249 = tpu.memref_slice %arg6[%add3A_223, %dma_start3A_244, %dma_start3A_248] : memref<40x2x128xi32, #tpu.memory_space<vmem>> -> memref<1x1x32xi32, #tpu.memory_space<vmem>>
          %dma_start3A_250 = tpu.memref_squeeze %dma_start3A_249 : memref<1x1x32xi32, #tpu.memory_space<vmem>> -> memref<32xi32, #tpu.memory_space<vmem>>
          %dma_start3A_251 = arith.constant 0 : i32
          %dma_start3A_252 = arith.constant 0 : i32
          %dma_start3A_253 = tpu.memref_slice %arg2[%dma_start3A_251, %dma_start3A_252] : memref<10000x128xf32, #tpu.memory_space<hbm>> -> memref<10000x128xf32, #tpu.memory_space<hbm>>
          tpu.enqueue_indirect_dma source(%dma_start3A_253 : memref<10000x128xf32, #tpu.memory_space<hbm>>) target(%dma_start3A_247 : memref<32x128xf32, #tpu.memory_space<vmem>>) offsets(%dma_start3A_250 : memref<32xi32, #tpu.memory_space<vmem>>) semaphore(%arg9 : memref<!tpu.dma_semaphore, #tpu.memory_space<semaphore_mem>>)
          %dma_start3A_254 = arith.constant 0 : i32
          %dma_start3A_255 = arith.constant 96 : i32
          %dma_start3A_256 = arith.constant 0 : i32
          %dma_start3A_257 = tpu.memref_slice %arg7[%dma_start3A_255, %dma_start3A_256] : memref<128x128xf32, #tpu.memory_space<vmem>> -> memref<32x128xf32, #tpu.memory_space<vmem>>
          %dma_start3A_258 = arith.constant 96 : i32
          %dma_start3A_259 = tpu.memref_slice %arg6[%add3A_223, %dma_start3A_254, %dma_start3A_258] : memref<40x2x128xi32, #tpu.memory_space<vmem>> -> memref<1x1x32xi32, #tpu.memory_space<vmem>>
          %dma_start3A_260 = tpu.memref_squeeze %dma_start3A_259 : memref<1x1x32xi32, #tpu.memory_space<vmem>> -> memref<32xi32, #tpu.memory_space<vmem>>
          %dma_start3A_261 = arith.constant 0 : i32
          %dma_start3A_262 = arith.constant 0 : i32
          %dma_start3A_263 = tpu.memref_slice %arg2[%dma_start3A_261, %dma_start3A_262] : memref<10000x128xf32, #tpu.memory_space<hbm>> -> memref<10000x128xf32, #tpu.memory_space<hbm>>
          tpu.enqueue_indirect_dma source(%dma_start3A_263 : memref<10000x128xf32, #tpu.memory_space<hbm>>) target(%dma_start3A_257 : memref<32x128xf32, #tpu.memory_space<vmem>>) offsets(%dma_start3A_260 : memref<32xi32, #tpu.memory_space<vmem>>) semaphore(%arg9 : memref<!tpu.dma_semaphore, #tpu.memory_space<semaphore_mem>>)
        } else {
        }
        %dma_wait3A_212 = arith.constant 0 : i32
        %dma_wait3A_213 = arith.constant 0 : i32
        %dma_wait3A_214 = tpu.memref_slice %arg2[%dma_wait3A_212, %dma_wait3A_213] : memref<10000x128xf32, #tpu.memory_space<hbm>> -> memref<128x128xf32, #tpu.memory_space<hbm>>
        %dma_wait3A_215 = arith.constant 0 : i32
        %dma_wait3A_216 = arith.constant 0 : i32
        %dma_wait3A_217 = tpu.memref_slice %arg2[%dma_wait3A_215, %dma_wait3A_216] : memref<10000x128xf32, #tpu.memory_space<hbm>> -> memref<128x128xf32, #tpu.memory_space<hbm>>
        tpu.wait_dma2 semaphore(%arg10 : memref<!tpu.dma_semaphore, #tpu.memory_space<semaphore_mem>>) src(%dma_wait3A_217 : memref<128x128xf32, #tpu.memory_space<hbm>>) dst(%arg8 : memref<128x128xf32, #tpu.memory_space<vmem>>)
        %add3A_218 = arith.constant 1 : i32
        %add3A_219 = arith.addi %mul3A_157, %add3A_218 : i32
        %run_scoped3A_220 = arith.constant 1 : i32
        "tpu.region"() ({
          %run_scoped3A_222 = tpu.sem_alloc : memref<!tpu.dma_semaphore, #tpu.memory_space<semaphore_mem>>
          %dma_start3A_223 = arith.constant 0 : i32
          %dma_start3A_224 = tpu.memref_slice %arg6[%add3A_219, %run_scoped3A_220, %dma_start3A_223] : memref<40x2x128xi32, #tpu.memory_space<vmem>> -> memref<1x1x128xi32, #tpu.memory_space<vmem>>
          %dma_start3A_225 = tpu.memref_squeeze %dma_start3A_224 : memref<1x1x128xi32, #tpu.memory_space<vmem>> -> memref<128xi32, #tpu.memory_space<vmem>>
          %dma_start3A_226 = arith.constant 0 : i32
          %dma_start3A_227 = arith.constant 0 : i32
          %dma_start3A_228 = tpu.memref_slice %arg5[%dma_start3A_226, %dma_start3A_227] : memref<10000x128xf32, #tpu.memory_space<vmem_shared>> -> memref<10000x128xf32, #tpu.memory_space<vmem_shared>>
          tpu.enqueue_indirect_dma source(%arg8 : memref<128x128xf32, #tpu.memory_space<vmem>>) target(%dma_start3A_228 : memref<10000x128xf32, #tpu.memory_space<vmem_shared>>) offsets(%dma_start3A_225 : memref<128xi32, #tpu.memory_space<vmem>>) semaphore(%run_scoped3A_222 : memref<!tpu.dma_semaphore, #tpu.memory_space<semaphore_mem>>) {add = true}
          %dma_wait3A_229 = arith.constant 0 : i32
          %dma_wait3A_230 = tpu.memref_slice %arg6[%add3A_219, %run_scoped3A_220, %dma_wait3A_229] : memref<40x2x128xi32, #tpu.memory_space<vmem>> -> memref<1x1x128xi32, #tpu.memory_space<vmem>>
          %dma_wait3A_231 = tpu.memref_squeeze %dma_wait3A_230 : memref<1x1x128xi32, #tpu.memory_space<vmem>> -> memref<128xi32, #tpu.memory_space<vmem>>
          %dma_wait3A_232 = arith.constant 0 : i32
          %dma_wait3A_233 = arith.constant 0 : i32
          %dma_wait3A_234 = tpu.memref_slice %arg5[%dma_wait3A_232, %dma_wait3A_233] : memref<10000x128xf32, #tpu.memory_space<vmem_shared>> -> memref<10000x128xf32, #tpu.memory_space<vmem_shared>>
          tpu.wait_indirect_dma semaphore(%run_scoped3A_222 : memref<!tpu.dma_semaphore, #tpu.memory_space<semaphore_mem>>) src(%arg8 : memref<128x128xf32, #tpu.memory_space<vmem>>) dst(%dma_wait3A_234 : memref<10000x128xf32, #tpu.memory_space<vmem_shared>>)
          tpu.yield
        }) : () -> ()
        %scan3A_221 = arith.constant 0 : i32
        scf.yield %scan3A_221 : i32
      }
      %scan3A_98 = arith.constant 20 : i32
      %mul3A_99 = arith.constant 80 : i32
      %mul3A_100 = arith.muli %add3A, %mul3A_99 : i32
      %add3A_101 = arith.constant 40 : i32
      %add3A_102 = arith.addi %mul3A_100, %add3A_101 : i32
      "tpu.region"() ({
        %run_scoped3A = tpu.sem_alloc : memref<!tpu.dma_semaphore, #tpu.memory_space<semaphore_mem>>
        %dma_start3A_154 = arith.constant 0 : i32
        %dma_start3A_155 = arith.constant 0 : i32
        %dma_start3A_156 = arith.constant 0 : i32
        %dma_start3A_157 = tpu.memref_slice %arg6[%dma_start3A_154, %dma_start3A_155, %dma_start3A_156] : memref<40x2x128xi32, #tpu.memory_space<vmem>> -> memref<40x2x128xi32, #tpu.memory_space<vmem>>
        %dma_start3A_158 = arith.constant 0 : i32
        %dma_start3A_159 = arith.constant 0 : i32
        %dma_start3A_160 = tpu.memref_slice %arg3[%add3A_102, %dma_start3A_158, %dma_start3A_159] : memref<2500x2x128xi32, #tpu.memory_space<hbm>> -> memref<40x2x128xi32, #tpu.memory_space<hbm>>
        %dma_start3A_161 = arith.constant 0 : i32
        %dma_start3A_162 = arith.constant 0 : i32
        %dma_start3A_163 = arith.constant 0 : i32
        %dma_start3A_164 = tpu.memref_slice %arg6[%dma_start3A_161, %dma_start3A_162, %dma_start3A_163] : memref<40x2x128xi32, #tpu.memory_space<vmem>> -> memref<40x2x128xi32, #tpu.memory_space<vmem>>
        %dma_start3A_165 = arith.constant 0 : i32
        %dma_start3A_166 = arith.constant 0 : i32
        %dma_start3A_167 = tpu.memref_slice %arg3[%add3A_102, %dma_start3A_165, %dma_start3A_166] : memref<2500x2x128xi32, #tpu.memory_space<hbm>> -> memref<40x2x128xi32, #tpu.memory_space<hbm>>
        tpu.enqueue_dma source(%dma_start3A_167 : memref<40x2x128xi32, #tpu.memory_space<hbm>>) target(%dma_start3A_164 : memref<40x2x128xi32, #tpu.memory_space<vmem>>) target_semaphore(%run_scoped3A : memref<!tpu.dma_semaphore, #tpu.memory_space<semaphore_mem>>)
        %dma_wait3A = arith.constant 0 : i32
        %dma_wait3A_168 = arith.constant 0 : i32
        %dma_wait3A_169 = arith.constant 0 : i32
        %dma_wait3A_170 = tpu.memref_slice %arg6[%dma_wait3A, %dma_wait3A_168, %dma_wait3A_169] : memref<40x2x128xi32, #tpu.memory_space<vmem>> -> memref<40x2x128xi32, #tpu.memory_space<vmem>>
        %dma_wait3A_171 = arith.constant 0 : i32
        %dma_wait3A_172 = arith.constant 0 : i32
        %dma_wait3A_173 = tpu.memref_slice %arg3[%add3A_102, %dma_wait3A_171, %dma_wait3A_172] : memref<2500x2x128xi32, #tpu.memory_space<hbm>> -> memref<40x2x128xi32, #tpu.memory_space<hbm>>
        %dma_wait3A_174 = arith.constant 0 : i32
        %dma_wait3A_175 = arith.constant 0 : i32
        %dma_wait3A_176 = arith.constant 0 : i32
        %dma_wait3A_177 = tpu.memref_slice %arg6[%dma_wait3A_174, %dma_wait3A_175, %dma_wait3A_176] : memref<40x2x128xi32, #tpu.memory_space<vmem>> -> memref<40x2x128xi32, #tpu.memory_space<vmem>>
        %dma_wait3A_178 = arith.constant 0 : i32
        %dma_wait3A_179 = arith.constant 0 : i32
        %dma_wait3A_180 = tpu.memref_slice %arg3[%add3A_102, %dma_wait3A_178, %dma_wait3A_179] : memref<2500x2x128xi32, #tpu.memory_space<hbm>> -> memref<40x2x128xi32, #tpu.memory_space<hbm>>
        tpu.wait_dma2 semaphore(%run_scoped3A : memref<!tpu.dma_semaphore, #tpu.memory_space<semaphore_mem>>) src(%dma_wait3A_180 : memref<40x2x128xi32, #tpu.memory_space<hbm>>) dst(%dma_wait3A_177 : memref<40x2x128xi32, #tpu.memory_space<vmem>>)
        tpu.yield
      }) : () -> ()
      %dma_start3A_103 = arith.constant 0 : i32
      %dma_start3A_104 = arith.constant 0 : i32
      %dma_start3A_105 = arith.constant 0 : i32
      %dma_start3A_106 = arith.constant 0 : i32
      %dma_start3A_107 = tpu.memref_slice %arg7[%dma_start3A_105, %dma_start3A_106] : memref<128x128xf32, #tpu.memory_space<vmem>> -> memref<32x128xf32, #tpu.memory_space<vmem>>
      %dma_start3A_108 = arith.constant 0 : i32
      %dma_start3A_109 = tpu.memref_slice %arg6[%dma_start3A_103, %dma_start3A_104, %dma_start3A_108] : memref<40x2x128xi32, #tpu.memory_space<vmem>> -> memref<1x1x32xi32, #tpu.memory_space<vmem>>
      %dma_start3A_110 = tpu.memref_squeeze %dma_start3A_109 : memref<1x1x32xi32, #tpu.memory_space<vmem>> -> memref<32xi32, #tpu.memory_space<vmem>>
      %dma_start3A_111 = arith.constant 0 : i32
      %dma_start3A_112 = arith.constant 0 : i32
      %dma_start3A_113 = tpu.memref_slice %arg2[%dma_start3A_111, %dma_start3A_112] : memref<10000x128xf32, #tpu.memory_space<hbm>> -> memref<10000x128xf32, #tpu.memory_space<hbm>>
      tpu.enqueue_indirect_dma source(%dma_start3A_113 : memref<10000x128xf32, #tpu.memory_space<hbm>>) target(%dma_start3A_107 : memref<32x128xf32, #tpu.memory_space<vmem>>) offsets(%dma_start3A_110 : memref<32xi32, #tpu.memory_space<vmem>>) semaphore(%arg9 : memref<!tpu.dma_semaphore, #tpu.memory_space<semaphore_mem>>)
      %dma_start3A_114 = arith.constant 0 : i32
      %dma_start3A_115 = arith.constant 0 : i32
      %dma_start3A_116 = arith.constant 32 : i32
      %dma_start3A_117 = arith.constant 0 : i32
      %dma_start3A_118 = tpu.memref_slice %arg7[%dma_start3A_116, %dma_start3A_117] : memref<128x128xf32, #tpu.memory_space<vmem>> -> memref<32x128xf32, #tpu.memory_space<vmem>>
      %dma_start3A_119 = arith.constant 32 : i32
      %dma_start3A_120 = tpu.memref_slice %arg6[%dma_start3A_114, %dma_start3A_115, %dma_start3A_119] : memref<40x2x128xi32, #tpu.memory_space<vmem>> -> memref<1x1x32xi32, #tpu.memory_space<vmem>>
      %dma_start3A_121 = tpu.memref_squeeze %dma_start3A_120 : memref<1x1x32xi32, #tpu.memory_space<vmem>> -> memref<32xi32, #tpu.memory_space<vmem>>
      %dma_start3A_122 = arith.constant 0 : i32
      %dma_start3A_123 = arith.constant 0 : i32
      %dma_start3A_124 = tpu.memref_slice %arg2[%dma_start3A_122, %dma_start3A_123] : memref<10000x128xf32, #tpu.memory_space<hbm>> -> memref<10000x128xf32, #tpu.memory_space<hbm>>
      tpu.enqueue_indirect_dma source(%dma_start3A_124 : memref<10000x128xf32, #tpu.memory_space<hbm>>) target(%dma_start3A_118 : memref<32x128xf32, #tpu.memory_space<vmem>>) offsets(%dma_start3A_121 : memref<32xi32, #tpu.memory_space<vmem>>) semaphore(%arg9 : memref<!tpu.dma_semaphore, #tpu.memory_space<semaphore_mem>>)
      %dma_start3A_125 = arith.constant 0 : i32
      %dma_start3A_126 = arith.constant 0 : i32
      %dma_start3A_127 = arith.constant 64 : i32
      %dma_start3A_128 = arith.constant 0 : i32
      %dma_start3A_129 = tpu.memref_slice %arg7[%dma_start3A_127, %dma_start3A_128] : memref<128x128xf32, #tpu.memory_space<vmem>> -> memref<32x128xf32, #tpu.memory_space<vmem>>
      %dma_start3A_130 = arith.constant 64 : i32
      %dma_start3A_131 = tpu.memref_slice %arg6[%dma_start3A_125, %dma_start3A_126, %dma_start3A_130] : memref<40x2x128xi32, #tpu.memory_space<vmem>> -> memref<1x1x32xi32, #tpu.memory_space<vmem>>
      %dma_start3A_132 = tpu.memref_squeeze %dma_start3A_131 : memref<1x1x32xi32, #tpu.memory_space<vmem>> -> memref<32xi32, #tpu.memory_space<vmem>>
      %dma_start3A_133 = arith.constant 0 : i32
      %dma_start3A_134 = arith.constant 0 : i32
      %dma_start3A_135 = tpu.memref_slice %arg2[%dma_start3A_133, %dma_start3A_134] : memref<10000x128xf32, #tpu.memory_space<hbm>> -> memref<10000x128xf32, #tpu.memory_space<hbm>>
      tpu.enqueue_indirect_dma source(%dma_start3A_135 : memref<10000x128xf32, #tpu.memory_space<hbm>>) target(%dma_start3A_129 : memref<32x128xf32, #tpu.memory_space<vmem>>) offsets(%dma_start3A_132 : memref<32xi32, #tpu.memory_space<vmem>>) semaphore(%arg9 : memref<!tpu.dma_semaphore, #tpu.memory_space<semaphore_mem>>)
      %dma_start3A_136 = arith.constant 0 : i32
      %dma_start3A_137 = arith.constant 0 : i32
      %dma_start3A_138 = arith.constant 96 : i32
      %dma_start3A_139 = arith.constant 0 : i32
      %dma_start3A_140 = tpu.memref_slice %arg7[%dma_start3A_138, %dma_start3A_139] : memref<128x128xf32, #tpu.memory_space<vmem>> -> memref<32x128xf32, #tpu.memory_space<vmem>>
      %dma_start3A_141 = arith.constant 96 : i32
      %dma_start3A_142 = tpu.memref_slice %arg6[%dma_start3A_136, %dma_start3A_137, %dma_start3A_141] : memref<40x2x128xi32, #tpu.memory_space<vmem>> -> memref<1x1x32xi32, #tpu.memory_space<vmem>>
      %dma_start3A_143 = tpu.memref_squeeze %dma_start3A_142 : memref<1x1x32xi32, #tpu.memory_space<vmem>> -> memref<32xi32, #tpu.memory_space<vmem>>
      %dma_start3A_144 = arith.constant 0 : i32
      %dma_start3A_145 = arith.constant 0 : i32
      %dma_start3A_146 = tpu.memref_slice %arg2[%dma_start3A_144, %dma_start3A_145] : memref<10000x128xf32, #tpu.memory_space<hbm>> -> memref<10000x128xf32, #tpu.memory_space<hbm>>
      tpu.enqueue_indirect_dma source(%dma_start3A_146 : memref<10000x128xf32, #tpu.memory_space<hbm>>) target(%dma_start3A_140 : memref<32x128xf32, #tpu.memory_space<vmem>>) offsets(%dma_start3A_143 : memref<32xi32, #tpu.memory_space<vmem>>) semaphore(%arg9 : memref<!tpu.dma_semaphore, #tpu.memory_space<semaphore_mem>>)
      %scan3A_147 = arith.constant 0 : i32
      %scan3A_148 = arith.constant 0 : i32
      %scan3A_149 = arith.constant 20 : i32
      %scan3A_150 = arith.addi %scan3A_148, %scan3A_149 : i32
      %scan3A_151 = arith.constant 1 : i32
      %scan3A_152 = scf.for %scan3A_154 = %scan3A_148 to %scan3A_150 step %scan3A_151 iter_args(%scan3A_155 = %scan3A_147) -> (i32)  : i32 {
        %mul3A_156 = arith.constant 2 : i32
        %mul3A_157 = arith.muli %mul3A_156, %scan3A_154 : i32
        %add3A_158 = arith.constant 1 : i32
        %add3A_159 = arith.addi %mul3A_157, %add3A_158 : i32
        %dma_start3A_160 = arith.constant 0 : i32
        %dma_start3A_161 = arith.constant 0 : i32
        %dma_start3A_162 = arith.constant 0 : i32
        %dma_start3A_163 = tpu.memref_slice %arg8[%dma_start3A_161, %dma_start3A_162] : memref<128x128xf32, #tpu.memory_space<vmem>> -> memref<32x128xf32, #tpu.memory_space<vmem>>
        %dma_start3A_164 = arith.constant 0 : i32
        %dma_start3A_165 = tpu.memref_slice %arg6[%add3A_159, %dma_start3A_160, %dma_start3A_164] : memref<40x2x128xi32, #tpu.memory_space<vmem>> -> memref<1x1x32xi32, #tpu.memory_space<vmem>>
        %dma_start3A_166 = tpu.memref_squeeze %dma_start3A_165 : memref<1x1x32xi32, #tpu.memory_space<vmem>> -> memref<32xi32, #tpu.memory_space<vmem>>
        %dma_start3A_167 = arith.constant 0 : i32
        %dma_start3A_168 = arith.constant 0 : i32
        %dma_start3A_169 = tpu.memref_slice %arg2[%dma_start3A_167, %dma_start3A_168] : memref<10000x128xf32, #tpu.memory_space<hbm>> -> memref<10000x128xf32, #tpu.memory_space<hbm>>
        tpu.enqueue_indirect_dma source(%dma_start3A_169 : memref<10000x128xf32, #tpu.memory_space<hbm>>) target(%dma_start3A_163 : memref<32x128xf32, #tpu.memory_space<vmem>>) offsets(%dma_start3A_166 : memref<32xi32, #tpu.memory_space<vmem>>) semaphore(%arg10 : memref<!tpu.dma_semaphore, #tpu.memory_space<semaphore_mem>>)
        %dma_start3A_170 = arith.constant 0 : i32
        %dma_start3A_171 = arith.constant 32 : i32
        %dma_start3A_172 = arith.constant 0 : i32
        %dma_start3A_173 = tpu.memref_slice %arg8[%dma_start3A_171, %dma_start3A_172] : memref<128x128xf32, #tpu.memory_space<vmem>> -> memref<32x128xf32, #tpu.memory_space<vmem>>
        %dma_start3A_174 = arith.constant 32 : i32
        %dma_start3A_175 = tpu.memref_slice %arg6[%add3A_159, %dma_start3A_170, %dma_start3A_174] : memref<40x2x128xi32, #tpu.memory_space<vmem>> -> memref<1x1x32xi32, #tpu.memory_space<vmem>>
        %dma_start3A_176 = tpu.memref_squeeze %dma_start3A_175 : memref<1x1x32xi32, #tpu.memory_space<vmem>> -> memref<32xi32, #tpu.memory_space<vmem>>
        %dma_start3A_177 = arith.constant 0 : i32
        %dma_start3A_178 = arith.constant 0 : i32
        %dma_start3A_179 = tpu.memref_slice %arg2[%dma_start3A_177, %dma_start3A_178] : memref<10000x128xf32, #tpu.memory_space<hbm>> -> memref<10000x128xf32, #tpu.memory_space<hbm>>
        tpu.enqueue_indirect_dma source(%dma_start3A_179 : memref<10000x128xf32, #tpu.memory_space<hbm>>) target(%dma_start3A_173 : memref<32x128xf32, #tpu.memory_space<vmem>>) offsets(%dma_start3A_176 : memref<32xi32, #tpu.memory_space<vmem>>) semaphore(%arg10 : memref<!tpu.dma_semaphore, #tpu.memory_space<semaphore_mem>>)
        %dma_start3A_180 = arith.constant 0 : i32
        %dma_start3A_181 = arith.constant 64 : i32
        %dma_start3A_182 = arith.constant 0 : i32
        %dma_start3A_183 = tpu.memref_slice %arg8[%dma_start3A_181, %dma_start3A_182] : memref<128x128xf32, #tpu.memory_space<vmem>> -> memref<32x128xf32, #tpu.memory_space<vmem>>
        %dma_start3A_184 = arith.constant 64 : i32
        %dma_start3A_185 = tpu.memref_slice %arg6[%add3A_159, %dma_start3A_180, %dma_start3A_184] : memref<40x2x128xi32, #tpu.memory_space<vmem>> -> memref<1x1x32xi32, #tpu.memory_space<vmem>>
        %dma_start3A_186 = tpu.memref_squeeze %dma_start3A_185 : memref<1x1x32xi32, #tpu.memory_space<vmem>> -> memref<32xi32, #tpu.memory_space<vmem>>
        %dma_start3A_187 = arith.constant 0 : i32
        %dma_start3A_188 = arith.constant 0 : i32
        %dma_start3A_189 = tpu.memref_slice %arg2[%dma_start3A_187, %dma_start3A_188] : memref<10000x128xf32, #tpu.memory_space<hbm>> -> memref<10000x128xf32, #tpu.memory_space<hbm>>
        tpu.enqueue_indirect_dma source(%dma_start3A_189 : memref<10000x128xf32, #tpu.memory_space<hbm>>) target(%dma_start3A_183 : memref<32x128xf32, #tpu.memory_space<vmem>>) offsets(%dma_start3A_186 : memref<32xi32, #tpu.memory_space<vmem>>) semaphore(%arg10 : memref<!tpu.dma_semaphore, #tpu.memory_space<semaphore_mem>>)
        %dma_start3A_190 = arith.constant 0 : i32
        %dma_start3A_191 = arith.constant 96 : i32
        %dma_start3A_192 = arith.constant 0 : i32
        %dma_start3A_193 = tpu.memref_slice %arg8[%dma_start3A_191, %dma_start3A_192] : memref<128x128xf32, #tpu.memory_space<vmem>> -> memref<32x128xf32, #tpu.memory_space<vmem>>
        %dma_start3A_194 = arith.constant 96 : i32
        %dma_start3A_195 = tpu.memref_slice %arg6[%add3A_159, %dma_start3A_190, %dma_start3A_194] : memref<40x2x128xi32, #tpu.memory_space<vmem>> -> memref<1x1x32xi32, #tpu.memory_space<vmem>>
        %dma_start3A_196 = tpu.memref_squeeze %dma_start3A_195 : memref<1x1x32xi32, #tpu.memory_space<vmem>> -> memref<32xi32, #tpu.memory_space<vmem>>
        %dma_start3A_197 = arith.constant 0 : i32
        %dma_start3A_198 = arith.constant 0 : i32
        %dma_start3A_199 = tpu.memref_slice %arg2[%dma_start3A_197, %dma_start3A_198] : memref<10000x128xf32, #tpu.memory_space<hbm>> -> memref<10000x128xf32, #tpu.memory_space<hbm>>
        tpu.enqueue_indirect_dma source(%dma_start3A_199 : memref<10000x128xf32, #tpu.memory_space<hbm>>) target(%dma_start3A_193 : memref<32x128xf32, #tpu.memory_space<vmem>>) offsets(%dma_start3A_196 : memref<32xi32, #tpu.memory_space<vmem>>) semaphore(%arg10 : memref<!tpu.dma_semaphore, #tpu.memory_space<semaphore_mem>>)
        %dma_wait3A = arith.constant 0 : i32
        %dma_wait3A_200 = arith.constant 0 : i32
        %dma_wait3A_201 = tpu.memref_slice %arg2[%dma_wait3A, %dma_wait3A_200] : memref<10000x128xf32, #tpu.memory_space<hbm>> -> memref<128x128xf32, #tpu.memory_space<hbm>>
        %dma_wait3A_202 = arith.constant 0 : i32
        %dma_wait3A_203 = arith.constant 0 : i32
        %dma_wait3A_204 = tpu.memref_slice %arg2[%dma_wait3A_202, %dma_wait3A_203] : memref<10000x128xf32, #tpu.memory_space<hbm>> -> memref<128x128xf32, #tpu.memory_space<hbm>>
        tpu.wait_dma2 semaphore(%arg9 : memref<!tpu.dma_semaphore, #tpu.memory_space<semaphore_mem>>) src(%dma_wait3A_204 : memref<128x128xf32, #tpu.memory_space<hbm>>) dst(%arg7 : memref<128x128xf32, #tpu.memory_space<vmem>>)
        %run_scoped3A = arith.constant 1 : i32
        "tpu.region"() ({
          %run_scoped3A_222 = tpu.sem_alloc : memref<!tpu.dma_semaphore, #tpu.memory_space<semaphore_mem>>
          %dma_start3A_223 = arith.constant 0 : i32
          %dma_start3A_224 = tpu.memref_slice %arg6[%mul3A_157, %run_scoped3A, %dma_start3A_223] : memref<40x2x128xi32, #tpu.memory_space<vmem>> -> memref<1x1x128xi32, #tpu.memory_space<vmem>>
          %dma_start3A_225 = tpu.memref_squeeze %dma_start3A_224 : memref<1x1x128xi32, #tpu.memory_space<vmem>> -> memref<128xi32, #tpu.memory_space<vmem>>
          %dma_start3A_226 = arith.constant 0 : i32
          %dma_start3A_227 = arith.constant 0 : i32
          %dma_start3A_228 = tpu.memref_slice %arg5[%dma_start3A_226, %dma_start3A_227] : memref<10000x128xf32, #tpu.memory_space<vmem_shared>> -> memref<10000x128xf32, #tpu.memory_space<vmem_shared>>
          tpu.enqueue_indirect_dma source(%arg7 : memref<128x128xf32, #tpu.memory_space<vmem>>) target(%dma_start3A_228 : memref<10000x128xf32, #tpu.memory_space<vmem_shared>>) offsets(%dma_start3A_225 : memref<128xi32, #tpu.memory_space<vmem>>) semaphore(%run_scoped3A_222 : memref<!tpu.dma_semaphore, #tpu.memory_space<semaphore_mem>>) {add = true}
          %dma_wait3A_229 = arith.constant 0 : i32
          %dma_wait3A_230 = tpu.memref_slice %arg6[%mul3A_157, %run_scoped3A, %dma_wait3A_229] : memref<40x2x128xi32, #tpu.memory_space<vmem>> -> memref<1x1x128xi32, #tpu.memory_space<vmem>>
          %dma_wait3A_231 = tpu.memref_squeeze %dma_wait3A_230 : memref<1x1x128xi32, #tpu.memory_space<vmem>> -> memref<128xi32, #tpu.memory_space<vmem>>
          %dma_wait3A_232 = arith.constant 0 : i32
          %dma_wait3A_233 = arith.constant 0 : i32
          %dma_wait3A_234 = tpu.memref_slice %arg5[%dma_wait3A_232, %dma_wait3A_233] : memref<10000x128xf32, #tpu.memory_space<vmem_shared>> -> memref<10000x128xf32, #tpu.memory_space<vmem_shared>>
          tpu.wait_indirect_dma semaphore(%run_scoped3A_222 : memref<!tpu.dma_semaphore, #tpu.memory_space<semaphore_mem>>) src(%arg7 : memref<128x128xf32, #tpu.memory_space<vmem>>) dst(%dma_wait3A_234 : memref<10000x128xf32, #tpu.memory_space<vmem_shared>>)
          tpu.yield
        }) : () -> ()
        %add3A_205 = arith.constant 2 : i32
        %add3A_206 = arith.addi %mul3A_157, %add3A_205 : i32
        %lt3A_207 = arith.constant 40 : i32
        %lt3A_208 = arith.cmpi slt, %add3A_206, %lt3A_207 : i32
        %convert_element_type3A_209 = arith.extui %lt3A_208 : i1 to i32
        %cond3A_210 = arith.constant 0 : i32
        %cond3A_211 = arith.cmpi ne, %convert_element_type3A_209, %cond3A_210 : i32
        scf.if %cond3A_211 {
          %add3A_222 = arith.constant 2 : i32
          %add3A_223 = arith.addi %mul3A_157, %add3A_222 : i32
          %dma_start3A_224 = arith.constant 0 : i32
          %dma_start3A_225 = arith.constant 0 : i32
          %dma_start3A_226 = arith.constant 0 : i32
          %dma_start3A_227 = tpu.memref_slice %arg7[%dma_start3A_225, %dma_start3A_226] : memref<128x128xf32, #tpu.memory_space<vmem>> -> memref<32x128xf32, #tpu.memory_space<vmem>>
          %dma_start3A_228 = arith.constant 0 : i32
          %dma_start3A_229 = tpu.memref_slice %arg6[%add3A_223, %dma_start3A_224, %dma_start3A_228] : memref<40x2x128xi32, #tpu.memory_space<vmem>> -> memref<1x1x32xi32, #tpu.memory_space<vmem>>
          %dma_start3A_230 = tpu.memref_squeeze %dma_start3A_229 : memref<1x1x32xi32, #tpu.memory_space<vmem>> -> memref<32xi32, #tpu.memory_space<vmem>>
          %dma_start3A_231 = arith.constant 0 : i32
          %dma_start3A_232 = arith.constant 0 : i32
          %dma_start3A_233 = tpu.memref_slice %arg2[%dma_start3A_231, %dma_start3A_232] : memref<10000x128xf32, #tpu.memory_space<hbm>> -> memref<10000x128xf32, #tpu.memory_space<hbm>>
          tpu.enqueue_indirect_dma source(%dma_start3A_233 : memref<10000x128xf32, #tpu.memory_space<hbm>>) target(%dma_start3A_227 : memref<32x128xf32, #tpu.memory_space<vmem>>) offsets(%dma_start3A_230 : memref<32xi32, #tpu.memory_space<vmem>>) semaphore(%arg9 : memref<!tpu.dma_semaphore, #tpu.memory_space<semaphore_mem>>)
          %dma_start3A_234 = arith.constant 0 : i32
          %dma_start3A_235 = arith.constant 32 : i32
          %dma_start3A_236 = arith.constant 0 : i32
          %dma_start3A_237 = tpu.memref_slice %arg7[%dma_start3A_235, %dma_start3A_236] : memref<128x128xf32, #tpu.memory_space<vmem>> -> memref<32x128xf32, #tpu.memory_space<vmem>>
          %dma_start3A_238 = arith.constant 32 : i32
          %dma_start3A_239 = tpu.memref_slice %arg6[%add3A_223, %dma_start3A_234, %dma_start3A_238] : memref<40x2x128xi32, #tpu.memory_space<vmem>> -> memref<1x1x32xi32, #tpu.memory_space<vmem>>
          %dma_start3A_240 = tpu.memref_squeeze %dma_start3A_239 : memref<1x1x32xi32, #tpu.memory_space<vmem>> -> memref<32xi32, #tpu.memory_space<vmem>>
          %dma_start3A_241 = arith.constant 0 : i32
          %dma_start3A_242 = arith.constant 0 : i32
          %dma_start3A_243 = tpu.memref_slice %arg2[%dma_start3A_241, %dma_start3A_242] : memref<10000x128xf32, #tpu.memory_space<hbm>> -> memref<10000x128xf32, #tpu.memory_space<hbm>>
          tpu.enqueue_indirect_dma source(%dma_start3A_243 : memref<10000x128xf32, #tpu.memory_space<hbm>>) target(%dma_start3A_237 : memref<32x128xf32, #tpu.memory_space<vmem>>) offsets(%dma_start3A_240 : memref<32xi32, #tpu.memory_space<vmem>>) semaphore(%arg9 : memref<!tpu.dma_semaphore, #tpu.memory_space<semaphore_mem>>)
          %dma_start3A_244 = arith.constant 0 : i32
          %dma_start3A_245 = arith.constant 64 : i32
          %dma_start3A_246 = arith.constant 0 : i32
          %dma_start3A_247 = tpu.memref_slice %arg7[%dma_start3A_245, %dma_start3A_246] : memref<128x128xf32, #tpu.memory_space<vmem>> -> memref<32x128xf32, #tpu.memory_space<vmem>>
          %dma_start3A_248 = arith.constant 64 : i32
          %dma_start3A_249 = tpu.memref_slice %arg6[%add3A_223, %dma_start3A_244, %dma_start3A_248] : memref<40x2x128xi32, #tpu.memory_space<vmem>> -> memref<1x1x32xi32, #tpu.memory_space<vmem>>
          %dma_start3A_250 = tpu.memref_squeeze %dma_start3A_249 : memref<1x1x32xi32, #tpu.memory_space<vmem>> -> memref<32xi32, #tpu.memory_space<vmem>>
          %dma_start3A_251 = arith.constant 0 : i32
          %dma_start3A_252 = arith.constant 0 : i32
          %dma_start3A_253 = tpu.memref_slice %arg2[%dma_start3A_251, %dma_start3A_252] : memref<10000x128xf32, #tpu.memory_space<hbm>> -> memref<10000x128xf32, #tpu.memory_space<hbm>>
          tpu.enqueue_indirect_dma source(%dma_start3A_253 : memref<10000x128xf32, #tpu.memory_space<hbm>>) target(%dma_start3A_247 : memref<32x128xf32, #tpu.memory_space<vmem>>) offsets(%dma_start3A_250 : memref<32xi32, #tpu.memory_space<vmem>>) semaphore(%arg9 : memref<!tpu.dma_semaphore, #tpu.memory_space<semaphore_mem>>)
          %dma_start3A_254 = arith.constant 0 : i32
          %dma_start3A_255 = arith.constant 96 : i32
          %dma_start3A_256 = arith.constant 0 : i32
          %dma_start3A_257 = tpu.memref_slice %arg7[%dma_start3A_255, %dma_start3A_256] : memref<128x128xf32, #tpu.memory_space<vmem>> -> memref<32x128xf32, #tpu.memory_space<vmem>>
          %dma_start3A_258 = arith.constant 96 : i32
          %dma_start3A_259 = tpu.memref_slice %arg6[%add3A_223, %dma_start3A_254, %dma_start3A_258] : memref<40x2x128xi32, #tpu.memory_space<vmem>> -> memref<1x1x32xi32, #tpu.memory_space<vmem>>
          %dma_start3A_260 = tpu.memref_squeeze %dma_start3A_259 : memref<1x1x32xi32, #tpu.memory_space<vmem>> -> memref<32xi32, #tpu.memory_space<vmem>>
          %dma_start3A_261 = arith.constant 0 : i32
          %dma_start3A_262 = arith.constant 0 : i32
          %dma_start3A_263 = tpu.memref_slice %arg2[%dma_start3A_261, %dma_start3A_262] : memref<10000x128xf32, #tpu.memory_space<hbm>> -> memref<10000x128xf32, #tpu.memory_space<hbm>>
          tpu.enqueue_indirect_dma source(%dma_start3A_263 : memref<10000x128xf32, #tpu.memory_space<hbm>>) target(%dma_start3A_257 : memref<32x128xf32, #tpu.memory_space<vmem>>) offsets(%dma_start3A_260 : memref<32xi32, #tpu.memory_space<vmem>>) semaphore(%arg9 : memref<!tpu.dma_semaphore, #tpu.memory_space<semaphore_mem>>)
        } else {
        }
        %dma_wait3A_212 = arith.constant 0 : i32
        %dma_wait3A_213 = arith.constant 0 : i32
        %dma_wait3A_214 = tpu.memref_slice %arg2[%dma_wait3A_212, %dma_wait3A_213] : memref<10000x128xf32, #tpu.memory_space<hbm>> -> memref<128x128xf32, #tpu.memory_space<hbm>>
        %dma_wait3A_215 = arith.constant 0 : i32
        %dma_wait3A_216 = arith.constant 0 : i32
        %dma_wait3A_217 = tpu.memref_slice %arg2[%dma_wait3A_215, %dma_wait3A_216] : memref<10000x128xf32, #tpu.memory_space<hbm>> -> memref<128x128xf32, #tpu.memory_space<hbm>>
        tpu.wait_dma2 semaphore(%arg10 : memref<!tpu.dma_semaphore, #tpu.memory_space<semaphore_mem>>) src(%dma_wait3A_217 : memref<128x128xf32, #tpu.memory_space<hbm>>) dst(%arg8 : memref<128x128xf32, #tpu.memory_space<vmem>>)
        %add3A_218 = arith.constant 1 : i32
        %add3A_219 = arith.addi %mul3A_157, %add3A_218 : i32
        %run_scoped3A_220 = arith.constant 1 : i32
        "tpu.region"() ({
          %run_scoped3A_222 = tpu.sem_alloc : memref<!tpu.dma_semaphore, #tpu.memory_space<semaphore_mem>>
          %dma_start3A_223 = arith.constant 0 : i32
          %dma_start3A_224 = tpu.memref_slice %arg6[%add3A_219, %run_scoped3A_220, %dma_start3A_223] : memref<40x2x128xi32, #tpu.memory_space<vmem>> -> memref<1x1x128xi32, #tpu.memory_space<vmem>>
          %dma_start3A_225 = tpu.memref_squeeze %dma_start3A_224 : memref<1x1x128xi32, #tpu.memory_space<vmem>> -> memref<128xi32, #tpu.memory_space<vmem>>
          %dma_start3A_226 = arith.constant 0 : i32
          %dma_start3A_227 = arith.constant 0 : i32
          %dma_start3A_228 = tpu.memref_slice %arg5[%dma_start3A_226, %dma_start3A_227] : memref<10000x128xf32, #tpu.memory_space<vmem_shared>> -> memref<10000x128xf32, #tpu.memory_space<vmem_shared>>
          tpu.enqueue_indirect_dma source(%arg8 : memref<128x128xf32, #tpu.memory_space<vmem>>) target(%dma_start3A_228 : memref<10000x128xf32, #tpu.memory_space<vmem_shared>>) offsets(%dma_start3A_225 : memref<128xi32, #tpu.memory_space<vmem>>) semaphore(%run_scoped3A_222 : memref<!tpu.dma_semaphore, #tpu.memory_space<semaphore_mem>>) {add = true}
          %dma_wait3A_229 = arith.constant 0 : i32
          %dma_wait3A_230 = tpu.memref_slice %arg6[%add3A_219, %run_scoped3A_220, %dma_wait3A_229] : memref<40x2x128xi32, #tpu.memory_space<vmem>> -> memref<1x1x128xi32, #tpu.memory_space<vmem>>
          %dma_wait3A_231 = tpu.memref_squeeze %dma_wait3A_230 : memref<1x1x128xi32, #tpu.memory_space<vmem>> -> memref<128xi32, #tpu.memory_space<vmem>>
          %dma_wait3A_232 = arith.constant 0 : i32
          %dma_wait3A_233 = arith.constant 0 : i32
          %dma_wait3A_234 = tpu.memref_slice %arg5[%dma_wait3A_232, %dma_wait3A_233] : memref<10000x128xf32, #tpu.memory_space<vmem_shared>> -> memref<10000x128xf32, #tpu.memory_space<vmem_shared>>
          tpu.wait_indirect_dma semaphore(%run_scoped3A_222 : memref<!tpu.dma_semaphore, #tpu.memory_space<semaphore_mem>>) src(%arg8 : memref<128x128xf32, #tpu.memory_space<vmem>>) dst(%dma_wait3A_234 : memref<10000x128xf32, #tpu.memory_space<vmem_shared>>)
          tpu.yield
        }) : () -> ()
        %scan3A_221 = arith.constant 0 : i32
        scf.yield %scan3A_221 : i32
      }
      %scan3A_153 = arith.constant 20 : i32
    } else {
    }
    %eq3A = arith.constant 31 : i32
    %eq3A_30 = arith.cmpi eq, %add3A, %eq3A : i32
    %convert_element_type3A_31 = arith.extui %eq3A_30 : i1 to i32
    %cond3A_32 = arith.constant 0 : i32
    %cond3A_33 = arith.cmpi ne, %convert_element_type3A_31, %cond3A_32 : i32
    scf.if %cond3A_33 {
      "tpu.region"() ({
        %run_scoped3A = tpu.sem_alloc : memref<!tpu.dma_semaphore, #tpu.memory_space<semaphore_mem>>
        %dma_start3A_95 = arith.constant 0 : i32
        %dma_start3A_96 = arith.constant 0 : i32
        %dma_start3A_97 = arith.constant 0 : i32
        %dma_start3A_98 = tpu.memref_slice %arg6[%dma_start3A_95, %dma_start3A_96, %dma_start3A_97] : memref<40x2x128xi32, #tpu.memory_space<vmem>> -> memref<20x2x128xi32, #tpu.memory_space<vmem>>
        %dma_start3A_99 = arith.constant 2480 : i32
        %dma_start3A_100 = arith.constant 0 : i32
        %dma_start3A_101 = arith.constant 0 : i32
        %dma_start3A_102 = tpu.memref_slice %arg3[%dma_start3A_99, %dma_start3A_100, %dma_start3A_101] : memref<2500x2x128xi32, #tpu.memory_space<hbm>> -> memref<20x2x128xi32, #tpu.memory_space<hbm>>
        %dma_start3A_103 = arith.constant 0 : i32
        %dma_start3A_104 = arith.constant 0 : i32
        %dma_start3A_105 = arith.constant 0 : i32
        %dma_start3A_106 = tpu.memref_slice %arg6[%dma_start3A_103, %dma_start3A_104, %dma_start3A_105] : memref<40x2x128xi32, #tpu.memory_space<vmem>> -> memref<20x2x128xi32, #tpu.memory_space<vmem>>
        %dma_start3A_107 = arith.constant 2480 : i32
        %dma_start3A_108 = arith.constant 0 : i32
        %dma_start3A_109 = arith.constant 0 : i32
        %dma_start3A_110 = tpu.memref_slice %arg3[%dma_start3A_107, %dma_start3A_108, %dma_start3A_109] : memref<2500x2x128xi32, #tpu.memory_space<hbm>> -> memref<20x2x128xi32, #tpu.memory_space<hbm>>
        tpu.enqueue_dma source(%dma_start3A_110 : memref<20x2x128xi32, #tpu.memory_space<hbm>>) target(%dma_start3A_106 : memref<20x2x128xi32, #tpu.memory_space<vmem>>) target_semaphore(%run_scoped3A : memref<!tpu.dma_semaphore, #tpu.memory_space<semaphore_mem>>)
        %dma_wait3A = arith.constant 0 : i32
        %dma_wait3A_111 = arith.constant 0 : i32
        %dma_wait3A_112 = arith.constant 0 : i32
        %dma_wait3A_113 = tpu.memref_slice %arg6[%dma_wait3A, %dma_wait3A_111, %dma_wait3A_112] : memref<40x2x128xi32, #tpu.memory_space<vmem>> -> memref<20x2x128xi32, #tpu.memory_space<vmem>>
        %dma_wait3A_114 = arith.constant 2480 : i32
        %dma_wait3A_115 = arith.constant 0 : i32
        %dma_wait3A_116 = arith.constant 0 : i32
        %dma_wait3A_117 = tpu.memref_slice %arg3[%dma_wait3A_114, %dma_wait3A_115, %dma_wait3A_116] : memref<2500x2x128xi32, #tpu.memory_space<hbm>> -> memref<20x2x128xi32, #tpu.memory_space<hbm>>
        %dma_wait3A_118 = arith.constant 0 : i32
        %dma_wait3A_119 = arith.constant 0 : i32
        %dma_wait3A_120 = arith.constant 0 : i32
        %dma_wait3A_121 = tpu.memref_slice %arg6[%dma_wait3A_118, %dma_wait3A_119, %dma_wait3A_120] : memref<40x2x128xi32, #tpu.memory_space<vmem>> -> memref<20x2x128xi32, #tpu.memory_space<vmem>>
        %dma_wait3A_122 = arith.constant 2480 : i32
        %dma_wait3A_123 = arith.constant 0 : i32
        %dma_wait3A_124 = arith.constant 0 : i32
        %dma_wait3A_125 = tpu.memref_slice %arg3[%dma_wait3A_122, %dma_wait3A_123, %dma_wait3A_124] : memref<2500x2x128xi32, #tpu.memory_space<hbm>> -> memref<20x2x128xi32, #tpu.memory_space<hbm>>
        tpu.wait_dma2 semaphore(%run_scoped3A : memref<!tpu.dma_semaphore, #tpu.memory_space<semaphore_mem>>) src(%dma_wait3A_125 : memref<20x2x128xi32, #tpu.memory_space<hbm>>) dst(%dma_wait3A_121 : memref<20x2x128xi32, #tpu.memory_space<vmem>>)
        tpu.yield
      }) : () -> ()
      %dma_start3A = arith.constant 0 : i32
      %dma_start3A_45 = arith.constant 0 : i32
      %dma_start3A_46 = arith.constant 0 : i32
      %dma_start3A_47 = arith.constant 0 : i32
      %dma_start3A_48 = tpu.memref_slice %arg7[%dma_start3A_46, %dma_start3A_47] : memref<128x128xf32, #tpu.memory_space<vmem>> -> memref<32x128xf32, #tpu.memory_space<vmem>>
      %dma_start3A_49 = arith.constant 0 : i32
      %dma_start3A_50 = tpu.memref_slice %arg6[%dma_start3A, %dma_start3A_45, %dma_start3A_49] : memref<40x2x128xi32, #tpu.memory_space<vmem>> -> memref<1x1x32xi32, #tpu.memory_space<vmem>>
      %dma_start3A_51 = tpu.memref_squeeze %dma_start3A_50 : memref<1x1x32xi32, #tpu.memory_space<vmem>> -> memref<32xi32, #tpu.memory_space<vmem>>
      %dma_start3A_52 = arith.constant 0 : i32
      %dma_start3A_53 = arith.constant 0 : i32
      %dma_start3A_54 = tpu.memref_slice %arg2[%dma_start3A_52, %dma_start3A_53] : memref<10000x128xf32, #tpu.memory_space<hbm>> -> memref<10000x128xf32, #tpu.memory_space<hbm>>
      tpu.enqueue_indirect_dma source(%dma_start3A_54 : memref<10000x128xf32, #tpu.memory_space<hbm>>) target(%dma_start3A_48 : memref<32x128xf32, #tpu.memory_space<vmem>>) offsets(%dma_start3A_51 : memref<32xi32, #tpu.memory_space<vmem>>) semaphore(%arg9 : memref<!tpu.dma_semaphore, #tpu.memory_space<semaphore_mem>>)
      %dma_start3A_55 = arith.constant 0 : i32
      %dma_start3A_56 = arith.constant 0 : i32
      %dma_start3A_57 = arith.constant 32 : i32
      %dma_start3A_58 = arith.constant 0 : i32
      %dma_start3A_59 = tpu.memref_slice %arg7[%dma_start3A_57, %dma_start3A_58] : memref<128x128xf32, #tpu.memory_space<vmem>> -> memref<32x128xf32, #tpu.memory_space<vmem>>
      %dma_start3A_60 = arith.constant 32 : i32
      %dma_start3A_61 = tpu.memref_slice %arg6[%dma_start3A_55, %dma_start3A_56, %dma_start3A_60] : memref<40x2x128xi32, #tpu.memory_space<vmem>> -> memref<1x1x32xi32, #tpu.memory_space<vmem>>
      %dma_start3A_62 = tpu.memref_squeeze %dma_start3A_61 : memref<1x1x32xi32, #tpu.memory_space<vmem>> -> memref<32xi32, #tpu.memory_space<vmem>>
      %dma_start3A_63 = arith.constant 0 : i32
      %dma_start3A_64 = arith.constant 0 : i32
      %dma_start3A_65 = tpu.memref_slice %arg2[%dma_start3A_63, %dma_start3A_64] : memref<10000x128xf32, #tpu.memory_space<hbm>> -> memref<10000x128xf32, #tpu.memory_space<hbm>>
      tpu.enqueue_indirect_dma source(%dma_start3A_65 : memref<10000x128xf32, #tpu.memory_space<hbm>>) target(%dma_start3A_59 : memref<32x128xf32, #tpu.memory_space<vmem>>) offsets(%dma_start3A_62 : memref<32xi32, #tpu.memory_space<vmem>>) semaphore(%arg9 : memref<!tpu.dma_semaphore, #tpu.memory_space<semaphore_mem>>)
      %dma_start3A_66 = arith.constant 0 : i32
      %dma_start3A_67 = arith.constant 0 : i32
      %dma_start3A_68 = arith.constant 64 : i32
      %dma_start3A_69 = arith.constant 0 : i32
      %dma_start3A_70 = tpu.memref_slice %arg7[%dma_start3A_68, %dma_start3A_69] : memref<128x128xf32, #tpu.memory_space<vmem>> -> memref<32x128xf32, #tpu.memory_space<vmem>>
      %dma_start3A_71 = arith.constant 64 : i32
      %dma_start3A_72 = tpu.memref_slice %arg6[%dma_start3A_66, %dma_start3A_67, %dma_start3A_71] : memref<40x2x128xi32, #tpu.memory_space<vmem>> -> memref<1x1x32xi32, #tpu.memory_space<vmem>>
      %dma_start3A_73 = tpu.memref_squeeze %dma_start3A_72 : memref<1x1x32xi32, #tpu.memory_space<vmem>> -> memref<32xi32, #tpu.memory_space<vmem>>
      %dma_start3A_74 = arith.constant 0 : i32
      %dma_start3A_75 = arith.constant 0 : i32
      %dma_start3A_76 = tpu.memref_slice %arg2[%dma_start3A_74, %dma_start3A_75] : memref<10000x128xf32, #tpu.memory_space<hbm>> -> memref<10000x128xf32, #tpu.memory_space<hbm>>
      tpu.enqueue_indirect_dma source(%dma_start3A_76 : memref<10000x128xf32, #tpu.memory_space<hbm>>) target(%dma_start3A_70 : memref<32x128xf32, #tpu.memory_space<vmem>>) offsets(%dma_start3A_73 : memref<32xi32, #tpu.memory_space<vmem>>) semaphore(%arg9 : memref<!tpu.dma_semaphore, #tpu.memory_space<semaphore_mem>>)
      %dma_start3A_77 = arith.constant 0 : i32
      %dma_start3A_78 = arith.constant 0 : i32
      %dma_start3A_79 = arith.constant 96 : i32
      %dma_start3A_80 = arith.constant 0 : i32
      %dma_start3A_81 = tpu.memref_slice %arg7[%dma_start3A_79, %dma_start3A_80] : memref<128x128xf32, #tpu.memory_space<vmem>> -> memref<32x128xf32, #tpu.memory_space<vmem>>
      %dma_start3A_82 = arith.constant 96 : i32
      %dma_start3A_83 = tpu.memref_slice %arg6[%dma_start3A_77, %dma_start3A_78, %dma_start3A_82] : memref<40x2x128xi32, #tpu.memory_space<vmem>> -> memref<1x1x32xi32, #tpu.memory_space<vmem>>
      %dma_start3A_84 = tpu.memref_squeeze %dma_start3A_83 : memref<1x1x32xi32, #tpu.memory_space<vmem>> -> memref<32xi32, #tpu.memory_space<vmem>>
      %dma_start3A_85 = arith.constant 0 : i32
      %dma_start3A_86 = arith.constant 0 : i32
      %dma_start3A_87 = tpu.memref_slice %arg2[%dma_start3A_85, %dma_start3A_86] : memref<10000x128xf32, #tpu.memory_space<hbm>> -> memref<10000x128xf32, #tpu.memory_space<hbm>>
      tpu.enqueue_indirect_dma source(%dma_start3A_87 : memref<10000x128xf32, #tpu.memory_space<hbm>>) target(%dma_start3A_81 : memref<32x128xf32, #tpu.memory_space<vmem>>) offsets(%dma_start3A_84 : memref<32xi32, #tpu.memory_space<vmem>>) semaphore(%arg9 : memref<!tpu.dma_semaphore, #tpu.memory_space<semaphore_mem>>)
      %scan3A_88 = arith.constant 0 : i32
      %scan3A_89 = arith.constant 0 : i32
      %scan3A_90 = arith.constant 10 : i32
      %scan3A_91 = arith.addi %scan3A_89, %scan3A_90 : i32
      %scan3A_92 = arith.constant 1 : i32
      %scan3A_93 = scf.for %scan3A_95 = %scan3A_89 to %scan3A_91 step %scan3A_92 iter_args(%scan3A_96 = %scan3A_88) -> (i32)  : i32 {
        %mul3A_97 = arith.constant 2 : i32
        %mul3A_98 = arith.muli %mul3A_97, %scan3A_95 : i32
        %add3A_99 = arith.constant 1 : i32
        %add3A_100 = arith.addi %mul3A_98, %add3A_99 : i32
        %dma_start3A_101 = arith.constant 0 : i32
        %dma_start3A_102 = arith.constant 0 : i32
        %dma_start3A_103 = arith.constant 0 : i32
        %dma_start3A_104 = tpu.memref_slice %arg8[%dma_start3A_102, %dma_start3A_103] : memref<128x128xf32, #tpu.memory_space<vmem>> -> memref<32x128xf32, #tpu.memory_space<vmem>>
        %dma_start3A_105 = arith.constant 0 : i32
        %dma_start3A_106 = tpu.memref_slice %arg6[%add3A_100, %dma_start3A_101, %dma_start3A_105] : memref<40x2x128xi32, #tpu.memory_space<vmem>> -> memref<1x1x32xi32, #tpu.memory_space<vmem>>
        %dma_start3A_107 = tpu.memref_squeeze %dma_start3A_106 : memref<1x1x32xi32, #tpu.memory_space<vmem>> -> memref<32xi32, #tpu.memory_space<vmem>>
        %dma_start3A_108 = arith.constant 0 : i32
        %dma_start3A_109 = arith.constant 0 : i32
        %dma_start3A_110 = tpu.memref_slice %arg2[%dma_start3A_108, %dma_start3A_109] : memref<10000x128xf32, #tpu.memory_space<hbm>> -> memref<10000x128xf32, #tpu.memory_space<hbm>>
        tpu.enqueue_indirect_dma source(%dma_start3A_110 : memref<10000x128xf32, #tpu.memory_space<hbm>>) target(%dma_start3A_104 : memref<32x128xf32, #tpu.memory_space<vmem>>) offsets(%dma_start3A_107 : memref<32xi32, #tpu.memory_space<vmem>>) semaphore(%arg10 : memref<!tpu.dma_semaphore, #tpu.memory_space<semaphore_mem>>)
        %dma_start3A_111 = arith.constant 0 : i32
        %dma_start3A_112 = arith.constant 32 : i32
        %dma_start3A_113 = arith.constant 0 : i32
        %dma_start3A_114 = tpu.memref_slice %arg8[%dma_start3A_112, %dma_start3A_113] : memref<128x128xf32, #tpu.memory_space<vmem>> -> memref<32x128xf32, #tpu.memory_space<vmem>>
        %dma_start3A_115 = arith.constant 32 : i32
        %dma_start3A_116 = tpu.memref_slice %arg6[%add3A_100, %dma_start3A_111, %dma_start3A_115] : memref<40x2x128xi32, #tpu.memory_space<vmem>> -> memref<1x1x32xi32, #tpu.memory_space<vmem>>
        %dma_start3A_117 = tpu.memref_squeeze %dma_start3A_116 : memref<1x1x32xi32, #tpu.memory_space<vmem>> -> memref<32xi32, #tpu.memory_space<vmem>>
        %dma_start3A_118 = arith.constant 0 : i32
        %dma_start3A_119 = arith.constant 0 : i32
        %dma_start3A_120 = tpu.memref_slice %arg2[%dma_start3A_118, %dma_start3A_119] : memref<10000x128xf32, #tpu.memory_space<hbm>> -> memref<10000x128xf32, #tpu.memory_space<hbm>>
        tpu.enqueue_indirect_dma source(%dma_start3A_120 : memref<10000x128xf32, #tpu.memory_space<hbm>>) target(%dma_start3A_114 : memref<32x128xf32, #tpu.memory_space<vmem>>) offsets(%dma_start3A_117 : memref<32xi32, #tpu.memory_space<vmem>>) semaphore(%arg10 : memref<!tpu.dma_semaphore, #tpu.memory_space<semaphore_mem>>)
        %dma_start3A_121 = arith.constant 0 : i32
        %dma_start3A_122 = arith.constant 64 : i32
        %dma_start3A_123 = arith.constant 0 : i32
        %dma_start3A_124 = tpu.memref_slice %arg8[%dma_start3A_122, %dma_start3A_123] : memref<128x128xf32, #tpu.memory_space<vmem>> -> memref<32x128xf32, #tpu.memory_space<vmem>>
        %dma_start3A_125 = arith.constant 64 : i32
        %dma_start3A_126 = tpu.memref_slice %arg6[%add3A_100, %dma_start3A_121, %dma_start3A_125] : memref<40x2x128xi32, #tpu.memory_space<vmem>> -> memref<1x1x32xi32, #tpu.memory_space<vmem>>
        %dma_start3A_127 = tpu.memref_squeeze %dma_start3A_126 : memref<1x1x32xi32, #tpu.memory_space<vmem>> -> memref<32xi32, #tpu.memory_space<vmem>>
        %dma_start3A_128 = arith.constant 0 : i32
        %dma_start3A_129 = arith.constant 0 : i32
        %dma_start3A_130 = tpu.memref_slice %arg2[%dma_start3A_128, %dma_start3A_129] : memref<10000x128xf32, #tpu.memory_space<hbm>> -> memref<10000x128xf32, #tpu.memory_space<hbm>>
        tpu.enqueue_indirect_dma source(%dma_start3A_130 : memref<10000x128xf32, #tpu.memory_space<hbm>>) target(%dma_start3A_124 : memref<32x128xf32, #tpu.memory_space<vmem>>) offsets(%dma_start3A_127 : memref<32xi32, #tpu.memory_space<vmem>>) semaphore(%arg10 : memref<!tpu.dma_semaphore, #tpu.memory_space<semaphore_mem>>)
        %dma_start3A_131 = arith.constant 0 : i32
        %dma_start3A_132 = arith.constant 96 : i32
        %dma_start3A_133 = arith.constant 0 : i32
        %dma_start3A_134 = tpu.memref_slice %arg8[%dma_start3A_132, %dma_start3A_133] : memref<128x128xf32, #tpu.memory_space<vmem>> -> memref<32x128xf32, #tpu.memory_space<vmem>>
        %dma_start3A_135 = arith.constant 96 : i32
        %dma_start3A_136 = tpu.memref_slice %arg6[%add3A_100, %dma_start3A_131, %dma_start3A_135] : memref<40x2x128xi32, #tpu.memory_space<vmem>> -> memref<1x1x32xi32, #tpu.memory_space<vmem>>
        %dma_start3A_137 = tpu.memref_squeeze %dma_start3A_136 : memref<1x1x32xi32, #tpu.memory_space<vmem>> -> memref<32xi32, #tpu.memory_space<vmem>>
        %dma_start3A_138 = arith.constant 0 : i32
        %dma_start3A_139 = arith.constant 0 : i32
        %dma_start3A_140 = tpu.memref_slice %arg2[%dma_start3A_138, %dma_start3A_139] : memref<10000x128xf32, #tpu.memory_space<hbm>> -> memref<10000x128xf32, #tpu.memory_space<hbm>>
        tpu.enqueue_indirect_dma source(%dma_start3A_140 : memref<10000x128xf32, #tpu.memory_space<hbm>>) target(%dma_start3A_134 : memref<32x128xf32, #tpu.memory_space<vmem>>) offsets(%dma_start3A_137 : memref<32xi32, #tpu.memory_space<vmem>>) semaphore(%arg10 : memref<!tpu.dma_semaphore, #tpu.memory_space<semaphore_mem>>)
        %dma_wait3A = arith.constant 0 : i32
        %dma_wait3A_141 = arith.constant 0 : i32
        %dma_wait3A_142 = tpu.memref_slice %arg2[%dma_wait3A, %dma_wait3A_141] : memref<10000x128xf32, #tpu.memory_space<hbm>> -> memref<128x128xf32, #tpu.memory_space<hbm>>
        %dma_wait3A_143 = arith.constant 0 : i32
        %dma_wait3A_144 = arith.constant 0 : i32
        %dma_wait3A_145 = tpu.memref_slice %arg2[%dma_wait3A_143, %dma_wait3A_144] : memref<10000x128xf32, #tpu.memory_space<hbm>> -> memref<128x128xf32, #tpu.memory_space<hbm>>
        tpu.wait_dma2 semaphore(%arg9 : memref<!tpu.dma_semaphore, #tpu.memory_space<semaphore_mem>>) src(%dma_wait3A_145 : memref<128x128xf32, #tpu.memory_space<hbm>>) dst(%arg7 : memref<128x128xf32, #tpu.memory_space<vmem>>)
        %run_scoped3A = arith.constant 1 : i32
        "tpu.region"() ({
          %run_scoped3A_163 = tpu.sem_alloc : memref<!tpu.dma_semaphore, #tpu.memory_space<semaphore_mem>>
          %dma_start3A_164 = arith.constant 0 : i32
          %dma_start3A_165 = tpu.memref_slice %arg6[%mul3A_98, %run_scoped3A, %dma_start3A_164] : memref<40x2x128xi32, #tpu.memory_space<vmem>> -> memref<1x1x128xi32, #tpu.memory_space<vmem>>
          %dma_start3A_166 = tpu.memref_squeeze %dma_start3A_165 : memref<1x1x128xi32, #tpu.memory_space<vmem>> -> memref<128xi32, #tpu.memory_space<vmem>>
          %dma_start3A_167 = arith.constant 0 : i32
          %dma_start3A_168 = arith.constant 0 : i32
          %dma_start3A_169 = tpu.memref_slice %arg5[%dma_start3A_167, %dma_start3A_168] : memref<10000x128xf32, #tpu.memory_space<vmem_shared>> -> memref<10000x128xf32, #tpu.memory_space<vmem_shared>>
          tpu.enqueue_indirect_dma source(%arg7 : memref<128x128xf32, #tpu.memory_space<vmem>>) target(%dma_start3A_169 : memref<10000x128xf32, #tpu.memory_space<vmem_shared>>) offsets(%dma_start3A_166 : memref<128xi32, #tpu.memory_space<vmem>>) semaphore(%run_scoped3A_163 : memref<!tpu.dma_semaphore, #tpu.memory_space<semaphore_mem>>) {add = true}
          %dma_wait3A_170 = arith.constant 0 : i32
          %dma_wait3A_171 = tpu.memref_slice %arg6[%mul3A_98, %run_scoped3A, %dma_wait3A_170] : memref<40x2x128xi32, #tpu.memory_space<vmem>> -> memref<1x1x128xi32, #tpu.memory_space<vmem>>
          %dma_wait3A_172 = tpu.memref_squeeze %dma_wait3A_171 : memref<1x1x128xi32, #tpu.memory_space<vmem>> -> memref<128xi32, #tpu.memory_space<vmem>>
          %dma_wait3A_173 = arith.constant 0 : i32
          %dma_wait3A_174 = arith.constant 0 : i32
          %dma_wait3A_175 = tpu.memref_slice %arg5[%dma_wait3A_173, %dma_wait3A_174] : memref<10000x128xf32, #tpu.memory_space<vmem_shared>> -> memref<10000x128xf32, #tpu.memory_space<vmem_shared>>
          tpu.wait_indirect_dma semaphore(%run_scoped3A_163 : memref<!tpu.dma_semaphore, #tpu.memory_space<semaphore_mem>>) src(%arg7 : memref<128x128xf32, #tpu.memory_space<vmem>>) dst(%dma_wait3A_175 : memref<10000x128xf32, #tpu.memory_space<vmem_shared>>)
          tpu.yield
        }) : () -> ()
        %add3A_146 = arith.constant 2 : i32
        %add3A_147 = arith.addi %mul3A_98, %add3A_146 : i32
        %lt3A_148 = arith.constant 20 : i32
        %lt3A_149 = arith.cmpi slt, %add3A_147, %lt3A_148 : i32
        %convert_element_type3A_150 = arith.extui %lt3A_149 : i1 to i32
        %cond3A_151 = arith.constant 0 : i32
        %cond3A_152 = arith.cmpi ne, %convert_element_type3A_150, %cond3A_151 : i32
        scf.if %cond3A_152 {
          %add3A_163 = arith.constant 2 : i32
          %add3A_164 = arith.addi %mul3A_98, %add3A_163 : i32
          %dma_start3A_165 = arith.constant 0 : i32
          %dma_start3A_166 = arith.constant 0 : i32
          %dma_start3A_167 = arith.constant 0 : i32
          %dma_start3A_168 = tpu.memref_slice %arg7[%dma_start3A_166, %dma_start3A_167] : memref<128x128xf32, #tpu.memory_space<vmem>> -> memref<32x128xf32, #tpu.memory_space<vmem>>
          %dma_start3A_169 = arith.constant 0 : i32
          %dma_start3A_170 = tpu.memref_slice %arg6[%add3A_164, %dma_start3A_165, %dma_start3A_169] : memref<40x2x128xi32, #tpu.memory_space<vmem>> -> memref<1x1x32xi32, #tpu.memory_space<vmem>>
          %dma_start3A_171 = tpu.memref_squeeze %dma_start3A_170 : memref<1x1x32xi32, #tpu.memory_space<vmem>> -> memref<32xi32, #tpu.memory_space<vmem>>
          %dma_start3A_172 = arith.constant 0 : i32
          %dma_start3A_173 = arith.constant 0 : i32
          %dma_start3A_174 = tpu.memref_slice %arg2[%dma_start3A_172, %dma_start3A_173] : memref<10000x128xf32, #tpu.memory_space<hbm>> -> memref<10000x128xf32, #tpu.memory_space<hbm>>
          tpu.enqueue_indirect_dma source(%dma_start3A_174 : memref<10000x128xf32, #tpu.memory_space<hbm>>) target(%dma_start3A_168 : memref<32x128xf32, #tpu.memory_space<vmem>>) offsets(%dma_start3A_171 : memref<32xi32, #tpu.memory_space<vmem>>) semaphore(%arg9 : memref<!tpu.dma_semaphore, #tpu.memory_space<semaphore_mem>>)
          %dma_start3A_175 = arith.constant 0 : i32
          %dma_start3A_176 = arith.constant 32 : i32
          %dma_start3A_177 = arith.constant 0 : i32
          %dma_start3A_178 = tpu.memref_slice %arg7[%dma_start3A_176, %dma_start3A_177] : memref<128x128xf32, #tpu.memory_space<vmem>> -> memref<32x128xf32, #tpu.memory_space<vmem>>
          %dma_start3A_179 = arith.constant 32 : i32
          %dma_start3A_180 = tpu.memref_slice %arg6[%add3A_164, %dma_start3A_175, %dma_start3A_179] : memref<40x2x128xi32, #tpu.memory_space<vmem>> -> memref<1x1x32xi32, #tpu.memory_space<vmem>>
          %dma_start3A_181 = tpu.memref_squeeze %dma_start3A_180 : memref<1x1x32xi32, #tpu.memory_space<vmem>> -> memref<32xi32, #tpu.memory_space<vmem>>
          %dma_start3A_182 = arith.constant 0 : i32
          %dma_start3A_183 = arith.constant 0 : i32
          %dma_start3A_184 = tpu.memref_slice %arg2[%dma_start3A_182, %dma_start3A_183] : memref<10000x128xf32, #tpu.memory_space<hbm>> -> memref<10000x128xf32, #tpu.memory_space<hbm>>
          tpu.enqueue_indirect_dma source(%dma_start3A_184 : memref<10000x128xf32, #tpu.memory_space<hbm>>) target(%dma_start3A_178 : memref<32x128xf32, #tpu.memory_space<vmem>>) offsets(%dma_start3A_181 : memref<32xi32, #tpu.memory_space<vmem>>) semaphore(%arg9 : memref<!tpu.dma_semaphore, #tpu.memory_space<semaphore_mem>>)
          %dma_start3A_185 = arith.constant 0 : i32
          %dma_start3A_186 = arith.constant 64 : i32
          %dma_start3A_187 = arith.constant 0 : i32
          %dma_start3A_188 = tpu.memref_slice %arg7[%dma_start3A_186, %dma_start3A_187] : memref<128x128xf32, #tpu.memory_space<vmem>> -> memref<32x128xf32, #tpu.memory_space<vmem>>
          %dma_start3A_189 = arith.constant 64 : i32
          %dma_start3A_190 = tpu.memref_slice %arg6[%add3A_164, %dma_start3A_185, %dma_start3A_189] : memref<40x2x128xi32, #tpu.memory_space<vmem>> -> memref<1x1x32xi32, #tpu.memory_space<vmem>>
          %dma_start3A_191 = tpu.memref_squeeze %dma_start3A_190 : memref<1x1x32xi32, #tpu.memory_space<vmem>> -> memref<32xi32, #tpu.memory_space<vmem>>
          %dma_start3A_192 = arith.constant 0 : i32
          %dma_start3A_193 = arith.constant 0 : i32
          %dma_start3A_194 = tpu.memref_slice %arg2[%dma_start3A_192, %dma_start3A_193] : memref<10000x128xf32, #tpu.memory_space<hbm>> -> memref<10000x128xf32, #tpu.memory_space<hbm>>
          tpu.enqueue_indirect_dma source(%dma_start3A_194 : memref<10000x128xf32, #tpu.memory_space<hbm>>) target(%dma_start3A_188 : memref<32x128xf32, #tpu.memory_space<vmem>>) offsets(%dma_start3A_191 : memref<32xi32, #tpu.memory_space<vmem>>) semaphore(%arg9 : memref<!tpu.dma_semaphore, #tpu.memory_space<semaphore_mem>>)
          %dma_start3A_195 = arith.constant 0 : i32
          %dma_start3A_196 = arith.constant 96 : i32
          %dma_start3A_197 = arith.constant 0 : i32
          %dma_start3A_198 = tpu.memref_slice %arg7[%dma_start3A_196, %dma_start3A_197] : memref<128x128xf32, #tpu.memory_space<vmem>> -> memref<32x128xf32, #tpu.memory_space<vmem>>
          %dma_start3A_199 = arith.constant 96 : i32
          %dma_start3A_200 = tpu.memref_slice %arg6[%add3A_164, %dma_start3A_195, %dma_start3A_199] : memref<40x2x128xi32, #tpu.memory_space<vmem>> -> memref<1x1x32xi32, #tpu.memory_space<vmem>>
          %dma_start3A_201 = tpu.memref_squeeze %dma_start3A_200 : memref<1x1x32xi32, #tpu.memory_space<vmem>> -> memref<32xi32, #tpu.memory_space<vmem>>
          %dma_start3A_202 = arith.constant 0 : i32
          %dma_start3A_203 = arith.constant 0 : i32
          %dma_start3A_204 = tpu.memref_slice %arg2[%dma_start3A_202, %dma_start3A_203] : memref<10000x128xf32, #tpu.memory_space<hbm>> -> memref<10000x128xf32, #tpu.memory_space<hbm>>
          tpu.enqueue_indirect_dma source(%dma_start3A_204 : memref<10000x128xf32, #tpu.memory_space<hbm>>) target(%dma_start3A_198 : memref<32x128xf32, #tpu.memory_space<vmem>>) offsets(%dma_start3A_201 : memref<32xi32, #tpu.memory_space<vmem>>) semaphore(%arg9 : memref<!tpu.dma_semaphore, #tpu.memory_space<semaphore_mem>>)
        } else {
        }
        %dma_wait3A_153 = arith.constant 0 : i32
        %dma_wait3A_154 = arith.constant 0 : i32
        %dma_wait3A_155 = tpu.memref_slice %arg2[%dma_wait3A_153, %dma_wait3A_154] : memref<10000x128xf32, #tpu.memory_space<hbm>> -> memref<128x128xf32, #tpu.memory_space<hbm>>
        %dma_wait3A_156 = arith.constant 0 : i32
        %dma_wait3A_157 = arith.constant 0 : i32
        %dma_wait3A_158 = tpu.memref_slice %arg2[%dma_wait3A_156, %dma_wait3A_157] : memref<10000x128xf32, #tpu.memory_space<hbm>> -> memref<128x128xf32, #tpu.memory_space<hbm>>
        tpu.wait_dma2 semaphore(%arg10 : memref<!tpu.dma_semaphore, #tpu.memory_space<semaphore_mem>>) src(%dma_wait3A_158 : memref<128x128xf32, #tpu.memory_space<hbm>>) dst(%arg8 : memref<128x128xf32, #tpu.memory_space<vmem>>)
        %add3A_159 = arith.constant 1 : i32
        %add3A_160 = arith.addi %mul3A_98, %add3A_159 : i32
        %run_scoped3A_161 = arith.constant 1 : i32
        "tpu.region"() ({
          %run_scoped3A_163 = tpu.sem_alloc : memref<!tpu.dma_semaphore, #tpu.memory_space<semaphore_mem>>
          %dma_start3A_164 = arith.constant 0 : i32
          %dma_start3A_165 = tpu.memref_slice %arg6[%add3A_160, %run_scoped3A_161, %dma_start3A_164] : memref<40x2x128xi32, #tpu.memory_space<vmem>> -> memref<1x1x128xi32, #tpu.memory_space<vmem>>
          %dma_start3A_166 = tpu.memref_squeeze %dma_start3A_165 : memref<1x1x128xi32, #tpu.memory_space<vmem>> -> memref<128xi32, #tpu.memory_space<vmem>>
          %dma_start3A_167 = arith.constant 0 : i32
          %dma_start3A_168 = arith.constant 0 : i32
          %dma_start3A_169 = tpu.memref_slice %arg5[%dma_start3A_167, %dma_start3A_168] : memref<10000x128xf32, #tpu.memory_space<vmem_shared>> -> memref<10000x128xf32, #tpu.memory_space<vmem_shared>>
          tpu.enqueue_indirect_dma source(%arg8 : memref<128x128xf32, #tpu.memory_space<vmem>>) target(%dma_start3A_169 : memref<10000x128xf32, #tpu.memory_space<vmem_shared>>) offsets(%dma_start3A_166 : memref<128xi32, #tpu.memory_space<vmem>>) semaphore(%run_scoped3A_163 : memref<!tpu.dma_semaphore, #tpu.memory_space<semaphore_mem>>) {add = true}
          %dma_wait3A_170 = arith.constant 0 : i32
          %dma_wait3A_171 = tpu.memref_slice %arg6[%add3A_160, %run_scoped3A_161, %dma_wait3A_170] : memref<40x2x128xi32, #tpu.memory_space<vmem>> -> memref<1x1x128xi32, #tpu.memory_space<vmem>>
          %dma_wait3A_172 = tpu.memref_squeeze %dma_wait3A_171 : memref<1x1x128xi32, #tpu.memory_space<vmem>> -> memref<128xi32, #tpu.memory_space<vmem>>
          %dma_wait3A_173 = arith.constant 0 : i32
          %dma_wait3A_174 = arith.constant 0 : i32
          %dma_wait3A_175 = tpu.memref_slice %arg5[%dma_wait3A_173, %dma_wait3A_174] : memref<10000x128xf32, #tpu.memory_space<vmem_shared>> -> memref<10000x128xf32, #tpu.memory_space<vmem_shared>>
          tpu.wait_indirect_dma semaphore(%run_scoped3A_163 : memref<!tpu.dma_semaphore, #tpu.memory_space<semaphore_mem>>) src(%arg8 : memref<128x128xf32, #tpu.memory_space<vmem>>) dst(%dma_wait3A_175 : memref<10000x128xf32, #tpu.memory_space<vmem_shared>>)
          tpu.yield
        }) : () -> ()
        %scan3A_162 = arith.constant 0 : i32
        scf.yield %scan3A_162 : i32
      }
      %scan3A_94 = arith.constant 10 : i32
    } else {
    }
    %barrier3A_34 = arith.constant 0 : index
    tpu.barrier barrier_id(%barrier3A_34)
    %lt3A_35 = arith.constant 15 : i32
    %lt3A_36 = arith.cmpi slt, %arg1, %lt3A_35 : i32
    %convert_element_type3A_37 = arith.extui %lt3A_36 : i1 to i32
    %cond3A_38 = arith.constant 0 : i32
    %cond3A_39 = arith.cmpi ne, %convert_element_type3A_37, %cond3A_38 : i32
    scf.if %cond3A_39 {
      %mul3A_45 = arith.constant 632 : i32
      %mul3A_46 = arith.muli %arg1, %mul3A_45 : i32
      %mul3A_47 = arith.constant 632 : i32
      %mul3A_48 = arith.muli %arg1, %mul3A_47 : i32
      "tpu.region"() ({
        %run_scoped3A = tpu.sem_alloc : memref<!tpu.dma_semaphore, #tpu.memory_space<semaphore_mem>>
        %dma_start3A = arith.constant 0 : i32
        %dma_start3A_49 = tpu.memref_slice %arg4[%arg0, %mul3A_48, %dma_start3A] : memref<2x10000x128xf32, #tpu.memory_space<hbm>> -> memref<1x632x128xf32, #tpu.memory_space<hbm>>
        %dma_start3A_50 = tpu.memref_squeeze %dma_start3A_49 : memref<1x632x128xf32, #tpu.memory_space<hbm>> -> memref<632x128xf32, #tpu.memory_space<hbm>>
        %dma_start3A_51 = arith.constant 0 : i32
        %dma_start3A_52 = tpu.memref_slice %arg5[%mul3A_46, %dma_start3A_51] : memref<10000x128xf32, #tpu.memory_space<vmem_shared>> -> memref<632x128xf32, #tpu.memory_space<vmem_shared>>
        tpu.enqueue_dma source(%dma_start3A_52 : memref<632x128xf32, #tpu.memory_space<vmem_shared>>) target(%dma_start3A_50 : memref<632x128xf32, #tpu.memory_space<hbm>>) target_semaphore(%run_scoped3A : memref<!tpu.dma_semaphore, #tpu.memory_space<semaphore_mem>>)
        %dma_wait3A = arith.constant 0 : i32
        %dma_wait3A_53 = tpu.memref_slice %arg4[%arg0, %mul3A_48, %dma_wait3A] : memref<2x10000x128xf32, #tpu.memory_space<hbm>> -> memref<1x632x128xf32, #tpu.memory_space<hbm>>
        %dma_wait3A_54 = tpu.memref_squeeze %dma_wait3A_53 : memref<1x632x128xf32, #tpu.memory_space<hbm>> -> memref<632x128xf32, #tpu.memory_space<hbm>>
        %dma_wait3A_55 = arith.constant 0 : i32
        %dma_wait3A_56 = tpu.memref_slice %arg5[%mul3A_46, %dma_wait3A_55] : memref<10000x128xf32, #tpu.memory_space<vmem_shared>> -> memref<632x128xf32, #tpu.memory_space<vmem_shared>>
        tpu.wait_dma2 semaphore(%run_scoped3A : memref<!tpu.dma_semaphore, #tpu.memory_space<semaphore_mem>>) src(%dma_wait3A_56 : memref<632x128xf32, #tpu.memory_space<vmem_shared>>) dst(%dma_wait3A_54 : memref<632x128xf32, #tpu.memory_space<hbm>>)
        tpu.yield
      }) : () -> ()
    } else {
    }
    %eq3A_40 = arith.constant 15 : i32
    %eq3A_41 = arith.cmpi eq, %arg1, %eq3A_40 : i32
    %convert_element_type3A_42 = arith.extui %eq3A_41 : i1 to i32
    %cond3A_43 = arith.constant 0 : i32
    %cond3A_44 = arith.cmpi ne, %convert_element_type3A_42, %cond3A_43 : i32
    scf.if %cond3A_44 {
      "tpu.region"() ({
        %run_scoped3A = tpu.sem_alloc : memref<!tpu.dma_semaphore, #tpu.memory_space<semaphore_mem>>
        %dma_start3A = arith.constant 9480 : i32
        %dma_start3A_45 = arith.constant 0 : i32
        %dma_start3A_46 = tpu.memref_slice %arg4[%arg0, %dma_start3A, %dma_start3A_45] : memref<2x10000x128xf32, #tpu.memory_space<hbm>> -> memref<1x520x128xf32, #tpu.memory_space<hbm>>
        %dma_start3A_47 = tpu.memref_squeeze %dma_start3A_46 : memref<1x520x128xf32, #tpu.memory_space<hbm>> -> memref<520x128xf32, #tpu.memory_space<hbm>>
        %dma_start3A_48 = arith.constant 9480 : i32
        %dma_start3A_49 = arith.constant 0 : i32
        %dma_start3A_50 = tpu.memref_slice %arg5[%dma_start3A_48, %dma_start3A_49] : memref<10000x128xf32, #tpu.memory_space<vmem_shared>> -> memref<520x128xf32, #tpu.memory_space<vmem_shared>>
        tpu.enqueue_dma source(%dma_start3A_50 : memref<520x128xf32, #tpu.memory_space<vmem_shared>>) target(%dma_start3A_47 : memref<520x128xf32, #tpu.memory_space<hbm>>) target_semaphore(%run_scoped3A : memref<!tpu.dma_semaphore, #tpu.memory_space<semaphore_mem>>)
        %dma_wait3A = arith.constant 9480 : i32
        %dma_wait3A_51 = arith.constant 0 : i32
        %dma_wait3A_52 = tpu.memref_slice %arg4[%arg0, %dma_wait3A, %dma_wait3A_51] : memref<2x10000x128xf32, #tpu.memory_space<hbm>> -> memref<1x520x128xf32, #tpu.memory_space<hbm>>
        %dma_wait3A_53 = tpu.memref_squeeze %dma_wait3A_52 : memref<1x520x128xf32, #tpu.memory_space<hbm>> -> memref<520x128xf32, #tpu.memory_space<hbm>>
        %dma_wait3A_54 = arith.constant 9480 : i32
        %dma_wait3A_55 = arith.constant 0 : i32
        %dma_wait3A_56 = tpu.memref_slice %arg5[%dma_wait3A_54, %dma_wait3A_55] : memref<10000x128xf32, #tpu.memory_space<vmem_shared>> -> memref<520x128xf32, #tpu.memory_space<vmem_shared>>
        tpu.wait_dma2 semaphore(%run_scoped3A : memref<!tpu.dma_semaphore, #tpu.memory_space<semaphore_mem>>) src(%dma_wait3A_56 : memref<520x128xf32, #tpu.memory_space<vmem_shared>>) dst(%dma_wait3A_53 : memref<520x128xf32, #tpu.memory_space<hbm>>)
        tpu.yield
      }) : () -> ()
    } else {
    }
    return
  }
}

module attributes {stable_mosaic.version = 14 : i64} {
  func.func @_tc_mid_body(%arg0: i32, %arg1: memref<2x1000x128xf32, #tpu.memory_space<vmem>>, %arg2: memref<1000x128xf32, #tpu.memory_space<vmem>>, %arg3: memref<2x1000x1xf32, #tpu.memory_space<vmem>>, %arg4: memref<1x128xf32, #tpu.memory_space<vmem>>, %arg5: memref<128x128xf32, #tpu.memory_space<vmem>>, %arg6: memref<1000x128xf32, #tpu.memory_space<vmem>>) attributes {dimension_semantics = [#tpu.dimension_semantics<arbitrary>], iteration_bounds = array<i64: 10>, scalar_prefetch = 0 : i64, scratch_operands = 0 : i64, tpu.core_type = #tpu.core_type<tc>, window_params = [{transform_indices = @transform_0, window_bounds = array<i64: 2, 1000, 128>}, {transform_indices = @transform_1, window_bounds = array<i64: 1000, 128>}, {transform_indices = @transform_2, window_bounds = array<i64: 2, 1000, 1>}, {pipeline_mode = #tpu.pipeline_mode<synchronous>, transform_indices = @transform_3, window_bounds = array<i64: 1, 128>}, {pipeline_mode = #tpu.pipeline_mode<synchronous>, transform_indices = @transform_4, window_bounds = array<i64: 128, 128>}, {transform_indices = @transform_5, window_bounds = array<i64: 1000, 128>}]} {
    %get3A = arith.constant 0 : index
    %get3A_0 = arith.constant 0 : index
    %get3A_1 = arith.constant 0 : index
    %get3A_2 = vector.load %arg3[%get3A, %get3A_0, %get3A_1] : memref<2x1000x1xf32, #tpu.memory_space<vmem>>, vector<2x1000x1xf32>
    %slice3A = vector.extract_strided_slice %get3A_2 {offsets = [0, 0, 0], sizes = [1, 1000, 1], strides = [1, 1, 1]} : vector<2x1000x1xf32> to vector<1x1000x1xf32>
    %squeeze3A = vector.shape_cast %slice3A : vector<1x1000x1xf32> to vector<1000x1xf32>
    %slice3A_3 = vector.extract_strided_slice %get3A_2 {offsets = [1, 0, 0], sizes = [1, 1000, 1], strides = [1, 1, 1]} : vector<2x1000x1xf32> to vector<1x1000x1xf32>
    %squeeze3A_4 = vector.shape_cast %slice3A_3 : vector<1x1000x1xf32> to vector<1000x1xf32>
    %add3A = arith.addf %squeeze3A, %squeeze3A_4 : vector<1000x1xf32>
    %add3A_5 = arith.constant 1.000000e+00 : f32
    %add3A_6 = vector.broadcast %add3A_5 : f32 to vector<1000x1xf32>
    %add3A_7 = arith.addf %add3A, %add3A_6 : vector<1000x1xf32>
    %rsqrt3A = math.rsqrt %add3A_7 : vector<1000x1xf32>
    %get3A_8 = arith.constant 0 : index
    %get3A_9 = arith.constant 0 : index
    %get3A_10 = arith.constant 0 : index
    %get3A_11 = vector.load %arg1[%get3A_8, %get3A_9, %get3A_10] : memref<2x1000x128xf32, #tpu.memory_space<vmem>>, vector<2x1000x128xf32>
    %slice3A_12 = vector.extract_strided_slice %get3A_11 {offsets = [0, 0, 0], sizes = [1, 1000, 128], strides = [1, 1, 1]} : vector<2x1000x128xf32> to vector<1x1000x128xf32>
    %squeeze3A_13 = vector.shape_cast %slice3A_12 : vector<1x1000x128xf32> to vector<1000x128xf32>
    %slice3A_14 = vector.extract_strided_slice %get3A_11 {offsets = [1, 0, 0], sizes = [1, 1000, 128], strides = [1, 1, 1]} : vector<2x1000x128xf32> to vector<1x1000x128xf32>
    %squeeze3A_15 = vector.shape_cast %slice3A_14 : vector<1x1000x128xf32> to vector<1000x128xf32>
    %add3A_16 = arith.addf %squeeze3A_13, %squeeze3A_15 : vector<1000x128xf32>
    %get3A_17 = arith.constant 0 : index
    %get3A_18 = arith.constant 0 : index
    %get3A_19 = vector.load %arg2[%get3A_17, %get3A_18] : memref<1000x128xf32, #tpu.memory_space<vmem>>, vector<1000x128xf32>
    %add3A_20 = arith.addf %add3A_16, %get3A_19 : vector<1000x128xf32>
    %mul3A = vector.broadcast %rsqrt3A : vector<1000x1xf32> to vector<1000x128xf32>
    %mul3A_21 = arith.mulf %add3A_20, %mul3A : vector<1000x128xf32>
    %get3A_22 = arith.constant 0 : index
    %get3A_23 = arith.constant 0 : index
    %get3A_24 = vector.load %arg4[%get3A_22, %get3A_23] : memref<1x128xf32, #tpu.memory_space<vmem>>, vector<1x128xf32>
    %add3A_25 = vector.broadcast %get3A_24 : vector<1x128xf32> to vector<1000x128xf32>
    %add3A_26 = arith.addf %mul3A_21, %add3A_25 : vector<1000x128xf32>
    %max3A = arith.constant 0.000000e+00 : f32
    %max3A_27 = vector.broadcast %max3A : f32 to vector<1000x128xf32>
    %max3A_28 = arith.maximumf %add3A_26, %max3A_27 : vector<1000x128xf32>
    %get3A_29 = arith.constant 0 : index
    %get3A_30 = arith.constant 0 : index
    %get3A_31 = vector.load %arg5[%get3A_29, %get3A_30] : memref<128x128xf32, #tpu.memory_space<vmem>>, vector<128x128xf32>
    %dot_general3A = arith.constant dense<0.000000e+00> : vector<1000x128xf32>
    %dot_general3A_32 = tpu.matmul %max3A_28, %get3A_31, %dot_general3A {dimension_numbers = #tpu.dot_dimension_numbers<[1], [1], [0], [0], [0, 0, 1, 0], [], []>, transpose_lhs_hint = false} : vector<1000x128xf32>, vector<128x128xf32>, vector<1000x128xf32> -> vector<1000x128xf32>
    %mul3A_33 = vector.broadcast %rsqrt3A : vector<1000x1xf32> to vector<1000x128xf32>
    %mul3A_34 = arith.mulf %dot_general3A_32, %mul3A_33 : vector<1000x128xf32>
    %swap3A = arith.constant 0 : index
    %swap3A_35 = arith.constant 0 : index
    %swap3A_36 = vector.load %arg6[%swap3A, %swap3A_35] : memref<1000x128xf32, #tpu.memory_space<vmem>>, vector<1000x128xf32>
    tpu.vector_store %arg6[%swap3A, %swap3A_35], %mul3A_34 {strides = array<i32>} : memref<1000x128xf32, #tpu.memory_space<vmem>>, vector<1000x128xf32>,
    return
  }
  func.func @transform_0(%arg0: i32) -> (i32, i32, i32) {
    %c0_i32 = arith.constant 0 : i32
    %c0_i32_0 = arith.constant 0 : i32
    %c0_i32_1 = arith.constant 0 : i32
    return %c0_i32, %arg0, %c0_i32_0 : i32, i32, i32
  }
  func.func @transform_1(%arg0: i32) -> (i32, i32) {
    %c0_i32 = arith.constant 0 : i32
    %c0_i32_0 = arith.constant 0 : i32
    return %arg0, %c0_i32 : i32, i32
  }
  func.func @transform_2(%arg0: i32) -> (i32, i32, i32) {
    %c0_i32 = arith.constant 0 : i32
    %c0_i32_0 = arith.constant 0 : i32
    %c0_i32_1 = arith.constant 0 : i32
    return %c0_i32, %arg0, %c0_i32_0 : i32, i32, i32
  }
  func.func @transform_3(%arg0: i32) -> (i32, i32) {
    %c0_i32 = arith.constant 0 : i32
    %c0_i32_0 = arith.constant 0 : i32
    %c0_i32_1 = arith.constant 0 : i32
    return %c0_i32, %c0_i32_0 : i32, i32
  }
  func.func @transform_4(%arg0: i32) -> (i32, i32) {
    %c0_i32 = arith.constant 0 : i32
    %c0_i32_0 = arith.constant 0 : i32
    %c0_i32_1 = arith.constant 0 : i32
    return %c0_i32, %c0_i32_0 : i32, i32
  }
  func.func @transform_5(%arg0: i32) -> (i32, i32) {
    %c0_i32 = arith.constant 0 : i32
    %c0_i32_0 = arith.constant 0 : i32
    return %arg0, %c0_i32 : i32, i32
  }
}

module attributes {stable_mosaic.version = 14 : i64} {
  func.func @_tc_scale_body(%arg0: i32, %arg1: memref<2x1000x1xf32, #tpu.memory_space<vmem>>, %arg2: memref<1000x128xf32, #tpu.memory_space<vmem>>, %arg3: memref<1000x128xf32, #tpu.memory_space<vmem>>) attributes {dimension_semantics = [#tpu.dimension_semantics<arbitrary>], iteration_bounds = array<i64: 10>, scalar_prefetch = 0 : i64, scratch_operands = 0 : i64, tpu.core_type = #tpu.core_type<tc>, window_params = [{transform_indices = @transform_0, window_bounds = array<i64: 2, 1000, 1>}, {transform_indices = @transform_1, window_bounds = array<i64: 1000, 128>}, {transform_indices = @transform_2, window_bounds = array<i64: 1000, 128>}]} {
    %get3A = arith.constant 0 : index
    %get3A_0 = arith.constant 0 : index
    %get3A_1 = arith.constant 0 : index
    %get3A_2 = vector.load %arg1[%get3A, %get3A_0, %get3A_1] : memref<2x1000x1xf32, #tpu.memory_space<vmem>>, vector<2x1000x1xf32>
    %slice3A = vector.extract_strided_slice %get3A_2 {offsets = [0, 0, 0], sizes = [1, 1000, 1], strides = [1, 1, 1]} : vector<2x1000x1xf32> to vector<1x1000x1xf32>
    %squeeze3A = vector.shape_cast %slice3A : vector<1x1000x1xf32> to vector<1000x1xf32>
    %slice3A_3 = vector.extract_strided_slice %get3A_2 {offsets = [1, 0, 0], sizes = [1, 1000, 1], strides = [1, 1, 1]} : vector<2x1000x1xf32> to vector<1x1000x1xf32>
    %squeeze3A_4 = vector.shape_cast %slice3A_3 : vector<1x1000x1xf32> to vector<1000x1xf32>
    %add3A = arith.addf %squeeze3A, %squeeze3A_4 : vector<1000x1xf32>
    %add3A_5 = arith.constant 1.000000e+00 : f32
    %add3A_6 = vector.broadcast %add3A_5 : f32 to vector<1000x1xf32>
    %add3A_7 = arith.addf %add3A, %add3A_6 : vector<1000x1xf32>
    %rsqrt3A = math.rsqrt %add3A_7 : vector<1000x1xf32>
    %get3A_8 = arith.constant 0 : index
    %get3A_9 = arith.constant 0 : index
    %get3A_10 = vector.load %arg2[%get3A_8, %get3A_9] : memref<1000x128xf32, #tpu.memory_space<vmem>>, vector<1000x128xf32>
    %mul3A = vector.broadcast %rsqrt3A : vector<1000x1xf32> to vector<1000x128xf32>
    %mul3A_11 = arith.mulf %get3A_10, %mul3A : vector<1000x128xf32>
    %swap3A = arith.constant 0 : index
    %swap3A_12 = arith.constant 0 : index
    %swap3A_13 = vector.load %arg3[%swap3A, %swap3A_12] : memref<1000x128xf32, #tpu.memory_space<vmem>>, vector<1000x128xf32>
    tpu.vector_store %arg3[%swap3A, %swap3A_12], %mul3A_11 {strides = array<i32>} : memref<1000x128xf32, #tpu.memory_space<vmem>>, vector<1000x128xf32>,
    return
  }
  func.func @transform_0(%arg0: i32) -> (i32, i32, i32) {
    %c0_i32 = arith.constant 0 : i32
    %c0_i32_0 = arith.constant 0 : i32
    %c0_i32_1 = arith.constant 0 : i32
    return %c0_i32, %arg0, %c0_i32_0 : i32, i32, i32
  }
  func.func @transform_1(%arg0: i32) -> (i32, i32) {
    %c0_i32 = arith.constant 0 : i32
    %c0_i32_0 = arith.constant 0 : i32
    return %arg0, %c0_i32 : i32, i32
  }
  func.func @transform_2(%arg0: i32) -> (i32, i32) {
    %c0_i32 = arith.constant 0 : i32
    %c0_i32_0 = arith.constant 0 : i32
    return %arg0, %c0_i32 : i32, i32
  }
}

module attributes {stable_mosaic.version = 14 : i64} {
  func.func @_tc_mm_body(%arg0: i32, %arg1: memref<1000x128xf32, #tpu.memory_space<vmem>>, %arg2: memref<128x128xf32, #tpu.memory_space<vmem>>, %arg3: memref<1000x128xf32, #tpu.memory_space<vmem>>) attributes {dimension_semantics = [#tpu.dimension_semantics<arbitrary>], iteration_bounds = array<i64: 10>, scalar_prefetch = 0 : i64, scratch_operands = 0 : i64, tpu.core_type = #tpu.core_type<tc>, window_params = [{transform_indices = @transform_0, window_bounds = array<i64: 1000, 128>}, {pipeline_mode = #tpu.pipeline_mode<synchronous>, transform_indices = @transform_1, window_bounds = array<i64: 128, 128>}, {transform_indices = @transform_2, window_bounds = array<i64: 1000, 128>}]} {
    %get3A = arith.constant 0 : index
    %get3A_0 = arith.constant 0 : index
    %get3A_1 = vector.load %arg1[%get3A, %get3A_0] : memref<1000x128xf32, #tpu.memory_space<vmem>>, vector<1000x128xf32>
    %get3A_2 = arith.constant 0 : index
    %get3A_3 = arith.constant 0 : index
    %get3A_4 = vector.load %arg2[%get3A_2, %get3A_3] : memref<128x128xf32, #tpu.memory_space<vmem>>, vector<128x128xf32>
    %dot_general3A = arith.constant dense<0.000000e+00> : vector<1000x128xf32>
    %dot_general3A_5 = tpu.matmul %get3A_1, %get3A_4, %dot_general3A {dimension_numbers = #tpu.dot_dimension_numbers<[1], [1], [0], [0], [0, 0, 1, 0], [], []>, transpose_lhs_hint = false} : vector<1000x128xf32>, vector<128x128xf32>, vector<1000x128xf32> -> vector<1000x128xf32>
    %swap3A = arith.constant 0 : index
    %swap3A_6 = arith.constant 0 : index
    %swap3A_7 = vector.load %arg3[%swap3A, %swap3A_6] : memref<1000x128xf32, #tpu.memory_space<vmem>>, vector<1000x128xf32>
    tpu.vector_store %arg3[%swap3A, %swap3A_6], %dot_general3A_5 {strides = array<i32>} : memref<1000x128xf32, #tpu.memory_space<vmem>>, vector<1000x128xf32>,
    return
  }
  func.func @transform_0(%arg0: i32) -> (i32, i32) {
    %c0_i32 = arith.constant 0 : i32
    %c0_i32_0 = arith.constant 0 : i32
    return %arg0, %c0_i32 : i32, i32
  }
  func.func @transform_1(%arg0: i32) -> (i32, i32) {
    %c0_i32 = arith.constant 0 : i32
    %c0_i32_0 = arith.constant 0 : i32
    %c0_i32_1 = arith.constant 0 : i32
    return %c0_i32, %c0_i32_0 : i32, i32
  }
  func.func @transform_2(%arg0: i32) -> (i32, i32) {
    %c0_i32 = arith.constant 0 : i32
    %c0_i32_0 = arith.constant 0 : i32
    return %arg0, %c0_i32 : i32, i32
  }
}

module attributes {stable_mosaic.version = 14 : i64} {
  func.func @_tc_post_body(%arg0: i32, %arg1: memref<2x1000x128xf32, #tpu.memory_space<vmem>>, %arg2: memref<1000x128xf32, #tpu.memory_space<vmem>>, %arg3: memref<2x1000x1xf32, #tpu.memory_space<vmem>>, %arg4: memref<1x128xf32, #tpu.memory_space<vmem>>, %arg5: memref<1000x128xf32, #tpu.memory_space<vmem>>) attributes {dimension_semantics = [#tpu.dimension_semantics<arbitrary>], iteration_bounds = array<i64: 10>, scalar_prefetch = 0 : i64, scratch_operands = 0 : i64, tpu.core_type = #tpu.core_type<tc>, window_params = [{transform_indices = @transform_0, window_bounds = array<i64: 2, 1000, 128>}, {transform_indices = @transform_1, window_bounds = array<i64: 1000, 128>}, {transform_indices = @transform_2, window_bounds = array<i64: 2, 1000, 1>}, {pipeline_mode = #tpu.pipeline_mode<synchronous>, transform_indices = @transform_3, window_bounds = array<i64: 1, 128>}, {transform_indices = @transform_4, window_bounds = array<i64: 1000, 128>}]} {
    %get3A = arith.constant 0 : index
    %get3A_0 = arith.constant 0 : index
    %get3A_1 = arith.constant 0 : index
    %get3A_2 = vector.load %arg3[%get3A, %get3A_0, %get3A_1] : memref<2x1000x1xf32, #tpu.memory_space<vmem>>, vector<2x1000x1xf32>
    %slice3A = vector.extract_strided_slice %get3A_2 {offsets = [0, 0, 0], sizes = [1, 1000, 1], strides = [1, 1, 1]} : vector<2x1000x1xf32> to vector<1x1000x1xf32>
    %squeeze3A = vector.shape_cast %slice3A : vector<1x1000x1xf32> to vector<1000x1xf32>
    %slice3A_3 = vector.extract_strided_slice %get3A_2 {offsets = [1, 0, 0], sizes = [1, 1000, 1], strides = [1, 1, 1]} : vector<2x1000x1xf32> to vector<1x1000x1xf32>
    %squeeze3A_4 = vector.shape_cast %slice3A_3 : vector<1x1000x1xf32> to vector<1000x1xf32>
    %add3A = arith.addf %squeeze3A, %squeeze3A_4 : vector<1000x1xf32>
    %add3A_5 = arith.constant 1.000000e+00 : f32
    %add3A_6 = vector.broadcast %add3A_5 : f32 to vector<1000x1xf32>
    %add3A_7 = arith.addf %add3A, %add3A_6 : vector<1000x1xf32>
    %rsqrt3A = math.rsqrt %add3A_7 : vector<1000x1xf32>
    %get3A_8 = arith.constant 0 : index
    %get3A_9 = arith.constant 0 : index
    %get3A_10 = arith.constant 0 : index
    %get3A_11 = vector.load %arg1[%get3A_8, %get3A_9, %get3A_10] : memref<2x1000x128xf32, #tpu.memory_space<vmem>>, vector<2x1000x128xf32>
    %slice3A_12 = vector.extract_strided_slice %get3A_11 {offsets = [0, 0, 0], sizes = [1, 1000, 128], strides = [1, 1, 1]} : vector<2x1000x128xf32> to vector<1x1000x128xf32>
    %squeeze3A_13 = vector.shape_cast %slice3A_12 : vector<1x1000x128xf32> to vector<1000x128xf32>
    %slice3A_14 = vector.extract_strided_slice %get3A_11 {offsets = [1, 0, 0], sizes = [1, 1000, 128], strides = [1, 1, 1]} : vector<2x1000x128xf32> to vector<1x1000x128xf32>
    %squeeze3A_15 = vector.shape_cast %slice3A_14 : vector<1x1000x128xf32> to vector<1000x128xf32>
    %add3A_16 = arith.addf %squeeze3A_13, %squeeze3A_15 : vector<1000x128xf32>
    %get3A_17 = arith.constant 0 : index
    %get3A_18 = arith.constant 0 : index
    %get3A_19 = vector.load %arg2[%get3A_17, %get3A_18] : memref<1000x128xf32, #tpu.memory_space<vmem>>, vector<1000x128xf32>
    %add3A_20 = arith.addf %add3A_16, %get3A_19 : vector<1000x128xf32>
    %mul3A = vector.broadcast %rsqrt3A : vector<1000x1xf32> to vector<1000x128xf32>
    %mul3A_21 = arith.mulf %add3A_20, %mul3A : vector<1000x128xf32>
    %get3A_22 = arith.constant 0 : index
    %get3A_23 = arith.constant 0 : index
    %get3A_24 = vector.load %arg4[%get3A_22, %get3A_23] : memref<1x128xf32, #tpu.memory_space<vmem>>, vector<1x128xf32>
    %add3A_25 = vector.broadcast %get3A_24 : vector<1x128xf32> to vector<1000x128xf32>
    %add3A_26 = arith.addf %mul3A_21, %add3A_25 : vector<1000x128xf32>
    %swap3A = arith.constant 0 : index
    %swap3A_27 = arith.constant 0 : index
    %swap3A_28 = vector.load %arg5[%swap3A, %swap3A_27] : memref<1000x128xf32, #tpu.memory_space<vmem>>, vector<1000x128xf32>
    tpu.vector_store %arg5[%swap3A, %swap3A_27], %add3A_26 {strides = array<i32>} : memref<1000x128xf32, #tpu.memory_space<vmem>>, vector<1000x128xf32>,
    return
  }
  func.func @transform_0(%arg0: i32) -> (i32, i32, i32) {
    %c0_i32 = arith.constant 0 : i32
    %c0_i32_0 = arith.constant 0 : i32
    %c0_i32_1 = arith.constant 0 : i32
    return %c0_i32, %arg0, %c0_i32_0 : i32, i32, i32
  }
  func.func @transform_1(%arg0: i32) -> (i32, i32) {
    %c0_i32 = arith.constant 0 : i32
    %c0_i32_0 = arith.constant 0 : i32
    return %arg0, %c0_i32 : i32, i32
  }
  func.func @transform_2(%arg0: i32) -> (i32, i32, i32) {
    %c0_i32 = arith.constant 0 : i32
    %c0_i32_0 = arith.constant 0 : i32
    %c0_i32_1 = arith.constant 0 : i32
    return %c0_i32, %arg0, %c0_i32_0 : i32, i32, i32
  }
  func.func @transform_3(%arg0: i32) -> (i32, i32) {
    %c0_i32 = arith.constant 0 : i32
    %c0_i32_0 = arith.constant 0 : i32
    %c0_i32_1 = arith.constant 0 : i32
    return %c0_i32, %c0_i32_0 : i32, i32
  }
  func.func @transform_4(%arg0: i32) -> (i32, i32) {
    %c0_i32 = arith.constant 0 : i32
    %c0_i32_0 = arith.constant 0 : i32
    return %arg0, %c0_i32 : i32, i32
  }
}

</mosaic_0001>

<sc_bundles>
// kernel: kernel.12.cloned.1.call-start
scs
__scs_entry_jumppad:
0x0: {  	(pc) =	sbr.rel $0x88, $3  }
0x1: {  	(tag) =	ssettag $0x0;
	lr =	simm.s32 $0x1  }
0x2: {  	[smem:$0x3F9B] =	sst lr;
	_ =	strace $0xD0000000  }
0x3: {  	_ = 	snop  }
0x4: {  	_ = 	snop  }
0x5: {  	_ = 	snop  }
0x6: {  	_ = 	snop  }
0x7: {  	_ = 	snop  }
__scs_overlays_trampoline_lowered:
0x8: {  	[smem:$0x3FAA] =	sst s0  }
0x9: {  	[smem:$0x3FAB] =	sst s1  }
0xa: {  	[smem:$0x3FAC] =	sst s2  }
0xb: {  	[smem:$0x3FAD] =	sst s3  }
0xc: {  	[smem:$0x3FAE] =	sst s4  }
0xd: {  	[smem:$0x3FAF] =	sst s5  }
0xe: {  	[smem:$0x3FB0] =	sst s6  }
0xf: {  	[smem:$0x3FB1] =	sst s7  }
0x10: {  	[smem:$0x3FB2] =	sst s8  }
0x11: {  	[smem:$0x3FB3] =	sst s9;
	s0 =	simm.s32 @!p0 $0x0  }
0x12: {  	s1 =	sld [smem:$0x3F99];
	s0 =	simm.s32 @p0 $0x1  }
0x13: {  	[smem:$0x3FB4] =	sst s0;
	s0 =	simm.s32 @!p1 $0x0  }
0x14: {  	s2 =	sld [smem:$0x3F98];
	s0 =	simm.s32 @p1 $0x1  }
0x15: {  	[smem:$0x3FB5] =	sst s0;
	s0 =	simm.s32 @!p2 $0x0  }
0x16: {  	s3 =	sld [smem:$0x3FDB];
	s0 =	simm.s32 @p2 $0x1  }
0x17: {  	s4 =	simm.s32 $0x1BF5;
	[smem:$0x3FB7] =	sst s0  }
0x18: {  	s0 =	sld [smem:$0x3F9A];
	_ =	swait.ge [sflag:s4], $0x0  }
0x19: {  	s7 =	sld [smem:$0x3F9B]  }
0x1a: {  	s8 =	sadd.s32 $0xFFFFE003, lr  }
0x1b: {  	s9 =	sadd.s32 $0xFFFFFEF7, lr;
	s5 =	simm.s32 $0xFFFFFFFF;
	p2 =	slt.u32 s8, $0xFFFFF086  }
0x1c: {  	p1 =	slt.u32 s9, $0xF7A;
	s5 =	simm.s32 @!p2 $0x0  }
0x1d: {  	s5 =	simm.s32 @p1 $0x1;
	p0 =	seq.s32 s7, s2  }
0x1e: {  	s7 =	smul.u32 @!p0 $0xF7A, s2;
	p2 =	seq.s32 @!p0 s5, $0x0  }
0x1f: {  	s9 =	smul.u32 $0xF7A, s1;
	s8 =	simm.s32 @!p0 $0x1BF5;
	p2 =	por !p2, p0  }
0x20: {  	[sflag:s8] =	ssyncset.s32 @!p0 $0xFFFFF086;
	s6 =	sadd.s32 @!p0 s3, s7;
	s7 =	simm.s32 @!p0 $0x108  }
0x21: {  	s3 =	sadd.s32 s3, s9;
	s6 =	sadd.s32 @!p0 $0x88, s6;
	s7 =	simm.s32 @p2 $0x1082  }
0x22: {  	[simem:s7], [sflag:s8] =	dma.local @!p0 [hbm:s6], $0xF7A  }
0x23: {  	s9 =	sor.u32 $0xD0000000, s2;
	s6 =	simm.s32 $0x108;
	_ =	swait.ge @!p0 [sflag:s8], $0x0  }
0x24: {  	s3 =	sadd.s32 $0x88, s3;
	s6 =	simm.s32 @!p1 $0x1082;
	[sflag:s4] =	ssyncset.s32 $0xFFFFF086  }
0x25: {  	[simem:s6], [sflag:s4] =	dma.local [hbm:s3], $0xF7A  }
0x26: {  	[smem:$0x3F9B] =	sst s1;
	(tag) =	ssettag s2;
	_ =	strace s9  }
0x27: {  	s1 =	sld [smem:$0x3FAB]  }
0x28: {  	s2 =	sld [smem:$0x3FAC]  }
0x29: {  	s4 =	sld [smem:$0x3FAE]  }
0x2a: {  	p0 =	seq.s32 s5, $0x0;
	s5 =	sld [smem:$0x3FAF]  }
0x2b: {  	s6 =	sld [smem:$0x3FB0]  }
0x2c: {  	s7 =	sld [smem:$0x3FB1]  }
0x2d: {  	s3 =	simm.s32 $0x108;
	s8 =	sld [smem:$0x3FB2]  }
0x2e: {  	s3 =	simm.s32 @!p0 $0x1082;
	s9 =	sld [smem:$0x3FB3]  }
0x2f: {  	lr =	sadd.s32 s0, s3;
	s0 =	sld [smem:$0x3FAA]  }
0x30: {  	s3 =	sld [smem:$0x3FAD]  }
0x31: {  	[smem:$0x3FB6] =	sst s10  }
0x32: {  	s10 =	sld [smem:$0x3FB4];
	_ =	sdelay $0x3  }
0x33: {  	p0 =	seq.s32 s10, $0x1;
	s10 =	sld [smem:$0x3FB6];
	_ =	sdelay $0x3  }
0x34: {  	[smem:$0x3FB6] =	sst s10  }
0x35: {  	s10 =	sld [smem:$0x3FB5];
	_ =	sdelay $0x3  }
0x36: {  	p1 =	seq.s32 s10, $0x1;
	s10 =	sld [smem:$0x3FB6];
	_ =	sdelay $0x3  }
0x37: {  	[smem:$0x3FB6] =	sst s10  }
0x38: {  	s10 =	sld [smem:$0x3FB7]  }
0x39: {  	_ = 	snop;
	(pc) =	sbr.ind lr, $3  }
0x3a: {  	_ = 	snop  }
0x3b: {  	_ = 	snop  }
0x3c: {  	p2 =	seq.s32 s10, $0x1;
	s10 =	sld [smem:$0x3FB6]  }
0x3d: {  	_ =	shalt  }
0x3e: {  	_ =	shalt  }
0x3f: {  	_ =	shalt  }
0x40: {  	_ =	shalt  }
0x41: {  	_ =	shalt  }
0x42: {  	_ =	shalt  }
0x43: {  	_ =	shalt  }
0x44: {  	_ =	shalt  }
0x45: {  	_ =	shalt  }
0x46: {  	_ =	shalt  }
0x47: {  	_ =	shalt  }
0x48: {  	_ =	shalt  }
0x49: {  	_ =	shalt  }
0x4a: {  	_ =	shalt  }
0x4b: {  	_ =	shalt  }
0x4c: {  	_ =	shalt  }
0x4d: {  	_ =	shalt  }
0x4e: {  	_ =	shalt  }
0x4f: {  	_ =	shalt  }
0x50: {  	_ =	shalt  }
0x51: {  	_ =	shalt  }
0x52: {  	_ =	shalt  }
0x53: {  	_ =	shalt  }
0x54: {  	_ =	shalt  }
0x55: {  	_ =	shalt  }
0x56: {  	_ =	shalt  }
0x57: {  	_ =	shalt  }
0x58: {  	_ =	shalt  }
0x59: {  	_ =	shalt  }
0x5a: {  	_ =	shalt  }
0x5b: {  	_ =	shalt  }
0x5c: {  	_ =	shalt  }
0x5d: {  	_ =	shalt  }
0x5e: {  	_ =	shalt  }
0x5f: {  	_ =	shalt  }
0x60: {  	_ =	shalt  }
0x61: {  	_ =	shalt  }
0x62: {  	_ =	shalt  }
0x63: {  	_ =	shalt  }
0x64: {  	_ =	shalt  }
0x65: {  	_ =	shalt  }
0x66: {  	_ =	shalt  }
0x67: {  	_ =	shalt  }
0x68: {  	_ =	shalt  }
0x69: {  	_ =	shalt  }
0x6a: {  	_ =	shalt  }
0x6b: {  	_ =	shalt  }
0x6c: {  	_ =	shalt  }
0x6d: {  	_ =	shalt  }
0x6e: {  	_ =	shalt  }
0x6f: {  	_ =	shalt  }
0x70: {  	_ =	shalt  }
0x71: {  	_ =	shalt  }
0x72: {  	_ =	shalt  }
0x73: {  	_ =	shalt  }
0x74: {  	_ =	shalt  }
0x75: {  	_ =	shalt  }
0x76: {  	_ =	shalt  }
0x77: {  	_ =	shalt  }
0x78: {  	_ =	shalt  }
0x79: {  	_ =	shalt  }
0x7a: {  	_ =	shalt  }
0x7b: {  	_ =	shalt  }
0x7c: {  	_ =	shalt  }
0x7d: {  	_ =	shalt  }
0x7e: {  	_ =	shalt  }
0x7f: {  	_ =	shalt  }
0x80: {  	_ =	shalt  }
0x81: {  	_ =	shalt  }
0x82: {  	_ =	shalt  }
0x83: {  	_ =	shalt  }
0x84: {  	_ =	shalt  }
0x85: {  	_ =	shalt  }
0x86: {  	_ =	shalt  }
0x87: {  	_ =	shalt  }
.Lfunc_end0:
.L_simem_size_0:
called_computation.1_lowered:
.L_overlay_start_0:
0x88: {  	s2 =	sld [smem:$0x3FD9]  }
0x89: {  	s3 =	sld [smem:$0x3FFE];
	_ =	sdelay $0x1  }
0x8a: {  	s1 =	srdreg.scid  }
0x8b: {  	s0 =	sand.u32 $0x1, s1  }
0x8c: {  	s17 =	sshll.u32 s0, $0xA;
	s2 =	sadd.s32 s3, s2  }
0x8d: {  	s2 =	sadd.s32 s2, s17  }
0x8e: {  	[smem:$0x3FC2] =	sst s2  }
0x8f: {  	_ = 	snop  }
0x90: {  	s2 =	sld [smem:$0x3FC8]  }
0x91: {  	s18 =	sld [smem:$0x3FD0];
	(tm) =	ssettm $0x1  }
0x92: {  	s4 =	sld [smem:$0x3FFB];
	_ =	sdelay $0x3  }
0x93: {  	_ =	strace s4  }
0x94: {  	s4 =	sld [smem:$0x3FFC];
	_ =	sdelay $0x3  }
0x95: {  	_ =	strace s4  }
0x96: {  	s4 =	sld [smem:$0x3FFD];
	_ =	sdelay $0x3  }
0x97: {  	_ =	strace s4  }
0x98: {  	_ =	strace $0x8FFFFFFF  }
0x99: {  	s19 =	sld [smem:$0x3FDB];
	_ =	sdelay $0x1  }
0x9a: {  	s5 =	simm.s32 $_scs_section_size  }
0x9b: {  	s6 =	simm.s32 $_size__tile_overlayer_lowered;
	s7 =	simm.s32 $_tile_overlayer_lowered  }
0x9c: {  	s22 =	simm.s32 $0x1BFF;
	s21 =	sshll.u32 s7, $0x1;
	s4 =	sadd.s32 s5, s19  }
0x9d: {  	s8 =	simm.s32 $0x0;
	s20 =	sshll.u32 s6, $0x1;
	s6 =	sadd.s32 s21, s4  }
0x9e: {  	[timem:s8], [sflag:s22] =	dma.local [hbm:s6], s20  }
0x9f: {  	_ =	swait.ge [sflag:s22], s20  }
0xa0: {  	s5 =	ssub.s32 $0x0, s20;
	[sflag:s22] =	ssyncset.done $0x0  }
0xa1: {  	[sflag:s22] =	ssyncadd.s32 s5;
	_ =	sdelay $0x1  }
0xa2: {  	s23 =	simm.s32 $0x1B8B  }
0xa3: {  	_ =	swait.ge [sflag:s23], $0x1  }
0xa4: {  	[sflag:s23] =	ssyncset.done $0x0  }
0xa5: {  	s25 =	simm.s32 $0x1B8E;
	s24 =	sld [smem:$0x3FFE];
	[sflag:s23] =	ssyncadd.s32 $0xFFFFFFFF  }
0xa6: {  	s26 =	simm.s32 $execute0_lowered;
	[smem:$0x3FD2] =	sst s25  }
0xa7: {  	s6 =	sshll.u32 s26, $0x1;
	_ =	strace $0x80000049;
	[dreg:$0x1] =	wrdreg $0xFFFFFFFF  }
0xa8: {  	s28 =	simm.s32 $_size_execute0_lowered;
	s4 =	sadd.s32 s4, s6;
	[dreg:$0x0] =	wrdreg $0x0  }
0xa9: {  	s6 =	sshll.u32 s28, $0x1;
	[dreg:$0x2] =	wrdreg s4  }
0xaa: {  	[dreg:$0x3] =	wrdreg s6  }
0xab: {  	[dreg:$0x4] =	wrdreg $0xC0  }
0xac: {  	_ =	task [dreg:s8], $0x5FFFF  }
0xad: {  	[dreg:$0x1] =	wrdreg $0xFFFFFFFF  }
0xae: {  	[dreg:$0x0] =	wrdreg $0x60  }
0xaf: {  	[dreg:$0x2] =	wrdreg s18  }
0xb0: {  	[dreg:$0x3] =	wrdreg s2  }
0xb1: {  	[dreg:$0x4] =	wrdreg s24  }
0xb2: {  	[dreg:$0x5] =	wrdreg $0x0  }
0xb3: {  	[dreg:$0x6] =	wrdreg $0x9  }
0xb4: {  	_ =	task.clear_ibuf [dreg:s8], $0x7FFFF;
	_ =	strace $0x90000049  }
0xb5: {  	s29 =	simm.s32 $0x9;
	_ =	strace $0x8000004B  }
0xb6: {  	_ =	swait.ge [sflag:s29], $0x1  }
0xb7: {  	[sflag:s29] =	ssyncadd.s32 $0xFFFFFFFF  }
0xb8: {  	_ =	strace $0x9000004B  }
0xb9: {  	_ =	sfence  }
0xba: {  	s30 =	sld [smem:$0x0];
	_ =	sdelay $0x2  }
0xbb: {  	s31 =	sshll.u32 s1, $0xD;
	s1 =	sshrl.u32 s1, $0x2  }
0xbc: {  	s3 =	sand.u32 $0x4000, s31;
	s1 =	sadd.s32 s1, s30  }
0xbd: {  	s0 =	sor.u32 s3, s0;
	s1 =	sshll.u32 s1, $0x11  }
0xbe: {  	s0 =	sor.u32 s1, s0  }
0xbf: {  	s0 =	sadd.s32 $0x8F2B, s0  }
0xc0: {  	[sflag:s0] =	ssyncadd.remote.s32 $0x1  }
0xc1: {  	_ =	sfence.sel $0xFFFF  }
0xc2: {  	[dreg:$0x0] =	wrdreg $0xFFFFFFFF;
	(pc) =	sbr.abs _section_cstart, $3  }
0xc3: {  	[dreg:$0x1] =	wrdreg $0xFFFFFFFF  }
0xc4: {  	_ =	task.clear_ibuf [dreg:s8], $0x2FFFF;
	_ =	strace $0x9FFFFFFF  }
0xc5: {  	(tm) =	ssettm $0x7FFFFFFF  }
tec
execute0_lowered:
.L_overlay_start_1:
0x0: {  	(tag) =	ssettag $0x1  }
0x1: {  	s1 =	rddreg [dreg:$0x0]  }
0x2: {  	s0 =	rddreg [dreg:$0x1]  }
0x3: {  	s2 =	rddreg [dreg:$0x2]  }
0x4: {  	s3 =	rddreg [dreg:$0x3]  }
0x5: {  	s4 =	simm.s32 $0x0;
	s5 =	srdreg.scid;
	s20 =	stileid.u32  }
0x6: {  	s16 =	simm.s32 $0x16080;
	s17 =	simm.s32 $0x3;
	s18 =	simm.s32 $0x13880  }
0x7: {  	s28 =	simm.s32 $0x19080;
	s29 =	simm.s32 $0x1A080;
	s30 =	simm.s32 $0x1B080  }
0x8: {  	s31 =	simm.s32 $0x1C080;
	[smem:$0x7FF] =	sst s4;
	s19 =	smul.u32 $0x4E200, s20  }
0x9: {  	s6 =	sand.u32 $0x1, s5;
	s2 =	sadd.s32 $0x52400, s2;
	s13 =	smul.u32 $0x13C00, s20  }
0xa: {  	s24 =	smul.u32 $0x4F000, s20;
	p1 =	seq.s32 s20, $0xF;
	_ =	strace $0x8000004A  }
0xb: {  	s7 =	sshll.u32 s6, $0x4;
	s8 =	ssub.s32 $0x2, s6;
	s6 =	smul.u32 $0x138800, s6  }
0xc: {  	s7 =	sor.u32 s20, s7;
	s5 =	sshrl.u32 s19, $0x2;
	s9 =	sshrl.u32 s8, $0x1  }
0xd: {  	s26 =	sshrl.u32 s24, $0x2;
	s19 =	simm.s32 $0x20;
	s10 =	smul.u32 $0xA00, s7  }
0xe: {  	s5 =	sadd.s32 s5, s3;
	s11 =	ssub.s32 s8, s9;
	s12 =	smul.u32 $0x5000, s7  }
0xf: {  	s25 =	sadd.s32 s13, s6;
	s6 =	sshrl.u32 s6, $0x3;
	p0 =	seq.s32 s7, $0x1F  }
0x10: {  	s21 =	sadd.s32 $0x4000, s5;
	s22 =	sadd.s32 $0x8000, s5;
	s8 =	sadd.s32 $0xC000, s5  }
0x11: {  	s9 =	sadd.s32 $0x10000, s5;
	s15 =	smax.u32 s11, $0x1;
	[dreg:$0x5] =	wrdreg s21  }
0x12: {  	s11 =	simm.s32 $0x80;
	[dreg:$0x6] =	wrdreg s22;
	s10 =	sadd.s32 s0, s10  }
0x13: {  	s12 =	sshrl.u32 s12, $0x3;
	s21 =	simm.s32 $0x17080;
	[dreg:$0x7] =	wrdreg s10  }
0x14: {  	s23 =	sadd.s32 s0, s12;
	s0 =	sadd.s32 $0x13600, s0;
	s12 =	simm.s32 $0x2  }
.Ltmp0:
0x15: {  	s10 =	sadd.s32 $0x500, s23;
	[dreg:$0x9] =	wrdreg s0;
	(pc) =	sbr.rel .LBB2_1-.Ltmp0, $4  }
0x16: {  	s0 =	sshrl.u32 s25, $0x3;
	s23 =	simm.s32 $0x18080;
	[dreg:$0x8] =	wrdreg s10  }
0x17: {  	s13 =	sadd.s32 s2, s0;
	s0 =	sadd.s32 s26, s3;
	s2 =	sadd.s32 s2, s6  }
0x18: {  	s10 =	simm.s32 $0x1;
	s14 =	sadd.s32 $0x25080, s2;
	s2 =	sadd.s32 $0x128400, s3  }
0x19: {  	v0 =	vimm.f32 $0.0e+00;
	s25 =	sshrl.u32 @!p1 s0, $0x3;
	s0 =	simm.s32 $0x1D080;
	s24 =	sshrl.u32 @p1 s2, $0x3  }
.LBB2_9:
0x1a: {  	s6 =	sadd.s32 $0x13980, s2;
	[sflag:s17] =	ssyncadd.s32 @p2 $0xFFFFC000  }
0x1b: {  	[tilespmem:s29], [sflag:$0x2] =	stream.indirect.gather [hbm4b:s1+s19], $0x80, s6, s19, $0xb8;
	[tilespmem:$0x1E080] =	vst v63  }
0x1c: {  	s26 =	sadd.s32 $0x139A0, s2  }
0x1d: {  	[tilespmem:s30], [sflag:$0x2] =	stream.indirect.gather [hbm4b:s1+s19], $0x80, s26, s19, $0xb8;
	[tilespmem:$0x1E080] =	vst v63  }
0x1e: {  	s7 =	sadd.s32 $0x139C0, s2  }
0x1f: {  	[tilespmem:s31], [sflag:$0x2] =	stream.indirect.gather [hbm4b:s1+s19], $0x80, s7, s19, $0xb8;
	[tilespmem:$0x1E080] =	vst v63  }
0x20: {  	s20 =	sadd.s32 $0x139E0, s2  }
0x21: {  	[tilespmem:s0], [sflag:$0x2] =	stream.indirect.gather [hbm4b:s1+s19], $0x80, s20, s19, $0xb8;
	[tilespmem:$0x1E080] =	vst v63  }
0x22: {  	_ =	swait.ge [sflag:s10], $0x4000  }
0x23: {  	[sflag:s10] =	ssyncset.done $0x0  }
0x24: {  	s22 =	sadd.s32 $0x13900, s2;
	[sflag:s10] =	ssyncadd.s32 $0xFFFFC000  }
0x25: {  	[spmem:s3] =	stream.indirect.scatter.add.f32 [tilespmem:s16], [sflag:$0x3], $0x80, s22, s11, $0xb8;
	[tilespmem:$0x1E080] =	vst v63  }
0x26: {  	_ =	swait.ge [sflag:s17], $0x4000  }
0x27: {  	[sflag:s17] =	ssyncset.done $0x0  }
0x28: {  	s26 =	sadd.s32 $0x13A80, s2;
	[sflag:s17] =	ssyncadd.s32 $0xFFFFC000  }
0x29: {  	[tilespmem:s16], [sflag:$0x1] =	stream.indirect.gather [hbm4b:s1+s19], $0x80, s26, s19, $0xb8;
	[tilespmem:$0x1E080] =	vst v63  }
0x2a: {  	s7 =	sadd.s32 $0x13AA0, s2  }
0x2b: {  	[tilespmem:s21], [sflag:$0x1] =	stream.indirect.gather [hbm4b:s1+s19], $0x80, s7, s19, $0xb8;
	[tilespmem:$0x1E080] =	vst v63  }
0x2c: {  	s20 =	sadd.s32 $0x13AC0, s2  }
0x2d: {  	[tilespmem:s23], [sflag:$0x1] =	stream.indirect.gather [hbm4b:s1+s19], $0x80, s20, s19, $0xb8;
	[tilespmem:$0x1E080] =	vst v63  }
0x2e: {  	s22 =	sadd.s32 $0x13AE0, s2  }
0x2f: {  	[tilespmem:s28], [sflag:$0x1] =	stream.indirect.gather [hbm4b:s1+s19], $0x80, s22, s19, $0xb8;
	[tilespmem:$0x1E080] =	vst v63  }
0x30: {  	_ =	swait.ge [sflag:s12], $0x4000  }
0x31: {  	[sflag:s12] =	ssyncset.done $0x0  }
0x32: {  	s26 =	sadd.s32 $0x13A00, s2;
	[sflag:s12] =	ssyncadd.s32 $0xFFFFC000  }
0x33: {  	[spmem:s3] =	stream.indirect.scatter.add.f32 [tilespmem:s29], [sflag:$0x3], $0x80, s26, s11, $0xb8;
	[tilespmem:$0x1E080] =	vst v63  }
0x34: {  	s6 =	simm.s32 $0x15FA0;
	s2 =	simm.s32 $0x16000;
	_ =	swait.ge [sflag:s17], $0x4000  }
0x35: {  	s7 =	simm.s32 $0x15F80;
	s20 =	simm.s32 $0x15F00;
	[sflag:s17] =	ssyncset.done $0x0  }
0x36: {  	s22 =	simm.s32 $0x15FE0;
	s26 =	simm.s32 $0x15FC0;
	[sflag:s17] =	ssyncadd.s32 $0xFFFFC000  }
.LBB2_13:
0x37: {  	[tilespmem:s29], [sflag:$0x2] =	stream.indirect.gather [hbm4b:s1+s19], $0x80, s7, s19, $0xb8;
	[tilespmem:$0x1E080] =	vst v63  }
0x38: {  	_ = 	snop  }
0x39: {  	[tilespmem:s30], [sflag:$0x2] =	stream.indirect.gather [hbm4b:s1+s19], $0x80, s6, s19, $0xb8;
	[tilespmem:$0x1E080] =	vst v63  }
0x3a: {  	_ = 	snop  }
0x3b: {  	[tilespmem:s31], [sflag:$0x2] =	stream.indirect.gather [hbm4b:s1+s19], $0x80, s26, s19, $0xb8;
	[tilespmem:$0x1E080] =	vst v63  }
0x3c: {  	_ = 	snop  }
0x3d: {  	[tilespmem:s0], [sflag:$0x2] =	stream.indirect.gather [hbm4b:s1+s19], $0x80, s22, s19, $0xb8;
	[tilespmem:$0x1E080] =	vst v63  }
0x3e: {  	_ =	swait.ge [sflag:s10], $0x4000  }
0x3f: {  	[sflag:s10] =	ssyncset.done $0x0  }
0x40: {  	[sflag:s10] =	ssyncadd.s32 $0xFFFFC000  }
0x41: {  	[spmem:s3] =	stream.indirect.scatter.add.f32 [tilespmem:s16], [sflag:$0x3], $0x80, s20, s11, $0xb8;
	[tilespmem:$0x1E080] =	vst v63  }
0x42: {  	_ =	swait.ge [sflag:s17], $0x4000  }
0x43: {  	[sflag:s17] =	ssyncset.done $0x0  }
0x44: {  	[sflag:s17] =	ssyncadd.s32 $0xFFFFC000  }
0x45: {  	_ =	swait.ge [sflag:s12], $0x4000  }
0x46: {  	[sflag:s12] =	ssyncset.done $0x0  }
0x47: {  	[sflag:s12] =	ssyncadd.s32 $0xFFFFC000  }
0x48: {  	[spmem:s3] =	stream.indirect.scatter.add.f32 [tilespmem:s29], [sflag:$0x3], $0x80, s2, s11, $0xb8;
	[tilespmem:$0x1E080] =	vst v63  }
0x49: {  	_ =	swait.ge [sflag:s17], $0x4000  }
0x4a: {  	[sflag:s17] =	ssyncset.done $0x0  }
0x4b: {  	[sflag:s17] =	ssyncadd.s32 $0xFFFFC000  }
0x4c: {  	s2 =	simm.s32 @p1 $0x1FC3;
	[bflag:$0x0] =	sbarrier.arrive $0xFFFF  }
0x4d: {  	[hbm:s14], [sflag:s2] =	dma.local @p1 [spmem:s24], $0x2080  }
0x4e: {  	s2 =	simm.s32 @p1 $0x3  }
0x4f: {  	s6 =	stileid.u32;
	_ =	swait.ge @p1 [sflag:s2], $0x2080  }
0x50: {  	s4 =	sadd.s32 $0x1, s4;
	s6 =	sshll.u32 @!p1 s6, $0x6;
	[sflag:s2] =	ssyncset.done @p1 $0x0  }
0x51: {  	p2 =	sne.s32 s4, s15;
	[sflag:s2] =	ssyncadd.s32 @p1 $0xFFFFDF80;
	s2 =	sor.u32 @!p1 $0x1C03, s6  }
0x52: {  	[hbm:s13], [sflag:s2] =	dma.local @!p1 [spmem:s25], $0x2780  }
.Ltmp1:
0x53: {  	_ = 	snop;
	(pc) =	sbr.rel @!p2 .LBB2_14-.Ltmp1, $4  }
0x54: {  	s2 =	simm.s32 @!p1 $0x3  }
0x55: {  	_ =	swait.ge @!p1 [sflag:s2], $0x2780  }
0x56: {  	[sflag:s2] =	ssyncset.done @!p1 $0x0  }
0x57: {  	[sflag:s2] =	ssyncadd.s32 @!p1 $0xFFFFD880  }
.LBB2_1:
0x58: {  	s2 =	simm.s32 $0x0;
	s20 =	simm.s32 $0x200  }
.LBB2_2:
0x59: {  	p2 =	sne.s32 s20, $0xFE00;
	[tilespmem:s2+$0x160F0] =	vst v0  }
0x5a: {  	[tilespmem:s2+$0x16080] =	vst v0  }
0x5b: {  	[tilespmem:s2+$0x16090] =	vst v0  }
.Ltmp2:
0x5c: {  	[tilespmem:s2+$0x160A0] =	vst v0;
	(pc) =	sbr.rel @p2 .LBB2_2-.Ltmp2, $4  }
0x5d: {  	[tilespmem:s2+$0x160B0] =	vst v0  }
0x5e: {  	[tilespmem:s2+$0x160C0] =	vst v0  }
0x5f: {  	[tilespmem:s2+$0x160D0] =	vst v0  }
0x60: {  	[tilespmem:s2+$0x160E0] =	vst v0;
	s2 =	sshra.s32 s20, $0x2;
	s20 =	sadd.s32 $0x200, s20  }
0x61: {  	[tilespmem:s2+$0x160F0] =	vst v0  }
0x62: {  	[tilespmem:s2+$0x16080] =	vst v0  }
0x63: {  	[tilespmem:s2+$0x16090] =	vst v0  }
0x64: {  	[tilespmem:s2+$0x160A0] =	vst v0  }
0x65: {  	[tilespmem:s2+$0x160B0] =	vst v0  }
0x66: {  	[tilespmem:s2+$0x160C0] =	vst v0  }
0x67: {  	[tilespmem:s2+$0x160D0] =	vst v0  }
0x68: {  	[tilespmem:s2+$0x160E0] =	vst v0  }
0x69: {  	[spmem:s5] =	stream.linear.scatter [tilespmem:s16], [sflag:$0x3], $0x4000, $0x38;
	[tilespmem:$0x1E080] =	vst v63  }
0x6a: {  	_ =	swait.ge [sflag:s17], $0x4000  }
0x6b: {  	[sflag:s17] =	ssyncset.done $0x0  }
0x6c: {  	s22 =	rddreg [dreg:$0x5];
	[sflag:s17] =	ssyncadd.s32 $0xFFFFC000  }
0x6d: {  	[spmem:s22] =	stream.linear.scatter [tilespmem:s16], [sflag:$0x3], $0x4000, $0x38;
	[tilespmem:$0x1E080] =	vst v63  }
0x6e: {  	_ =	swait.ge [sflag:s17], $0x4000  }
0x6f: {  	[sflag:s17] =	ssyncset.done $0x0  }
0x70: {  	s26 =	rddreg [dreg:$0x6];
	[sflag:s17] =	ssyncadd.s32 $0xFFFFC000  }
0x71: {  	[spmem:s26] =	stream.linear.scatter [tilespmem:s16], [sflag:$0x3], $0x4000, $0x38;
	[tilespmem:$0x1E080] =	vst v63  }
0x72: {  	_ =	swait.ge [sflag:s17], $0x4000  }
0x73: {  	[sflag:s17] =	ssyncset.done $0x0  }
0x74: {  	[sflag:s17] =	ssyncadd.s32 $0xFFFFC000  }
0x75: {  	[spmem:s8] =	stream.linear.scatter [tilespmem:s16], [sflag:$0x3], $0x4000, $0x38;
	[tilespmem:$0x1E080] =	vst v63  }
0x76: {  	_ =	swait.ge [sflag:s17], $0x4000  }
0x77: {  	[sflag:s17] =	ssyncset.done $0x0  }
0x78: {  	[sflag:s17] =	ssyncadd.s32 $0xFFFFC000  }
0x79: {  	[spmem:s9] =	stream.linear.scatter [tilespmem:s16], [sflag:$0x3], $0x3880, $0x38;
	[tilespmem:$0x1E080] =	vst v63  }
.Ltmp3:
0x7a: {  	_ =	swait.ge [sflag:s17], $0x3880;
	(pc) =	sbr.rel @!p0 .LBB2_4-.Ltmp3, $4  }
0x7b: {  	[sflag:s17] =	ssyncset.done $0x0  }
0x7c: {  	[sflag:s17] =	ssyncadd.s32 $0xFFFFC780  }
0x7d: {  	[bflag:$0x0] =	sbarrier.arrive $0xFFFF  }
0x7e: {  	s2 =	simm.s32 $0x0  }
0x7f: {  	s6 =	rddreg [dreg:$0x9]  }
0x80: {  	[tilespmem:s18], [sflag:$0x3] =	stream.linear.gather [hbm4b:s6+s2], $0x1400, $0x38;
	[tilespmem:$0x1E080] =	vst v63  }
0x81: {  	_ =	swait.ge [sflag:s17], $0x1400  }
0x82: {  	[sflag:s17] =	ssyncset.done $0x0  }
0x83: {  	[sflag:s17] =	ssyncadd.s32 $0xFFFFEC00  }
0x84: {  	[tilespmem:s16], [sflag:$0x1] =	stream.indirect.gather [hbm4b:s1+s19], $0x80, s18, s19, $0xb8;
	[tilespmem:$0x1E080] =	vst v63  }
0x85: {  	s20 =	simm.s32 $0x138A0  }
0x86: {  	[tilespmem:s21], [sflag:$0x1] =	stream.indirect.gather [hbm4b:s1+s19], $0x80, s20, s19, $0xb8;
	[tilespmem:$0x1E080] =	vst v63  }
0x87: {  	s22 =	simm.s32 $0x138C0  }
0x88: {  	[tilespmem:s23], [sflag:$0x1] =	stream.indirect.gather [hbm4b:s1+s19], $0x80, s22, s19, $0xb8;
	[tilespmem:$0x1E080] =	vst v63  }
0x89: {  	s26 =	simm.s32 $0x138E0  }
0x8a: {  	[tilespmem:s28], [sflag:$0x1] =	stream.indirect.gather [hbm4b:s1+s19], $0x80, s26, s19, $0xb8;
	[tilespmem:$0x1E080] =	vst v63  }
0x8b: {  	s6 =	simm.s32 $0x13980  }
0x8c: {  	[tilespmem:s29], [sflag:$0x2] =	stream.indirect.gather [hbm4b:s1+s19], $0x80, s6, s19, $0xb8;
	[tilespmem:$0x1E080] =	vst v63  }
0x8d: {  	s7 =	simm.s32 $0x139A0  }
0x8e: {  	[tilespmem:s30], [sflag:$0x2] =	stream.indirect.gather [hbm4b:s1+s19], $0x80, s7, s19, $0xb8;
	[tilespmem:$0x1E080] =	vst v63  }
0x8f: {  	s20 =	simm.s32 $0x139C0  }
0x90: {  	[tilespmem:s31], [sflag:$0x2] =	stream.indirect.gather [hbm4b:s1+s19], $0x80, s20, s19, $0xb8;
	[tilespmem:$0x1E080] =	vst v63  }
0x91: {  	s22 =	simm.s32 $0x139E0  }
0x92: {  	[tilespmem:s0], [sflag:$0x2] =	stream.indirect.gather [hbm4b:s1+s19], $0x80, s22, s19, $0xb8;
	[tilespmem:$0x1E080] =	vst v63  }
0x93: {  	_ =	swait.ge [sflag:s10], $0x4000  }
0x94: {  	[sflag:s10] =	ssyncset.done $0x0  }
0x95: {  	s26 =	simm.s32 $0x13900;
	[sflag:s10] =	ssyncadd.s32 $0xFFFFC000  }
0x96: {  	[spmem:s3] =	stream.indirect.scatter.add.f32 [tilespmem:s16], [sflag:$0x3], $0x80, s26, s11, $0xb8;
	[tilespmem:$0x1E080] =	vst v63  }
0x97: {  	_ =	swait.ge [sflag:s17], $0x4000  }
0x98: {  	[sflag:s17] =	ssyncset.done $0x0  }
0x99: {  	s6 =	simm.s32 $0x13A80;
	[sflag:s17] =	ssyncadd.s32 $0xFFFFC000  }
0x9a: {  	[tilespmem:s16], [sflag:$0x1] =	stream.indirect.gather [hbm4b:s1+s19], $0x80, s6, s19, $0xb8;
	[tilespmem:$0x1E080] =	vst v63  }
0x9b: {  	s7 =	simm.s32 $0x13AA0  }
0x9c: {  	[tilespmem:s21], [sflag:$0x1] =	stream.indirect.gather [hbm4b:s1+s19], $0x80, s7, s19, $0xb8;
	[tilespmem:$0x1E080] =	vst v63  }
0x9d: {  	s20 =	simm.s32 $0x13AC0  }
0x9e: {  	[tilespmem:s23], [sflag:$0x1] =	stream.indirect.gather [hbm4b:s1+s19], $0x80, s20, s19, $0xb8;
	[tilespmem:$0x1E080] =	vst v63  }
0x9f: {  	s22 =	simm.s32 $0x13AE0  }
0xa0: {  	[tilespmem:s28], [sflag:$0x1] =	stream.indirect.gather [hbm4b:s1+s19], $0x80, s22, s19, $0xb8;
	[tilespmem:$0x1E080] =	vst v63  }
0xa1: {  	_ =	swait.ge [sflag:s12], $0x4000  }
0xa2: {  	[sflag:s12] =	ssyncset.done $0x0  }
0xa3: {  	s26 =	simm.s32 $0x13A00;
	[sflag:s12] =	ssyncadd.s32 $0xFFFFC000  }
0xa4: {  	[spmem:s3] =	stream.indirect.scatter.add.f32 [tilespmem:s29], [sflag:$0x3], $0x80, s26, s11, $0xb8;
	[tilespmem:$0x1E080] =	vst v63  }
0xa5: {  	_ =	swait.ge [sflag:s17], $0x4000  }
0xa6: {  	s2 =	simm.s32 $0x200;
	s20 =	simm.s32 $0x1000;
	[sflag:s17] =	ssyncset.done $0x0  }
.LBB2_11:
0xa7: {  	s6 =	sadd.s32 $0x13980, s2  }
0xa8: {  	[sflag:s17] =	ssyncadd.s32 $0xFFFFC000;
	s7 =	smov.u32 s20;
	s22 =	sadd.s32 $0x800, s20  }
0xa9: {  	[tilespmem:s29], [sflag:$0x2] =	stream.indirect.gather [hbm4b:s1+s19], $0x80, s6, s19, $0xb8;
	[tilespmem:$0x1E080] =	vst v63  }
0xaa: {  	p2 =	sne.s32 s20, $0x4000;
	s6 =	sadd.s32 $0x139A0, s2  }
0xab: {  	[tilespmem:s30], [sflag:$0x2] =	stream.indirect.gather [hbm4b:s1+s19], $0x80, s6, s19, $0xb8;
	[tilespmem:$0x1E080] =	vst v63  }
0xac: {  	s6 =	sadd.s32 $0x139C0, s2  }
0xad: {  	[tilespmem:s31], [sflag:$0x2] =	stream.indirect.gather [hbm4b:s1+s19], $0x80, s6, s19, $0xb8;
	[tilespmem:$0x1E080] =	vst v63  }
0xae: {  	s6 =	sadd.s32 $0x139E0, s2  }
0xaf: {  	[tilespmem:s0], [sflag:$0x2] =	stream.indirect.gather [hbm4b:s1+s19], $0x80, s6, s19, $0xb8;
	[tilespmem:$0x1E080] =	vst v63  }
0xb0: {  	_ =	swait.ge [sflag:s10], $0x4000  }
0xb1: {  	[sflag:s10] =	ssyncset.done $0x0  }
0xb2: {  	s6 =	sadd.s32 $0x13900, s2;
	[sflag:s10] =	ssyncadd.s32 $0xFFFFC000  }
0xb3: {  	[spmem:s3] =	stream.indirect.scatter.add.f32 [tilespmem:s16], [sflag:$0x3], $0x80, s6, s11, $0xb8;
	[tilespmem:$0x1E080] =	vst v63  }
0xb4: {  	_ =	swait.ge [sflag:s17], $0x4000  }
0xb5: {  	[sflag:s17] =	ssyncset.done $0x0  }
0xb6: {  	s6 =	sadd.s32 $0x13A80, s2;
	[sflag:s17] =	ssyncadd.s32 $0xFFFFC000  }
0xb7: {  	[tilespmem:s16], [sflag:$0x1] =	stream.indirect.gather [hbm4b:s1+s19], $0x80, s6, s19, $0xb8;
	[tilespmem:$0x1E080] =	vst v63  }
0xb8: {  	s6 =	sadd.s32 $0x13AA0, s2  }
0xb9: {  	[tilespmem:s21], [sflag:$0x1] =	stream.indirect.gather [hbm4b:s1+s19], $0x80, s6, s19, $0xb8;
	[tilespmem:$0x1E080] =	vst v63  }
0xba: {  	s6 =	sadd.s32 $0x13AC0, s2  }
0xbb: {  	[tilespmem:s23], [sflag:$0x1] =	stream.indirect.gather [hbm4b:s1+s19], $0x80, s6, s19, $0xb8;
	[tilespmem:$0x1E080] =	vst v63  }
0xbc: {  	s6 =	sadd.s32 $0x13AE0, s2  }
0xbd: {  	[tilespmem:s28], [sflag:$0x1] =	stream.indirect.gather [hbm4b:s1+s19], $0x80, s6, s19, $0xb8;
	[tilespmem:$0x1E080] =	vst v63  }
0xbe: {  	_ =	swait.ge [sflag:s12], $0x4000  }
.Ltmp4:
0xbf: {  	[sflag:s12] =	ssyncset.done $0x0;
	(pc) =	sbr.rel @p2 .LBB2_11-.Ltmp4, $4  }
0xc0: {  	s2 =	sadd.s32 $0x13A00, s2;
	[sflag:s12] =	ssyncadd.s32 $0xFFFFC000  }
0xc1: {  	[spmem:s3] =	stream.indirect.scatter.add.f32 [tilespmem:s29], [sflag:$0x3], $0x80, s2, s11, $0xb8;
	[tilespmem:$0x1E080] =	vst v63  }
0xc2: {  	_ =	swait.ge [sflag:s17], $0x4000  }
0xc3: {  	s20 =	smov.u32 s22;
	s2 =	sshra.s32 s7, $0x2;
	[sflag:s17] =	ssyncset.done $0x0  }
0xc4: {  	s6 =	sadd.s32 $0x13980, s2;
	[sflag:s17] =	ssyncadd.s32 $0xFFFFC000  }
0xc5: {  	[tilespmem:s29], [sflag:$0x2] =	stream.indirect.gather [hbm4b:s1+s19], $0x80, s6, s19, $0xb8;
	[tilespmem:$0x1E080] =	vst v63  }
0xc6: {  	s26 =	sadd.s32 $0x139A0, s2  }
0xc7: {  	[tilespmem:s30], [sflag:$0x2] =	stream.indirect.gather [hbm4b:s1+s19], $0x80, s26, s19, $0xb8;
	[tilespmem:$0x1E080] =	vst v63  }
0xc8: {  	s7 =	sadd.s32 $0x139C0, s2  }
0xc9: {  	[tilespmem:s31], [sflag:$0x2] =	stream.indirect.gather [hbm4b:s1+s19], $0x80, s7, s19, $0xb8;
	[tilespmem:$0x1E080] =	vst v63  }
0xca: {  	s20 =	sadd.s32 $0x139E0, s2  }
0xcb: {  	[tilespmem:s0], [sflag:$0x2] =	stream.indirect.gather [hbm4b:s1+s19], $0x80, s20, s19, $0xb8;
	[tilespmem:$0x1E080] =	vst v63  }
0xcc: {  	_ =	swait.ge [sflag:s10], $0x4000  }
0xcd: {  	[sflag:s10] =	ssyncset.done $0x0  }
0xce: {  	s22 =	sadd.s32 $0x13900, s2;
	[sflag:s10] =	ssyncadd.s32 $0xFFFFC000  }
0xcf: {  	[spmem:s3] =	stream.indirect.scatter.add.f32 [tilespmem:s16], [sflag:$0x3], $0x80, s22, s11, $0xb8;
	[tilespmem:$0x1E080] =	vst v63  }
0xd0: {  	_ =	swait.ge [sflag:s17], $0x4000  }
0xd1: {  	[sflag:s17] =	ssyncset.done $0x0  }
0xd2: {  	s26 =	sadd.s32 $0x13A80, s2;
	[sflag:s17] =	ssyncadd.s32 $0xFFFFC000  }
0xd3: {  	[tilespmem:s16], [sflag:$0x1] =	stream.indirect.gather [hbm4b:s1+s19], $0x80, s26, s19, $0xb8;
	[tilespmem:$0x1E080] =	vst v63  }
0xd4: {  	s7 =	sadd.s32 $0x13AA0, s2  }
0xd5: {  	[tilespmem:s21], [sflag:$0x1] =	stream.indirect.gather [hbm4b:s1+s19], $0x80, s7, s19, $0xb8;
	[tilespmem:$0x1E080] =	vst v63  }
0xd6: {  	s20 =	sadd.s32 $0x13AC0, s2  }
0xd7: {  	[tilespmem:s23], [sflag:$0x1] =	stream.indirect.gather [hbm4b:s1+s19], $0x80, s20, s19, $0xb8;
	[tilespmem:$0x1E080] =	vst v63  }
0xd8: {  	s22 =	sadd.s32 $0x13AE0, s2  }
0xd9: {  	[tilespmem:s28], [sflag:$0x1] =	stream.indirect.gather [hbm4b:s1+s19], $0x80, s22, s19, $0xb8;
	[tilespmem:$0x1E080] =	vst v63  }
0xda: {  	_ =	swait.ge [sflag:s12], $0x4000  }
0xdb: {  	[sflag:s12] =	ssyncset.done $0x0  }
.Ltmp5:
0xdc: {  	s26 =	sadd.s32 $0x13A00, s2;
	[sflag:s12] =	ssyncadd.s32 $0xFFFFC000;
	(pc) =	sbr.rel .LBB2_13-.Ltmp5, $4  }
0xdd: {  	[spmem:s3] =	stream.indirect.scatter.add.f32 [tilespmem:s29], [sflag:$0x3], $0x80, s26, s11, $0xb8;
	[tilespmem:$0x1E080] =	vst v63  }
0xde: {  	s6 =	simm.s32 $0x14BA0;
	s2 =	simm.s32 $0x14C00;
	_ =	swait.ge [sflag:s17], $0x4000  }
0xdf: {  	s7 =	simm.s32 $0x14B80;
	s20 =	simm.s32 $0x14B00;
	[sflag:s17] =	ssyncset.done $0x0  }
0xe0: {  	s22 =	simm.s32 $0x14BE0;
	s26 =	simm.s32 $0x14BC0;
	[sflag:s17] =	ssyncadd.s32 $0xFFFFC000  }
.LBB2_4:
0xe1: {  	s6 =	rddreg [dreg:$0x7]  }
0xe2: {  	[tilespmem:s18], [sflag:$0x3] =	stream.linear.gather [hbm4b:s6+s2], $0x2800, $0x38;
	[tilespmem:$0x1E080] =	vst v63  }
0xe3: {  	_ =	swait.ge [sflag:s17], $0x2800  }
0xe4: {  	[sflag:s17] =	ssyncset.done $0x0  }
0xe5: {  	[sflag:s17] =	ssyncadd.s32 $0xFFFFD800  }
0xe6: {  	[tilespmem:s16], [sflag:$0x1] =	stream.indirect.gather [hbm4b:s1+s19], $0x80, s18, s19, $0xb8;
	[tilespmem:$0x1E080] =	vst v63  }
0xe7: {  	s20 =	simm.s32 $0x138A0  }
0xe8: {  	[tilespmem:s21], [sflag:$0x1] =	stream.indirect.gather [hbm4b:s1+s19], $0x80, s20, s19, $0xb8;
	[tilespmem:$0x1E080] =	vst v63  }
0xe9: {  	s22 =	simm.s32 $0x138C0  }
0xea: {  	[tilespmem:s23], [sflag:$0x1] =	stream.indirect.gather [hbm4b:s1+s19], $0x80, s22, s19, $0xb8;
	[tilespmem:$0x1E080] =	vst v63  }
0xeb: {  	s26 =	simm.s32 $0x138E0  }
0xec: {  	[tilespmem:s28], [sflag:$0x1] =	stream.indirect.gather [hbm4b:s1+s19], $0x80, s26, s19, $0xb8;
	[tilespmem:$0x1E080] =	vst v63  }
0xed: {  	s6 =	simm.s32 $0x13980  }
0xee: {  	[tilespmem:s29], [sflag:$0x2] =	stream.indirect.gather [hbm4b:s1+s19], $0x80, s6, s19, $0xb8;
	[tilespmem:$0x1E080] =	vst v63  }
0xef: {  	s7 =	simm.s32 $0x139A0  }
0xf0: {  	[tilespmem:s30], [sflag:$0x2] =	stream.indirect.gather [hbm4b:s1+s19], $0x80, s7, s19, $0xb8;
	[tilespmem:$0x1E080] =	vst v63  }
0xf1: {  	s20 =	simm.s32 $0x139C0  }
0xf2: {  	[tilespmem:s31], [sflag:$0x2] =	stream.indirect.gather [hbm4b:s1+s19], $0x80, s20, s19, $0xb8;
	[tilespmem:$0x1E080] =	vst v63  }
0xf3: {  	s22 =	simm.s32 $0x139E0  }
0xf4: {  	[tilespmem:s0], [sflag:$0x2] =	stream.indirect.gather [hbm4b:s1+s19], $0x80, s22, s19, $0xb8;
	[tilespmem:$0x1E080] =	vst v63  }
0xf5: {  	_ =	swait.ge [sflag:s10], $0x4000  }
0xf6: {  	[sflag:s10] =	ssyncset.done $0x0  }
0xf7: {  	s26 =	simm.s32 $0x13900;
	[sflag:s10] =	ssyncadd.s32 $0xFFFFC000  }
0xf8: {  	[spmem:s3] =	stream.indirect.scatter.add.f32 [tilespmem:s16], [sflag:$0x3], $0x80, s26, s11, $0xb8;
	[tilespmem:$0x1E080] =	vst v63  }
0xf9: {  	_ =	swait.ge [sflag:s17], $0x4000  }
0xfa: {  	[sflag:s17] =	ssyncset.done $0x0  }
0xfb: {  	s6 =	simm.s32 $0x13A80;
	[sflag:s17] =	ssyncadd.s32 $0xFFFFC000  }
0xfc: {  	[tilespmem:s16], [sflag:$0x1] =	stream.indirect.gather [hbm4b:s1+s19], $0x80, s6, s19, $0xb8;
	[tilespmem:$0x1E080] =	vst v63  }
0xfd: {  	s7 =	simm.s32 $0x13AA0  }
0xfe: {  	[tilespmem:s21], [sflag:$0x1] =	stream.indirect.gather [hbm4b:s1+s19], $0x80, s7, s19, $0xb8;
	[tilespmem:$0x1E080] =	vst v63  }
0xff: {  	s20 =	simm.s32 $0x13AC0  }
0x100: {  	[tilespmem:s23], [sflag:$0x1] =	stream.indirect.gather [hbm4b:s1+s19], $0x80, s20, s19, $0xb8;
	[tilespmem:$0x1E080] =	vst v63  }
0x101: {  	s22 =	simm.s32 $0x13AE0  }
0x102: {  	[tilespmem:s28], [sflag:$0x1] =	stream.indirect.gather [hbm4b:s1+s19], $0x80, s22, s19, $0xb8;
	[tilespmem:$0x1E080] =	vst v63  }
0x103: {  	_ =	swait.ge [sflag:s12], $0x4000  }
0x104: {  	[sflag:s12] =	ssyncset.done $0x0  }
0x105: {  	s26 =	simm.s32 $0x13A00;
	[sflag:s12] =	ssyncadd.s32 $0xFFFFC000  }
0x106: {  	[spmem:s3] =	stream.indirect.scatter.add.f32 [tilespmem:s29], [sflag:$0x3], $0x80, s26, s11, $0xb8;
	[tilespmem:$0x1E080] =	vst v63  }
0x107: {  	_ =	swait.ge [sflag:s17], $0x4000  }
0x108: {  	s2 =	simm.s32 $0x200;
	s20 =	simm.s32 $0x1000;
	[sflag:s17] =	ssyncset.done $0x0  }
.LBB2_5:
0x109: {  	s6 =	sadd.s32 $0x13980, s2  }
0x10a: {  	[sflag:s17] =	ssyncadd.s32 $0xFFFFC000;
	s7 =	smov.u32 s20;
	s22 =	sadd.s32 $0x800, s20  }
0x10b: {  	[tilespmem:s29], [sflag:$0x2] =	stream.indirect.gather [hbm4b:s1+s19], $0x80, s6, s19, $0xb8;
	[tilespmem:$0x1E080] =	vst v63  }
0x10c: {  	p2 =	sne.s32 s20, $0x9000;
	s6 =	sadd.s32 $0x139A0, s2  }
0x10d: {  	[tilespmem:s30], [sflag:$0x2] =	stream.indirect.gather [hbm4b:s1+s19], $0x80, s6, s19, $0xb8;
	[tilespmem:$0x1E080] =	vst v63  }
0x10e: {  	s6 =	sadd.s32 $0x139C0, s2  }
0x10f: {  	[tilespmem:s31], [sflag:$0x2] =	stream.indirect.gather [hbm4b:s1+s19], $0x80, s6, s19, $0xb8;
	[tilespmem:$0x1E080] =	vst v63  }
0x110: {  	s6 =	sadd.s32 $0x139E0, s2  }
0x111: {  	[tilespmem:s0], [sflag:$0x2] =	stream.indirect.gather [hbm4b:s1+s19], $0x80, s6, s19, $0xb8;
	[tilespmem:$0x1E080] =	vst v63  }
0x112: {  	_ =	swait.ge [sflag:s10], $0x4000  }
0x113: {  	[sflag:s10] =	ssyncset.done $0x0  }
0x114: {  	s6 =	sadd.s32 $0x13900, s2;
	[sflag:s10] =	ssyncadd.s32 $0xFFFFC000  }
0x115: {  	[spmem:s3] =	stream.indirect.scatter.add.f32 [tilespmem:s16], [sflag:$0x3], $0x80, s6, s11, $0xb8;
	[tilespmem:$0x1E080] =	vst v63  }
0x116: {  	_ =	swait.ge [sflag:s17], $0x4000  }
0x117: {  	[sflag:s17] =	ssyncset.done $0x0  }
0x118: {  	s6 =	sadd.s32 $0x13A80, s2;
	[sflag:s17] =	ssyncadd.s32 $0xFFFFC000  }
0x119: {  	[tilespmem:s16], [sflag:$0x1] =	stream.indirect.gather [hbm4b:s1+s19], $0x80, s6, s19, $0xb8;
	[tilespmem:$0x1E080] =	vst v63  }
0x11a: {  	s6 =	sadd.s32 $0x13AA0, s2  }
0x11b: {  	[tilespmem:s21], [sflag:$0x1] =	stream.indirect.gather [hbm4b:s1+s19], $0x80, s6, s19, $0xb8;
	[tilespmem:$0x1E080] =	vst v63  }
0x11c: {  	s6 =	sadd.s32 $0x13AC0, s2  }
0x11d: {  	[tilespmem:s23], [sflag:$0x1] =	stream.indirect.gather [hbm4b:s1+s19], $0x80, s6, s19, $0xb8;
	[tilespmem:$0x1E080] =	vst v63  }
0x11e: {  	s6 =	sadd.s32 $0x13AE0, s2  }
0x11f: {  	[tilespmem:s28], [sflag:$0x1] =	stream.indirect.gather [hbm4b:s1+s19], $0x80, s6, s19, $0xb8;
	[tilespmem:$0x1E080] =	vst v63  }
0x120: {  	_ =	swait.ge [sflag:s12], $0x4000  }
.Ltmp6:
0x121: {  	[sflag:s12] =	ssyncset.done $0x0;
	(pc) =	sbr.rel @p2 .LBB2_5-.Ltmp6, $4  }
0x122: {  	s2 =	sadd.s32 $0x13A00, s2;
	[sflag:s12] =	ssyncadd.s32 $0xFFFFC000  }
0x123: {  	[spmem:s3] =	stream.indirect.scatter.add.f32 [tilespmem:s29], [sflag:$0x3], $0x80, s2, s11, $0xb8;
	[tilespmem:$0x1E080] =	vst v63  }
0x124: {  	_ =	swait.ge [sflag:s17], $0x4000  }
0x125: {  	s20 =	smov.u32 s22;
	s2 =	sshra.s32 s7, $0x2;
	[sflag:s17] =	ssyncset.done $0x0  }
0x126: {  	s6 =	sadd.s32 $0x13980, s2;
	[sflag:s17] =	ssyncadd.s32 $0xFFFFC000  }
0x127: {  	[tilespmem:s29], [sflag:$0x2] =	stream.indirect.gather [hbm4b:s1+s19], $0x80, s6, s19, $0xb8;
	[tilespmem:$0x1E080] =	vst v63  }
0x128: {  	s22 =	sadd.s32 $0x139A0, s2  }
0x129: {  	[tilespmem:s30], [sflag:$0x2] =	stream.indirect.gather [hbm4b:s1+s19], $0x80, s22, s19, $0xb8;
	[tilespmem:$0x1E080] =	vst v63  }
0x12a: {  	s26 =	sadd.s32 $0x139C0, s2  }
0x12b: {  	[tilespmem:s31], [sflag:$0x2] =	stream.indirect.gather [hbm4b:s1+s19], $0x80, s26, s19, $0xb8;
	[tilespmem:$0x1E080] =	vst v63  }
0x12c: {  	s7 =	sadd.s32 $0x139E0, s2  }
0x12d: {  	[tilespmem:s0], [sflag:$0x2] =	stream.indirect.gather [hbm4b:s1+s19], $0x80, s7, s19, $0xb8;
	[tilespmem:$0x1E080] =	vst v63  }
0x12e: {  	_ =	swait.ge [sflag:s10], $0x4000  }
0x12f: {  	[sflag:s10] =	ssyncset.done $0x0  }
0x130: {  	s20 =	sadd.s32 $0x13900, s2;
	[sflag:s10] =	ssyncadd.s32 $0xFFFFC000  }
0x131: {  	[spmem:s3] =	stream.indirect.scatter.add.f32 [tilespmem:s16], [sflag:$0x3], $0x80, s20, s11, $0xb8;
	[tilespmem:$0x1E080] =	vst v63  }
0x132: {  	_ =	swait.ge [sflag:s17], $0x4000  }
0x133: {  	[sflag:s17] =	ssyncset.done $0x0  }
0x134: {  	s22 =	sadd.s32 $0x13A80, s2;
	[sflag:s17] =	ssyncadd.s32 $0xFFFFC000  }
0x135: {  	[tilespmem:s16], [sflag:$0x1] =	stream.indirect.gather [hbm4b:s1+s19], $0x80, s22, s19, $0xb8;
	[tilespmem:$0x1E080] =	vst v63  }
0x136: {  	s26 =	sadd.s32 $0x13AA0, s2  }
0x137: {  	[tilespmem:s21], [sflag:$0x1] =	stream.indirect.gather [hbm4b:s1+s19], $0x80, s26, s19, $0xb8;
	[tilespmem:$0x1E080] =	vst v63  }
0x138: {  	s7 =	sadd.s32 $0x13AC0, s2  }
0x139: {  	[tilespmem:s23], [sflag:$0x1] =	stream.indirect.gather [hbm4b:s1+s19], $0x80, s7, s19, $0xb8;
	[tilespmem:$0x1E080] =	vst v63  }
0x13a: {  	s20 =	sadd.s32 $0x13AE0, s2  }
0x13b: {  	[tilespmem:s28], [sflag:$0x1] =	stream.indirect.gather [hbm4b:s1+s19], $0x80, s20, s19, $0xb8;
	[tilespmem:$0x1E080] =	vst v63  }
0x13c: {  	_ =	swait.ge [sflag:s12], $0x4000  }
0x13d: {  	[sflag:s12] =	ssyncset.done $0x0  }
0x13e: {  	s22 =	sadd.s32 $0x13A00, s2;
	[sflag:s12] =	ssyncadd.s32 $0xFFFFC000  }
0x13f: {  	[spmem:s3] =	stream.indirect.scatter.add.f32 [tilespmem:s29], [sflag:$0x3], $0x80, s22, s11, $0xb8;
	[tilespmem:$0x1E080] =	vst v63  }
0x140: {  	_ =	swait.ge [sflag:s17], $0x4000  }
0x141: {  	[sflag:s17] =	ssyncset.done $0x0  }
0x142: {  	s26 =	simm.s32 $0x15F80;
	[sflag:s17] =	ssyncadd.s32 $0xFFFFC000  }
0x143: {  	[tilespmem:s29], [sflag:$0x2] =	stream.indirect.gather [hbm4b:s1+s19], $0x80, s26, s19, $0xb8;
	[tilespmem:$0x1E080] =	vst v63  }
0x144: {  	s6 =	simm.s32 $0x15FA0  }
0x145: {  	[tilespmem:s30], [sflag:$0x2] =	stream.indirect.gather [hbm4b:s1+s19], $0x80, s6, s19, $0xb8;
	[tilespmem:$0x1E080] =	vst v63  }
0x146: {  	s7 =	simm.s32 $0x15FC0  }
0x147: {  	[tilespmem:s31], [sflag:$0x2] =	stream.indirect.gather [hbm4b:s1+s19], $0x80, s7, s19, $0xb8;
	[tilespmem:$0x1E080] =	vst v63  }
0x148: {  	s20 =	simm.s32 $0x15FE0  }
0x149: {  	[tilespmem:s0], [sflag:$0x2] =	stream.indirect.gather [hbm4b:s1+s19], $0x80, s20, s19, $0xb8;
	[tilespmem:$0x1E080] =	vst v63  }
0x14a: {  	_ =	swait.ge [sflag:s10], $0x4000  }
0x14b: {  	[sflag:s10] =	ssyncset.done $0x0  }
0x14c: {  	s22 =	simm.s32 $0x15F00;
	[sflag:s10] =	ssyncadd.s32 $0xFFFFC000  }
0x14d: {  	[spmem:s3] =	stream.indirect.scatter.add.f32 [tilespmem:s16], [sflag:$0x3], $0x80, s22, s11, $0xb8;
	[tilespmem:$0x1E080] =	vst v63  }
0x14e: {  	_ =	swait.ge [sflag:s17], $0x4000  }
0x14f: {  	[sflag:s17] =	ssyncset.done $0x0  }
0x150: {  	[sflag:s17] =	ssyncadd.s32 $0xFFFFC000  }
0x151: {  	_ =	swait.ge [sflag:s12], $0x4000  }
0x152: {  	[sflag:s12] =	ssyncset.done $0x0  }
0x153: {  	s26 =	simm.s32 $0x16000;
	[sflag:s12] =	ssyncadd.s32 $0xFFFFC000  }
0x154: {  	[spmem:s3] =	stream.indirect.scatter.add.f32 [tilespmem:s29], [sflag:$0x3], $0x80, s26, s11, $0xb8;
	[tilespmem:$0x1E080] =	vst v63  }
0x155: {  	_ =	swait.ge [sflag:s17], $0x4000  }
0x156: {  	[sflag:s17] =	ssyncset.done $0x0  }
0x157: {  	s6 =	simm.s32 $0x0;
	s7 =	rddreg [dreg:$0x8];
	[sflag:s17] =	ssyncadd.s32 $0xFFFFC000  }
0x158: {  	[tilespmem:s18], [sflag:$0x3] =	stream.linear.gather [hbm4b:s7+s6], $0x2800, $0x38;
	[tilespmem:$0x1E080] =	vst v63  }
0x159: {  	_ =	swait.ge [sflag:s17], $0x2800  }
0x15a: {  	[sflag:s17] =	ssyncset.done $0x0  }
0x15b: {  	[sflag:s17] =	ssyncadd.s32 $0xFFFFD800  }
0x15c: {  	[tilespmem:s16], [sflag:$0x1] =	stream.indirect.gather [hbm4b:s1+s19], $0x80, s18, s19, $0xb8;
	[tilespmem:$0x1E080] =	vst v63  }
0x15d: {  	p3 =	por $0x0, $0x0;
	s20 =	simm.s32 $0x138A0  }
0x15e: {  	[tilespmem:s21], [sflag:$0x1] =	stream.indirect.gather [hbm4b:s1+s19], $0x80, s20, s19, $0xb8;
	[tilespmem:$0x1E080] =	vst v63  }
.Ltmp7:
0x15f: {  	_ = 	snop;
	(pc) =	sbr.rel @p3 .LBB2_9-.Ltmp7, $4  }
0x160: {  	s22 =	simm.s32 $0x138C0  }
0x161: {  	[tilespmem:s23], [sflag:$0x1] =	stream.indirect.gather [hbm4b:s1+s19], $0x80, s22, s19, $0xb8;
	[tilespmem:$0x1E080] =	vst v63  }
0x162: {  	p2 =	por $0x0, $0x0;
	s2 =	simm.s32 $0x0;
	s26 =	simm.s32 $0x138E0  }
0x163: {  	[tilespmem:s28], [sflag:$0x1] =	stream.indirect.gather [hbm4b:s1+s19], $0x80, s26, s19, $0xb8;
	[tilespmem:$0x1E080] =	vst v63  }
0x164: {  	s2 =	simm.s32 $0x13980  }
0x165: {  	[tilespmem:s29], [sflag:$0x2] =	stream.indirect.gather [hbm4b:s1+s19], $0x80, s2, s19, $0xb8;
	[tilespmem:$0x1E080] =	vst v63  }
0x166: {  	s7 =	simm.s32 $0x139A0  }
0x167: {  	[tilespmem:s30], [sflag:$0x2] =	stream.indirect.gather [hbm4b:s1+s19], $0x80, s7, s19, $0xb8;
	[tilespmem:$0x1E080] =	vst v63  }
0x168: {  	s20 =	simm.s32 $0x139C0  }
0x169: {  	[tilespmem:s31], [sflag:$0x2] =	stream.indirect.gather [hbm4b:s1+s19], $0x80, s20, s19, $0xb8;
	[tilespmem:$0x1E080] =	vst v63  }
0x16a: {  	s22 =	simm.s32 $0x139E0  }
0x16b: {  	[tilespmem:s0], [sflag:$0x2] =	stream.indirect.gather [hbm4b:s1+s19], $0x80, s22, s19, $0xb8;
	[tilespmem:$0x1E080] =	vst v63  }
0x16c: {  	_ =	swait.ge [sflag:s10], $0x4000  }
0x16d: {  	[sflag:s10] =	ssyncset.done $0x0  }
0x16e: {  	s26 =	simm.s32 $0x13900;
	[sflag:s10] =	ssyncadd.s32 $0xFFFFC000  }
0x16f: {  	[spmem:s3] =	stream.indirect.scatter.add.f32 [tilespmem:s16], [sflag:$0x3], $0x80, s26, s11, $0xb8;
	[tilespmem:$0x1E080] =	vst v63  }
0x170: {  	_ =	swait.ge [sflag:s17], $0x4000  }
0x171: {  	[sflag:s17] =	ssyncset.done $0x0  }
0x172: {  	s6 =	simm.s32 $0x13A80;
	[sflag:s17] =	ssyncadd.s32 $0xFFFFC000  }
0x173: {  	[tilespmem:s16], [sflag:$0x1] =	stream.indirect.gather [hbm4b:s1+s19], $0x80, s6, s19, $0xb8;
	[tilespmem:$0x1E080] =	vst v63  }
0x174: {  	s7 =	simm.s32 $0x13AA0  }
0x175: {  	[tilespmem:s21], [sflag:$0x1] =	stream.indirect.gather [hbm4b:s1+s19], $0x80, s7, s19, $0xb8;
	[tilespmem:$0x1E080] =	vst v63  }
0x176: {  	s20 =	simm.s32 $0x13AC0  }
0x177: {  	[tilespmem:s23], [sflag:$0x1] =	stream.indirect.gather [hbm4b:s1+s19], $0x80, s20, s19, $0xb8;
	[tilespmem:$0x1E080] =	vst v63  }
0x178: {  	s22 =	simm.s32 $0x13AE0  }
0x179: {  	[tilespmem:s28], [sflag:$0x1] =	stream.indirect.gather [hbm4b:s1+s19], $0x80, s22, s19, $0xb8;
	[tilespmem:$0x1E080] =	vst v63  }
0x17a: {  	p3 =	por $0x0, $0x0;
	_ =	swait.ge [sflag:s12], $0x4000  }
.Ltmp8:
0x17b: {  	[sflag:s12] =	ssyncset.done $0x0;
	(pc) =	sbr.rel @p3 .LBB2_9-.Ltmp8, $4  }
0x17c: {  	s26 =	simm.s32 $0x13A00;
	[sflag:s12] =	ssyncadd.s32 $0xFFFFC000  }
0x17d: {  	[spmem:s3] =	stream.indirect.scatter.add.f32 [tilespmem:s29], [sflag:$0x3], $0x80, s26, s11, $0xb8;
	[tilespmem:$0x1E080] =	vst v63  }
0x17e: {  	p2 =	por $0x1, $0x1;
	_ =	swait.ge [sflag:s17], $0x4000  }
0x17f: {  	s2 =	simm.s32 $0x200;
	s20 =	simm.s32 $0x1000;
	[sflag:s17] =	ssyncset.done $0x0  }
.LBB2_8:
0x180: {  	s6 =	sadd.s32 $0x13980, s2  }
0x181: {  	[sflag:s17] =	ssyncadd.s32 $0xFFFFC000;
	s7 =	smov.u32 s20;
	s22 =	sadd.s32 $0x800, s20  }
0x182: {  	[tilespmem:s29], [sflag:$0x2] =	stream.indirect.gather [hbm4b:s1+s19], $0x80, s6, s19, $0xb8;
	[tilespmem:$0x1E080] =	vst v63  }
0x183: {  	p3 =	seq.s32 s20, $0x9000;
	s6 =	sadd.s32 $0x139A0, s2  }
0x184: {  	[tilespmem:s30], [sflag:$0x2] =	stream.indirect.gather [hbm4b:s1+s19], $0x80, s6, s19, $0xb8;
	[tilespmem:$0x1E080] =	vst v63  }
0x185: {  	s6 =	sadd.s32 $0x139C0, s2  }
0x186: {  	[tilespmem:s31], [sflag:$0x2] =	stream.indirect.gather [hbm4b:s1+s19], $0x80, s6, s19, $0xb8;
	[tilespmem:$0x1E080] =	vst v63  }
0x187: {  	s6 =	sadd.s32 $0x139E0, s2  }
0x188: {  	[tilespmem:s0], [sflag:$0x2] =	stream.indirect.gather [hbm4b:s1+s19], $0x80, s6, s19, $0xb8;
	[tilespmem:$0x1E080] =	vst v63  }
0x189: {  	_ =	swait.ge [sflag:s10], $0x4000  }
0x18a: {  	[sflag:s10] =	ssyncset.done $0x0  }
0x18b: {  	s6 =	sadd.s32 $0x13900, s2;
	[sflag:s10] =	ssyncadd.s32 $0xFFFFC000  }
0x18c: {  	[spmem:s3] =	stream.indirect.scatter.add.f32 [tilespmem:s16], [sflag:$0x3], $0x80, s6, s11, $0xb8;
	[tilespmem:$0x1E080] =	vst v63  }
0x18d: {  	_ =	swait.ge [sflag:s17], $0x4000  }
0x18e: {  	[sflag:s17] =	ssyncset.done $0x0  }
0x18f: {  	s6 =	sadd.s32 $0x13A80, s2;
	[sflag:s17] =	ssyncadd.s32 $0xFFFFC000  }
0x190: {  	[tilespmem:s16], [sflag:$0x1] =	stream.indirect.gather [hbm4b:s1+s19], $0x80, s6, s19, $0xb8;
	[tilespmem:$0x1E080] =	vst v63  }
0x191: {  	s6 =	sadd.s32 $0x13AA0, s2  }
0x192: {  	[tilespmem:s21], [sflag:$0x1] =	stream.indirect.gather [hbm4b:s1+s19], $0x80, s6, s19, $0xb8;
	[tilespmem:$0x1E080] =	vst v63  }
0x193: {  	s6 =	sadd.s32 $0x13AC0, s2  }
0x194: {  	[tilespmem:s23], [sflag:$0x1] =	stream.indirect.gather [hbm4b:s1+s19], $0x80, s6, s19, $0xb8;
	[tilespmem:$0x1E080] =	vst v63  }
0x195: {  	s6 =	sadd.s32 $0x13AE0, s2  }
0x196: {  	[tilespmem:s28], [sflag:$0x1] =	stream.indirect.gather [hbm4b:s1+s19], $0x80, s6, s19, $0xb8;
	[tilespmem:$0x1E080] =	vst v63  }
0x197: {  	_ =	swait.ge [sflag:s12], $0x4000  }
.Ltmp9:
0x198: {  	[sflag:s12] =	ssyncset.done $0x0;
	(pc) =	sbr.rel @!p3 .LBB2_8-.Ltmp9, $4  }
0x199: {  	s2 =	sadd.s32 $0x13A00, s2;
	[sflag:s12] =	ssyncadd.s32 $0xFFFFC000  }
0x19a: {  	[spmem:s3] =	stream.indirect.scatter.add.f32 [tilespmem:s29], [sflag:$0x3], $0x80, s2, s11, $0xb8;
	[tilespmem:$0x1E080] =	vst v63  }
0x19b: {  	_ =	swait.ge [sflag:s17], $0x4000  }
0x19c: {  	s20 =	smov.u32 s22;
	s2 =	sshra.s32 s7, $0x2;
	[sflag:s17] =	ssyncset.done $0x0  }
.Ltmp10:
0x19d: {  	_ = 	snop;
	(pc) =	sbr.rel .LBB2_9-.Ltmp10, $1  }
0x19e: {  	_ =	sdelay $0x3  }
.LBB2_14:
0x19f: {  	_ =	sfence.sel $0x180000  }
0x1a0: {  	[bflag:$0x0] =	sbarrier.arrive $0xFFFF  }
0x1a1: {  	_ =	strace $0x9000004A  }
0x1a2: {  	s0 =	stileid.u32;
	[bflag:$0x2] =	sbarrier.arrive $0xFFFF  }
0x1a3: {  	p0 =	sne.s32 s0, $0x0;
	s0 =	rddreg [dreg:$0x4]  }
0x1a4: {  	s0 =	sadd.s32 @!p0 $0x100000, s0  }
0x1a5: {  	[sflag:s0] =	ssyncadd.tile.s32 @!p0 $0x1;
	_ =	shalt  }
.Lfunc_end2:
_tile_overlayer_lowered:
.L_overlay_start_2:
0x1a6: {  	(tag) =	ssettag $0x2  }
0x1a7: {  	s0 =	rddreg [dreg:$0x0];
	s2 =	stileid.u32  }
0x1a8: {  	s1 =	rddreg [dreg:$0x1];
	p0 =	sne.s32 s2, $0x0  }
0x1a9: {  	s3 =	rddreg [dreg:$0x2];
	[bflag:$0x3] =	sbarrier.arrive $0xFFFF;
	s2 =	simm.s32 @!p0 $0x1C03  }
0x1aa: {  	[timem:s3], [sflag:s2] =	dma.local @!p0 [hbm:s0], s1  }
0x1ab: {  	s0 =	simm.s32 @!p0 $0x3  }
0x1ac: {  	_ =	swait.ge @!p0 [sflag:s0], s1  }
0x1ad: {  	s1 =	ssub.s32 @!p0 $0x0, s1;
	[sflag:s0] =	ssyncset.done @!p0 $0x0  }
0x1ae: {  	[sflag:s0] =	ssyncadd.s32 @!p0 s1  }
0x1af: {  	[bflag:$0x3] =	sbarrier.arrive $0xFFFF  }
0x1b0: {  	_ =	shalt  }

// kernel: kernel.15.cloned.1.call-start
scs
__scs_entry_jumppad:
0x0: {  	(pc) =	sbr.rel $0x88, $3  }
0x1: {  	(tag) =	ssettag $0x0;
	lr =	simm.s32 $0x1  }
0x2: {  	[smem:$0x3F9B] =	sst lr;
	_ =	strace $0xD0000000  }
0x3: {  	_ = 	snop  }
0x4: {  	_ = 	snop  }
0x5: {  	_ = 	snop  }
0x6: {  	_ = 	snop  }
0x7: {  	_ = 	snop  }
__scs_overlays_trampoline_lowered:
0x8: {  	[smem:$0x3FAA] =	sst s0  }
0x9: {  	[smem:$0x3FAB] =	sst s1  }
0xa: {  	[smem:$0x3FAC] =	sst s2  }
0xb: {  	[smem:$0x3FAD] =	sst s3  }
0xc: {  	[smem:$0x3FAE] =	sst s4  }
0xd: {  	[smem:$0x3FAF] =	sst s5  }
0xe: {  	[smem:$0x3FB0] =	sst s6  }
0xf: {  	[smem:$0x3FB1] =	sst s7  }
0x10: {  	[smem:$0x3FB2] =	sst s8  }
0x11: {  	[smem:$0x3FB3] =	sst s9;
	s0 =	simm.s32 @!p0 $0x0  }
0x12: {  	s1 =	sld [smem:$0x3F99];
	s0 =	simm.s32 @p0 $0x1  }
0x13: {  	[smem:$0x3FB4] =	sst s0;
	s0 =	simm.s32 @!p1 $0x0  }
0x14: {  	s2 =	sld [smem:$0x3F98];
	s0 =	simm.s32 @p1 $0x1  }
0x15: {  	[smem:$0x3FB5] =	sst s0;
	s0 =	simm.s32 @!p2 $0x0  }
0x16: {  	s3 =	sld [smem:$0x3FDB];
	s0 =	simm.s32 @p2 $0x1  }
0x17: {  	s4 =	simm.s32 $0x1BF5;
	[smem:$0x3FB7] =	sst s0  }
0x18: {  	s0 =	sld [smem:$0x3F9A];
	_ =	swait.ge [sflag:s4], $0x0  }
0x19: {  	s7 =	sld [smem:$0x3F9B]  }
0x1a: {  	s8 =	sadd.s32 $0xFFFFE003, lr  }
0x1b: {  	s9 =	sadd.s32 $0xFFFFFEF7, lr;
	s5 =	simm.s32 $0xFFFFFFFF;
	p2 =	slt.u32 s8, $0xFFFFF086  }
0x1c: {  	p1 =	slt.u32 s9, $0xF7A;
	s5 =	simm.s32 @!p2 $0x0  }
0x1d: {  	s5 =	simm.s32 @p1 $0x1;
	p0 =	seq.s32 s7, s2  }
0x1e: {  	s7 =	smul.u32 @!p0 $0xF7A, s2;
	p2 =	seq.s32 @!p0 s5, $0x0  }
0x1f: {  	s9 =	smul.u32 $0xF7A, s1;
	s8 =	simm.s32 @!p0 $0x1BF5;
	p2 =	por !p2, p0  }
0x20: {  	[sflag:s8] =	ssyncset.s32 @!p0 $0xFFFFF086;
	s6 =	sadd.s32 @!p0 s3, s7;
	s7 =	simm.s32 @!p0 $0x108  }
0x21: {  	s3 =	sadd.s32 s3, s9;
	s6 =	sadd.s32 @!p0 $0x88, s6;
	s7 =	simm.s32 @p2 $0x1082  }
0x22: {  	[simem:s7], [sflag:s8] =	dma.local @!p0 [hbm:s6], $0xF7A  }
0x23: {  	s9 =	sor.u32 $0xD0000000, s2;
	s6 =	simm.s32 $0x108;
	_ =	swait.ge @!p0 [sflag:s8], $0x0  }
0x24: {  	s3 =	sadd.s32 $0x88, s3;
	s6 =	simm.s32 @!p1 $0x1082;
	[sflag:s4] =	ssyncset.s32 $0xFFFFF086  }
0x25: {  	[simem:s6], [sflag:s4] =	dma.local [hbm:s3], $0xF7A  }
0x26: {  	[smem:$0x3F9B] =	sst s1;
	(tag) =	ssettag s2;
	_ =	strace s9  }
0x27: {  	s1 =	sld [smem:$0x3FAB]  }
0x28: {  	s2 =	sld [smem:$0x3FAC]  }
0x29: {  	s4 =	sld [smem:$0x3FAE]  }
0x2a: {  	p0 =	seq.s32 s5, $0x0;
	s5 =	sld [smem:$0x3FAF]  }
0x2b: {  	s6 =	sld [smem:$0x3FB0]  }
0x2c: {  	s7 =	sld [smem:$0x3FB1]  }
0x2d: {  	s3 =	simm.s32 $0x108;
	s8 =	sld [smem:$0x3FB2]  }
0x2e: {  	s3 =	simm.s32 @!p0 $0x1082;
	s9 =	sld [smem:$0x3FB3]  }
0x2f: {  	lr =	sadd.s32 s0, s3;
	s0 =	sld [smem:$0x3FAA]  }
0x30: {  	s3 =	sld [smem:$0x3FAD]  }
0x31: {  	[smem:$0x3FB6] =	sst s10  }
0x32: {  	s10 =	sld [smem:$0x3FB4];
	_ =	sdelay $0x3  }
0x33: {  	p0 =	seq.s32 s10, $0x1;
	s10 =	sld [smem:$0x3FB6];
	_ =	sdelay $0x3  }
0x34: {  	[smem:$0x3FB6] =	sst s10  }
0x35: {  	s10 =	sld [smem:$0x3FB5];
	_ =	sdelay $0x3  }
0x36: {  	p1 =	seq.s32 s10, $0x1;
	s10 =	sld [smem:$0x3FB6];
	_ =	sdelay $0x3  }
0x37: {  	[smem:$0x3FB6] =	sst s10  }
0x38: {  	s10 =	sld [smem:$0x3FB7]  }
0x39: {  	_ = 	snop;
	(pc) =	sbr.ind lr, $3  }
0x3a: {  	_ = 	snop  }
0x3b: {  	_ = 	snop  }
0x3c: {  	p2 =	seq.s32 s10, $0x1;
	s10 =	sld [smem:$0x3FB6]  }
0x3d: {  	_ =	shalt  }
0x3e: {  	_ =	shalt  }
0x3f: {  	_ =	shalt  }
0x40: {  	_ =	shalt  }
0x41: {  	_ =	shalt  }
0x42: {  	_ =	shalt  }
0x43: {  	_ =	shalt  }
0x44: {  	_ =	shalt  }
0x45: {  	_ =	shalt  }
0x46: {  	_ =	shalt  }
0x47: {  	_ =	shalt  }
0x48: {  	_ =	shalt  }
0x49: {  	_ =	shalt  }
0x4a: {  	_ =	shalt  }
0x4b: {  	_ =	shalt  }
0x4c: {  	_ =	shalt  }
0x4d: {  	_ =	shalt  }
0x4e: {  	_ =	shalt  }
0x4f: {  	_ =	shalt  }
0x50: {  	_ =	shalt  }
0x51: {  	_ =	shalt  }
0x52: {  	_ =	shalt  }
0x53: {  	_ =	shalt  }
0x54: {  	_ =	shalt  }
0x55: {  	_ =	shalt  }
0x56: {  	_ =	shalt  }
0x57: {  	_ =	shalt  }
0x58: {  	_ =	shalt  }
0x59: {  	_ =	shalt  }
0x5a: {  	_ =	shalt  }
0x5b: {  	_ =	shalt  }
0x5c: {  	_ =	shalt  }
0x5d: {  	_ =	shalt  }
0x5e: {  	_ =	shalt  }
0x5f: {  	_ =	shalt  }
0x60: {  	_ =	shalt  }
0x61: {  	_ =	shalt  }
0x62: {  	_ =	shalt  }
0x63: {  	_ =	shalt  }
0x64: {  	_ =	shalt  }
0x65: {  	_ =	shalt  }
0x66: {  	_ =	shalt  }
0x67: {  	_ =	shalt  }
0x68: {  	_ =	shalt  }
0x69: {  	_ =	shalt  }
0x6a: {  	_ =	shalt  }
0x6b: {  	_ =	shalt  }
0x6c: {  	_ =	shalt  }
0x6d: {  	_ =	shalt  }
0x6e: {  	_ =	shalt  }
0x6f: {  	_ =	shalt  }
0x70: {  	_ =	shalt  }
0x71: {  	_ =	shalt  }
0x72: {  	_ =	shalt  }
0x73: {  	_ =	shalt  }
0x74: {  	_ =	shalt  }
0x75: {  	_ =	shalt  }
0x76: {  	_ =	shalt  }
0x77: {  	_ =	shalt  }
0x78: {  	_ =	shalt  }
0x79: {  	_ =	shalt  }
0x7a: {  	_ =	shalt  }
0x7b: {  	_ =	shalt  }
0x7c: {  	_ =	shalt  }
0x7d: {  	_ =	shalt  }
0x7e: {  	_ =	shalt  }
0x7f: {  	_ =	shalt  }
0x80: {  	_ =	shalt  }
0x81: {  	_ =	shalt  }
0x82: {  	_ =	shalt  }
0x83: {  	_ =	shalt  }
0x84: {  	_ =	shalt  }
0x85: {  	_ =	shalt  }
0x86: {  	_ =	shalt  }
0x87: {  	_ =	shalt  }
.Lfunc_end0:
.L_simem_size_0:
called_computation.2_lowered:
.L_overlay_start_0:
0x88: {  	s2 =	sld [smem:$0x3FD9]  }
0x89: {  	s3 =	sld [smem:$0x3FFE];
	_ =	sdelay $0x1  }
0x8a: {  	s1 =	srdreg.scid  }
0x8b: {  	s0 =	sand.u32 $0x1, s1  }
0x8c: {  	s17 =	sshll.u32 s0, $0xA;
	s2 =	sadd.s32 s3, s2  }
0x8d: {  	s2 =	sadd.s32 s2, s17  }
0x8e: {  	[smem:$0x3FC2] =	sst s2  }
0x8f: {  	_ = 	snop  }
0x90: {  	s2 =	sld [smem:$0x3FC8]  }
0x91: {  	s18 =	sld [smem:$0x3FD0];
	(tm) =	ssettm $0x1  }
0x92: {  	s4 =	sld [smem:$0x3FFB];
	_ =	sdelay $0x3  }
0x93: {  	_ =	strace s4  }
0x94: {  	s4 =	sld [smem:$0x3FFC];
	_ =	sdelay $0x3  }
0x95: {  	_ =	strace s4  }
0x96: {  	s4 =	sld [smem:$0x3FFD];
	_ =	sdelay $0x3  }
0x97: {  	_ =	strace s4  }
0x98: {  	_ =	strace $0x8FFFFFFF  }
0x99: {  	s19 =	sld [smem:$0x3FDB];
	_ =	sdelay $0x1  }
0x9a: {  	s5 =	simm.s32 $_scs_section_size  }
0x9b: {  	s6 =	simm.s32 $_size__tile_overlayer_lowered;
	s7 =	simm.s32 $_tile_overlayer_lowered  }
0x9c: {  	s22 =	simm.s32 $0x1BFF;
	s21 =	sshll.u32 s7, $0x1;
	s4 =	sadd.s32 s5, s19  }
0x9d: {  	s8 =	simm.s32 $0x0;
	s20 =	sshll.u32 s6, $0x1;
	s6 =	sadd.s32 s21, s4  }
0x9e: {  	[timem:s8], [sflag:s22] =	dma.local [hbm:s6], s20  }
0x9f: {  	_ =	swait.ge [sflag:s22], s20  }
0xa0: {  	s5 =	ssub.s32 $0x0, s20;
	[sflag:s22] =	ssyncset.done $0x0  }
0xa1: {  	[sflag:s22] =	ssyncadd.s32 s5;
	_ =	sdelay $0x1  }
0xa2: {  	s23 =	simm.s32 $0x1B8B  }
0xa3: {  	_ =	swait.ge [sflag:s23], $0x1  }
0xa4: {  	[sflag:s23] =	ssyncset.done $0x0  }
0xa5: {  	s25 =	simm.s32 $0x1B8E;
	s24 =	sld [smem:$0x3FFE];
	[sflag:s23] =	ssyncadd.s32 $0xFFFFFFFF  }
0xa6: {  	s26 =	simm.s32 $execute0_lowered;
	[smem:$0x3FD2] =	sst s25  }
0xa7: {  	s6 =	sshll.u32 s26, $0x1;
	_ =	strace $0x8000004C;
	[dreg:$0x1] =	wrdreg $0xFFFFFFFF  }
0xa8: {  	s28 =	simm.s32 $_size_execute0_lowered;
	s4 =	sadd.s32 s4, s6;
	[dreg:$0x0] =	wrdreg $0x0  }
0xa9: {  	s6 =	sshll.u32 s28, $0x1;
	[dreg:$0x2] =	wrdreg s4  }
0xaa: {  	[dreg:$0x3] =	wrdreg s6  }
0xab: {  	[dreg:$0x4] =	wrdreg $0xC0  }
0xac: {  	_ =	task [dreg:s8], $0x5FFFF  }
0xad: {  	[dreg:$0x1] =	wrdreg $0xFFFFFFFF  }
0xae: {  	[dreg:$0x0] =	wrdreg $0x60  }
0xaf: {  	[dreg:$0x2] =	wrdreg s18  }
0xb0: {  	[dreg:$0x3] =	wrdreg s2  }
0xb1: {  	[dreg:$0x4] =	wrdreg s24  }
0xb2: {  	[dreg:$0x5] =	wrdreg $0x0  }
0xb3: {  	[dreg:$0x6] =	wrdreg $0x9  }
0xb4: {  	_ =	task.clear_ibuf [dreg:s8], $0x7FFFF;
	_ =	strace $0x9000004C  }
0xb5: {  	s29 =	simm.s32 $0x9;
	_ =	strace $0x8000004E  }
0xb6: {  	_ =	swait.ge [sflag:s29], $0x1  }
0xb7: {  	[sflag:s29] =	ssyncadd.s32 $0xFFFFFFFF  }
0xb8: {  	_ =	strace $0x9000004E  }
0xb9: {  	_ =	sfence  }
0xba: {  	s30 =	sld [smem:$0x0];
	_ =	sdelay $0x2  }
0xbb: {  	s31 =	sshll.u32 s1, $0xD;
	s1 =	sshrl.u32 s1, $0x2  }
0xbc: {  	s3 =	sand.u32 $0x4000, s31;
	s1 =	sadd.s32 s1, s30  }
0xbd: {  	s0 =	sor.u32 s3, s0;
	s1 =	sshll.u32 s1, $0x11  }
0xbe: {  	s0 =	sor.u32 s1, s0  }
0xbf: {  	s0 =	sadd.s32 $0x8F2B, s0  }
0xc0: {  	[sflag:s0] =	ssyncadd.remote.s32 $0x1  }
0xc1: {  	_ =	sfence.sel $0xFFFF  }
0xc2: {  	[dreg:$0x0] =	wrdreg $0xFFFFFFFF;
	(pc) =	sbr.abs _section_cstart, $3  }
0xc3: {  	[dreg:$0x1] =	wrdreg $0xFFFFFFFF  }
0xc4: {  	_ =	task.clear_ibuf [dreg:s8], $0x2FFFF;
	_ =	strace $0x9FFFFFFF  }
0xc5: {  	(tm) =	ssettm $0x7FFFFFFF  }
tec
execute0_lowered:
.L_overlay_start_1:
0x0: {  	(tag) =	ssettag $0x1  }
0x1: {  	s1 =	rddreg [dreg:$0x0]  }
0x2: {  	s0 =	rddreg [dreg:$0x1]  }
0x3: {  	s2 =	rddreg [dreg:$0x2]  }
0x4: {  	s3 =	rddreg [dreg:$0x3]  }
0x5: {  	s4 =	simm.s32 $0x0;
	s5 =	srdreg.scid;
	s20 =	stileid.u32  }
0x6: {  	s16 =	simm.s32 $0x16080;
	s17 =	simm.s32 $0x3;
	s18 =	simm.s32 $0x13880  }
0x7: {  	s28 =	simm.s32 $0x19080;
	s29 =	simm.s32 $0x1A080;
	s30 =	simm.s32 $0x1B080  }
0x8: {  	s31 =	simm.s32 $0x1C080;
	[smem:$0x7FF] =	sst s4;
	s19 =	smul.u32 $0x4E200, s20  }
0x9: {  	s6 =	sand.u32 $0x1, s5;
	s2 =	sadd.s32 $0x52400, s2;
	s13 =	smul.u32 $0x13C00, s20  }
0xa: {  	s24 =	smul.u32 $0x4F000, s20;
	p1 =	seq.s32 s20, $0xF;
	_ =	strace $0x8000004D  }
0xb: {  	s7 =	sshll.u32 s6, $0x4;
	s8 =	ssub.s32 $0x2, s6;
	s6 =	smul.u32 $0x138800, s6  }
0xc: {  	s7 =	sor.u32 s20, s7;
	s5 =	sshrl.u32 s19, $0x2;
	s9 =	sshrl.u32 s8, $0x1  }
0xd: {  	s26 =	sshrl.u32 s24, $0x2;
	s19 =	simm.s32 $0x20;
	s10 =	smul.u32 $0xA00, s7  }
0xe: {  	s5 =	sadd.s32 s5, s3;
	s11 =	ssub.s32 s8, s9;
	s12 =	smul.u32 $0x5000, s7  }
0xf: {  	s25 =	sadd.s32 s13, s6;
	s6 =	sshrl.u32 s6, $0x3;
	p0 =	seq.s32 s7, $0x1F  }
0x10: {  	s21 =	sadd.s32 $0x4000, s5;
	s22 =	sadd.s32 $0x8000, s5;
	s8 =	sadd.s32 $0xC000, s5  }
0x11: {  	s9 =	sadd.s32 $0x10000, s5;
	s15 =	smax.u32 s11, $0x1;
	[dreg:$0x5] =	wrdreg s21  }
0x12: {  	s11 =	simm.s32 $0x80;
	[dreg:$0x6] =	wrdreg s22;
	s10 =	sadd.s32 s0, s10  }
0x13: {  	s12 =	sshrl.u32 s12, $0x3;
	s21 =	simm.s32 $0x17080;
	[dreg:$0x7] =	wrdreg s10  }
0x14: {  	s23 =	sadd.s32 s0, s12;
	s0 =	sadd.s32 $0x13600, s0;
	s12 =	simm.s32 $0x2  }
.Ltmp0:
0x15: {  	s10 =	sadd.s32 $0x500, s23;
	[dreg:$0x9] =	wrdreg s0;
	(pc) =	sbr.rel .LBB2_1-.Ltmp0, $4  }
0x16: {  	s0 =	sshrl.u32 s25, $0x3;
	s23 =	simm.s32 $0x18080;
	[dreg:$0x8] =	wrdreg s10  }
0x17: {  	s13 =	sadd.s32 s2, s0;
	s0 =	sadd.s32 s26, s3;
	s2 =	sadd.s32 s2, s6  }
0x18: {  	s10 =	simm.s32 $0x1;
	s14 =	sadd.s32 $0x25080, s2;
	s2 =	sadd.s32 $0x128400, s3  }
0x19: {  	v0 =	vimm.f32 $0.0e+00;
	s25 =	sshrl.u32 @!p1 s0, $0x3;
	s0 =	simm.s32 $0x1D080;
	s24 =	sshrl.u32 @p1 s2, $0x3  }
.LBB2_9:
0x1a: {  	s6 =	sadd.s32 $0x13980, s2;
	[sflag:s17] =	ssyncadd.s32 @p2 $0xFFFFC000  }
0x1b: {  	[tilespmem:s29], [sflag:$0x2] =	stream.indirect.gather [hbm4b:s1+s19], $0x80, s6, s19, $0xb8;
	[tilespmem:$0x1E080] =	vst v63  }
0x1c: {  	s26 =	sadd.s32 $0x139A0, s2  }
0x1d: {  	[tilespmem:s30], [sflag:$0x2] =	stream.indirect.gather [hbm4b:s1+s19], $0x80, s26, s19, $0xb8;
	[tilespmem:$0x1E080] =	vst v63  }
0x1e: {  	s7 =	sadd.s32 $0x139C0, s2  }
0x1f: {  	[tilespmem:s31], [sflag:$0x2] =	stream.indirect.gather [hbm4b:s1+s19], $0x80, s7, s19, $0xb8;
	[tilespmem:$0x1E080] =	vst v63  }
0x20: {  	s20 =	sadd.s32 $0x139E0, s2  }
0x21: {  	[tilespmem:s0], [sflag:$0x2] =	stream.indirect.gather [hbm4b:s1+s19], $0x80, s20, s19, $0xb8;
	[tilespmem:$0x1E080] =	vst v63  }
0x22: {  	_ =	swait.ge [sflag:s10], $0x4000  }
0x23: {  	[sflag:s10] =	ssyncset.done $0x0  }
0x24: {  	s22 =	sadd.s32 $0x13900, s2;
	[sflag:s10] =	ssyncadd.s32 $0xFFFFC000  }
0x25: {  	[spmem:s3] =	stream.indirect.scatter.add.f32 [tilespmem:s16], [sflag:$0x3], $0x80, s22, s11, $0xb8;
	[tilespmem:$0x1E080] =	vst v63  }
0x26: {  	_ =	swait.ge [sflag:s17], $0x4000  }
0x27: {  	[sflag:s17] =	ssyncset.done $0x0  }
0x28: {  	s26 =	sadd.s32 $0x13A80, s2;
	[sflag:s17] =	ssyncadd.s32 $0xFFFFC000  }
0x29: {  	[tilespmem:s16], [sflag:$0x1] =	stream.indirect.gather [hbm4b:s1+s19], $0x80, s26, s19, $0xb8;
	[tilespmem:$0x1E080] =	vst v63  }
0x2a: {  	s7 =	sadd.s32 $0x13AA0, s2  }
0x2b: {  	[tilespmem:s21], [sflag:$0x1] =	stream.indirect.gather [hbm4b:s1+s19], $0x80, s7, s19, $0xb8;
	[tilespmem:$0x1E080] =	vst v63  }
0x2c: {  	s20 =	sadd.s32 $0x13AC0, s2  }
0x2d: {  	[tilespmem:s23], [sflag:$0x1] =	stream.indirect.gather [hbm4b:s1+s19], $0x80, s20, s19, $0xb8;
	[tilespmem:$0x1E080] =	vst v63  }
0x2e: {  	s22 =	sadd.s32 $0x13AE0, s2  }
0x2f: {  	[tilespmem:s28], [sflag:$0x1] =	stream.indirect.gather [hbm4b:s1+s19], $0x80, s22, s19, $0xb8;
	[tilespmem:$0x1E080] =	vst v63  }
0x30: {  	_ =	swait.ge [sflag:s12], $0x4000  }
0x31: {  	[sflag:s12] =	ssyncset.done $0x0  }
0x32: {  	s26 =	sadd.s32 $0x13A00, s2;
	[sflag:s12] =	ssyncadd.s32 $0xFFFFC000  }
0x33: {  	[spmem:s3] =	stream.indirect.scatter.add.f32 [tilespmem:s29], [sflag:$0x3], $0x80, s26, s11, $0xb8;
	[tilespmem:$0x1E080] =	vst v63  }
0x34: {  	s6 =	simm.s32 $0x15FA0;
	s2 =	simm.s32 $0x16000;
	_ =	swait.ge [sflag:s17], $0x4000  }
0x35: {  	s7 =	simm.s32 $0x15F80;
	s20 =	simm.s32 $0x15F00;
	[sflag:s17] =	ssyncset.done $0x0  }
0x36: {  	s22 =	simm.s32 $0x15FE0;
	s26 =	simm.s32 $0x15FC0;
	[sflag:s17] =	ssyncadd.s32 $0xFFFFC000  }
.LBB2_13:
0x37: {  	[tilespmem:s29], [sflag:$0x2] =	stream.indirect.gather [hbm4b:s1+s19], $0x80, s7, s19, $0xb8;
	[tilespmem:$0x1E080] =	vst v63  }
0x38: {  	_ = 	snop  }
0x39: {  	[tilespmem:s30], [sflag:$0x2] =	stream.indirect.gather [hbm4b:s1+s19], $0x80, s6, s19, $0xb8;
	[tilespmem:$0x1E080] =	vst v63  }
0x3a: {  	_ = 	snop  }
0x3b: {  	[tilespmem:s31], [sflag:$0x2] =	stream.indirect.gather [hbm4b:s1+s19], $0x80, s26, s19, $0xb8;
	[tilespmem:$0x1E080] =	vst v63  }
0x3c: {  	_ = 	snop  }
0x3d: {  	[tilespmem:s0], [sflag:$0x2] =	stream.indirect.gather [hbm4b:s1+s19], $0x80, s22, s19, $0xb8;
	[tilespmem:$0x1E080] =	vst v63  }
0x3e: {  	_ =	swait.ge [sflag:s10], $0x4000  }
0x3f: {  	[sflag:s10] =	ssyncset.done $0x0  }
0x40: {  	[sflag:s10] =	ssyncadd.s32 $0xFFFFC000  }
0x41: {  	[spmem:s3] =	stream.indirect.scatter.add.f32 [tilespmem:s16], [sflag:$0x3], $0x80, s20, s11, $0xb8;
	[tilespmem:$0x1E080] =	vst v63  }
0x42: {  	_ =	swait.ge [sflag:s17], $0x4000  }
0x43: {  	[sflag:s17] =	ssyncset.done $0x0  }
0x44: {  	[sflag:s17] =	ssyncadd.s32 $0xFFFFC000  }
0x45: {  	_ =	swait.ge [sflag:s12], $0x4000  }
0x46: {  	[sflag:s12] =	ssyncset.done $0x0  }
0x47: {  	[sflag:s12] =	ssyncadd.s32 $0xFFFFC000  }
0x48: {  	[spmem:s3] =	stream.indirect.scatter.add.f32 [tilespmem:s29], [sflag:$0x3], $0x80, s2, s11, $0xb8;
	[tilespmem:$0x1E080] =	vst v63  }
0x49: {  	_ =	swait.ge [sflag:s17], $0x4000  }
0x4a: {  	[sflag:s17] =	ssyncset.done $0x0  }
0x4b: {  	[sflag:s17] =	ssyncadd.s32 $0xFFFFC000  }
0x4c: {  	s2 =	simm.s32 @p1 $0x1FC3;
	[bflag:$0x0] =	sbarrier.arrive $0xFFFF  }
0x4d: {  	[hbm:s14], [sflag:s2] =	dma.local @p1 [spmem:s24], $0x2080  }
0x4e: {  	s2 =	simm.s32 @p1 $0x3  }
0x4f: {  	s6 =	stileid.u32;
	_ =	swait.ge @p1 [sflag:s2], $0x2080  }
0x50: {  	s4 =	sadd.s32 $0x1, s4;
	s6 =	sshll.u32 @!p1 s6, $0x6;
	[sflag:s2] =	ssyncset.done @p1 $0x0  }
0x51: {  	p2 =	sne.s32 s4, s15;
	[sflag:s2] =	ssyncadd.s32 @p1 $0xFFFFDF80;
	s2 =	sor.u32 @!p1 $0x1C03, s6  }
0x52: {  	[hbm:s13], [sflag:s2] =	dma.local @!p1 [spmem:s25], $0x2780  }
.Ltmp1:
0x53: {  	_ = 	snop;
	(pc) =	sbr.rel @!p2 .LBB2_14-.Ltmp1, $4  }
0x54: {  	s2 =	simm.s32 @!p1 $0x3  }
0x55: {  	_ =	swait.ge @!p1 [sflag:s2], $0x2780  }
0x56: {  	[sflag:s2] =	ssyncset.done @!p1 $0x0  }
0x57: {  	[sflag:s2] =	ssyncadd.s32 @!p1 $0xFFFFD880  }
.LBB2_1:
0x58: {  	s2 =	simm.s32 $0x0;
	s20 =	simm.s32 $0x200  }
.LBB2_2:
0x59: {  	p2 =	sne.s32 s20, $0xFE00;
	[tilespmem:s2+$0x160F0] =	vst v0  }
0x5a: {  	[tilespmem:s2+$0x16080] =	vst v0  }
0x5b: {  	[tilespmem:s2+$0x16090] =	vst v0  }
.Ltmp2:
0x5c: {  	[tilespmem:s2+$0x160A0] =	vst v0;
	(pc) =	sbr.rel @p2 .LBB2_2-.Ltmp2, $4  }
0x5d: {  	[tilespmem:s2+$0x160B0] =	vst v0  }
0x5e: {  	[tilespmem:s2+$0x160C0] =	vst v0  }
0x5f: {  	[tilespmem:s2+$0x160D0] =	vst v0  }
0x60: {  	[tilespmem:s2+$0x160E0] =	vst v0;
	s2 =	sshra.s32 s20, $0x2;
	s20 =	sadd.s32 $0x200, s20  }
0x61: {  	[tilespmem:s2+$0x160F0] =	vst v0  }
0x62: {  	[tilespmem:s2+$0x16080] =	vst v0  }
0x63: {  	[tilespmem:s2+$0x16090] =	vst v0  }
0x64: {  	[tilespmem:s2+$0x160A0] =	vst v0  }
0x65: {  	[tilespmem:s2+$0x160B0] =	vst v0  }
0x66: {  	[tilespmem:s2+$0x160C0] =	vst v0  }
0x67: {  	[tilespmem:s2+$0x160D0] =	vst v0  }
0x68: {  	[tilespmem:s2+$0x160E0] =	vst v0  }
0x69: {  	[spmem:s5] =	stream.linear.scatter [tilespmem:s16], [sflag:$0x3], $0x4000, $0x38;
	[tilespmem:$0x1E080] =	vst v63  }
0x6a: {  	_ =	swait.ge [sflag:s17], $0x4000  }
0x6b: {  	[sflag:s17] =	ssyncset.done $0x0  }
0x6c: {  	s22 =	rddreg [dreg:$0x5];
	[sflag:s17] =	ssyncadd.s32 $0xFFFFC000  }
0x6d: {  	[spmem:s22] =	stream.linear.scatter [tilespmem:s16], [sflag:$0x3], $0x4000, $0x38;
	[tilespmem:$0x1E080] =	vst v63  }
0x6e: {  	_ =	swait.ge [sflag:s17], $0x4000  }
0x6f: {  	[sflag:s17] =	ssyncset.done $0x0  }
0x70: {  	s26 =	rddreg [dreg:$0x6];
	[sflag:s17] =	ssyncadd.s32 $0xFFFFC000  }
0x71: {  	[spmem:s26] =	stream.linear.scatter [tilespmem:s16], [sflag:$0x3], $0x4000, $0x38;
	[tilespmem:$0x1E080] =	vst v63  }
0x72: {  	_ =	swait.ge [sflag:s17], $0x4000  }
0x73: {  	[sflag:s17] =	ssyncset.done $0x0  }
0x74: {  	[sflag:s17] =	ssyncadd.s32 $0xFFFFC000  }
0x75: {  	[spmem:s8] =	stream.linear.scatter [tilespmem:s16], [sflag:$0x3], $0x4000, $0x38;
	[tilespmem:$0x1E080] =	vst v63  }
0x76: {  	_ =	swait.ge [sflag:s17], $0x4000  }
0x77: {  	[sflag:s17] =	ssyncset.done $0x0  }
0x78: {  	[sflag:s17] =	ssyncadd.s32 $0xFFFFC000  }
0x79: {  	[spmem:s9] =	stream.linear.scatter [tilespmem:s16], [sflag:$0x3], $0x3880, $0x38;
	[tilespmem:$0x1E080] =	vst v63  }
.Ltmp3:
0x7a: {  	_ =	swait.ge [sflag:s17], $0x3880;
	(pc) =	sbr.rel @!p0 .LBB2_4-.Ltmp3, $4  }
0x7b: {  	[sflag:s17] =	ssyncset.done $0x0  }
0x7c: {  	[sflag:s17] =	ssyncadd.s32 $0xFFFFC780  }
0x7d: {  	[bflag:$0x0] =	sbarrier.arrive $0xFFFF  }
0x7e: {  	s2 =	simm.s32 $0x0  }
0x7f: {  	s6 =	rddreg [dreg:$0x9]  }
0x80: {  	[tilespmem:s18], [sflag:$0x3] =	stream.linear.gather [hbm4b:s6+s2], $0x1400, $0x38;
	[tilespmem:$0x1E080] =	vst v63  }
0x81: {  	_ =	swait.ge [sflag:s17], $0x1400  }
0x82: {  	[sflag:s17] =	ssyncset.done $0x0  }
0x83: {  	[sflag:s17] =	ssyncadd.s32 $0xFFFFEC00  }
0x84: {  	[tilespmem:s16], [sflag:$0x1] =	stream.indirect.gather [hbm4b:s1+s19], $0x80, s18, s19, $0xb8;
	[tilespmem:$0x1E080] =	vst v63  }
0x85: {  	s20 =	simm.s32 $0x138A0  }
0x86: {  	[tilespmem:s21], [sflag:$0x1] =	stream.indirect.gather [hbm4b:s1+s19], $0x80, s20, s19, $0xb8;
	[tilespmem:$0x1E080] =	vst v63  }
0x87: {  	s22 =	simm.s32 $0x138C0  }
0x88: {  	[tilespmem:s23], [sflag:$0x1] =	stream.indirect.gather [hbm4b:s1+s19], $0x80, s22, s19, $0xb8;
	[tilespmem:$0x1E080] =	vst v63  }
0x89: {  	s26 =	simm.s32 $0x138E0  }
0x8a: {  	[tilespmem:s28], [sflag:$0x1] =	stream.indirect.gather [hbm4b:s1+s19], $0x80, s26, s19, $0xb8;
	[tilespmem:$0x1E080] =	vst v63  }
0x8b: {  	s6 =	simm.s32 $0x13980  }
0x8c: {  	[tilespmem:s29], [sflag:$0x2] =	stream.indirect.gather [hbm4b:s1+s19], $0x80, s6, s19, $0xb8;
	[tilespmem:$0x1E080] =	vst v63  }
0x8d: {  	s7 =	simm.s32 $0x139A0  }
0x8e: {  	[tilespmem:s30], [sflag:$0x2] =	stream.indirect.gather [hbm4b:s1+s19], $0x80, s7, s19, $0xb8;
	[tilespmem:$0x1E080] =	vst v63  }
0x8f: {  	s20 =	simm.s32 $0x139C0  }
0x90: {  	[tilespmem:s31], [sflag:$0x2] =	stream.indirect.gather [hbm4b:s1+s19], $0x80, s20, s19, $0xb8;
	[tilespmem:$0x1E080] =	vst v63  }
0x91: {  	s22 =	simm.s32 $0x139E0  }
0x92: {  	[tilespmem:s0], [sflag:$0x2] =	stream.indirect.gather [hbm4b:s1+s19], $0x80, s22, s19, $0xb8;
	[tilespmem:$0x1E080] =	vst v63  }
0x93: {  	_ =	swait.ge [sflag:s10], $0x4000  }
0x94: {  	[sflag:s10] =	ssyncset.done $0x0  }
0x95: {  	s26 =	simm.s32 $0x13900;
	[sflag:s10] =	ssyncadd.s32 $0xFFFFC000  }
0x96: {  	[spmem:s3] =	stream.indirect.scatter.add.f32 [tilespmem:s16], [sflag:$0x3], $0x80, s26, s11, $0xb8;
	[tilespmem:$0x1E080] =	vst v63  }
0x97: {  	_ =	swait.ge [sflag:s17], $0x4000  }
0x98: {  	[sflag:s17] =	ssyncset.done $0x0  }
0x99: {  	s6 =	simm.s32 $0x13A80;
	[sflag:s17] =	ssyncadd.s32 $0xFFFFC000  }
0x9a: {  	[tilespmem:s16], [sflag:$0x1] =	stream.indirect.gather [hbm4b:s1+s19], $0x80, s6, s19, $0xb8;
	[tilespmem:$0x1E080] =	vst v63  }
0x9b: {  	s7 =	simm.s32 $0x13AA0  }
0x9c: {  	[tilespmem:s21], [sflag:$0x1] =	stream.indirect.gather [hbm4b:s1+s19], $0x80, s7, s19, $0xb8;
	[tilespmem:$0x1E080] =	vst v63  }
0x9d: {  	s20 =	simm.s32 $0x13AC0  }
0x9e: {  	[tilespmem:s23], [sflag:$0x1] =	stream.indirect.gather [hbm4b:s1+s19], $0x80, s20, s19, $0xb8;
	[tilespmem:$0x1E080] =	vst v63  }
0x9f: {  	s22 =	simm.s32 $0x13AE0  }
0xa0: {  	[tilespmem:s28], [sflag:$0x1] =	stream.indirect.gather [hbm4b:s1+s19], $0x80, s22, s19, $0xb8;
	[tilespmem:$0x1E080] =	vst v63  }
0xa1: {  	_ =	swait.ge [sflag:s12], $0x4000  }
0xa2: {  	[sflag:s12] =	ssyncset.done $0x0  }
0xa3: {  	s26 =	simm.s32 $0x13A00;
	[sflag:s12] =	ssyncadd.s32 $0xFFFFC000  }
0xa4: {  	[spmem:s3] =	stream.indirect.scatter.add.f32 [tilespmem:s29], [sflag:$0x3], $0x80, s26, s11, $0xb8;
	[tilespmem:$0x1E080] =	vst v63  }
0xa5: {  	_ =	swait.ge [sflag:s17], $0x4000  }
0xa6: {  	s2 =	simm.s32 $0x200;
	s20 =	simm.s32 $0x1000;
	[sflag:s17] =	ssyncset.done $0x0  }
.LBB2_11:
0xa7: {  	s6 =	sadd.s32 $0x13980, s2  }
0xa8: {  	[sflag:s17] =	ssyncadd.s32 $0xFFFFC000;
	s7 =	smov.u32 s20;
	s22 =	sadd.s32 $0x800, s20  }
0xa9: {  	[tilespmem:s29], [sflag:$0x2] =	stream.indirect.gather [hbm4b:s1+s19], $0x80, s6, s19, $0xb8;
	[tilespmem:$0x1E080] =	vst v63  }
0xaa: {  	p2 =	sne.s32 s20, $0x4000;
	s6 =	sadd.s32 $0x139A0, s2  }
0xab: {  	[tilespmem:s30], [sflag:$0x2] =	stream.indirect.gather [hbm4b:s1+s19], $0x80, s6, s19, $0xb8;
	[tilespmem:$0x1E080] =	vst v63  }
0xac: {  	s6 =	sadd.s32 $0x139C0, s2  }
0xad: {  	[tilespmem:s31], [sflag:$0x2] =	stream.indirect.gather [hbm4b:s1+s19], $0x80, s6, s19, $0xb8;
	[tilespmem:$0x1E080] =	vst v63  }
0xae: {  	s6 =	sadd.s32 $0x139E0, s2  }
0xaf: {  	[tilespmem:s0], [sflag:$0x2] =	stream.indirect.gather [hbm4b:s1+s19], $0x80, s6, s19, $0xb8;
	[tilespmem:$0x1E080] =	vst v63  }
0xb0: {  	_ =	swait.ge [sflag:s10], $0x4000  }
0xb1: {  	[sflag:s10] =	ssyncset.done $0x0  }
0xb2: {  	s6 =	sadd.s32 $0x13900, s2;
	[sflag:s10] =	ssyncadd.s32 $0xFFFFC000  }
0xb3: {  	[spmem:s3] =	stream.indirect.scatter.add.f32 [tilespmem:s16], [sflag:$0x3], $0x80, s6, s11, $0xb8;
	[tilespmem:$0x1E080] =	vst v63  }
0xb4: {  	_ =	swait.ge [sflag:s17], $0x4000  }
0xb5: {  	[sflag:s17] =	ssyncset.done $0x0  }
0xb6: {  	s6 =	sadd.s32 $0x13A80, s2;
	[sflag:s17] =	ssyncadd.s32 $0xFFFFC000  }
0xb7: {  	[tilespmem:s16], [sflag:$0x1] =	stream.indirect.gather [hbm4b:s1+s19], $0x80, s6, s19, $0xb8;
	[tilespmem:$0x1E080] =	vst v63  }
0xb8: {  	s6 =	sadd.s32 $0x13AA0, s2  }
0xb9: {  	[tilespmem:s21], [sflag:$0x1] =	stream.indirect.gather [hbm4b:s1+s19], $0x80, s6, s19, $0xb8;
	[tilespmem:$0x1E080] =	vst v63  }
0xba: {  	s6 =	sadd.s32 $0x13AC0, s2  }
0xbb: {  	[tilespmem:s23], [sflag:$0x1] =	stream.indirect.gather [hbm4b:s1+s19], $0x80, s6, s19, $0xb8;
	[tilespmem:$0x1E080] =	vst v63  }
0xbc: {  	s6 =	sadd.s32 $0x13AE0, s2  }
0xbd: {  	[tilespmem:s28], [sflag:$0x1] =	stream.indirect.gather [hbm4b:s1+s19], $0x80, s6, s19, $0xb8;
	[tilespmem:$0x1E080] =	vst v63  }
0xbe: {  	_ =	swait.ge [sflag:s12], $0x4000  }
.Ltmp4:
0xbf: {  	[sflag:s12] =	ssyncset.done $0x0;
	(pc) =	sbr.rel @p2 .LBB2_11-.Ltmp4, $4  }
0xc0: {  	s2 =	sadd.s32 $0x13A00, s2;
	[sflag:s12] =	ssyncadd.s32 $0xFFFFC000  }
0xc1: {  	[spmem:s3] =	stream.indirect.scatter.add.f32 [tilespmem:s29], [sflag:$0x3], $0x80, s2, s11, $0xb8;
	[tilespmem:$0x1E080] =	vst v63  }
0xc2: {  	_ =	swait.ge [sflag:s17], $0x4000  }
0xc3: {  	s20 =	smov.u32 s22;
	s2 =	sshra.s32 s7, $0x2;
	[sflag:s17] =	ssyncset.done $0x0  }
0xc4: {  	s6 =	sadd.s32 $0x13980, s2;
	[sflag:s17] =	ssyncadd.s32 $0xFFFFC000  }
0xc5: {  	[tilespmem:s29], [sflag:$0x2] =	stream.indirect.gather [hbm4b:s1+s19], $0x80, s6, s19, $0xb8;
	[tilespmem:$0x1E080] =	vst v63  }
0xc6: {  	s26 =	sadd.s32 $0x139A0, s2  }
0xc7: {  	[tilespmem:s30], [sflag:$0x2] =	stream.indirect.gather [hbm4b:s1+s19], $0x80, s26, s19, $0xb8;
	[tilespmem:$0x1E080] =	vst v63  }
0xc8: {  	s7 =	sadd.s32 $0x139C0, s2  }
0xc9: {  	[tilespmem:s31], [sflag:$0x2] =	stream.indirect.gather [hbm4b:s1+s19], $0x80, s7, s19, $0xb8;
	[tilespmem:$0x1E080] =	vst v63  }
0xca: {  	s20 =	sadd.s32 $0x139E0, s2  }
0xcb: {  	[tilespmem:s0], [sflag:$0x2] =	stream.indirect.gather [hbm4b:s1+s19], $0x80, s20, s19, $0xb8;
	[tilespmem:$0x1E080] =	vst v63  }
0xcc: {  	_ =	swait.ge [sflag:s10], $0x4000  }
0xcd: {  	[sflag:s10] =	ssyncset.done $0x0  }
0xce: {  	s22 =	sadd.s32 $0x13900, s2;
	[sflag:s10] =	ssyncadd.s32 $0xFFFFC000  }
0xcf: {  	[spmem:s3] =	stream.indirect.scatter.add.f32 [tilespmem:s16], [sflag:$0x3], $0x80, s22, s11, $0xb8;
	[tilespmem:$0x1E080] =	vst v63  }
0xd0: {  	_ =	swait.ge [sflag:s17], $0x4000  }
0xd1: {  	[sflag:s17] =	ssyncset.done $0x0  }
0xd2: {  	s26 =	sadd.s32 $0x13A80, s2;
	[sflag:s17] =	ssyncadd.s32 $0xFFFFC000  }
0xd3: {  	[tilespmem:s16], [sflag:$0x1] =	stream.indirect.gather [hbm4b:s1+s19], $0x80, s26, s19, $0xb8;
	[tilespmem:$0x1E080] =	vst v63  }
0xd4: {  	s7 =	sadd.s32 $0x13AA0, s2  }
0xd5: {  	[tilespmem:s21], [sflag:$0x1] =	stream.indirect.gather [hbm4b:s1+s19], $0x80, s7, s19, $0xb8;
	[tilespmem:$0x1E080] =	vst v63  }
0xd6: {  	s20 =	sadd.s32 $0x13AC0, s2  }
0xd7: {  	[tilespmem:s23], [sflag:$0x1] =	stream.indirect.gather [hbm4b:s1+s19], $0x80, s20, s19, $0xb8;
	[tilespmem:$0x1E080] =	vst v63  }
0xd8: {  	s22 =	sadd.s32 $0x13AE0, s2  }
0xd9: {  	[tilespmem:s28], [sflag:$0x1] =	stream.indirect.gather [hbm4b:s1+s19], $0x80, s22, s19, $0xb8;
	[tilespmem:$0x1E080] =	vst v63  }
0xda: {  	_ =	swait.ge [sflag:s12], $0x4000  }
0xdb: {  	[sflag:s12] =	ssyncset.done $0x0  }
.Ltmp5:
0xdc: {  	s26 =	sadd.s32 $0x13A00, s2;
	[sflag:s12] =	ssyncadd.s32 $0xFFFFC000;
	(pc) =	sbr.rel .LBB2_13-.Ltmp5, $4  }
0xdd: {  	[spmem:s3] =	stream.indirect.scatter.add.f32 [tilespmem:s29], [sflag:$0x3], $0x80, s26, s11, $0xb8;
	[tilespmem:$0x1E080] =	vst v63  }
0xde: {  	s6 =	simm.s32 $0x14BA0;
	s2 =	simm.s32 $0x14C00;
	_ =	swait.ge [sflag:s17], $0x4000  }
0xdf: {  	s7 =	simm.s32 $0x14B80;
	s20 =	simm.s32 $0x14B00;
	[sflag:s17] =	ssyncset.done $0x0  }
0xe0: {  	s22 =	simm.s32 $0x14BE0;
	s26 =	simm.s32 $0x14BC0;
	[sflag:s17] =	ssyncadd.s32 $0xFFFFC000  }
.LBB2_4:
0xe1: {  	s6 =	rddreg [dreg:$0x7]  }
0xe2: {  	[tilespmem:s18], [sflag:$0x3] =	stream.linear.gather [hbm4b:s6+s2], $0x2800, $0x38;
	[tilespmem:$0x1E080] =	vst v63  }
0xe3: {  	_ =	swait.ge [sflag:s17], $0x2800  }
0xe4: {  	[sflag:s17] =	ssyncset.done $0x0  }
0xe5: {  	[sflag:s17] =	ssyncadd.s32 $0xFFFFD800  }
0xe6: {  	[tilespmem:s16], [sflag:$0x1] =	stream.indirect.gather [hbm4b:s1+s19], $0x80, s18, s19, $0xb8;
	[tilespmem:$0x1E080] =	vst v63  }
0xe7: {  	s20 =	simm.s32 $0x138A0  }
0xe8: {  	[tilespmem:s21], [sflag:$0x1] =	stream.indirect.gather [hbm4b:s1+s19], $0x80, s20, s19, $0xb8;
	[tilespmem:$0x1E080] =	vst v63  }
0xe9: {  	s22 =	simm.s32 $0x138C0  }
0xea: {  	[tilespmem:s23], [sflag:$0x1] =	stream.indirect.gather [hbm4b:s1+s19], $0x80, s22, s19, $0xb8;
	[tilespmem:$0x1E080] =	vst v63  }
0xeb: {  	s26 =	simm.s32 $0x138E0  }
0xec: {  	[tilespmem:s28], [sflag:$0x1] =	stream.indirect.gather [hbm4b:s1+s19], $0x80, s26, s19, $0xb8;
	[tilespmem:$0x1E080] =	vst v63  }
0xed: {  	s6 =	simm.s32 $0x13980  }
0xee: {  	[tilespmem:s29], [sflag:$0x2] =	stream.indirect.gather [hbm4b:s1+s19], $0x80, s6, s19, $0xb8;
	[tilespmem:$0x1E080] =	vst v63  }
0xef: {  	s7 =	simm.s32 $0x139A0  }
0xf0: {  	[tilespmem:s30], [sflag:$0x2] =	stream.indirect.gather [hbm4b:s1+s19], $0x80, s7, s19, $0xb8;
	[tilespmem:$0x1E080] =	vst v63  }
0xf1: {  	s20 =	simm.s32 $0x139C0  }
0xf2: {  	[tilespmem:s31], [sflag:$0x2] =	stream.indirect.gather [hbm4b:s1+s19], $0x80, s20, s19, $0xb8;
	[tilespmem:$0x1E080] =	vst v63  }
0xf3: {  	s22 =	simm.s32 $0x139E0  }
0xf4: {  	[tilespmem:s0], [sflag:$0x2] =	stream.indirect.gather [hbm4b:s1+s19], $0x80, s22, s19, $0xb8;
	[tilespmem:$0x1E080] =	vst v63  }
0xf5: {  	_ =	swait.ge [sflag:s10], $0x4000  }
0xf6: {  	[sflag:s10] =	ssyncset.done $0x0  }
0xf7: {  	s26 =	simm.s32 $0x13900;
	[sflag:s10] =	ssyncadd.s32 $0xFFFFC000  }
0xf8: {  	[spmem:s3] =	stream.indirect.scatter.add.f32 [tilespmem:s16], [sflag:$0x3], $0x80, s26, s11, $0xb8;
	[tilespmem:$0x1E080] =	vst v63  }
0xf9: {  	_ =	swait.ge [sflag:s17], $0x4000  }
0xfa: {  	[sflag:s17] =	ssyncset.done $0x0  }
0xfb: {  	s6 =	simm.s32 $0x13A80;
	[sflag:s17] =	ssyncadd.s32 $0xFFFFC000  }
0xfc: {  	[tilespmem:s16], [sflag:$0x1] =	stream.indirect.gather [hbm4b:s1+s19], $0x80, s6, s19, $0xb8;
	[tilespmem:$0x1E080] =	vst v63  }
0xfd: {  	s7 =	simm.s32 $0x13AA0  }
0xfe: {  	[tilespmem:s21], [sflag:$0x1] =	stream.indirect.gather [hbm4b:s1+s19], $0x80, s7, s19, $0xb8;
	[tilespmem:$0x1E080] =	vst v63  }
0xff: {  	s20 =	simm.s32 $0x13AC0  }
0x100: {  	[tilespmem:s23], [sflag:$0x1] =	stream.indirect.gather [hbm4b:s1+s19], $0x80, s20, s19, $0xb8;
	[tilespmem:$0x1E080] =	vst v63  }
0x101: {  	s22 =	simm.s32 $0x13AE0  }
0x102: {  	[tilespmem:s28], [sflag:$0x1] =	stream.indirect.gather [hbm4b:s1+s19], $0x80, s22, s19, $0xb8;
	[tilespmem:$0x1E080] =	vst v63  }
0x103: {  	_ =	swait.ge [sflag:s12], $0x4000  }
0x104: {  	[sflag:s12] =	ssyncset.done $0x0  }
0x105: {  	s26 =	simm.s32 $0x13A00;
	[sflag:s12] =	ssyncadd.s32 $0xFFFFC000  }
0x106: {  	[spmem:s3] =	stream.indirect.scatter.add.f32 [tilespmem:s29], [sflag:$0x3], $0x80, s26, s11, $0xb8;
	[tilespmem:$0x1E080] =	vst v63  }
0x107: {  	_ =	swait.ge [sflag:s17], $0x4000  }
0x108: {  	s2 =	simm.s32 $0x200;
	s20 =	simm.s32 $0x1000;
	[sflag:s17] =	ssyncset.done $0x0  }
.LBB2_5:
0x109: {  	s6 =	sadd.s32 $0x13980, s2  }
0x10a: {  	[sflag:s17] =	ssyncadd.s32 $0xFFFFC000;
	s7 =	smov.u32 s20;
	s22 =	sadd.s32 $0x800, s20  }
0x10b: {  	[tilespmem:s29], [sflag:$0x2] =	stream.indirect.gather [hbm4b:s1+s19], $0x80, s6, s19, $0xb8;
	[tilespmem:$0x1E080] =	vst v63  }
0x10c: {  	p2 =	sne.s32 s20, $0x9000;
	s6 =	sadd.s32 $0x139A0, s2  }
0x10d: {  	[tilespmem:s30], [sflag:$0x2] =	stream.indirect.gather [hbm4b:s1+s19], $0x80, s6, s19, $0xb8;
	[tilespmem:$0x1E080] =	vst v63  }
0x10e: {  	s6 =	sadd.s32 $0x139C0, s2  }
0x10f: {  	[tilespmem:s31], [sflag:$0x2] =	stream.indirect.gather [hbm4b:s1+s19], $0x80, s6, s19, $0xb8;
	[tilespmem:$0x1E080] =	vst v63  }
0x110: {  	s6 =	sadd.s32 $0x139E0, s2  }
0x111: {  	[tilespmem:s0], [sflag:$0x2] =	stream.indirect.gather [hbm4b:s1+s19], $0x80, s6, s19, $0xb8;
	[tilespmem:$0x1E080] =	vst v63  }
0x112: {  	_ =	swait.ge [sflag:s10], $0x4000  }
0x113: {  	[sflag:s10] =	ssyncset.done $0x0  }
0x114: {  	s6 =	sadd.s32 $0x13900, s2;
	[sflag:s10] =	ssyncadd.s32 $0xFFFFC000  }
0x115: {  	[spmem:s3] =	stream.indirect.scatter.add.f32 [tilespmem:s16], [sflag:$0x3], $0x80, s6, s11, $0xb8;
	[tilespmem:$0x1E080] =	vst v63  }
0x116: {  	_ =	swait.ge [sflag:s17], $0x4000  }
0x117: {  	[sflag:s17] =	ssyncset.done $0x0  }
0x118: {  	s6 =	sadd.s32 $0x13A80, s2;
	[sflag:s17] =	ssyncadd.s32 $0xFFFFC000  }
0x119: {  	[tilespmem:s16], [sflag:$0x1] =	stream.indirect.gather [hbm4b:s1+s19], $0x80, s6, s19, $0xb8;
	[tilespmem:$0x1E080] =	vst v63  }
0x11a: {  	s6 =	sadd.s32 $0x13AA0, s2  }
0x11b: {  	[tilespmem:s21], [sflag:$0x1] =	stream.indirect.gather [hbm4b:s1+s19], $0x80, s6, s19, $0xb8;
	[tilespmem:$0x1E080] =	vst v63  }
0x11c: {  	s6 =	sadd.s32 $0x13AC0, s2  }
0x11d: {  	[tilespmem:s23], [sflag:$0x1] =	stream.indirect.gather [hbm4b:s1+s19], $0x80, s6, s19, $0xb8;
	[tilespmem:$0x1E080] =	vst v63  }
0x11e: {  	s6 =	sadd.s32 $0x13AE0, s2  }
0x11f: {  	[tilespmem:s28], [sflag:$0x1] =	stream.indirect.gather [hbm4b:s1+s19], $0x80, s6, s19, $0xb8;
	[tilespmem:$0x1E080] =	vst v63  }
0x120: {  	_ =	swait.ge [sflag:s12], $0x4000  }
.Ltmp6:
0x121: {  	[sflag:s12] =	ssyncset.done $0x0;
	(pc) =	sbr.rel @p2 .LBB2_5-.Ltmp6, $4  }
0x122: {  	s2 =	sadd.s32 $0x13A00, s2;
	[sflag:s12] =	ssyncadd.s32 $0xFFFFC000  }
0x123: {  	[spmem:s3] =	stream.indirect.scatter.add.f32 [tilespmem:s29], [sflag:$0x3], $0x80, s2, s11, $0xb8;
	[tilespmem:$0x1E080] =	vst v63  }
0x124: {  	_ =	swait.ge [sflag:s17], $0x4000  }
0x125: {  	s20 =	smov.u32 s22;
	s2 =	sshra.s32 s7, $0x2;
	[sflag:s17] =	ssyncset.done $0x0  }
0x126: {  	s6 =	sadd.s32 $0x13980, s2;
	[sflag:s17] =	ssyncadd.s32 $0xFFFFC000  }
0x127: {  	[tilespmem:s29], [sflag:$0x2] =	stream.indirect.gather [hbm4b:s1+s19], $0x80, s6, s19, $0xb8;
	[tilespmem:$0x1E080] =	vst v63  }
0x128: {  	s22 =	sadd.s32 $0x139A0, s2  }
0x129: {  	[tilespmem:s30], [sflag:$0x2] =	stream.indirect.gather [hbm4b:s1+s19], $0x80, s22, s19, $0xb8;
	[tilespmem:$0x1E080] =	vst v63  }
0x12a: {  	s26 =	sadd.s32 $0x139C0, s2  }
0x12b: {  	[tilespmem:s31], [sflag:$0x2] =	stream.indirect.gather [hbm4b:s1+s19], $0x80, s26, s19, $0xb8;
	[tilespmem:$0x1E080] =	vst v63  }
0x12c: {  	s7 =	sadd.s32 $0x139E0, s2  }
0x12d: {  	[tilespmem:s0], [sflag:$0x2] =	stream.indirect.gather [hbm4b:s1+s19], $0x80, s7, s19, $0xb8;
	[tilespmem:$0x1E080] =	vst v63  }
0x12e: {  	_ =	swait.ge [sflag:s10], $0x4000  }
0x12f: {  	[sflag:s10] =	ssyncset.done $0x0  }
0x130: {  	s20 =	sadd.s32 $0x13900, s2;
	[sflag:s10] =	ssyncadd.s32 $0xFFFFC000  }
0x131: {  	[spmem:s3] =	stream.indirect.scatter.add.f32 [tilespmem:s16], [sflag:$0x3], $0x80, s20, s11, $0xb8;
	[tilespmem:$0x1E080] =	vst v63  }
0x132: {  	_ =	swait.ge [sflag:s17], $0x4000  }
0x133: {  	[sflag:s17] =	ssyncset.done $0x0  }
0x134: {  	s22 =	sadd.s32 $0x13A80, s2;
	[sflag:s17] =	ssyncadd.s32 $0xFFFFC000  }
0x135: {  	[tilespmem:s16], [sflag:$0x1] =	stream.indirect.gather [hbm4b:s1+s19], $0x80, s22, s19, $0xb8;
	[tilespmem:$0x1E080] =	vst v63  }
0x136: {  	s26 =	sadd.s32 $0x13AA0, s2  }
0x137: {  	[tilespmem:s21], [sflag:$0x1] =	stream.indirect.gather [hbm4b:s1+s19], $0x80, s26, s19, $0xb8;
	[tilespmem:$0x1E080] =	vst v63  }
0x138: {  	s7 =	sadd.s32 $0x13AC0, s2  }
0x139: {  	[tilespmem:s23], [sflag:$0x1] =	stream.indirect.gather [hbm4b:s1+s19], $0x80, s7, s19, $0xb8;
	[tilespmem:$0x1E080] =	vst v63  }
0x13a: {  	s20 =	sadd.s32 $0x13AE0, s2  }
0x13b: {  	[tilespmem:s28], [sflag:$0x1] =	stream.indirect.gather [hbm4b:s1+s19], $0x80, s20, s19, $0xb8;
	[tilespmem:$0x1E080] =	vst v63  }
0x13c: {  	_ =	swait.ge [sflag:s12], $0x4000  }
0x13d: {  	[sflag:s12] =	ssyncset.done $0x0  }
0x13e: {  	s22 =	sadd.s32 $0x13A00, s2;
	[sflag:s12] =	ssyncadd.s32 $0xFFFFC000  }
0x13f: {  	[spmem:s3] =	stream.indirect.scatter.add.f32 [tilespmem:s29], [sflag:$0x3], $0x80, s22, s11, $0xb8;
	[tilespmem:$0x1E080] =	vst v63  }
0x140: {  	_ =	swait.ge [sflag:s17], $0x4000  }
0x141: {  	[sflag:s17] =	ssyncset.done $0x0  }
0x142: {  	s26 =	simm.s32 $0x15F80;
	[sflag:s17] =	ssyncadd.s32 $0xFFFFC000  }
0x143: {  	[tilespmem:s29], [sflag:$0x2] =	stream.indirect.gather [hbm4b:s1+s19], $0x80, s26, s19, $0xb8;
	[tilespmem:$0x1E080] =	vst v63  }
0x144: {  	s6 =	simm.s32 $0x15FA0  }
0x145: {  	[tilespmem:s30], [sflag:$0x2] =	stream.indirect.gather [hbm4b:s1+s19], $0x80, s6, s19, $0xb8;
	[tilespmem:$0x1E080] =	vst v63  }
0x146: {  	s7 =	simm.s32 $0x15FC0  }
0x147: {  	[tilespmem:s31], [sflag:$0x2] =	stream.indirect.gather [hbm4b:s1+s19], $0x80, s7, s19, $0xb8;
	[tilespmem:$0x1E080] =	vst v63  }
0x148: {  	s20 =	simm.s32 $0x15FE0  }
0x149: {  	[tilespmem:s0], [sflag:$0x2] =	stream.indirect.gather [hbm4b:s1+s19], $0x80, s20, s19, $0xb8;
	[tilespmem:$0x1E080] =	vst v63  }
0x14a: {  	_ =	swait.ge [sflag:s10], $0x4000  }
0x14b: {  	[sflag:s10] =	ssyncset.done $0x0  }
0x14c: {  	s22 =	simm.s32 $0x15F00;
	[sflag:s10] =	ssyncadd.s32 $0xFFFFC000  }
0x14d: {  	[spmem:s3] =	stream.indirect.scatter.add.f32 [tilespmem:s16], [sflag:$0x3], $0x80, s22, s11, $0xb8;
	[tilespmem:$0x1E080] =	vst v63  }
0x14e: {  	_ =	swait.ge [sflag:s17], $0x4000  }
0x14f: {  	[sflag:s17] =	ssyncset.done $0x0  }
0x150: {  	[sflag:s17] =	ssyncadd.s32 $0xFFFFC000  }
0x151: {  	_ =	swait.ge [sflag:s12], $0x4000  }
0x152: {  	[sflag:s12] =	ssyncset.done $0x0  }
0x153: {  	s26 =	simm.s32 $0x16000;
	[sflag:s12] =	ssyncadd.s32 $0xFFFFC000  }
0x154: {  	[spmem:s3] =	stream.indirect.scatter.add.f32 [tilespmem:s29], [sflag:$0x3], $0x80, s26, s11, $0xb8;
	[tilespmem:$0x1E080] =	vst v63  }
0x155: {  	_ =	swait.ge [sflag:s17], $0x4000  }
0x156: {  	[sflag:s17] =	ssyncset.done $0x0  }
0x157: {  	s6 =	simm.s32 $0x0;
	s7 =	rddreg [dreg:$0x8];
	[sflag:s17] =	ssyncadd.s32 $0xFFFFC000  }
0x158: {  	[tilespmem:s18], [sflag:$0x3] =	stream.linear.gather [hbm4b:s7+s6], $0x2800, $0x38;
	[tilespmem:$0x1E080] =	vst v63  }
0x159: {  	_ =	swait.ge [sflag:s17], $0x2800  }
0x15a: {  	[sflag:s17] =	ssyncset.done $0x0  }
0x15b: {  	[sflag:s17] =	ssyncadd.s32 $0xFFFFD800  }
0x15c: {  	[tilespmem:s16], [sflag:$0x1] =	stream.indirect.gather [hbm4b:s1+s19], $0x80, s18, s19, $0xb8;
	[tilespmem:$0x1E080] =	vst v63  }
0x15d: {  	p3 =	por $0x0, $0x0;
	s20 =	simm.s32 $0x138A0  }
0x15e: {  	[tilespmem:s21], [sflag:$0x1] =	stream.indirect.gather [hbm4b:s1+s19], $0x80, s20, s19, $0xb8;
	[tilespmem:$0x1E080] =	vst v63  }
.Ltmp7:
0x15f: {  	_ = 	snop;
	(pc) =	sbr.rel @p3 .LBB2_9-.Ltmp7, $4  }
0x160: {  	s22 =	simm.s32 $0x138C0  }
0x161: {  	[tilespmem:s23], [sflag:$0x1] =	stream.indirect.gather [hbm4b:s1+s19], $0x80, s22, s19, $0xb8;
	[tilespmem:$0x1E080] =	vst v63  }
0x162: {  	p2 =	por $0x0, $0x0;
	s2 =	simm.s32 $0x0;
	s26 =	simm.s32 $0x138E0  }
0x163: {  	[tilespmem:s28], [sflag:$0x1] =	stream.indirect.gather [hbm4b:s1+s19], $0x80, s26, s19, $0xb8;
	[tilespmem:$0x1E080] =	vst v63  }
0x164: {  	s2 =	simm.s32 $0x13980  }
0x165: {  	[tilespmem:s29], [sflag:$0x2] =	stream.indirect.gather [hbm4b:s1+s19], $0x80, s2, s19, $0xb8;
	[tilespmem:$0x1E080] =	vst v63  }
0x166: {  	s7 =	simm.s32 $0x139A0  }
0x167: {  	[tilespmem:s30], [sflag:$0x2] =	stream.indirect.gather [hbm4b:s1+s19], $0x80, s7, s19, $0xb8;
	[tilespmem:$0x1E080] =	vst v63  }
0x168: {  	s20 =	simm.s32 $0x139C0  }
0x169: {  	[tilespmem:s31], [sflag:$0x2] =	stream.indirect.gather [hbm4b:s1+s19], $0x80, s20, s19, $0xb8;
	[tilespmem:$0x1E080] =	vst v63  }
0x16a: {  	s22 =	simm.s32 $0x139E0  }
0x16b: {  	[tilespmem:s0], [sflag:$0x2] =	stream.indirect.gather [hbm4b:s1+s19], $0x80, s22, s19, $0xb8;
	[tilespmem:$0x1E080] =	vst v63  }
0x16c: {  	_ =	swait.ge [sflag:s10], $0x4000  }
0x16d: {  	[sflag:s10] =	ssyncset.done $0x0  }
0x16e: {  	s26 =	simm.s32 $0x13900;
	[sflag:s10] =	ssyncadd.s32 $0xFFFFC000  }
0x16f: {  	[spmem:s3] =	stream.indirect.scatter.add.f32 [tilespmem:s16], [sflag:$0x3], $0x80, s26, s11, $0xb8;
	[tilespmem:$0x1E080] =	vst v63  }
0x170: {  	_ =	swait.ge [sflag:s17], $0x4000  }
0x171: {  	[sflag:s17] =	ssyncset.done $0x0  }
0x172: {  	s6 =	simm.s32 $0x13A80;
	[sflag:s17] =	ssyncadd.s32 $0xFFFFC000  }
0x173: {  	[tilespmem:s16], [sflag:$0x1] =	stream.indirect.gather [hbm4b:s1+s19], $0x80, s6, s19, $0xb8;
	[tilespmem:$0x1E080] =	vst v63  }
0x174: {  	s7 =	simm.s32 $0x13AA0  }
0x175: {  	[tilespmem:s21], [sflag:$0x1] =	stream.indirect.gather [hbm4b:s1+s19], $0x80, s7, s19, $0xb8;
	[tilespmem:$0x1E080] =	vst v63  }
0x176: {  	s20 =	simm.s32 $0x13AC0  }
0x177: {  	[tilespmem:s23], [sflag:$0x1] =	stream.indirect.gather [hbm4b:s1+s19], $0x80, s20, s19, $0xb8;
	[tilespmem:$0x1E080] =	vst v63  }
0x178: {  	s22 =	simm.s32 $0x13AE0  }
0x179: {  	[tilespmem:s28], [sflag:$0x1] =	stream.indirect.gather [hbm4b:s1+s19], $0x80, s22, s19, $0xb8;
	[tilespmem:$0x1E080] =	vst v63  }
0x17a: {  	p3 =	por $0x0, $0x0;
	_ =	swait.ge [sflag:s12], $0x4000  }
.Ltmp8:
0x17b: {  	[sflag:s12] =	ssyncset.done $0x0;
	(pc) =	sbr.rel @p3 .LBB2_9-.Ltmp8, $4  }
0x17c: {  	s26 =	simm.s32 $0x13A00;
	[sflag:s12] =	ssyncadd.s32 $0xFFFFC000  }
0x17d: {  	[spmem:s3] =	stream.indirect.scatter.add.f32 [tilespmem:s29], [sflag:$0x3], $0x80, s26, s11, $0xb8;
	[tilespmem:$0x1E080] =	vst v63  }
0x17e: {  	p2 =	por $0x1, $0x1;
	_ =	swait.ge [sflag:s17], $0x4000  }
0x17f: {  	s2 =	simm.s32 $0x200;
	s20 =	simm.s32 $0x1000;
	[sflag:s17] =	ssyncset.done $0x0  }
.LBB2_8:
0x180: {  	s6 =	sadd.s32 $0x13980, s2  }
0x181: {  	[sflag:s17] =	ssyncadd.s32 $0xFFFFC000;
	s7 =	smov.u32 s20;
	s22 =	sadd.s32 $0x800, s20  }
0x182: {  	[tilespmem:s29], [sflag:$0x2] =	stream.indirect.gather [hbm4b:s1+s19], $0x80, s6, s19, $0xb8;
	[tilespmem:$0x1E080] =	vst v63  }
0x183: {  	p3 =	seq.s32 s20, $0x9000;
	s6 =	sadd.s32 $0x139A0, s2  }
0x184: {  	[tilespmem:s30], [sflag:$0x2] =	stream.indirect.gather [hbm4b:s1+s19], $0x80, s6, s19, $0xb8;
	[tilespmem:$0x1E080] =	vst v63  }
0x185: {  	s6 =	sadd.s32 $0x139C0, s2  }
0x186: {  	[tilespmem:s31], [sflag:$0x2] =	stream.indirect.gather [hbm4b:s1+s19], $0x80, s6, s19, $0xb8;
	[tilespmem:$0x1E080] =	vst v63  }
0x187: {  	s6 =	sadd.s32 $0x139E0, s2  }
0x188: {  	[tilespmem:s0], [sflag:$0x2] =	stream.indirect.gather [hbm4b:s1+s19], $0x80, s6, s19, $0xb8;
	[tilespmem:$0x1E080] =	vst v63  }
0x189: {  	_ =	swait.ge [sflag:s10], $0x4000  }
0x18a: {  	[sflag:s10] =	ssyncset.done $0x0  }
0x18b: {  	s6 =	sadd.s32 $0x13900, s2;
	[sflag:s10] =	ssyncadd.s32 $0xFFFFC000  }
0x18c: {  	[spmem:s3] =	stream.indirect.scatter.add.f32 [tilespmem:s16], [sflag:$0x3], $0x80, s6, s11, $0xb8;
	[tilespmem:$0x1E080] =	vst v63  }
0x18d: {  	_ =	swait.ge [sflag:s17], $0x4000  }
0x18e: {  	[sflag:s17] =	ssyncset.done $0x0  }
0x18f: {  	s6 =	sadd.s32 $0x13A80, s2;
	[sflag:s17] =	ssyncadd.s32 $0xFFFFC000  }
0x190: {  	[tilespmem:s16], [sflag:$0x1] =	stream.indirect.gather [hbm4b:s1+s19], $0x80, s6, s19, $0xb8;
	[tilespmem:$0x1E080] =	vst v63  }
0x191: {  	s6 =	sadd.s32 $0x13AA0, s2  }
0x192: {  	[tilespmem:s21], [sflag:$0x1] =	stream.indirect.gather [hbm4b:s1+s19], $0x80, s6, s19, $0xb8;
	[tilespmem:$0x1E080] =	vst v63  }
0x193: {  	s6 =	sadd.s32 $0x13AC0, s2  }
0x194: {  	[tilespmem:s23], [sflag:$0x1] =	stream.indirect.gather [hbm4b:s1+s19], $0x80, s6, s19, $0xb8;
	[tilespmem:$0x1E080] =	vst v63  }
0x195: {  	s6 =	sadd.s32 $0x13AE0, s2  }
0x196: {  	[tilespmem:s28], [sflag:$0x1] =	stream.indirect.gather [hbm4b:s1+s19], $0x80, s6, s19, $0xb8;
	[tilespmem:$0x1E080] =	vst v63  }
0x197: {  	_ =	swait.ge [sflag:s12], $0x4000  }
.Ltmp9:
0x198: {  	[sflag:s12] =	ssyncset.done $0x0;
	(pc) =	sbr.rel @!p3 .LBB2_8-.Ltmp9, $4  }
0x199: {  	s2 =	sadd.s32 $0x13A00, s2;
	[sflag:s12] =	ssyncadd.s32 $0xFFFFC000  }
0x19a: {  	[spmem:s3] =	stream.indirect.scatter.add.f32 [tilespmem:s29], [sflag:$0x3], $0x80, s2, s11, $0xb8;
	[tilespmem:$0x1E080] =	vst v63  }
0x19b: {  	_ =	swait.ge [sflag:s17], $0x4000  }
0x19c: {  	s20 =	smov.u32 s22;
	s2 =	sshra.s32 s7, $0x2;
	[sflag:s17] =	ssyncset.done $0x0  }
.Ltmp10:
0x19d: {  	_ = 	snop;
	(pc) =	sbr.rel .LBB2_9-.Ltmp10, $1  }
0x19e: {  	_ =	sdelay $0x3  }
.LBB2_14:
0x19f: {  	_ =	sfence.sel $0x180000  }
0x1a0: {  	[bflag:$0x0] =	sbarrier.arrive $0xFFFF  }
0x1a1: {  	_ =	strace $0x9000004D  }
0x1a2: {  	s0 =	stileid.u32;
	[bflag:$0x2] =	sbarrier.arrive $0xFFFF  }
0x1a3: {  	p0 =	sne.s32 s0, $0x0;
	s0 =	rddreg [dreg:$0x4]  }
0x1a4: {  	s0 =	sadd.s32 @!p0 $0x100000, s0  }
0x1a5: {  	[sflag:s0] =	ssyncadd.tile.s32 @!p0 $0x1;
	_ =	shalt  }
.Lfunc_end2:
_tile_overlayer_lowered:
.L_overlay_start_2:
0x1a6: {  	(tag) =	ssettag $0x2  }
0x1a7: {  	s0 =	rddreg [dreg:$0x0];
	s2 =	stileid.u32  }
0x1a8: {  	s1 =	rddreg [dreg:$0x1];
	p0 =	sne.s32 s2, $0x0  }
0x1a9: {  	s3 =	rddreg [dreg:$0x2];
	[bflag:$0x3] =	sbarrier.arrive $0xFFFF;
	s2 =	simm.s32 @!p0 $0x1C03  }
0x1aa: {  	[timem:s3], [sflag:s2] =	dma.local @!p0 [hbm:s0], s1  }
0x1ab: {  	s0 =	simm.s32 @!p0 $0x3  }
0x1ac: {  	_ =	swait.ge @!p0 [sflag:s0], s1  }
0x1ad: {  	s1 =	ssub.s32 @!p0 $0x0, s1;
	[sflag:s0] =	ssyncset.done @!p0 $0x0  }
0x1ae: {  	[sflag:s0] =	ssyncadd.s32 @!p0 s1  }
0x1af: {  	[bflag:$0x3] =	sbarrier.arrive $0xFFFF  }
0x1b0: {  	_ =	shalt  }

// kernel: kernel.9.cloned.1.call-start
scs
__scs_entry_jumppad:
0x0: {  	(pc) =	sbr.rel $0x88, $3  }
0x1: {  	(tag) =	ssettag $0x0;
	lr =	simm.s32 $0x1  }
0x2: {  	[smem:$0x3F9B] =	sst lr;
	_ =	strace $0xD0000000  }
0x3: {  	_ = 	snop  }
0x4: {  	_ = 	snop  }
0x5: {  	_ = 	snop  }
0x6: {  	_ = 	snop  }
0x7: {  	_ = 	snop  }
__scs_overlays_trampoline_lowered:
0x8: {  	[smem:$0x3FAA] =	sst s0  }
0x9: {  	[smem:$0x3FAB] =	sst s1  }
0xa: {  	[smem:$0x3FAC] =	sst s2  }
0xb: {  	[smem:$0x3FAD] =	sst s3  }
0xc: {  	[smem:$0x3FAE] =	sst s4  }
0xd: {  	[smem:$0x3FAF] =	sst s5  }
0xe: {  	[smem:$0x3FB0] =	sst s6  }
0xf: {  	[smem:$0x3FB1] =	sst s7  }
0x10: {  	[smem:$0x3FB2] =	sst s8  }
0x11: {  	[smem:$0x3FB3] =	sst s9;
	s0 =	simm.s32 @!p0 $0x0  }
0x12: {  	s1 =	sld [smem:$0x3F99];
	s0 =	simm.s32 @p0 $0x1  }
0x13: {  	[smem:$0x3FB4] =	sst s0;
	s0 =	simm.s32 @!p1 $0x0  }
0x14: {  	s2 =	sld [smem:$0x3F98];
	s0 =	simm.s32 @p1 $0x1  }
0x15: {  	[smem:$0x3FB5] =	sst s0;
	s0 =	simm.s32 @!p2 $0x0  }
0x16: {  	s3 =	sld [smem:$0x3FDB];
	s0 =	simm.s32 @p2 $0x1  }
0x17: {  	s4 =	simm.s32 $0x1BF5;
	[smem:$0x3FB7] =	sst s0  }
0x18: {  	s0 =	sld [smem:$0x3F9A];
	_ =	swait.ge [sflag:s4], $0x0  }
0x19: {  	s7 =	sld [smem:$0x3F9B]  }
0x1a: {  	s8 =	sadd.s32 $0xFFFFE003, lr  }
0x1b: {  	s9 =	sadd.s32 $0xFFFFFEF7, lr;
	s5 =	simm.s32 $0xFFFFFFFF;
	p2 =	slt.u32 s8, $0xFFFFF086  }
0x1c: {  	p1 =	slt.u32 s9, $0xF7A;
	s5 =	simm.s32 @!p2 $0x0  }
0x1d: {  	s5 =	simm.s32 @p1 $0x1;
	p0 =	seq.s32 s7, s2  }
0x1e: {  	s7 =	smul.u32 @!p0 $0xF7A, s2;
	p2 =	seq.s32 @!p0 s5, $0x0  }
0x1f: {  	s9 =	smul.u32 $0xF7A, s1;
	s8 =	simm.s32 @!p0 $0x1BF5;
	p2 =	por !p2, p0  }
0x20: {  	[sflag:s8] =	ssyncset.s32 @!p0 $0xFFFFF086;
	s6 =	sadd.s32 @!p0 s3, s7;
	s7 =	simm.s32 @!p0 $0x108  }
0x21: {  	s3 =	sadd.s32 s3, s9;
	s6 =	sadd.s32 @!p0 $0x88, s6;
	s7 =	simm.s32 @p2 $0x1082  }
0x22: {  	[simem:s7], [sflag:s8] =	dma.local @!p0 [hbm:s6], $0xF7A  }
0x23: {  	s9 =	sor.u32 $0xD0000000, s2;
	s6 =	simm.s32 $0x108;
	_ =	swait.ge @!p0 [sflag:s8], $0x0  }
0x24: {  	s3 =	sadd.s32 $0x88, s3;
	s6 =	simm.s32 @!p1 $0x1082;
	[sflag:s4] =	ssyncset.s32 $0xFFFFF086  }
0x25: {  	[simem:s6], [sflag:s4] =	dma.local [hbm:s3], $0xF7A  }
0x26: {  	[smem:$0x3F9B] =	sst s1;
	(tag) =	ssettag s2;
	_ =	strace s9  }
0x27: {  	s1 =	sld [smem:$0x3FAB]  }
0x28: {  	s2 =	sld [smem:$0x3FAC]  }
0x29: {  	s4 =	sld [smem:$0x3FAE]  }
0x2a: {  	p0 =	seq.s32 s5, $0x0;
	s5 =	sld [smem:$0x3FAF]  }
0x2b: {  	s6 =	sld [smem:$0x3FB0]  }
0x2c: {  	s7 =	sld [smem:$0x3FB1]  }
0x2d: {  	s3 =	simm.s32 $0x108;
	s8 =	sld [smem:$0x3FB2]  }
0x2e: {  	s3 =	simm.s32 @!p0 $0x1082;
	s9 =	sld [smem:$0x3FB3]  }
0x2f: {  	lr =	sadd.s32 s0, s3;
	s0 =	sld [smem:$0x3FAA]  }
0x30: {  	s3 =	sld [smem:$0x3FAD]  }
0x31: {  	[smem:$0x3FB6] =	sst s10  }
0x32: {  	s10 =	sld [smem:$0x3FB4];
	_ =	sdelay $0x3  }
0x33: {  	p0 =	seq.s32 s10, $0x1;
	s10 =	sld [smem:$0x3FB6];
	_ =	sdelay $0x3  }
0x34: {  	[smem:$0x3FB6] =	sst s10  }
0x35: {  	s10 =	sld [smem:$0x3FB5];
	_ =	sdelay $0x3  }
0x36: {  	p1 =	seq.s32 s10, $0x1;
	s10 =	sld [smem:$0x3FB6];
	_ =	sdelay $0x3  }
0x37: {  	[smem:$0x3FB6] =	sst s10  }
0x38: {  	s10 =	sld [smem:$0x3FB7]  }
0x39: {  	_ = 	snop;
	(pc) =	sbr.ind lr, $3  }
0x3a: {  	_ = 	snop  }
0x3b: {  	_ = 	snop  }
0x3c: {  	p2 =	seq.s32 s10, $0x1;
	s10 =	sld [smem:$0x3FB6]  }
0x3d: {  	_ =	shalt  }
0x3e: {  	_ =	shalt  }
0x3f: {  	_ =	shalt  }
0x40: {  	_ =	shalt  }
0x41: {  	_ =	shalt  }
0x42: {  	_ =	shalt  }
0x43: {  	_ =	shalt  }
0x44: {  	_ =	shalt  }
0x45: {  	_ =	shalt  }
0x46: {  	_ =	shalt  }
0x47: {  	_ =	shalt  }
0x48: {  	_ =	shalt  }
0x49: {  	_ =	shalt  }
0x4a: {  	_ =	shalt  }
0x4b: {  	_ =	shalt  }
0x4c: {  	_ =	shalt  }
0x4d: {  	_ =	shalt  }
0x4e: {  	_ =	shalt  }
0x4f: {  	_ =	shalt  }
0x50: {  	_ =	shalt  }
0x51: {  	_ =	shalt  }
0x52: {  	_ =	shalt  }
0x53: {  	_ =	shalt  }
0x54: {  	_ =	shalt  }
0x55: {  	_ =	shalt  }
0x56: {  	_ =	shalt  }
0x57: {  	_ =	shalt  }
0x58: {  	_ =	shalt  }
0x59: {  	_ =	shalt  }
0x5a: {  	_ =	shalt  }
0x5b: {  	_ =	shalt  }
0x5c: {  	_ =	shalt  }
0x5d: {  	_ =	shalt  }
0x5e: {  	_ =	shalt  }
0x5f: {  	_ =	shalt  }
0x60: {  	_ =	shalt  }
0x61: {  	_ =	shalt  }
0x62: {  	_ =	shalt  }
0x63: {  	_ =	shalt  }
0x64: {  	_ =	shalt  }
0x65: {  	_ =	shalt  }
0x66: {  	_ =	shalt  }
0x67: {  	_ =	shalt  }
0x68: {  	_ =	shalt  }
0x69: {  	_ =	shalt  }
0x6a: {  	_ =	shalt  }
0x6b: {  	_ =	shalt  }
0x6c: {  	_ =	shalt  }
0x6d: {  	_ =	shalt  }
0x6e: {  	_ =	shalt  }
0x6f: {  	_ =	shalt  }
0x70: {  	_ =	shalt  }
0x71: {  	_ =	shalt  }
0x72: {  	_ =	shalt  }
0x73: {  	_ =	shalt  }
0x74: {  	_ =	shalt  }
0x75: {  	_ =	shalt  }
0x76: {  	_ =	shalt  }
0x77: {  	_ =	shalt  }
0x78: {  	_ =	shalt  }
0x79: {  	_ =	shalt  }
0x7a: {  	_ =	shalt  }
0x7b: {  	_ =	shalt  }
0x7c: {  	_ =	shalt  }
0x7d: {  	_ =	shalt  }
0x7e: {  	_ =	shalt  }
0x7f: {  	_ =	shalt  }
0x80: {  	_ =	shalt  }
0x81: {  	_ =	shalt  }
0x82: {  	_ =	shalt  }
0x83: {  	_ =	shalt  }
0x84: {  	_ =	shalt  }
0x85: {  	_ =	shalt  }
0x86: {  	_ =	shalt  }
0x87: {  	_ =	shalt  }
.Lfunc_end0:
.L_simem_size_0:
called_computation_lowered:
.L_overlay_start_0:
0x88: {  	s2 =	sld [smem:$0x3FD9]  }
0x89: {  	s3 =	sld [smem:$0x3FFE];
	_ =	sdelay $0x1  }
0x8a: {  	s1 =	srdreg.scid  }
0x8b: {  	s0 =	sand.u32 $0x1, s1  }
0x8c: {  	s18 =	sshll.u32 s0, $0xA;
	s2 =	sadd.s32 s3, s2  }
0x8d: {  	s2 =	sadd.s32 s2, s18  }
0x8e: {  	[smem:$0x3FC2] =	sst s2  }
0x8f: {  	_ = 	snop  }
0x90: {  	s2 =	sld [smem:$0x3FC8]  }
0x91: {  	s19 =	sld [smem:$0x3FD0];
	(tm) =	ssettm $0x1  }
0x92: {  	s4 =	sld [smem:$0x3FFB];
	_ =	sdelay $0x3  }
0x93: {  	_ =	strace s4  }
0x94: {  	s4 =	sld [smem:$0x3FFC];
	_ =	sdelay $0x3  }
0x95: {  	_ =	strace s4  }
0x96: {  	s4 =	sld [smem:$0x3FFD];
	_ =	sdelay $0x3  }
0x97: {  	_ =	strace s4  }
0x98: {  	_ =	strace $0x8FFFFFFF  }
0x99: {  	s20 =	sld [smem:$0x3FDB];
	_ =	sdelay $0x1  }
0x9a: {  	s5 =	simm.s32 $_scs_section_size  }
0x9b: {  	s6 =	simm.s32 $_size__tile_overlayer_lowered;
	s7 =	simm.s32 $_tile_overlayer_lowered  }
0x9c: {  	s23 =	simm.s32 $0x1BFF;
	s22 =	sshll.u32 s7, $0x1;
	s4 =	sadd.s32 s5, s20  }
0x9d: {  	s8 =	simm.s32 $0x0;
	s21 =	sshll.u32 s6, $0x1;
	s6 =	sadd.s32 s22, s4  }
0x9e: {  	[timem:s8], [sflag:s23] =	dma.local [hbm:s6], s21  }
0x9f: {  	_ =	swait.ge [sflag:s23], s21  }
0xa0: {  	s5 =	ssub.s32 $0x0, s21;
	[sflag:s23] =	ssyncset.done $0x0  }
0xa1: {  	[sflag:s23] =	ssyncadd.s32 s5;
	_ =	sdelay $0x1  }
0xa2: {  	s24 =	simm.s32 $0x1B8B  }
0xa3: {  	_ =	swait.ge [sflag:s24], $0x1  }
0xa4: {  	[sflag:s24] =	ssyncset.done $0x0  }
0xa5: {  	s25 =	simm.s32 $0x1B8E;
	[sflag:s24] =	ssyncadd.s32 $0xFFFFFFFF  }
0xa6: {  	s26 =	simm.s32 $execute0_lowered;
	[smem:$0x3FD2] =	sst s25  }
0xa7: {  	s5 =	sshll.u32 s26, $0x1;
	_ =	strace $0x80000046;
	[dreg:$0x1] =	wrdreg $0xFFFFFFFF  }
0xa8: {  	s28 =	simm.s32 $_size_execute0_lowered;
	s4 =	sadd.s32 s4, s5;
	[dreg:$0x0] =	wrdreg $0x0  }
0xa9: {  	s5 =	sshll.u32 s28, $0x1;
	[dreg:$0x2] =	wrdreg s4  }
0xaa: {  	[dreg:$0x3] =	wrdreg s5  }
0xab: {  	[dreg:$0x4] =	wrdreg $0xC0  }
0xac: {  	_ =	task [dreg:s8], $0x5FFFF  }
0xad: {  	[dreg:$0x1] =	wrdreg $0xFFFFFFFF  }
0xae: {  	[dreg:$0x0] =	wrdreg $0x60  }
0xaf: {  	[dreg:$0x2] =	wrdreg s2  }
0xb0: {  	[dreg:$0x3] =	wrdreg s19  }
0xb1: {  	[dreg:$0x4] =	wrdreg $0x0  }
0xb2: {  	[dreg:$0x5] =	wrdreg $0x9  }
0xb3: {  	_ =	task.clear_ibuf [dreg:s8], $0x6FFFF;
	_ =	strace $0x90000046  }
0xb4: {  	s29 =	simm.s32 $0x9;
	_ =	strace $0x80000048  }
0xb5: {  	_ =	swait.ge [sflag:s29], $0x1  }
0xb6: {  	[sflag:s29] =	ssyncadd.s32 $0xFFFFFFFF  }
0xb7: {  	_ =	strace $0x90000048  }
0xb8: {  	_ =	sfence  }
0xb9: {  	s30 =	sld [smem:$0x0];
	_ =	sdelay $0x2  }
0xba: {  	s31 =	sshll.u32 s1, $0xD;
	s1 =	sshrl.u32 s1, $0x2  }
0xbb: {  	s3 =	sand.u32 $0x4000, s31;
	s1 =	sadd.s32 s1, s30  }
0xbc: {  	s0 =	sor.u32 s3, s0;
	s1 =	sshll.u32 s1, $0x11  }
0xbd: {  	s0 =	sor.u32 s1, s0  }
0xbe: {  	s0 =	sadd.s32 $0x8F2B, s0  }
0xbf: {  	[sflag:s0] =	ssyncadd.remote.s32 $0x1  }
0xc0: {  	_ =	sfence.sel $0xFFFF  }
0xc1: {  	[dreg:$0x0] =	wrdreg $0xFFFFFFFF;
	(pc) =	sbr.abs _section_cstart, $3  }
0xc2: {  	[dreg:$0x1] =	wrdreg $0xFFFFFFFF  }
0xc3: {  	_ =	task.clear_ibuf [dreg:s8], $0x2FFFF;
	_ =	strace $0x9FFFFFFF  }
0xc4: {  	(tm) =	ssettm $0x7FFFFFFF  }
0xc5: {  	_ =	shalt  }
tec
execute0_lowered:
.L_overlay_start_1:
0x0: {  	(tag) =	ssettag $0x1  }
0x1: {  	s5 =	rddreg [dreg:$0x0]  }
0x2: {  	s7 =	rddreg [dreg:$0x1]  }
0x3: {  	s0 =	srdreg.scid;
	s2 =	rddreg [dreg:$0x2];
	s3 =	simm.s32 $0x0  }
0x4: {  	s13 =	simm.s32 $0x1;
	s16 =	simm.s32 $0x20;
	s17 =	simm.s32 $0x10  }
0x5: {  	s4 =	sand.u32 $0x1, s0;
	s0 =	stileid.u32;
	[smem:$0x7FF] =	sst s3  }
0x6: {  	s1 =	sshll.u32 s4, $0x4;
	s8 =	ssub.s32 $0x2, s4;
	s10 =	smul.u32 $0x500, s0  }
0x7: {  	s12 =	smul.u32 $0xA00, s0;
	s4 =	sshll.u32 s4, $0x7;
	s14 =	sshll.u32 s0, $0x6  }
0x8: {  	s9 =	sor.u32 s0, s1;
	s1 =	rddreg [dreg:$0x3];
	s11 =	sshrl.u32 s8, $0x1  }
0x9: {  	_ =	strace $0x80000047;
	s14 =	sor.u32 $0x1C02, s14;
	s6 =	smul.u32 $0xA00, s9  }
0xa: {  	s8 =	ssub.s32 s8, s11;
	s10 =	sor.u32 s4, s10;
	s31 =	sshrl.u32 s12, $0x2  }
0xb: {  	p0 =	seq.s32 s9, $0x1F;
	s9 =	simm.s32 $0x280;
	s11 =	simm.s32 $0x80  }
0xc: {  	s12 =	simm.s32 $0x500;
	s10 =	sshrl.u32 s10, $0x3;
	s8 =	smax.u32 s8, $0x1  }
0xd: {  	s4 =	sadd.s32 s5, s6;
	s5 =	sadd.s32 $0x13600, s5;
	s6 =	sadd.s32 s31, s2  }
0xe: {  	v0 =	vimm.f32 $0.0e+00;
	v1 =	vimm.f32 $1.000000000e+00;
	s7 =	sadd.s32 s7, s10;
	s10 =	simm.s32 $0x2;
	s15 =	sshrl.u32 s6, $0x3  }
.LBB2_1:
0xf: {  	s18 =	simm.s32 @p0 $0x0;
	s19 =	simm.s32 @p0 $0x580  }
0x10: {  	[tilespmem:s19], [sflag:$0x2] =	stream.linear.gather @p0 [hbm4b:s5+s18], $0x1400, $0x38;
	[tilespmem:$0x5580] =	vst v63  }
0x11: {  	s18 =	simm.s32 @p0 $0x2  }
0x12: {  	_ =	swait.ge @p0 [sflag:s18], $0x1400  }
0x13: {  	[sflag:s18] =	ssyncset.done @p0 $0x0  }
0x14: {  	s19 =	simm.s32 @!p0 $0x580;
	[sflag:s18] =	ssyncadd.s32 @p0 $0xFFFFEC00;
	s18 =	simm.s32 @!p0 $0x0  }
0x15: {  	[tilespmem:s19], [sflag:$0x2] =	stream.linear.gather @!p0 [hbm4b:s4+s18], $0x5000, $0x38;
	[tilespmem:$0x5580] =	vst v63  }
0x16: {  	s18 =	simm.s32 @!p0 $0x2  }
0x17: {  	_ =	swait.ge @!p0 [sflag:s18], $0x5000  }
0x18: {  	[sflag:s18] =	ssyncset.done @!p0 $0x0  }
0x19: {  	[sflag:s18] =	ssyncadd.s32 @!p0 $0xFFFFB000  }
0x1a: {  	[tilespmem:$0x280] =	vst v0  }
0x1b: {  	[tilespmem:$0x290] =	vst v0  }
0x1c: {  	[tilespmem:$0x2A0] =	vst v0  }
0x1d: {  	[tilespmem:$0x2B0] =	vst v0  }
0x1e: {  	[tilespmem:$0x2C0] =	vst v0  }
0x1f: {  	[tilespmem:$0x2D0] =	vst v0  }
0x20: {  	[tilespmem:$0x2E0] =	vst v0  }
0x21: {  	[tilespmem:$0x2F0] =	vst v0  }
0x22: {  	[tilespmem:$0x300] =	vst v0  }
0x23: {  	[tilespmem:$0x310] =	vst v0  }
0x24: {  	[tilespmem:$0x320] =	vst v0  }
0x25: {  	[tilespmem:$0x330] =	vst v0  }
0x26: {  	[tilespmem:$0x340] =	vst v0  }
0x27: {  	[tilespmem:$0x350] =	vst v0  }
0x28: {  	[tilespmem:$0x360] =	vst v0  }
0x29: {  	[tilespmem:$0x370] =	vst v0  }
0x2a: {  	[tilespmem:$0x380] =	vst v0  }
0x2b: {  	[tilespmem:$0x390] =	vst v0  }
0x2c: {  	[tilespmem:$0x3A0] =	vst v0  }
0x2d: {  	[tilespmem:$0x3B0] =	vst v0  }
0x2e: {  	[tilespmem:$0x3C0] =	vst v0  }
0x2f: {  	[tilespmem:$0x3D0] =	vst v0  }
0x30: {  	[tilespmem:$0x3E0] =	vst v0  }
0x31: {  	[tilespmem:$0x3F0] =	vst v0  }
0x32: {  	[tilespmem:$0x400] =	vst v0  }
0x33: {  	[tilespmem:$0x410] =	vst v0  }
0x34: {  	[tilespmem:$0x420] =	vst v0  }
0x35: {  	[tilespmem:$0x430] =	vst v0  }
0x36: {  	[tilespmem:$0x440] =	vst v0  }
0x37: {  	[tilespmem:$0x450] =	vst v0  }
0x38: {  	[tilespmem:$0x460] =	vst v0  }
0x39: {  	[tilespmem:$0x470] =	vst v0  }
0x3a: {  	[tilespmem:$0x480] =	vst v0  }
0x3b: {  	[tilespmem:$0x490] =	vst v0  }
0x3c: {  	[tilespmem:$0x4A0] =	vst v0  }
0x3d: {  	[tilespmem:$0x4B0] =	vst v0  }
0x3e: {  	[tilespmem:$0x4C0] =	vst v0  }
0x3f: {  	[tilespmem:$0x4D0] =	vst v0  }
0x40: {  	[tilespmem:$0x4E0] =	vst v0  }
0x41: {  	[tilespmem:$0x4F0] =	vst v0  }
0x42: {  	[tilespmem:$0x500] =	vst v1  }
0x43: {  	[tilespmem:$0x510] =	vst v1  }
0x44: {  	[tilespmem:$0x520] =	vst v1  }
0x45: {  	[tilespmem:$0x530] =	vst v1  }
0x46: {  	[tilespmem:$0x540] =	vst v1  }
0x47: {  	[tilespmem:$0x550] =	vst v1  }
0x48: {  	s18 =	simm.s32 @!p0 $0x50;
	[tilespmem:$0x560] =	vst v1  }
0x49: {  	[tilespmem:$0x570] =	vst v1;
	s18 =	simm.s32 @p0 $0x14  }
0x4a: {  	[spmem:s6] =	stream.linear.scatter [tilespmem:s9], [sflag:$0x2], $0x280, $0x38;
	[tilespmem:$0x5580] =	vst v63  }
0x4b: {  	p1 =	sne.s32 s18, $0x1  }
.Ltmp0:
0x4c: {  	_ =	swait.ge [sflag:s10], $0x280;
	(pc) =	sbr.rel @!p1 .LBB2_3-.Ltmp0, $4  }
0x4d: {  	[sflag:s10] =	ssyncset.done $0x0  }
0x4e: {  	[sflag:s10] =	ssyncadd.s32 $0xFFFFFD80  }
0x4f: {  	s19 =	simm.s32 $0x600;
	s20 =	sadd.s32 $0xFFFFFFFF, s18;
	[bflag:$0x0] =	sbarrier.arrive $0xFFFF  }
0x50: {  	[spmem:s2] =	stream.indirect.scatter.add.f32 [tilespmem:s12], [sflag:$0x1], $0x1, s19, s11, $0xb8;
	[tilespmem:$0x5580] =	vst v63  }
.LBB2_2:
0x51: {  	p2 =	sne.s32 s20, $0x1  }
.Ltmp1:
0x52: {  	_ = 	snop;
	(pc) =	sbr.rel @p2 .LBB2_2-.Ltmp1, $3  }
0x53: {  	_ = 	snop  }
0x54: {  	s20 =	sadd.s32 $0xFFFFFFFF, s20;
	s19 =	sadd.s32 $0x100, s19;
	_ =	sdelay $0x1  }
0x55: {  	[spmem:s2] =	stream.indirect.scatter.add.f32 [tilespmem:s12], [sflag:$0x1], $0x1, s19, s11, $0xb8;
	[tilespmem:$0x5580] =	vst v63  }
.LBB2_3:
.Ltmp2:
0x56: {  	(pc) =	sbr.rel @!p1 .LBB2_5-.Ltmp2, $3  }
0x57: {  	_ =	sdelay $0x1  }
0x58: {  	_ =	swait.ge [sflag:s13], $0x80  }
0x59: {  	s18 =	sadd.s32 $0xFFFFFFFF, s18;
	[sflag:s13] =	ssyncset.done $0x0  }
.LBB2_4:
0x5a: {  	p1 =	sne.s32 s18, $0x1;
	s18 =	sadd.s32 $0xFFFFFFFF, s18;
	[sflag:s13] =	ssyncadd.s32 $0xFFFFFF80  }
.Ltmp3:
0x5b: {  	(pc) =	sbr.rel @p1 .LBB2_4-.Ltmp3, $3  }
0x5c: {  	_ =	sdelay $0x1  }
0x5d: {  	_ =	swait.ge [sflag:s13], $0x80  }
0x5e: {  	[sflag:s13] =	ssyncset.done $0x0  }
.LBB2_5:
0x5f: {  	s3 =	sadd.s32 $0x1, s3  }
0x60: {  	[sflag:s13] =	ssyncadd.s32 $0xFFFFFF80;
	p1 =	sne.s32 s3, s8  }
.Ltmp4:
0x61: {  	[bflag:$0x0] =	sbarrier.arrive $0xFFFF;
	(pc) =	sbr.rel @p1 .LBB2_1-.Ltmp4, $4  }
0x62: {  	[hbm:s7@s16], [sflag:s14] =	dma.strided [spmem:s15@s17], $0x50, s13, $0x10   }
0x63: {  	_ =	swait.ge [sflag:s10], $0x50  }
0x64: {  	[sflag:s10] =	ssyncset.done $0x0  }
0x65: {  	[sflag:s10] =	ssyncadd.s32 $0xFFFFFFB0  }
0x66: {  	_ =	sfence.sel $0x180000  }
0x67: {  	[bflag:$0x0] =	sbarrier.arrive $0xFFFF  }
0x68: {  	p0 =	sne.s32 s0, $0x0;
	_ =	strace $0x90000047  }
0x69: {  	s0 =	sadd.s32 @!p0 $0x100000, s1;
	[bflag:$0x2] =	sbarrier.arrive $0xFFFF  }
0x6a: {  	[sflag:s0] =	ssyncadd.tile.s32 @!p0 $0x1;
	_ =	shalt  }
.Lfunc_end2:
_tile_overlayer_lowered:
.L_overlay_start_2:
0x6b: {  	(tag) =	ssettag $0x2  }
0x6c: {  	s0 =	rddreg [dreg:$0x0];
	s2 =	stileid.u32  }
0x6d: {  	s1 =	rddreg [dreg:$0x1];
	p0 =	sne.s32 s2, $0x0  }
0x6e: {  	s3 =	rddreg [dreg:$0x2];
	[bflag:$0x3] =	sbarrier.arrive $0xFFFF;
	s2 =	simm.s32 @!p0 $0x1C02  }
0x6f: {  	[timem:s3], [sflag:s2] =	dma.local @!p0 [hbm:s0], s1  }
0x70: {  	s0 =	simm.s32 @!p0 $0x2  }
0x71: {  	_ =	swait.ge @!p0 [sflag:s0], s1  }
0x72: {  	s1 =	ssub.s32 @!p0 $0x0, s1;
	[sflag:s0] =	ssyncset.done @!p0 $0x0  }
0x73: {  	[sflag:s0] =	ssyncadd.s32 @!p0 s1  }
0x74: {  	[bflag:$0x3] =	sbarrier.arrive $0xFFFF  }
0x75: {  	_ =	shalt  }

</sc_bundles>
